<compile_context>
chip_gen: v7x
topology: tpu7x:2x2x1
jax: 0.10.2.dev20260603
libtpu: 0.0.44.dev20260713+nightly
codegen_flags: <defaults>
</compile_context>

<pallas_src>
import functools

import jax
import jax.numpy as jnp
from jax import lax
from jax.experimental import pallas as pl
from jax.experimental.pallas import tpu as pltpu
from jax.experimental.pallas import tpu_sc as plsc

N_NODES = 10000
N_EDGES = 320000
D_IN = 128
D_HID = 128
D_OUT = 64

NPAD = 10240
EPAD = 327680
CH = 128
NCHUNK = EPAD // CH
CPT = NCHUNK // 32
RPT = NPAD // 16
BLK = 1024
GRID = NPAD // BLK

_MESH = dict(core_axis_name="c", subcore_axis_name="s", num_cores=2,
             num_subcores=16)


def _make_sc_agg(d):
    mesh = plsc.VectorSubcoreMesh(**_MESH)

    @functools.partial(
        pl.kernel,
        out_type=jax.ShapeDtypeStruct((2, NPAD, d), jnp.float32),
        mesh=mesh,
        scratch_types=[
            pltpu.VMEM_SHARED((NPAD, d), jnp.float32),
            pltpu.VMEM((4, 2, CH), jnp.int32),
            pltpu.VMEM((2, CH, d), jnp.float32),
            pltpu.VMEM((16, d), jnp.float32),
            [pltpu.SemaphoreType.DMA] * 4,
            [pltpu.SemaphoreType.DMA] * 2,
        ],
    )
    def k(inter_hbm, g_hbm, out_hbm, acc, idxb, rows, zb, si, sg):
        c = lax.axis_index("c")
        s = lax.axis_index("s")
        base = (c * 16 + s) * CPT
        last = base + CPT - 1

        def idx_load(j, ib):
            pltpu.async_copy(inter_hbm.at[j], idxb.at[ib], si[ib])

        def idx_wait(j, ib):
            pltpu.make_async_copy(inter_hbm.at[j], idxb.at[ib], si[ib]).wait()

        def gather(ib, rb):
            pltpu.async_copy(g_hbm.at[idxb.at[ib, 0]], rows.at[rb], sg[rb])

        def gather_wait(ib, rb):
            pltpu.make_async_copy(g_hbm.at[idxb.at[ib, 0]], rows.at[rb],
                                  sg[rb]).wait()

        def scatter(ib, rb):
            pltpu.sync_copy(rows.at[rb], acc.at[idxb.at[ib, 1]], add=True)

        pltpu.sync_copy(inter_hbm.at[base], idxb.at[0])
        for t in range(1, 4):
            idx_load(base + t, t)
        gather(0, 0)
        idx_wait(base + 1, 1)
        gather(1, 1)

        zv = jnp.zeros((16,), jnp.float32)
        for r in range(16):
            for q in range(d // 16):
                zb[r, pl.ds(q * 16, 16)] = zv

        def zbody(i, _):
            pltpu.sync_copy(zb, acc.at[pl.ds(s * RPT + i * 16, 16)])
            return ()

        lax.fori_loop(0, RPT // 16, zbody, ())
        plsc.subcore_barrier()

        def body(i, _):
            j = base + i * 4
            for t in range(4):
                ib = t
                rb = t % 2
                gather_wait(ib, rb)
                scatter(ib, rb)
                idx_load(jnp.minimum(j + t + 4, last), ib)
                ibn = (t + 2) % 4
                idx_wait(jnp.minimum(j + t + 2, last), ibn)
                gather(ibn, rb)
            return ()

        lax.fori_loop(0, CPT // 4, body, ())
        gather_wait(0, 0)
        gather_wait(1, 1)
        idx_wait(last, 2)
        idx_wait(last, 3)
        plsc.subcore_barrier()

        pltpu.sync_copy(acc.at[pl.ds(s * RPT, RPT)],
                        out_hbm.at[c, pl.ds(s * RPT, RPT)])

    return k


_sc_agg = _make_sc_agg(D_HID)


def _make_sc_deg():
    mesh = plsc.VectorSubcoreMesh(**_MESH)

    @functools.partial(
        pl.kernel,
        out_type=jax.ShapeDtypeStruct((2, NPAD, 16), jnp.float32),
        mesh=mesh,
        scratch_types=[
            pltpu.VMEM_SHARED((NPAD, 16), jnp.float32),
            pltpu.VMEM((CPT, CH), jnp.int32),
            pltpu.VMEM((CH, 16), jnp.float32),
            pltpu.SemaphoreType.DMA,
        ],
    )
    def k(dst_hbm, ones_hbm, out_hbm, acc, dstb, onesb, sd):
        c = lax.axis_index("c")
        s = lax.axis_index("s")
        w = c * 16 + s

        zv = jnp.zeros((16,), jnp.float32)
        for r in range(16):
            onesb[r, :] = zv

        def zbody(i, _):
            pltpu.sync_copy(onesb.at[pl.ds(0, 16)],
                            acc.at[pl.ds(s * RPT + i * 16, 16)])
            return ()

        lax.fori_loop(0, RPT // 16, zbody, ())
        pltpu.sync_copy(ones_hbm, onesb)
        pltpu.sync_copy(dst_hbm.at[pl.ds(w * CPT, CPT)], dstb)
        plsc.subcore_barrier()

        def body(j, _):
            pltpu.async_copy(onesb, acc.at[dstb.at[j]], sd, add=True)
            return ()

        lax.fori_loop(0, CPT, body, ())

        def drain(j, _):
            pltpu.make_async_copy(onesb, acc.at[dstb.at[j]], sd).wait()
            return ()

        lax.fori_loop(0, CPT, drain, ())
        plsc.subcore_barrier()

        pltpu.sync_copy(acc.at[pl.ds(s * RPT, RPT)],
                        out_hbm.at[c, pl.ds(s * RPT, RPT)])

    return k


_sc_deg = _make_sc_deg()


def _dinv_block(degp_ref):
    deg = degp_ref[0, :, 0:1] + degp_ref[1, :, 0:1] + 1.0
    return lax.rsqrt(deg)


def _tc_g1_body(x_ref, w1_ref, degp_ref, g1_ref):
    dinv = _dinv_block(degp_ref)
    g1_ref[...] = jnp.dot(x_ref[...], w1_ref[...],
                          preferred_element_type=jnp.float32) * dinv


def _tc_mid_body(p_ref, g1_ref, degp_ref, b1_ref, w2_ref, g2_ref):
    dinv = _dinv_block(degp_ref)
    tot = p_ref[0] + p_ref[1] + g1_ref[...]
    h = jnp.maximum(tot * dinv + b1_ref[...], 0.0)
    g2 = jnp.dot(h, w2_ref[...], preferred_element_type=jnp.float32) * dinv
    g2_ref[...] = jnp.pad(g2, ((0, 0), (0, D_HID - D_OUT)))


def _tc_out_body(q_ref, g2_ref, degp_ref, b2_ref, out_ref):
    dinv = _dinv_block(degp_ref)
    tot = q_ref[0] + q_ref[1] + g2_ref[...]
    out_ref[...] = jnp.maximum(tot * dinv + b2_ref[...], 0.0)


def _node_spec(d):
    return pl.BlockSpec((BLK, d), lambda i: (i, 0))


def _pair_spec(d):
    return pl.BlockSpec((2, BLK, d), lambda i: (0, i, 0))


def _full_spec(r, c):
    return pl.BlockSpec((r, c), lambda i: (0, 0))


_deg_spec = _pair_spec(16)

_tc_g1 = pl.pallas_call(
    _tc_g1_body,
    grid=(GRID,),
    in_specs=[_node_spec(D_IN), _full_spec(D_IN, D_HID), _deg_spec],
    out_specs=_node_spec(D_HID),
    out_shape=jax.ShapeDtypeStruct((NPAD, D_HID), jnp.float32),
)

_tc_mid = pl.pallas_call(
    _tc_mid_body,
    grid=(GRID,),
    in_specs=[_pair_spec(D_HID), _node_spec(D_HID), _deg_spec,
              _full_spec(1, D_HID), _full_spec(D_HID, D_OUT)],
    out_specs=_node_spec(D_HID),
    out_shape=jax.ShapeDtypeStruct((NPAD, D_HID), jnp.float32),
)

_tc_out = pl.pallas_call(
    _tc_out_body,
    grid=(GRID,),
    in_specs=[_pair_spec(D_HID), _node_spec(D_HID), _deg_spec,
              _full_spec(1, D_HID)],
    out_specs=_node_spec(D_HID),
    out_shape=jax.ShapeDtypeStruct((NPAD, D_HID), jnp.float32),
)


@jax.jit
def kernel(x, edge_index, W1, b1, W2, b2):
    xp = jnp.pad(x, ((0, NPAD - N_NODES), (0, 0)))
    src = edge_index[0].astype(jnp.int32)
    dst = edge_index[1].astype(jnp.int32)
    pad = N_NODES + jnp.arange(EPAD - N_EDGES, dtype=jnp.int32) % (
        NPAD - N_NODES)
    src2d = jnp.concatenate([src, pad]).reshape(NCHUNK, CH)
    dst2d = jnp.concatenate([dst, pad]).reshape(NCHUNK, CH)
    inter = jnp.stack([src2d, dst2d], axis=1)

    degp = _sc_deg(dst2d, jnp.ones((CH, 16), jnp.float32))
    g1 = _tc_g1(xp, W1, degp)
    p = _sc_agg(inter, g1)
    g2 = _tc_mid(p, g1, degp, b1.reshape(1, D_HID), W2)
    q = _sc_agg(inter, g2)
    b2p = jnp.pad(b2, (0, D_HID - D_OUT)).reshape(1, D_HID)
    out = _tc_out(q, g2, degp, b2p)
    return out[:N_NODES, :D_OUT]

# --- scband reference (transcript-rebuilt; emitter-appended) ---
"""Pipeline reference for scband-gcn-classifier-14963666059735 (READ-ONLY COPY).

The authoritative reference and input builder live on the scoring server;
editing this copy changes nothing except your own understanding.
"""

import jax, jax.numpy as jnp
import numpy as np

N_NODES = 10000
N_EDGES = 320000
D_IN = 128
D_HID = 128
D_OUT = 64


def setup_inputs(seed: int = 0) -> dict:
    key = jax.random.key(seed)
    k1, k2, k3, k4, k5, k6 = jax.random.split(key, 6)
    x = jax.random.normal(k1, (N_NODES, D_IN), dtype=jnp.float32)
    edge_index = jax.random.randint(k2, (2, N_EDGES), 0, N_NODES, dtype=jnp.int64)
    # Glorot-initialized weights as in PyG GCNConv
    s1 = float(np.sqrt(6.0 / (D_IN + D_HID)))
    W1 = jax.random.uniform(k3, (D_IN, D_HID), dtype=jnp.float32, minval=-s1, maxval=s1)
    b1 = jnp.zeros((D_HID,), dtype=jnp.float32)
    s2 = float(np.sqrt(6.0 / (D_HID + D_OUT)))
    W2 = jax.random.uniform(k4, (D_HID, D_OUT), dtype=jnp.float32, minval=-s2, maxval=s2)
    b2 = jnp.zeros((D_OUT,), dtype=jnp.float32)
    return {"x": x, "edge_index": edge_index, "W1": W1, "b1": b1, "W2": W2, "b2": b2}


def _gcn_conv(x, edge_index, W, b):
    # Faithful PyG GCNConv: add self-loops, symmetric normalization, scatter-add aggregation
    n = x.shape[0]
    loop = jnp.arange(n, dtype=edge_index.dtype)
    src = jnp.concatenate([edge_index[0], loop])
    dst = jnp.concatenate([edge_index[1], loop])
    ones = jnp.ones(src.shape[0], dtype=x.dtype)
    deg = jax.ops.segment_sum(ones, dst, num_segments=n)
    deg_inv_sqrt = jnp.where(deg > 0, jax.lax.rsqrt(jnp.maximum(deg, 1e-12)), 0.0)
    norm = deg_inv_sqrt[src] * deg_inv_sqrt[dst]
    h = x @ W
    msg = h[src] * norm[:, None]
    out = jax.ops.segment_sum(msg, dst, num_segments=n)
    return out + b


def reference(x, edge_index, W1, b1, W2, b2):
    h = _gcn_conv(x, edge_index, W1, b1)
    h = jax.nn.relu(h)
    h = _gcn_conv(h, edge_index, W2, b2)
    h = jax.nn.relu(h)
    return h

if __name__ == "__main__":
    import jax
    _d = setup_inputs()
    print(jax.jit(kernel)(*tuple(_d.values())))

</pallas_src>

<mosaic_0001>
#map = affine_map<(d0, d1) -> (0, 0)>
#map1 = affine_map<(d0, d1) -> (0, 0, 0)>
module attributes {stable_mosaic.version = 14 : i64} {
  func.func @k(%arg0: i32, %arg1: i32, %arg2: memref<2560x128xi32, #tpu.memory_space<hbm>>, %arg3: memref<128x16xf32, #tpu.memory_space<hbm>>, %arg4: memref<2x10240x16xf32, #tpu.memory_space<hbm>>, %arg5: memref<10240x16xf32, #tpu.memory_space<vmem_shared>>, %arg6: memref<80x128xi32, #tpu.memory_space<vmem>>, %arg7: memref<128x16xf32, #tpu.memory_space<vmem>>, %arg8: memref<!tpu.dma_semaphore, #tpu.memory_space<semaphore_mem>>) attributes {dimension_semantics = [#tpu.dimension_semantics<core_parallel>, #tpu.dimension_semantics<subcore_parallel>], iteration_bounds = array<i64: 2, 16>, scalar_prefetch = 0 : i64, scratch_operands = 4 : i64, tpu.core_type = #tpu.core_type<sc_vector_subcore>, window_params = [{transform_indices = #map}, {transform_indices = #map}, {transform_indices = #map1}]} {
    %mul3A = arith.constant 16 : i32
    %mul3A_0 = arith.muli %arg0, %mul3A : i32
    %add3A = arith.addi %mul3A_0, %arg1 : i32
    %broadcast_in_dim3A = arith.constant 0.000000e+00 : f32
    %broadcast_in_dim3A_1 = vector.broadcast %broadcast_in_dim3A : f32 to vector<16xf32>
    %swap3A = arith.constant 0 : i32
    %swap3A_2 = arith.index_cast %swap3A : i32 to index
    %swap3A_3 = arith.constant 0 : index
    %swap3A_4 = tpu.vector_load %arg7[%swap3A_2, %swap3A_3] {strides = array<i32>} : memref<128x16xf32, #tpu.memory_space<vmem>>, vector<1x16xf32>,
    %swap3A_5 = vector.shape_cast %swap3A_4 : vector<1x16xf32> to vector<16xf32>
    %swap3A_6 = vector.shape_cast %broadcast_in_dim3A_1 : vector<16xf32> to vector<1x16xf32>
    tpu.vector_store %arg7[%swap3A_2, %swap3A_3], %swap3A_6 {strides = array<i32>} : memref<128x16xf32, #tpu.memory_space<vmem>>, vector<1x16xf32>,
    %swap3A_7 = arith.constant 1 : i32
    %swap3A_8 = arith.index_cast %swap3A_7 : i32 to index
    %swap3A_9 = arith.constant 0 : index
    %swap3A_10 = tpu.vector_load %arg7[%swap3A_8, %swap3A_9] {strides = array<i32>} : memref<128x16xf32, #tpu.memory_space<vmem>>, vector<1x16xf32>,
    %swap3A_11 = vector.shape_cast %swap3A_10 : vector<1x16xf32> to vector<16xf32>
    %swap3A_12 = vector.shape_cast %broadcast_in_dim3A_1 : vector<16xf32> to vector<1x16xf32>
    tpu.vector_store %arg7[%swap3A_8, %swap3A_9], %swap3A_12 {strides = array<i32>} : memref<128x16xf32, #tpu.memory_space<vmem>>, vector<1x16xf32>,
    %swap3A_13 = arith.constant 2 : i32
    %swap3A_14 = arith.index_cast %swap3A_13 : i32 to index
    %swap3A_15 = arith.constant 0 : index
    %swap3A_16 = tpu.vector_load %arg7[%swap3A_14, %swap3A_15] {strides = array<i32>} : memref<128x16xf32, #tpu.memory_space<vmem>>, vector<1x16xf32>,
    %swap3A_17 = vector.shape_cast %swap3A_16 : vector<1x16xf32> to vector<16xf32>
    %swap3A_18 = vector.shape_cast %broadcast_in_dim3A_1 : vector<16xf32> to vector<1x16xf32>
    tpu.vector_store %arg7[%swap3A_14, %swap3A_15], %swap3A_18 {strides = array<i32>} : memref<128x16xf32, #tpu.memory_space<vmem>>, vector<1x16xf32>,
    %swap3A_19 = arith.constant 3 : i32
    %swap3A_20 = arith.index_cast %swap3A_19 : i32 to index
    %swap3A_21 = arith.constant 0 : index
    %swap3A_22 = tpu.vector_load %arg7[%swap3A_20, %swap3A_21] {strides = array<i32>} : memref<128x16xf32, #tpu.memory_space<vmem>>, vector<1x16xf32>,
    %swap3A_23 = vector.shape_cast %swap3A_22 : vector<1x16xf32> to vector<16xf32>
    %swap3A_24 = vector.shape_cast %broadcast_in_dim3A_1 : vector<16xf32> to vector<1x16xf32>
    tpu.vector_store %arg7[%swap3A_20, %swap3A_21], %swap3A_24 {strides = array<i32>} : memref<128x16xf32, #tpu.memory_space<vmem>>, vector<1x16xf32>,
    %swap3A_25 = arith.constant 4 : i32
    %swap3A_26 = arith.index_cast %swap3A_25 : i32 to index
    %swap3A_27 = arith.constant 0 : index
    %swap3A_28 = tpu.vector_load %arg7[%swap3A_26, %swap3A_27] {strides = array<i32>} : memref<128x16xf32, #tpu.memory_space<vmem>>, vector<1x16xf32>,
    %swap3A_29 = vector.shape_cast %swap3A_28 : vector<1x16xf32> to vector<16xf32>
    %swap3A_30 = vector.shape_cast %broadcast_in_dim3A_1 : vector<16xf32> to vector<1x16xf32>
    tpu.vector_store %arg7[%swap3A_26, %swap3A_27], %swap3A_30 {strides = array<i32>} : memref<128x16xf32, #tpu.memory_space<vmem>>, vector<1x16xf32>,
    %swap3A_31 = arith.constant 5 : i32
    %swap3A_32 = arith.index_cast %swap3A_31 : i32 to index
    %swap3A_33 = arith.constant 0 : index
    %swap3A_34 = tpu.vector_load %arg7[%swap3A_32, %swap3A_33] {strides = array<i32>} : memref<128x16xf32, #tpu.memory_space<vmem>>, vector<1x16xf32>,
    %swap3A_35 = vector.shape_cast %swap3A_34 : vector<1x16xf32> to vector<16xf32>
    %swap3A_36 = vector.shape_cast %broadcast_in_dim3A_1 : vector<16xf32> to vector<1x16xf32>
    tpu.vector_store %arg7[%swap3A_32, %swap3A_33], %swap3A_36 {strides = array<i32>} : memref<128x16xf32, #tpu.memory_space<vmem>>, vector<1x16xf32>,
    %swap3A_37 = arith.constant 6 : i32
    %swap3A_38 = arith.index_cast %swap3A_37 : i32 to index
    %swap3A_39 = arith.constant 0 : index
    %swap3A_40 = tpu.vector_load %arg7[%swap3A_38, %swap3A_39] {strides = array<i32>} : memref<128x16xf32, #tpu.memory_space<vmem>>, vector<1x16xf32>,
    %swap3A_41 = vector.shape_cast %swap3A_40 : vector<1x16xf32> to vector<16xf32>
    %swap3A_42 = vector.shape_cast %broadcast_in_dim3A_1 : vector<16xf32> to vector<1x16xf32>
    tpu.vector_store %arg7[%swap3A_38, %swap3A_39], %swap3A_42 {strides = array<i32>} : memref<128x16xf32, #tpu.memory_space<vmem>>, vector<1x16xf32>,
    %swap3A_43 = arith.constant 7 : i32
    %swap3A_44 = arith.index_cast %swap3A_43 : i32 to index
    %swap3A_45 = arith.constant 0 : index
    %swap3A_46 = tpu.vector_load %arg7[%swap3A_44, %swap3A_45] {strides = array<i32>} : memref<128x16xf32, #tpu.memory_space<vmem>>, vector<1x16xf32>,
    %swap3A_47 = vector.shape_cast %swap3A_46 : vector<1x16xf32> to vector<16xf32>
    %swap3A_48 = vector.shape_cast %broadcast_in_dim3A_1 : vector<16xf32> to vector<1x16xf32>
    tpu.vector_store %arg7[%swap3A_44, %swap3A_45], %swap3A_48 {strides = array<i32>} : memref<128x16xf32, #tpu.memory_space<vmem>>, vector<1x16xf32>,
    %swap3A_49 = arith.constant 8 : i32
    %swap3A_50 = arith.index_cast %swap3A_49 : i32 to index
    %swap3A_51 = arith.constant 0 : index
    %swap3A_52 = tpu.vector_load %arg7[%swap3A_50, %swap3A_51] {strides = array<i32>} : memref<128x16xf32, #tpu.memory_space<vmem>>, vector<1x16xf32>,
    %swap3A_53 = vector.shape_cast %swap3A_52 : vector<1x16xf32> to vector<16xf32>
    %swap3A_54 = vector.shape_cast %broadcast_in_dim3A_1 : vector<16xf32> to vector<1x16xf32>
    tpu.vector_store %arg7[%swap3A_50, %swap3A_51], %swap3A_54 {strides = array<i32>} : memref<128x16xf32, #tpu.memory_space<vmem>>, vector<1x16xf32>,
    %swap3A_55 = arith.constant 9 : i32
    %swap3A_56 = arith.index_cast %swap3A_55 : i32 to index
    %swap3A_57 = arith.constant 0 : index
    %swap3A_58 = tpu.vector_load %arg7[%swap3A_56, %swap3A_57] {strides = array<i32>} : memref<128x16xf32, #tpu.memory_space<vmem>>, vector<1x16xf32>,
    %swap3A_59 = vector.shape_cast %swap3A_58 : vector<1x16xf32> to vector<16xf32>
    %swap3A_60 = vector.shape_cast %broadcast_in_dim3A_1 : vector<16xf32> to vector<1x16xf32>
    tpu.vector_store %arg7[%swap3A_56, %swap3A_57], %swap3A_60 {strides = array<i32>} : memref<128x16xf32, #tpu.memory_space<vmem>>, vector<1x16xf32>,
    %swap3A_61 = arith.constant 10 : i32
    %swap3A_62 = arith.index_cast %swap3A_61 : i32 to index
    %swap3A_63 = arith.constant 0 : index
    %swap3A_64 = tpu.vector_load %arg7[%swap3A_62, %swap3A_63] {strides = array<i32>} : memref<128x16xf32, #tpu.memory_space<vmem>>, vector<1x16xf32>,
    %swap3A_65 = vector.shape_cast %swap3A_64 : vector<1x16xf32> to vector<16xf32>
    %swap3A_66 = vector.shape_cast %broadcast_in_dim3A_1 : vector<16xf32> to vector<1x16xf32>
    tpu.vector_store %arg7[%swap3A_62, %swap3A_63], %swap3A_66 {strides = array<i32>} : memref<128x16xf32, #tpu.memory_space<vmem>>, vector<1x16xf32>,
    %swap3A_67 = arith.constant 11 : i32
    %swap3A_68 = arith.index_cast %swap3A_67 : i32 to index
    %swap3A_69 = arith.constant 0 : index
    %swap3A_70 = tpu.vector_load %arg7[%swap3A_68, %swap3A_69] {strides = array<i32>} : memref<128x16xf32, #tpu.memory_space<vmem>>, vector<1x16xf32>,
    %swap3A_71 = vector.shape_cast %swap3A_70 : vector<1x16xf32> to vector<16xf32>
    %swap3A_72 = vector.shape_cast %broadcast_in_dim3A_1 : vector<16xf32> to vector<1x16xf32>
    tpu.vector_store %arg7[%swap3A_68, %swap3A_69], %swap3A_72 {strides = array<i32>} : memref<128x16xf32, #tpu.memory_space<vmem>>, vector<1x16xf32>,
    %swap3A_73 = arith.constant 12 : i32
    %swap3A_74 = arith.index_cast %swap3A_73 : i32 to index
    %swap3A_75 = arith.constant 0 : index
    %swap3A_76 = tpu.vector_load %arg7[%swap3A_74, %swap3A_75] {strides = array<i32>} : memref<128x16xf32, #tpu.memory_space<vmem>>, vector<1x16xf32>,
    %swap3A_77 = vector.shape_cast %swap3A_76 : vector<1x16xf32> to vector<16xf32>
    %swap3A_78 = vector.shape_cast %broadcast_in_dim3A_1 : vector<16xf32> to vector<1x16xf32>
    tpu.vector_store %arg7[%swap3A_74, %swap3A_75], %swap3A_78 {strides = array<i32>} : memref<128x16xf32, #tpu.memory_space<vmem>>, vector<1x16xf32>,
    %swap3A_79 = arith.constant 13 : i32
    %swap3A_80 = arith.index_cast %swap3A_79 : i32 to index
    %swap3A_81 = arith.constant 0 : index
    %swap3A_82 = tpu.vector_load %arg7[%swap3A_80, %swap3A_81] {strides = array<i32>} : memref<128x16xf32, #tpu.memory_space<vmem>>, vector<1x16xf32>,
    %swap3A_83 = vector.shape_cast %swap3A_82 : vector<1x16xf32> to vector<16xf32>
    %swap3A_84 = vector.shape_cast %broadcast_in_dim3A_1 : vector<16xf32> to vector<1x16xf32>
    tpu.vector_store %arg7[%swap3A_80, %swap3A_81], %swap3A_84 {strides = array<i32>} : memref<128x16xf32, #tpu.memory_space<vmem>>, vector<1x16xf32>,
    %swap3A_85 = arith.constant 14 : i32
    %swap3A_86 = arith.index_cast %swap3A_85 : i32 to index
    %swap3A_87 = arith.constant 0 : index
    %swap3A_88 = tpu.vector_load %arg7[%swap3A_86, %swap3A_87] {strides = array<i32>} : memref<128x16xf32, #tpu.memory_space<vmem>>, vector<1x16xf32>,
    %swap3A_89 = vector.shape_cast %swap3A_88 : vector<1x16xf32> to vector<16xf32>
    %swap3A_90 = vector.shape_cast %broadcast_in_dim3A_1 : vector<16xf32> to vector<1x16xf32>
    tpu.vector_store %arg7[%swap3A_86, %swap3A_87], %swap3A_90 {strides = array<i32>} : memref<128x16xf32, #tpu.memory_space<vmem>>, vector<1x16xf32>,
    %swap3A_91 = arith.constant 15 : i32
    %swap3A_92 = arith.index_cast %swap3A_91 : i32 to index
    %swap3A_93 = arith.constant 0 : index
    %swap3A_94 = tpu.vector_load %arg7[%swap3A_92, %swap3A_93] {strides = array<i32>} : memref<128x16xf32, #tpu.memory_space<vmem>>, vector<1x16xf32>,
    %swap3A_95 = vector.shape_cast %swap3A_94 : vector<1x16xf32> to vector<16xf32>
    %swap3A_96 = vector.shape_cast %broadcast_in_dim3A_1 : vector<16xf32> to vector<1x16xf32>
    tpu.vector_store %arg7[%swap3A_92, %swap3A_93], %swap3A_96 {strides = array<i32>} : memref<128x16xf32, #tpu.memory_space<vmem>>, vector<1x16xf32>,
    %scan3A = arith.constant 0 : i32
    %scan3A_97 = arith.constant 40 : i32
    %scan3A_98 = arith.addi %scan3A, %scan3A_97 : i32
    %scan3A_99 = arith.constant 1 : i32
    scf.for %scan3A_118 = %scan3A to %scan3A_98 step %scan3A_99  : i32 {
      %mul3A_119 = arith.constant 640 : i32
      %mul3A_120 = arith.muli %arg1, %mul3A_119 : i32
      %mul3A_121 = arith.constant 16 : i32
      %mul3A_122 = arith.muli %scan3A_118, %mul3A_121 : i32
      %add3A_123 = arith.addi %mul3A_120, %mul3A_122 : i32
      "tpu.region"() ({
        %run_scoped3A = tpu.sem_alloc : memref<!tpu.dma_semaphore, #tpu.memory_space<semaphore_mem>>
        %dma_start3A = arith.constant 0 : i32
        %dma_start3A_124 = arith.constant 0 : i32
        %dma_start3A_125 = tpu.memref_slice %arg7[%dma_start3A, %dma_start3A_124] : memref<128x16xf32, #tpu.memory_space<vmem>> -> memref<16x16xf32, #tpu.memory_space<vmem>>
        %dma_start3A_126 = arith.constant 0 : i32
        %dma_start3A_127 = tpu.memref_slice %arg5[%add3A_123, %dma_start3A_126] : memref<10240x16xf32, #tpu.memory_space<vmem_shared>> -> memref<16x16xf32, #tpu.memory_space<vmem_shared>>
        %dma_start3A_128 = arith.constant 0 : i32
        %dma_start3A_129 = tpu.memref_slice %arg5[%add3A_123, %dma_start3A_128] : memref<10240x16xf32, #tpu.memory_space<vmem_shared>> -> memref<16x16xf32, #tpu.memory_space<vmem_shared>>
        %dma_start3A_130 = arith.constant 0 : i32
        %dma_start3A_131 = arith.constant 0 : i32
        %dma_start3A_132 = tpu.memref_slice %arg7[%dma_start3A_130, %dma_start3A_131] : memref<128x16xf32, #tpu.memory_space<vmem>> -> memref<16x16xf32, #tpu.memory_space<vmem>>
        tpu.enqueue_dma source(%dma_start3A_132 : memref<16x16xf32, #tpu.memory_space<vmem>>) target(%dma_start3A_129 : memref<16x16xf32, #tpu.memory_space<vmem_shared>>) target_semaphore(%run_scoped3A : memref<!tpu.dma_semaphore, #tpu.memory_space<semaphore_mem>>)
        %dma_wait3A = arith.constant 0 : i32
        %dma_wait3A_133 = arith.constant 0 : i32
        %dma_wait3A_134 = tpu.memref_slice %arg7[%dma_wait3A, %dma_wait3A_133] : memref<128x16xf32, #tpu.memory_space<vmem>> -> memref<16x16xf32, #tpu.memory_space<vmem>>
        %dma_wait3A_135 = arith.constant 0 : i32
        %dma_wait3A_136 = tpu.memref_slice %arg5[%add3A_123, %dma_wait3A_135] : memref<10240x16xf32, #tpu.memory_space<vmem_shared>> -> memref<16x16xf32, #tpu.memory_space<vmem_shared>>
        %dma_wait3A_137 = arith.constant 0 : i32
        %dma_wait3A_138 = tpu.memref_slice %arg5[%add3A_123, %dma_wait3A_137] : memref<10240x16xf32, #tpu.memory_space<vmem_shared>> -> memref<16x16xf32, #tpu.memory_space<vmem_shared>>
        %dma_wait3A_139 = arith.constant 0 : i32
        %dma_wait3A_140 = arith.constant 0 : i32
        %dma_wait3A_141 = tpu.memref_slice %arg7[%dma_wait3A_139, %dma_wait3A_140] : memref<128x16xf32, #tpu.memory_space<vmem>> -> memref<16x16xf32, #tpu.memory_space<vmem>>
        tpu.wait_dma2 semaphore(%run_scoped3A : memref<!tpu.dma_semaphore, #tpu.memory_space<semaphore_mem>>) src(%dma_wait3A_141 : memref<16x16xf32, #tpu.memory_space<vmem>>) dst(%dma_wait3A_138 : memref<16x16xf32, #tpu.memory_space<vmem_shared>>)
        tpu.yield
      }) : () -> ()
    }
    %scan3A_100 = arith.constant 40 : i32
    "tpu.region"() ({
      %run_scoped3A = tpu.sem_alloc : memref<!tpu.dma_semaphore, #tpu.memory_space<semaphore_mem>>
      tpu.enqueue_dma source(%arg3 : memref<128x16xf32, #tpu.memory_space<hbm>>) target(%arg7 : memref<128x16xf32, #tpu.memory_space<vmem>>) target_semaphore(%run_scoped3A : memref<!tpu.dma_semaphore, #tpu.memory_space<semaphore_mem>>)
      tpu.wait_dma2 semaphore(%run_scoped3A : memref<!tpu.dma_semaphore, #tpu.memory_space<semaphore_mem>>) src(%arg3 : memref<128x16xf32, #tpu.memory_space<hbm>>) dst(%arg7 : memref<128x16xf32, #tpu.memory_space<vmem>>)
      tpu.yield
    }) : () -> ()
    %mul3A_101 = arith.constant 80 : i32
    %mul3A_102 = arith.muli %add3A, %mul3A_101 : i32
    "tpu.region"() ({
      %run_scoped3A = tpu.sem_alloc : memref<!tpu.dma_semaphore, #tpu.memory_space<semaphore_mem>>
      %dma_start3A = arith.constant 0 : i32
      %dma_start3A_118 = tpu.memref_slice %arg2[%mul3A_102, %dma_start3A] : memref<2560x128xi32, #tpu.memory_space<hbm>> -> memref<80x128xi32, #tpu.memory_space<hbm>>
      %dma_start3A_119 = arith.constant 0 : i32
      %dma_start3A_120 = tpu.memref_slice %arg2[%mul3A_102, %dma_start3A_119] : memref<2560x128xi32, #tpu.memory_space<hbm>> -> memref<80x128xi32, #tpu.memory_space<hbm>>
      tpu.enqueue_dma source(%dma_start3A_120 : memref<80x128xi32, #tpu.memory_space<hbm>>) target(%arg6 : memref<80x128xi32, #tpu.memory_space<vmem>>) target_semaphore(%run_scoped3A : memref<!tpu.dma_semaphore, #tpu.memory_space<semaphore_mem>>)
      %dma_wait3A = arith.constant 0 : i32
      %dma_wait3A_121 = tpu.memref_slice %arg2[%mul3A_102, %dma_wait3A] : memref<2560x128xi32, #tpu.memory_space<hbm>> -> memref<80x128xi32, #tpu.memory_space<hbm>>
      %dma_wait3A_122 = arith.constant 0 : i32
      %dma_wait3A_123 = tpu.memref_slice %arg2[%mul3A_102, %dma_wait3A_122] : memref<2560x128xi32, #tpu.memory_space<hbm>> -> memref<80x128xi32, #tpu.memory_space<hbm>>
      tpu.wait_dma2 semaphore(%run_scoped3A : memref<!tpu.dma_semaphore, #tpu.memory_space<semaphore_mem>>) src(%dma_wait3A_123 : memref<80x128xi32, #tpu.memory_space<hbm>>) dst(%arg6 : memref<80x128xi32, #tpu.memory_space<vmem>>)
      tpu.yield
    }) : () -> ()
    %barrier3A = arith.constant 0 : index
    tpu.barrier barrier_id(%barrier3A)
    %scan3A_103 = arith.constant 0 : i32
    %scan3A_104 = arith.constant 80 : i32
    %scan3A_105 = arith.addi %scan3A_103, %scan3A_104 : i32
    %scan3A_106 = arith.constant 1 : i32
    scf.for %scan3A_118 = %scan3A_103 to %scan3A_105 step %scan3A_106  : i32 {
      %dma_start3A = arith.constant 0 : i32
      %dma_start3A_119 = tpu.memref_slice %arg6[%scan3A_118, %dma_start3A] : memref<80x128xi32, #tpu.memory_space<vmem>> -> memref<1x128xi32, #tpu.memory_space<vmem>>
      %dma_start3A_120 = tpu.memref_squeeze %dma_start3A_119 : memref<1x128xi32, #tpu.memory_space<vmem>> -> memref<128xi32, #tpu.memory_space<vmem>>
      %dma_start3A_121 = arith.constant 0 : i32
      %dma_start3A_122 = arith.constant 0 : i32
      %dma_start3A_123 = tpu.memref_slice %arg5[%dma_start3A_121, %dma_start3A_122] : memref<10240x16xf32, #tpu.memory_space<vmem_shared>> -> memref<10240x16xf32, #tpu.memory_space<vmem_shared>>
      tpu.enqueue_indirect_dma source(%arg7 : memref<128x16xf32, #tpu.memory_space<vmem>>) target(%dma_start3A_123 : memref<10240x16xf32, #tpu.memory_space<vmem_shared>>) offsets(%dma_start3A_120 : memref<128xi32, #tpu.memory_space<vmem>>) semaphore(%arg8 : memref<!tpu.dma_semaphore, #tpu.memory_space<semaphore_mem>>) {add = true}
    }
    %scan3A_107 = arith.constant 80 : i32
    %scan3A_108 = arith.constant 0 : i32
    %scan3A_109 = arith.constant 80 : i32
    %scan3A_110 = arith.addi %scan3A_108, %scan3A_109 : i32
    %scan3A_111 = arith.constant 1 : i32
    scf.for %scan3A_118 = %scan3A_108 to %scan3A_110 step %scan3A_111  : i32 {
      %dma_wait3A = arith.constant 0 : i32
      %dma_wait3A_119 = tpu.memref_slice %arg6[%scan3A_118, %dma_wait3A] : memref<80x128xi32, #tpu.memory_space<vmem>> -> memref<1x128xi32, #tpu.memory_space<vmem>>
      %dma_wait3A_120 = tpu.memref_squeeze %dma_wait3A_119 : memref<1x128xi32, #tpu.memory_space<vmem>> -> memref<128xi32, #tpu.memory_space<vmem>>
      %dma_wait3A_121 = arith.constant 0 : i32
      %dma_wait3A_122 = arith.constant 0 : i32
      %dma_wait3A_123 = tpu.memref_slice %arg5[%dma_wait3A_121, %dma_wait3A_122] : memref<10240x16xf32, #tpu.memory_space<vmem_shared>> -> memref<10240x16xf32, #tpu.memory_space<vmem_shared>>
      tpu.wait_indirect_dma semaphore(%arg8 : memref<!tpu.dma_semaphore, #tpu.memory_space<semaphore_mem>>) src(%arg7 : memref<128x16xf32, #tpu.memory_space<vmem>>) dst(%dma_wait3A_123 : memref<10240x16xf32, #tpu.memory_space<vmem_shared>>)
    }
    %scan3A_112 = arith.constant 80 : i32
    %barrier3A_113 = arith.constant 0 : index
    tpu.barrier barrier_id(%barrier3A_113)
    %mul3A_114 = arith.constant 640 : i32
    %mul3A_115 = arith.muli %arg1, %mul3A_114 : i32
    %mul3A_116 = arith.constant 640 : i32
    %mul3A_117 = arith.muli %arg1, %mul3A_116 : i32
    "tpu.region"() ({
      %run_scoped3A = tpu.sem_alloc : memref<!tpu.dma_semaphore, #tpu.memory_space<semaphore_mem>>
      %dma_start3A = arith.constant 0 : i32
      %dma_start3A_118 = tpu.memref_slice %arg4[%arg0, %mul3A_117, %dma_start3A] : memref<2x10240x16xf32, #tpu.memory_space<hbm>> -> memref<1x640x16xf32, #tpu.memory_space<hbm>>
      %dma_start3A_119 = tpu.memref_squeeze %dma_start3A_118 : memref<1x640x16xf32, #tpu.memory_space<hbm>> -> memref<640x16xf32, #tpu.memory_space<hbm>>
      %dma_start3A_120 = arith.constant 0 : i32
      %dma_start3A_121 = tpu.memref_slice %arg5[%mul3A_115, %dma_start3A_120] : memref<10240x16xf32, #tpu.memory_space<vmem_shared>> -> memref<640x16xf32, #tpu.memory_space<vmem_shared>>
      tpu.enqueue_dma source(%dma_start3A_121 : memref<640x16xf32, #tpu.memory_space<vmem_shared>>) target(%dma_start3A_119 : memref<640x16xf32, #tpu.memory_space<hbm>>) target_semaphore(%run_scoped3A : memref<!tpu.dma_semaphore, #tpu.memory_space<semaphore_mem>>)
      %dma_wait3A = arith.constant 0 : i32
      %dma_wait3A_122 = tpu.memref_slice %arg4[%arg0, %mul3A_117, %dma_wait3A] : memref<2x10240x16xf32, #tpu.memory_space<hbm>> -> memref<1x640x16xf32, #tpu.memory_space<hbm>>
      %dma_wait3A_123 = tpu.memref_squeeze %dma_wait3A_122 : memref<1x640x16xf32, #tpu.memory_space<hbm>> -> memref<640x16xf32, #tpu.memory_space<hbm>>
      %dma_wait3A_124 = arith.constant 0 : i32
      %dma_wait3A_125 = tpu.memref_slice %arg5[%mul3A_115, %dma_wait3A_124] : memref<10240x16xf32, #tpu.memory_space<vmem_shared>> -> memref<640x16xf32, #tpu.memory_space<vmem_shared>>
      tpu.wait_dma2 semaphore(%run_scoped3A : memref<!tpu.dma_semaphore, #tpu.memory_space<semaphore_mem>>) src(%dma_wait3A_125 : memref<640x16xf32, #tpu.memory_space<vmem_shared>>) dst(%dma_wait3A_123 : memref<640x16xf32, #tpu.memory_space<hbm>>)
      tpu.yield
    }) : () -> ()
    return
  }
}

#map = affine_map<(d0, d1) -> (0, 0, 0)>
#map1 = affine_map<(d0, d1) -> (0, 0)>
module attributes {stable_mosaic.version = 14 : i64} {
  func.func @k(%arg0: i32, %arg1: i32, %arg2: memref<2560x2x128xi32, #tpu.memory_space<hbm>>, %arg3: memref<10240x128xf32, #tpu.memory_space<hbm>>, %arg4: memref<2x10240x128xf32, #tpu.memory_space<hbm>>, %arg5: memref<10240x128xf32, #tpu.memory_space<vmem_shared>>, %arg6: memref<4x2x128xi32, #tpu.memory_space<vmem>>, %arg7: memref<2x128x128xf32, #tpu.memory_space<vmem>>, %arg8: memref<16x128xf32, #tpu.memory_space<vmem>>, %arg9: memref<!tpu.dma_semaphore, #tpu.memory_space<semaphore_mem>>, %arg10: memref<!tpu.dma_semaphore, #tpu.memory_space<semaphore_mem>>, %arg11: memref<!tpu.dma_semaphore, #tpu.memory_space<semaphore_mem>>, %arg12: memref<!tpu.dma_semaphore, #tpu.memory_space<semaphore_mem>>, %arg13: memref<!tpu.dma_semaphore, #tpu.memory_space<semaphore_mem>>, %arg14: memref<!tpu.dma_semaphore, #tpu.memory_space<semaphore_mem>>) attributes {dimension_semantics = [#tpu.dimension_semantics<core_parallel>, #tpu.dimension_semantics<subcore_parallel>], iteration_bounds = array<i64: 2, 16>, scalar_prefetch = 0 : i64, scratch_operands = 10 : i64, tpu.core_type = #tpu.core_type<sc_vector_subcore>, window_params = [{transform_indices = #map}, {transform_indices = #map1}, {transform_indices = #map}]} {
    %mul3A = arith.constant 16 : i32
    %mul3A_0 = arith.muli %arg0, %mul3A : i32
    %add3A = arith.addi %mul3A_0, %arg1 : i32
    %mul3A_1 = arith.constant 80 : i32
    %mul3A_2 = arith.muli %add3A, %mul3A_1 : i32
    %add3A_3 = arith.constant 80 : i32
    %add3A_4 = arith.addi %mul3A_2, %add3A_3 : i32
    %sub3A = arith.constant 1 : i32
    %sub3A_5 = arith.subi %add3A_4, %sub3A : i32
    %run_scoped3A = arith.constant 0 : i32
    "tpu.region"() ({
      %run_scoped3A_948 = tpu.sem_alloc : memref<!tpu.dma_semaphore, #tpu.memory_space<semaphore_mem>>
      %dma_start3A_949 = arith.constant 0 : i32
      %dma_start3A_950 = arith.constant 0 : i32
      %dma_start3A_951 = tpu.memref_slice %arg6[%run_scoped3A, %dma_start3A_949, %dma_start3A_950] : memref<4x2x128xi32, #tpu.memory_space<vmem>> -> memref<1x2x128xi32, #tpu.memory_space<vmem>>
      %dma_start3A_952 = tpu.memref_squeeze %dma_start3A_951 : memref<1x2x128xi32, #tpu.memory_space<vmem>> -> memref<2x128xi32, #tpu.memory_space<vmem>>
      %dma_start3A_953 = arith.constant 0 : i32
      %dma_start3A_954 = arith.constant 0 : i32
      %dma_start3A_955 = tpu.memref_slice %arg2[%mul3A_2, %dma_start3A_953, %dma_start3A_954] : memref<2560x2x128xi32, #tpu.memory_space<hbm>> -> memref<1x2x128xi32, #tpu.memory_space<hbm>>
      %dma_start3A_956 = tpu.memref_squeeze %dma_start3A_955 : memref<1x2x128xi32, #tpu.memory_space<hbm>> -> memref<2x128xi32, #tpu.memory_space<hbm>>
      %dma_start3A_957 = arith.constant 0 : i32
      %dma_start3A_958 = arith.constant 0 : i32
      %dma_start3A_959 = tpu.memref_slice %arg6[%run_scoped3A, %dma_start3A_957, %dma_start3A_958] : memref<4x2x128xi32, #tpu.memory_space<vmem>> -> memref<1x2x128xi32, #tpu.memory_space<vmem>>
      %dma_start3A_960 = tpu.memref_squeeze %dma_start3A_959 : memref<1x2x128xi32, #tpu.memory_space<vmem>> -> memref<2x128xi32, #tpu.memory_space<vmem>>
      %dma_start3A_961 = arith.constant 0 : i32
      %dma_start3A_962 = arith.constant 0 : i32
      %dma_start3A_963 = tpu.memref_slice %arg2[%mul3A_2, %dma_start3A_961, %dma_start3A_962] : memref<2560x2x128xi32, #tpu.memory_space<hbm>> -> memref<1x2x128xi32, #tpu.memory_space<hbm>>
      %dma_start3A_964 = tpu.memref_squeeze %dma_start3A_963 : memref<1x2x128xi32, #tpu.memory_space<hbm>> -> memref<2x128xi32, #tpu.memory_space<hbm>>
      tpu.enqueue_dma source(%dma_start3A_964 : memref<2x128xi32, #tpu.memory_space<hbm>>) target(%dma_start3A_960 : memref<2x128xi32, #tpu.memory_space<vmem>>) target_semaphore(%run_scoped3A_948 : memref<!tpu.dma_semaphore, #tpu.memory_space<semaphore_mem>>)
      %dma_wait3A_965 = arith.constant 0 : i32
      %dma_wait3A_966 = arith.constant 0 : i32
      %dma_wait3A_967 = tpu.memref_slice %arg6[%run_scoped3A, %dma_wait3A_965, %dma_wait3A_966] : memref<4x2x128xi32, #tpu.memory_space<vmem>> -> memref<1x2x128xi32, #tpu.memory_space<vmem>>
      %dma_wait3A_968 = tpu.memref_squeeze %dma_wait3A_967 : memref<1x2x128xi32, #tpu.memory_space<vmem>> -> memref<2x128xi32, #tpu.memory_space<vmem>>
      %dma_wait3A_969 = arith.constant 0 : i32
      %dma_wait3A_970 = arith.constant 0 : i32
      %dma_wait3A_971 = tpu.memref_slice %arg2[%mul3A_2, %dma_wait3A_969, %dma_wait3A_970] : memref<2560x2x128xi32, #tpu.memory_space<hbm>> -> memref<1x2x128xi32, #tpu.memory_space<hbm>>
      %dma_wait3A_972 = tpu.memref_squeeze %dma_wait3A_971 : memref<1x2x128xi32, #tpu.memory_space<hbm>> -> memref<2x128xi32, #tpu.memory_space<hbm>>
      %dma_wait3A_973 = arith.constant 0 : i32
      %dma_wait3A_974 = arith.constant 0 : i32
      %dma_wait3A_975 = tpu.memref_slice %arg6[%run_scoped3A, %dma_wait3A_973, %dma_wait3A_974] : memref<4x2x128xi32, #tpu.memory_space<vmem>> -> memref<1x2x128xi32, #tpu.memory_space<vmem>>
      %dma_wait3A_976 = tpu.memref_squeeze %dma_wait3A_975 : memref<1x2x128xi32, #tpu.memory_space<vmem>> -> memref<2x128xi32, #tpu.memory_space<vmem>>
      %dma_wait3A_977 = arith.constant 0 : i32
      %dma_wait3A_978 = arith.constant 0 : i32
      %dma_wait3A_979 = tpu.memref_slice %arg2[%mul3A_2, %dma_wait3A_977, %dma_wait3A_978] : memref<2560x2x128xi32, #tpu.memory_space<hbm>> -> memref<1x2x128xi32, #tpu.memory_space<hbm>>
      %dma_wait3A_980 = tpu.memref_squeeze %dma_wait3A_979 : memref<1x2x128xi32, #tpu.memory_space<hbm>> -> memref<2x128xi32, #tpu.memory_space<hbm>>
      tpu.wait_dma2 semaphore(%run_scoped3A_948 : memref<!tpu.dma_semaphore, #tpu.memory_space<semaphore_mem>>) src(%dma_wait3A_980 : memref<2x128xi32, #tpu.memory_space<hbm>>) dst(%dma_wait3A_976 : memref<2x128xi32, #tpu.memory_space<vmem>>)
      tpu.yield
    }) : () -> ()
    %add3A_6 = arith.constant 1 : i32
    %add3A_7 = arith.addi %mul3A_2, %add3A_6 : i32
    %dma_start3A = arith.constant 1 : i32
    %dma_start3A_8 = arith.constant 0 : i32
    %dma_start3A_9 = arith.constant 0 : i32
    %dma_start3A_10 = tpu.memref_slice %arg6[%dma_start3A, %dma_start3A_8, %dma_start3A_9] : memref<4x2x128xi32, #tpu.memory_space<vmem>> -> memref<1x2x128xi32, #tpu.memory_space<vmem>>
    %dma_start3A_11 = tpu.memref_squeeze %dma_start3A_10 : memref<1x2x128xi32, #tpu.memory_space<vmem>> -> memref<2x128xi32, #tpu.memory_space<vmem>>
    %dma_start3A_12 = arith.constant 0 : i32
    %dma_start3A_13 = arith.constant 0 : i32
    %dma_start3A_14 = tpu.memref_slice %arg2[%add3A_7, %dma_start3A_12, %dma_start3A_13] : memref<2560x2x128xi32, #tpu.memory_space<hbm>> -> memref<1x2x128xi32, #tpu.memory_space<hbm>>
    %dma_start3A_15 = tpu.memref_squeeze %dma_start3A_14 : memref<1x2x128xi32, #tpu.memory_space<hbm>> -> memref<2x128xi32, #tpu.memory_space<hbm>>
    %dma_start3A_16 = arith.constant 0 : i32
    %dma_start3A_17 = arith.constant 0 : i32
    %dma_start3A_18 = tpu.memref_slice %arg6[%dma_start3A, %dma_start3A_16, %dma_start3A_17] : memref<4x2x128xi32, #tpu.memory_space<vmem>> -> memref<1x2x128xi32, #tpu.memory_space<vmem>>
    %dma_start3A_19 = tpu.memref_squeeze %dma_start3A_18 : memref<1x2x128xi32, #tpu.memory_space<vmem>> -> memref<2x128xi32, #tpu.memory_space<vmem>>
    %dma_start3A_20 = arith.constant 0 : i32
    %dma_start3A_21 = arith.constant 0 : i32
    %dma_start3A_22 = tpu.memref_slice %arg2[%add3A_7, %dma_start3A_20, %dma_start3A_21] : memref<2560x2x128xi32, #tpu.memory_space<hbm>> -> memref<1x2x128xi32, #tpu.memory_space<hbm>>
    %dma_start3A_23 = tpu.memref_squeeze %dma_start3A_22 : memref<1x2x128xi32, #tpu.memory_space<hbm>> -> memref<2x128xi32, #tpu.memory_space<hbm>>
    tpu.enqueue_dma source(%dma_start3A_23 : memref<2x128xi32, #tpu.memory_space<hbm>>) target(%dma_start3A_19 : memref<2x128xi32, #tpu.memory_space<vmem>>) target_semaphore(%arg10 : memref<!tpu.dma_semaphore, #tpu.memory_space<semaphore_mem>>)
    %add3A_24 = arith.constant 2 : i32
    %add3A_25 = arith.addi %mul3A_2, %add3A_24 : i32
    %dma_start3A_26 = arith.constant 2 : i32
    %dma_start3A_27 = arith.constant 0 : i32
    %dma_start3A_28 = arith.constant 0 : i32
    %dma_start3A_29 = tpu.memref_slice %arg6[%dma_start3A_26, %dma_start3A_27, %dma_start3A_28] : memref<4x2x128xi32, #tpu.memory_space<vmem>> -> memref<1x2x128xi32, #tpu.memory_space<vmem>>
    %dma_start3A_30 = tpu.memref_squeeze %dma_start3A_29 : memref<1x2x128xi32, #tpu.memory_space<vmem>> -> memref<2x128xi32, #tpu.memory_space<vmem>>
    %dma_start3A_31 = arith.constant 0 : i32
    %dma_start3A_32 = arith.constant 0 : i32
    %dma_start3A_33 = tpu.memref_slice %arg2[%add3A_25, %dma_start3A_31, %dma_start3A_32] : memref<2560x2x128xi32, #tpu.memory_space<hbm>> -> memref<1x2x128xi32, #tpu.memory_space<hbm>>
    %dma_start3A_34 = tpu.memref_squeeze %dma_start3A_33 : memref<1x2x128xi32, #tpu.memory_space<hbm>> -> memref<2x128xi32, #tpu.memory_space<hbm>>
    %dma_start3A_35 = arith.constant 0 : i32
    %dma_start3A_36 = arith.constant 0 : i32
    %dma_start3A_37 = tpu.memref_slice %arg6[%dma_start3A_26, %dma_start3A_35, %dma_start3A_36] : memref<4x2x128xi32, #tpu.memory_space<vmem>> -> memref<1x2x128xi32, #tpu.memory_space<vmem>>
    %dma_start3A_38 = tpu.memref_squeeze %dma_start3A_37 : memref<1x2x128xi32, #tpu.memory_space<vmem>> -> memref<2x128xi32, #tpu.memory_space<vmem>>
    %dma_start3A_39 = arith.constant 0 : i32
    %dma_start3A_40 = arith.constant 0 : i32
    %dma_start3A_41 = tpu.memref_slice %arg2[%add3A_25, %dma_start3A_39, %dma_start3A_40] : memref<2560x2x128xi32, #tpu.memory_space<hbm>> -> memref<1x2x128xi32, #tpu.memory_space<hbm>>
    %dma_start3A_42 = tpu.memref_squeeze %dma_start3A_41 : memref<1x2x128xi32, #tpu.memory_space<hbm>> -> memref<2x128xi32, #tpu.memory_space<hbm>>
    tpu.enqueue_dma source(%dma_start3A_42 : memref<2x128xi32, #tpu.memory_space<hbm>>) target(%dma_start3A_38 : memref<2x128xi32, #tpu.memory_space<vmem>>) target_semaphore(%arg11 : memref<!tpu.dma_semaphore, #tpu.memory_space<semaphore_mem>>)
    %add3A_43 = arith.constant 3 : i32
    %add3A_44 = arith.addi %mul3A_2, %add3A_43 : i32
    %dma_start3A_45 = arith.constant 3 : i32
    %dma_start3A_46 = arith.constant 0 : i32
    %dma_start3A_47 = arith.constant 0 : i32
    %dma_start3A_48 = tpu.memref_slice %arg6[%dma_start3A_45, %dma_start3A_46, %dma_start3A_47] : memref<4x2x128xi32, #tpu.memory_space<vmem>> -> memref<1x2x128xi32, #tpu.memory_space<vmem>>
    %dma_start3A_49 = tpu.memref_squeeze %dma_start3A_48 : memref<1x2x128xi32, #tpu.memory_space<vmem>> -> memref<2x128xi32, #tpu.memory_space<vmem>>
    %dma_start3A_50 = arith.constant 0 : i32
    %dma_start3A_51 = arith.constant 0 : i32
    %dma_start3A_52 = tpu.memref_slice %arg2[%add3A_44, %dma_start3A_50, %dma_start3A_51] : memref<2560x2x128xi32, #tpu.memory_space<hbm>> -> memref<1x2x128xi32, #tpu.memory_space<hbm>>
    %dma_start3A_53 = tpu.memref_squeeze %dma_start3A_52 : memref<1x2x128xi32, #tpu.memory_space<hbm>> -> memref<2x128xi32, #tpu.memory_space<hbm>>
    %dma_start3A_54 = arith.constant 0 : i32
    %dma_start3A_55 = arith.constant 0 : i32
    %dma_start3A_56 = tpu.memref_slice %arg6[%dma_start3A_45, %dma_start3A_54, %dma_start3A_55] : memref<4x2x128xi32, #tpu.memory_space<vmem>> -> memref<1x2x128xi32, #tpu.memory_space<vmem>>
    %dma_start3A_57 = tpu.memref_squeeze %dma_start3A_56 : memref<1x2x128xi32, #tpu.memory_space<vmem>> -> memref<2x128xi32, #tpu.memory_space<vmem>>
    %dma_start3A_58 = arith.constant 0 : i32
    %dma_start3A_59 = arith.constant 0 : i32
    %dma_start3A_60 = tpu.memref_slice %arg2[%add3A_44, %dma_start3A_58, %dma_start3A_59] : memref<2560x2x128xi32, #tpu.memory_space<hbm>> -> memref<1x2x128xi32, #tpu.memory_space<hbm>>
    %dma_start3A_61 = tpu.memref_squeeze %dma_start3A_60 : memref<1x2x128xi32, #tpu.memory_space<hbm>> -> memref<2x128xi32, #tpu.memory_space<hbm>>
    tpu.enqueue_dma source(%dma_start3A_61 : memref<2x128xi32, #tpu.memory_space<hbm>>) target(%dma_start3A_57 : memref<2x128xi32, #tpu.memory_space<vmem>>) target_semaphore(%arg12 : memref<!tpu.dma_semaphore, #tpu.memory_space<semaphore_mem>>)
    %dma_start3A_62 = arith.constant 0 : i32
    %dma_start3A_63 = arith.constant 0 : i32
    %dma_start3A_64 = arith.constant 0 : i32
    %dma_start3A_65 = arith.constant 0 : i32
    %dma_start3A_66 = arith.constant 0 : i32
    %dma_start3A_67 = tpu.memref_slice %arg7[%dma_start3A_64, %dma_start3A_65, %dma_start3A_66] : memref<2x128x128xf32, #tpu.memory_space<vmem>> -> memref<1x128x128xf32, #tpu.memory_space<vmem>>
    %dma_start3A_68 = tpu.memref_squeeze %dma_start3A_67 : memref<1x128x128xf32, #tpu.memory_space<vmem>> -> memref<128x128xf32, #tpu.memory_space<vmem>>
    %dma_start3A_69 = arith.constant 0 : i32
    %dma_start3A_70 = tpu.memref_slice %arg6[%dma_start3A_62, %dma_start3A_63, %dma_start3A_69] : memref<4x2x128xi32, #tpu.memory_space<vmem>> -> memref<1x1x128xi32, #tpu.memory_space<vmem>>
    %dma_start3A_71 = tpu.memref_squeeze %dma_start3A_70 : memref<1x1x128xi32, #tpu.memory_space<vmem>> -> memref<128xi32, #tpu.memory_space<vmem>>
    %dma_start3A_72 = arith.constant 0 : i32
    %dma_start3A_73 = arith.constant 0 : i32
    %dma_start3A_74 = tpu.memref_slice %arg3[%dma_start3A_72, %dma_start3A_73] : memref<10240x128xf32, #tpu.memory_space<hbm>> -> memref<10240x128xf32, #tpu.memory_space<hbm>>
    tpu.enqueue_indirect_dma source(%dma_start3A_74 : memref<10240x128xf32, #tpu.memory_space<hbm>>) target(%dma_start3A_68 : memref<128x128xf32, #tpu.memory_space<vmem>>) offsets(%dma_start3A_71 : memref<128xi32, #tpu.memory_space<vmem>>) semaphore(%arg13 : memref<!tpu.dma_semaphore, #tpu.memory_space<semaphore_mem>>)
    %add3A_75 = arith.constant 1 : i32
    %add3A_76 = arith.addi %mul3A_2, %add3A_75 : i32
    %dma_wait3A = arith.constant 1 : i32
    %dma_wait3A_77 = arith.constant 0 : i32
    %dma_wait3A_78 = arith.constant 0 : i32
    %dma_wait3A_79 = tpu.memref_slice %arg6[%dma_wait3A, %dma_wait3A_77, %dma_wait3A_78] : memref<4x2x128xi32, #tpu.memory_space<vmem>> -> memref<1x2x128xi32, #tpu.memory_space<vmem>>
    %dma_wait3A_80 = tpu.memref_squeeze %dma_wait3A_79 : memref<1x2x128xi32, #tpu.memory_space<vmem>> -> memref<2x128xi32, #tpu.memory_space<vmem>>
    %dma_wait3A_81 = arith.constant 0 : i32
    %dma_wait3A_82 = arith.constant 0 : i32
    %dma_wait3A_83 = tpu.memref_slice %arg2[%add3A_76, %dma_wait3A_81, %dma_wait3A_82] : memref<2560x2x128xi32, #tpu.memory_space<hbm>> -> memref<1x2x128xi32, #tpu.memory_space<hbm>>
    %dma_wait3A_84 = tpu.memref_squeeze %dma_wait3A_83 : memref<1x2x128xi32, #tpu.memory_space<hbm>> -> memref<2x128xi32, #tpu.memory_space<hbm>>
    %dma_wait3A_85 = arith.constant 0 : i32
    %dma_wait3A_86 = arith.constant 0 : i32
    %dma_wait3A_87 = tpu.memref_slice %arg6[%dma_wait3A, %dma_wait3A_85, %dma_wait3A_86] : memref<4x2x128xi32, #tpu.memory_space<vmem>> -> memref<1x2x128xi32, #tpu.memory_space<vmem>>
    %dma_wait3A_88 = tpu.memref_squeeze %dma_wait3A_87 : memref<1x2x128xi32, #tpu.memory_space<vmem>> -> memref<2x128xi32, #tpu.memory_space<vmem>>
    %dma_wait3A_89 = arith.constant 0 : i32
    %dma_wait3A_90 = arith.constant 0 : i32
    %dma_wait3A_91 = tpu.memref_slice %arg2[%add3A_76, %dma_wait3A_89, %dma_wait3A_90] : memref<2560x2x128xi32, #tpu.memory_space<hbm>> -> memref<1x2x128xi32, #tpu.memory_space<hbm>>
    %dma_wait3A_92 = tpu.memref_squeeze %dma_wait3A_91 : memref<1x2x128xi32, #tpu.memory_space<hbm>> -> memref<2x128xi32, #tpu.memory_space<hbm>>
    tpu.wait_dma2 semaphore(%arg10 : memref<!tpu.dma_semaphore, #tpu.memory_space<semaphore_mem>>) src(%dma_wait3A_92 : memref<2x128xi32, #tpu.memory_space<hbm>>) dst(%dma_wait3A_88 : memref<2x128xi32, #tpu.memory_space<vmem>>)
    %dma_start3A_93 = arith.constant 1 : i32
    %dma_start3A_94 = arith.constant 0 : i32
    %dma_start3A_95 = arith.constant 1 : i32
    %dma_start3A_96 = arith.constant 0 : i32
    %dma_start3A_97 = arith.constant 0 : i32
    %dma_start3A_98 = tpu.memref_slice %arg7[%dma_start3A_95, %dma_start3A_96, %dma_start3A_97] : memref<2x128x128xf32, #tpu.memory_space<vmem>> -> memref<1x128x128xf32, #tpu.memory_space<vmem>>
    %dma_start3A_99 = tpu.memref_squeeze %dma_start3A_98 : memref<1x128x128xf32, #tpu.memory_space<vmem>> -> memref<128x128xf32, #tpu.memory_space<vmem>>
    %dma_start3A_100 = arith.constant 0 : i32
    %dma_start3A_101 = tpu.memref_slice %arg6[%dma_start3A_93, %dma_start3A_94, %dma_start3A_100] : memref<4x2x128xi32, #tpu.memory_space<vmem>> -> memref<1x1x128xi32, #tpu.memory_space<vmem>>
    %dma_start3A_102 = tpu.memref_squeeze %dma_start3A_101 : memref<1x1x128xi32, #tpu.memory_space<vmem>> -> memref<128xi32, #tpu.memory_space<vmem>>
    %dma_start3A_103 = arith.constant 0 : i32
    %dma_start3A_104 = arith.constant 0 : i32
    %dma_start3A_105 = tpu.memref_slice %arg3[%dma_start3A_103, %dma_start3A_104] : memref<10240x128xf32, #tpu.memory_space<hbm>> -> memref<10240x128xf32, #tpu.memory_space<hbm>>
    tpu.enqueue_indirect_dma source(%dma_start3A_105 : memref<10240x128xf32, #tpu.memory_space<hbm>>) target(%dma_start3A_99 : memref<128x128xf32, #tpu.memory_space<vmem>>) offsets(%dma_start3A_102 : memref<128xi32, #tpu.memory_space<vmem>>) semaphore(%arg14 : memref<!tpu.dma_semaphore, #tpu.memory_space<semaphore_mem>>)
    %broadcast_in_dim3A = arith.constant 0.000000e+00 : f32
    %broadcast_in_dim3A_106 = vector.broadcast %broadcast_in_dim3A : f32 to vector<16xf32>
    %swap3A = arith.constant 0 : i32
    %swap3A_107 = arith.index_cast %swap3A : i32 to index
    %swap3A_108 = arith.constant 0 : index
    %swap3A_109 = tpu.vector_load %arg8[%swap3A_107, %swap3A_108] {strides = array<i32>} : memref<16x128xf32, #tpu.memory_space<vmem>>, vector<1x16xf32>,
    %swap3A_110 = vector.shape_cast %swap3A_109 : vector<1x16xf32> to vector<16xf32>
    %swap3A_111 = vector.shape_cast %broadcast_in_dim3A_106 : vector<16xf32> to vector<1x16xf32>
    tpu.vector_store %arg8[%swap3A_107, %swap3A_108], %swap3A_111 {strides = array<i32>} : memref<16x128xf32, #tpu.memory_space<vmem>>, vector<1x16xf32>,
    %swap3A_112 = arith.constant 0 : i32
    %swap3A_113 = arith.index_cast %swap3A_112 : i32 to index
    %swap3A_114 = arith.constant 16 : index
    %swap3A_115 = tpu.vector_load %arg8[%swap3A_113, %swap3A_114] {strides = array<i32>} : memref<16x128xf32, #tpu.memory_space<vmem>>, vector<1x16xf32>,
    %swap3A_116 = vector.shape_cast %swap3A_115 : vector<1x16xf32> to vector<16xf32>
    %swap3A_117 = vector.shape_cast %broadcast_in_dim3A_106 : vector<16xf32> to vector<1x16xf32>
    tpu.vector_store %arg8[%swap3A_113, %swap3A_114], %swap3A_117 {strides = array<i32>} : memref<16x128xf32, #tpu.memory_space<vmem>>, vector<1x16xf32>,
    %swap3A_118 = arith.constant 0 : i32
    %swap3A_119 = arith.index_cast %swap3A_118 : i32 to index
    %swap3A_120 = arith.constant 32 : index
    %swap3A_121 = tpu.vector_load %arg8[%swap3A_119, %swap3A_120] {strides = array<i32>} : memref<16x128xf32, #tpu.memory_space<vmem>>, vector<1x16xf32>,
    %swap3A_122 = vector.shape_cast %swap3A_121 : vector<1x16xf32> to vector<16xf32>
    %swap3A_123 = vector.shape_cast %broadcast_in_dim3A_106 : vector<16xf32> to vector<1x16xf32>
    tpu.vector_store %arg8[%swap3A_119, %swap3A_120], %swap3A_123 {strides = array<i32>} : memref<16x128xf32, #tpu.memory_space<vmem>>, vector<1x16xf32>,
    %swap3A_124 = arith.constant 0 : i32
    %swap3A_125 = arith.index_cast %swap3A_124 : i32 to index
    %swap3A_126 = arith.constant 48 : index
    %swap3A_127 = tpu.vector_load %arg8[%swap3A_125, %swap3A_126] {strides = array<i32>} : memref<16x128xf32, #tpu.memory_space<vmem>>, vector<1x16xf32>,
    %swap3A_128 = vector.shape_cast %swap3A_127 : vector<1x16xf32> to vector<16xf32>
    %swap3A_129 = vector.shape_cast %broadcast_in_dim3A_106 : vector<16xf32> to vector<1x16xf32>
    tpu.vector_store %arg8[%swap3A_125, %swap3A_126], %swap3A_129 {strides = array<i32>} : memref<16x128xf32, #tpu.memory_space<vmem>>, vector<1x16xf32>,
    %swap3A_130 = arith.constant 0 : i32
    %swap3A_131 = arith.index_cast %swap3A_130 : i32 to index
    %swap3A_132 = arith.constant 64 : index
    %swap3A_133 = tpu.vector_load %arg8[%swap3A_131, %swap3A_132] {strides = array<i32>} : memref<16x128xf32, #tpu.memory_space<vmem>>, vector<1x16xf32>,
    %swap3A_134 = vector.shape_cast %swap3A_133 : vector<1x16xf32> to vector<16xf32>
    %swap3A_135 = vector.shape_cast %broadcast_in_dim3A_106 : vector<16xf32> to vector<1x16xf32>
    tpu.vector_store %arg8[%swap3A_131, %swap3A_132], %swap3A_135 {strides = array<i32>} : memref<16x128xf32, #tpu.memory_space<vmem>>, vector<1x16xf32>,
    %swap3A_136 = arith.constant 0 : i32
    %swap3A_137 = arith.index_cast %swap3A_136 : i32 to index
    %swap3A_138 = arith.constant 80 : index
    %swap3A_139 = tpu.vector_load %arg8[%swap3A_137, %swap3A_138] {strides = array<i32>} : memref<16x128xf32, #tpu.memory_space<vmem>>, vector<1x16xf32>,
    %swap3A_140 = vector.shape_cast %swap3A_139 : vector<1x16xf32> to vector<16xf32>
    %swap3A_141 = vector.shape_cast %broadcast_in_dim3A_106 : vector<16xf32> to vector<1x16xf32>
    tpu.vector_store %arg8[%swap3A_137, %swap3A_138], %swap3A_141 {strides = array<i32>} : memref<16x128xf32, #tpu.memory_space<vmem>>, vector<1x16xf32>,
    %swap3A_142 = arith.constant 0 : i32
    %swap3A_143 = arith.index_cast %swap3A_142 : i32 to index
    %swap3A_144 = arith.constant 96 : index
    %swap3A_145 = tpu.vector_load %arg8[%swap3A_143, %swap3A_144] {strides = array<i32>} : memref<16x128xf32, #tpu.memory_space<vmem>>, vector<1x16xf32>,
    %swap3A_146 = vector.shape_cast %swap3A_145 : vector<1x16xf32> to vector<16xf32>
    %swap3A_147 = vector.shape_cast %broadcast_in_dim3A_106 : vector<16xf32> to vector<1x16xf32>
    tpu.vector_store %arg8[%swap3A_143, %swap3A_144], %swap3A_147 {strides = array<i32>} : memref<16x128xf32, #tpu.memory_space<vmem>>, vector<1x16xf32>,
    %swap3A_148 = arith.constant 0 : i32
    %swap3A_149 = arith.index_cast %swap3A_148 : i32 to index
    %swap3A_150 = arith.constant 112 : index
    %swap3A_151 = tpu.vector_load %arg8[%swap3A_149, %swap3A_150] {strides = array<i32>} : memref<16x128xf32, #tpu.memory_space<vmem>>, vector<1x16xf32>,
    %swap3A_152 = vector.shape_cast %swap3A_151 : vector<1x16xf32> to vector<16xf32>
    %swap3A_153 = vector.shape_cast %broadcast_in_dim3A_106 : vector<16xf32> to vector<1x16xf32>
    tpu.vector_store %arg8[%swap3A_149, %swap3A_150], %swap3A_153 {strides = array<i32>} : memref<16x128xf32, #tpu.memory_space<vmem>>, vector<1x16xf32>,
    %swap3A_154 = arith.constant 1 : i32
    %swap3A_155 = arith.index_cast %swap3A_154 : i32 to index
    %swap3A_156 = arith.constant 0 : index
    %swap3A_157 = tpu.vector_load %arg8[%swap3A_155, %swap3A_156] {strides = array<i32>} : memref<16x128xf32, #tpu.memory_space<vmem>>, vector<1x16xf32>,
    %swap3A_158 = vector.shape_cast %swap3A_157 : vector<1x16xf32> to vector<16xf32>
    %swap3A_159 = vector.shape_cast %broadcast_in_dim3A_106 : vector<16xf32> to vector<1x16xf32>
    tpu.vector_store %arg8[%swap3A_155, %swap3A_156], %swap3A_159 {strides = array<i32>} : memref<16x128xf32, #tpu.memory_space<vmem>>, vector<1x16xf32>,
    %swap3A_160 = arith.constant 1 : i32
    %swap3A_161 = arith.index_cast %swap3A_160 : i32 to index
    %swap3A_162 = arith.constant 16 : index
    %swap3A_163 = tpu.vector_load %arg8[%swap3A_161, %swap3A_162] {strides = array<i32>} : memref<16x128xf32, #tpu.memory_space<vmem>>, vector<1x16xf32>,
    %swap3A_164 = vector.shape_cast %swap3A_163 : vector<1x16xf32> to vector<16xf32>
    %swap3A_165 = vector.shape_cast %broadcast_in_dim3A_106 : vector<16xf32> to vector<1x16xf32>
    tpu.vector_store %arg8[%swap3A_161, %swap3A_162], %swap3A_165 {strides = array<i32>} : memref<16x128xf32, #tpu.memory_space<vmem>>, vector<1x16xf32>,
    %swap3A_166 = arith.constant 1 : i32
    %swap3A_167 = arith.index_cast %swap3A_166 : i32 to index
    %swap3A_168 = arith.constant 32 : index
    %swap3A_169 = tpu.vector_load %arg8[%swap3A_167, %swap3A_168] {strides = array<i32>} : memref<16x128xf32, #tpu.memory_space<vmem>>, vector<1x16xf32>,
    %swap3A_170 = vector.shape_cast %swap3A_169 : vector<1x16xf32> to vector<16xf32>
    %swap3A_171 = vector.shape_cast %broadcast_in_dim3A_106 : vector<16xf32> to vector<1x16xf32>
    tpu.vector_store %arg8[%swap3A_167, %swap3A_168], %swap3A_171 {strides = array<i32>} : memref<16x128xf32, #tpu.memory_space<vmem>>, vector<1x16xf32>,
    %swap3A_172 = arith.constant 1 : i32
    %swap3A_173 = arith.index_cast %swap3A_172 : i32 to index
    %swap3A_174 = arith.constant 48 : index
    %swap3A_175 = tpu.vector_load %arg8[%swap3A_173, %swap3A_174] {strides = array<i32>} : memref<16x128xf32, #tpu.memory_space<vmem>>, vector<1x16xf32>,
    %swap3A_176 = vector.shape_cast %swap3A_175 : vector<1x16xf32> to vector<16xf32>
    %swap3A_177 = vector.shape_cast %broadcast_in_dim3A_106 : vector<16xf32> to vector<1x16xf32>
    tpu.vector_store %arg8[%swap3A_173, %swap3A_174], %swap3A_177 {strides = array<i32>} : memref<16x128xf32, #tpu.memory_space<vmem>>, vector<1x16xf32>,
    %swap3A_178 = arith.constant 1 : i32
    %swap3A_179 = arith.index_cast %swap3A_178 : i32 to index
    %swap3A_180 = arith.constant 64 : index
    %swap3A_181 = tpu.vector_load %arg8[%swap3A_179, %swap3A_180] {strides = array<i32>} : memref<16x128xf32, #tpu.memory_space<vmem>>, vector<1x16xf32>,
    %swap3A_182 = vector.shape_cast %swap3A_181 : vector<1x16xf32> to vector<16xf32>
    %swap3A_183 = vector.shape_cast %broadcast_in_dim3A_106 : vector<16xf32> to vector<1x16xf32>
    tpu.vector_store %arg8[%swap3A_179, %swap3A_180], %swap3A_183 {strides = array<i32>} : memref<16x128xf32, #tpu.memory_space<vmem>>, vector<1x16xf32>,
    %swap3A_184 = arith.constant 1 : i32
    %swap3A_185 = arith.index_cast %swap3A_184 : i32 to index
    %swap3A_186 = arith.constant 80 : index
    %swap3A_187 = tpu.vector_load %arg8[%swap3A_185, %swap3A_186] {strides = array<i32>} : memref<16x128xf32, #tpu.memory_space<vmem>>, vector<1x16xf32>,
    %swap3A_188 = vector.shape_cast %swap3A_187 : vector<1x16xf32> to vector<16xf32>
    %swap3A_189 = vector.shape_cast %broadcast_in_dim3A_106 : vector<16xf32> to vector<1x16xf32>
    tpu.vector_store %arg8[%swap3A_185, %swap3A_186], %swap3A_189 {strides = array<i32>} : memref<16x128xf32, #tpu.memory_space<vmem>>, vector<1x16xf32>,
    %swap3A_190 = arith.constant 1 : i32
    %swap3A_191 = arith.index_cast %swap3A_190 : i32 to index
    %swap3A_192 = arith.constant 96 : index
    %swap3A_193 = tpu.vector_load %arg8[%swap3A_191, %swap3A_192] {strides = array<i32>} : memref<16x128xf32, #tpu.memory_space<vmem>>, vector<1x16xf32>,
    %swap3A_194 = vector.shape_cast %swap3A_193 : vector<1x16xf32> to vector<16xf32>
    %swap3A_195 = vector.shape_cast %broadcast_in_dim3A_106 : vector<16xf32> to vector<1x16xf32>
    tpu.vector_store %arg8[%swap3A_191, %swap3A_192], %swap3A_195 {strides = array<i32>} : memref<16x128xf32, #tpu.memory_space<vmem>>, vector<1x16xf32>,
    %swap3A_196 = arith.constant 1 : i32
    %swap3A_197 = arith.index_cast %swap3A_196 : i32 to index
    %swap3A_198 = arith.constant 112 : index
    %swap3A_199 = tpu.vector_load %arg8[%swap3A_197, %swap3A_198] {strides = array<i32>} : memref<16x128xf32, #tpu.memory_space<vmem>>, vector<1x16xf32>,
    %swap3A_200 = vector.shape_cast %swap3A_199 : vector<1x16xf32> to vector<16xf32>
    %swap3A_201 = vector.shape_cast %broadcast_in_dim3A_106 : vector<16xf32> to vector<1x16xf32>
    tpu.vector_store %arg8[%swap3A_197, %swap3A_198], %swap3A_201 {strides = array<i32>} : memref<16x128xf32, #tpu.memory_space<vmem>>, vector<1x16xf32>,
    %swap3A_202 = arith.constant 2 : i32
    %swap3A_203 = arith.index_cast %swap3A_202 : i32 to index
    %swap3A_204 = arith.constant 0 : index
    %swap3A_205 = tpu.vector_load %arg8[%swap3A_203, %swap3A_204] {strides = array<i32>} : memref<16x128xf32, #tpu.memory_space<vmem>>, vector<1x16xf32>,
    %swap3A_206 = vector.shape_cast %swap3A_205 : vector<1x16xf32> to vector<16xf32>
    %swap3A_207 = vector.shape_cast %broadcast_in_dim3A_106 : vector<16xf32> to vector<1x16xf32>
    tpu.vector_store %arg8[%swap3A_203, %swap3A_204], %swap3A_207 {strides = array<i32>} : memref<16x128xf32, #tpu.memory_space<vmem>>, vector<1x16xf32>,
    %swap3A_208 = arith.constant 2 : i32
    %swap3A_209 = arith.index_cast %swap3A_208 : i32 to index
    %swap3A_210 = arith.constant 16 : index
    %swap3A_211 = tpu.vector_load %arg8[%swap3A_209, %swap3A_210] {strides = array<i32>} : memref<16x128xf32, #tpu.memory_space<vmem>>, vector<1x16xf32>,
    %swap3A_212 = vector.shape_cast %swap3A_211 : vector<1x16xf32> to vector<16xf32>
    %swap3A_213 = vector.shape_cast %broadcast_in_dim3A_106 : vector<16xf32> to vector<1x16xf32>
    tpu.vector_store %arg8[%swap3A_209, %swap3A_210], %swap3A_213 {strides = array<i32>} : memref<16x128xf32, #tpu.memory_space<vmem>>, vector<1x16xf32>,
    %swap3A_214 = arith.constant 2 : i32
    %swap3A_215 = arith.index_cast %swap3A_214 : i32 to index
    %swap3A_216 = arith.constant 32 : index
    %swap3A_217 = tpu.vector_load %arg8[%swap3A_215, %swap3A_216] {strides = array<i32>} : memref<16x128xf32, #tpu.memory_space<vmem>>, vector<1x16xf32>,
    %swap3A_218 = vector.shape_cast %swap3A_217 : vector<1x16xf32> to vector<16xf32>
    %swap3A_219 = vector.shape_cast %broadcast_in_dim3A_106 : vector<16xf32> to vector<1x16xf32>
    tpu.vector_store %arg8[%swap3A_215, %swap3A_216], %swap3A_219 {strides = array<i32>} : memref<16x128xf32, #tpu.memory_space<vmem>>, vector<1x16xf32>,
    %swap3A_220 = arith.constant 2 : i32
    %swap3A_221 = arith.index_cast %swap3A_220 : i32 to index
    %swap3A_222 = arith.constant 48 : index
    %swap3A_223 = tpu.vector_load %arg8[%swap3A_221, %swap3A_222] {strides = array<i32>} : memref<16x128xf32, #tpu.memory_space<vmem>>, vector<1x16xf32>,
    %swap3A_224 = vector.shape_cast %swap3A_223 : vector<1x16xf32> to vector<16xf32>
    %swap3A_225 = vector.shape_cast %broadcast_in_dim3A_106 : vector<16xf32> to vector<1x16xf32>
    tpu.vector_store %arg8[%swap3A_221, %swap3A_222], %swap3A_225 {strides = array<i32>} : memref<16x128xf32, #tpu.memory_space<vmem>>, vector<1x16xf32>,
    %swap3A_226 = arith.constant 2 : i32
    %swap3A_227 = arith.index_cast %swap3A_226 : i32 to index
    %swap3A_228 = arith.constant 64 : index
    %swap3A_229 = tpu.vector_load %arg8[%swap3A_227, %swap3A_228] {strides = array<i32>} : memref<16x128xf32, #tpu.memory_space<vmem>>, vector<1x16xf32>,
    %swap3A_230 = vector.shape_cast %swap3A_229 : vector<1x16xf32> to vector<16xf32>
    %swap3A_231 = vector.shape_cast %broadcast_in_dim3A_106 : vector<16xf32> to vector<1x16xf32>
    tpu.vector_store %arg8[%swap3A_227, %swap3A_228], %swap3A_231 {strides = array<i32>} : memref<16x128xf32, #tpu.memory_space<vmem>>, vector<1x16xf32>,
    %swap3A_232 = arith.constant 2 : i32
    %swap3A_233 = arith.index_cast %swap3A_232 : i32 to index
    %swap3A_234 = arith.constant 80 : index
    %swap3A_235 = tpu.vector_load %arg8[%swap3A_233, %swap3A_234] {strides = array<i32>} : memref<16x128xf32, #tpu.memory_space<vmem>>, vector<1x16xf32>,
    %swap3A_236 = vector.shape_cast %swap3A_235 : vector<1x16xf32> to vector<16xf32>
    %swap3A_237 = vector.shape_cast %broadcast_in_dim3A_106 : vector<16xf32> to vector<1x16xf32>
    tpu.vector_store %arg8[%swap3A_233, %swap3A_234], %swap3A_237 {strides = array<i32>} : memref<16x128xf32, #tpu.memory_space<vmem>>, vector<1x16xf32>,
    %swap3A_238 = arith.constant 2 : i32
    %swap3A_239 = arith.index_cast %swap3A_238 : i32 to index
    %swap3A_240 = arith.constant 96 : index
    %swap3A_241 = tpu.vector_load %arg8[%swap3A_239, %swap3A_240] {strides = array<i32>} : memref<16x128xf32, #tpu.memory_space<vmem>>, vector<1x16xf32>,
    %swap3A_242 = vector.shape_cast %swap3A_241 : vector<1x16xf32> to vector<16xf32>
    %swap3A_243 = vector.shape_cast %broadcast_in_dim3A_106 : vector<16xf32> to vector<1x16xf32>
    tpu.vector_store %arg8[%swap3A_239, %swap3A_240], %swap3A_243 {strides = array<i32>} : memref<16x128xf32, #tpu.memory_space<vmem>>, vector<1x16xf32>,
    %swap3A_244 = arith.constant 2 : i32
    %swap3A_245 = arith.index_cast %swap3A_244 : i32 to index
    %swap3A_246 = arith.constant 112 : index
    %swap3A_247 = tpu.vector_load %arg8[%swap3A_245, %swap3A_246] {strides = array<i32>} : memref<16x128xf32, #tpu.memory_space<vmem>>, vector<1x16xf32>,
    %swap3A_248 = vector.shape_cast %swap3A_247 : vector<1x16xf32> to vector<16xf32>
    %swap3A_249 = vector.shape_cast %broadcast_in_dim3A_106 : vector<16xf32> to vector<1x16xf32>
    tpu.vector_store %arg8[%swap3A_245, %swap3A_246], %swap3A_249 {strides = array<i32>} : memref<16x128xf32, #tpu.memory_space<vmem>>, vector<1x16xf32>,
    %swap3A_250 = arith.constant 3 : i32
    %swap3A_251 = arith.index_cast %swap3A_250 : i32 to index
    %swap3A_252 = arith.constant 0 : index
    %swap3A_253 = tpu.vector_load %arg8[%swap3A_251, %swap3A_252] {strides = array<i32>} : memref<16x128xf32, #tpu.memory_space<vmem>>, vector<1x16xf32>,
    %swap3A_254 = vector.shape_cast %swap3A_253 : vector<1x16xf32> to vector<16xf32>
    %swap3A_255 = vector.shape_cast %broadcast_in_dim3A_106 : vector<16xf32> to vector<1x16xf32>
    tpu.vector_store %arg8[%swap3A_251, %swap3A_252], %swap3A_255 {strides = array<i32>} : memref<16x128xf32, #tpu.memory_space<vmem>>, vector<1x16xf32>,
    %swap3A_256 = arith.constant 3 : i32
    %swap3A_257 = arith.index_cast %swap3A_256 : i32 to index
    %swap3A_258 = arith.constant 16 : index
    %swap3A_259 = tpu.vector_load %arg8[%swap3A_257, %swap3A_258] {strides = array<i32>} : memref<16x128xf32, #tpu.memory_space<vmem>>, vector<1x16xf32>,
    %swap3A_260 = vector.shape_cast %swap3A_259 : vector<1x16xf32> to vector<16xf32>
    %swap3A_261 = vector.shape_cast %broadcast_in_dim3A_106 : vector<16xf32> to vector<1x16xf32>
    tpu.vector_store %arg8[%swap3A_257, %swap3A_258], %swap3A_261 {strides = array<i32>} : memref<16x128xf32, #tpu.memory_space<vmem>>, vector<1x16xf32>,
    %swap3A_262 = arith.constant 3 : i32
    %swap3A_263 = arith.index_cast %swap3A_262 : i32 to index
    %swap3A_264 = arith.constant 32 : index
    %swap3A_265 = tpu.vector_load %arg8[%swap3A_263, %swap3A_264] {strides = array<i32>} : memref<16x128xf32, #tpu.memory_space<vmem>>, vector<1x16xf32>,
    %swap3A_266 = vector.shape_cast %swap3A_265 : vector<1x16xf32> to vector<16xf32>
    %swap3A_267 = vector.shape_cast %broadcast_in_dim3A_106 : vector<16xf32> to vector<1x16xf32>
    tpu.vector_store %arg8[%swap3A_263, %swap3A_264], %swap3A_267 {strides = array<i32>} : memref<16x128xf32, #tpu.memory_space<vmem>>, vector<1x16xf32>,
    %swap3A_268 = arith.constant 3 : i32
    %swap3A_269 = arith.index_cast %swap3A_268 : i32 to index
    %swap3A_270 = arith.constant 48 : index
    %swap3A_271 = tpu.vector_load %arg8[%swap3A_269, %swap3A_270] {strides = array<i32>} : memref<16x128xf32, #tpu.memory_space<vmem>>, vector<1x16xf32>,
    %swap3A_272 = vector.shape_cast %swap3A_271 : vector<1x16xf32> to vector<16xf32>
    %swap3A_273 = vector.shape_cast %broadcast_in_dim3A_106 : vector<16xf32> to vector<1x16xf32>
    tpu.vector_store %arg8[%swap3A_269, %swap3A_270], %swap3A_273 {strides = array<i32>} : memref<16x128xf32, #tpu.memory_space<vmem>>, vector<1x16xf32>,
    %swap3A_274 = arith.constant 3 : i32
    %swap3A_275 = arith.index_cast %swap3A_274 : i32 to index
    %swap3A_276 = arith.constant 64 : index
    %swap3A_277 = tpu.vector_load %arg8[%swap3A_275, %swap3A_276] {strides = array<i32>} : memref<16x128xf32, #tpu.memory_space<vmem>>, vector<1x16xf32>,
    %swap3A_278 = vector.shape_cast %swap3A_277 : vector<1x16xf32> to vector<16xf32>
    %swap3A_279 = vector.shape_cast %broadcast_in_dim3A_106 : vector<16xf32> to vector<1x16xf32>
    tpu.vector_store %arg8[%swap3A_275, %swap3A_276], %swap3A_279 {strides = array<i32>} : memref<16x128xf32, #tpu.memory_space<vmem>>, vector<1x16xf32>,
    %swap3A_280 = arith.constant 3 : i32
    %swap3A_281 = arith.index_cast %swap3A_280 : i32 to index
    %swap3A_282 = arith.constant 80 : index
    %swap3A_283 = tpu.vector_load %arg8[%swap3A_281, %swap3A_282] {strides = array<i32>} : memref<16x128xf32, #tpu.memory_space<vmem>>, vector<1x16xf32>,
    %swap3A_284 = vector.shape_cast %swap3A_283 : vector<1x16xf32> to vector<16xf32>
    %swap3A_285 = vector.shape_cast %broadcast_in_dim3A_106 : vector<16xf32> to vector<1x16xf32>
    tpu.vector_store %arg8[%swap3A_281, %swap3A_282], %swap3A_285 {strides = array<i32>} : memref<16x128xf32, #tpu.memory_space<vmem>>, vector<1x16xf32>,
    %swap3A_286 = arith.constant 3 : i32
    %swap3A_287 = arith.index_cast %swap3A_286 : i32 to index
    %swap3A_288 = arith.constant 96 : index
    %swap3A_289 = tpu.vector_load %arg8[%swap3A_287, %swap3A_288] {strides = array<i32>} : memref<16x128xf32, #tpu.memory_space<vmem>>, vector<1x16xf32>,
    %swap3A_290 = vector.shape_cast %swap3A_289 : vector<1x16xf32> to vector<16xf32>
    %swap3A_291 = vector.shape_cast %broadcast_in_dim3A_106 : vector<16xf32> to vector<1x16xf32>
    tpu.vector_store %arg8[%swap3A_287, %swap3A_288], %swap3A_291 {strides = array<i32>} : memref<16x128xf32, #tpu.memory_space<vmem>>, vector<1x16xf32>,
    %swap3A_292 = arith.constant 3 : i32
    %swap3A_293 = arith.index_cast %swap3A_292 : i32 to index
    %swap3A_294 = arith.constant 112 : index
    %swap3A_295 = tpu.vector_load %arg8[%swap3A_293, %swap3A_294] {strides = array<i32>} : memref<16x128xf32, #tpu.memory_space<vmem>>, vector<1x16xf32>,
    %swap3A_296 = vector.shape_cast %swap3A_295 : vector<1x16xf32> to vector<16xf32>
    %swap3A_297 = vector.shape_cast %broadcast_in_dim3A_106 : vector<16xf32> to vector<1x16xf32>
    tpu.vector_store %arg8[%swap3A_293, %swap3A_294], %swap3A_297 {strides = array<i32>} : memref<16x128xf32, #tpu.memory_space<vmem>>, vector<1x16xf32>,
    %swap3A_298 = arith.constant 4 : i32
    %swap3A_299 = arith.index_cast %swap3A_298 : i32 to index
    %swap3A_300 = arith.constant 0 : index
    %swap3A_301 = tpu.vector_load %arg8[%swap3A_299, %swap3A_300] {strides = array<i32>} : memref<16x128xf32, #tpu.memory_space<vmem>>, vector<1x16xf32>,
    %swap3A_302 = vector.shape_cast %swap3A_301 : vector<1x16xf32> to vector<16xf32>
    %swap3A_303 = vector.shape_cast %broadcast_in_dim3A_106 : vector<16xf32> to vector<1x16xf32>
    tpu.vector_store %arg8[%swap3A_299, %swap3A_300], %swap3A_303 {strides = array<i32>} : memref<16x128xf32, #tpu.memory_space<vmem>>, vector<1x16xf32>,
    %swap3A_304 = arith.constant 4 : i32
    %swap3A_305 = arith.index_cast %swap3A_304 : i32 to index
    %swap3A_306 = arith.constant 16 : index
    %swap3A_307 = tpu.vector_load %arg8[%swap3A_305, %swap3A_306] {strides = array<i32>} : memref<16x128xf32, #tpu.memory_space<vmem>>, vector<1x16xf32>,
    %swap3A_308 = vector.shape_cast %swap3A_307 : vector<1x16xf32> to vector<16xf32>
    %swap3A_309 = vector.shape_cast %broadcast_in_dim3A_106 : vector<16xf32> to vector<1x16xf32>
    tpu.vector_store %arg8[%swap3A_305, %swap3A_306], %swap3A_309 {strides = array<i32>} : memref<16x128xf32, #tpu.memory_space<vmem>>, vector<1x16xf32>,
    %swap3A_310 = arith.constant 4 : i32
    %swap3A_311 = arith.index_cast %swap3A_310 : i32 to index
    %swap3A_312 = arith.constant 32 : index
    %swap3A_313 = tpu.vector_load %arg8[%swap3A_311, %swap3A_312] {strides = array<i32>} : memref<16x128xf32, #tpu.memory_space<vmem>>, vector<1x16xf32>,
    %swap3A_314 = vector.shape_cast %swap3A_313 : vector<1x16xf32> to vector<16xf32>
    %swap3A_315 = vector.shape_cast %broadcast_in_dim3A_106 : vector<16xf32> to vector<1x16xf32>
    tpu.vector_store %arg8[%swap3A_311, %swap3A_312], %swap3A_315 {strides = array<i32>} : memref<16x128xf32, #tpu.memory_space<vmem>>, vector<1x16xf32>,
    %swap3A_316 = arith.constant 4 : i32
    %swap3A_317 = arith.index_cast %swap3A_316 : i32 to index
    %swap3A_318 = arith.constant 48 : index
    %swap3A_319 = tpu.vector_load %arg8[%swap3A_317, %swap3A_318] {strides = array<i32>} : memref<16x128xf32, #tpu.memory_space<vmem>>, vector<1x16xf32>,
    %swap3A_320 = vector.shape_cast %swap3A_319 : vector<1x16xf32> to vector<16xf32>
    %swap3A_321 = vector.shape_cast %broadcast_in_dim3A_106 : vector<16xf32> to vector<1x16xf32>
    tpu.vector_store %arg8[%swap3A_317, %swap3A_318], %swap3A_321 {strides = array<i32>} : memref<16x128xf32, #tpu.memory_space<vmem>>, vector<1x16xf32>,
    %swap3A_322 = arith.constant 4 : i32
    %swap3A_323 = arith.index_cast %swap3A_322 : i32 to index
    %swap3A_324 = arith.constant 64 : index
    %swap3A_325 = tpu.vector_load %arg8[%swap3A_323, %swap3A_324] {strides = array<i32>} : memref<16x128xf32, #tpu.memory_space<vmem>>, vector<1x16xf32>,
    %swap3A_326 = vector.shape_cast %swap3A_325 : vector<1x16xf32> to vector<16xf32>
    %swap3A_327 = vector.shape_cast %broadcast_in_dim3A_106 : vector<16xf32> to vector<1x16xf32>
    tpu.vector_store %arg8[%swap3A_323, %swap3A_324], %swap3A_327 {strides = array<i32>} : memref<16x128xf32, #tpu.memory_space<vmem>>, vector<1x16xf32>,
    %swap3A_328 = arith.constant 4 : i32
    %swap3A_329 = arith.index_cast %swap3A_328 : i32 to index
    %swap3A_330 = arith.constant 80 : index
    %swap3A_331 = tpu.vector_load %arg8[%swap3A_329, %swap3A_330] {strides = array<i32>} : memref<16x128xf32, #tpu.memory_space<vmem>>, vector<1x16xf32>,
    %swap3A_332 = vector.shape_cast %swap3A_331 : vector<1x16xf32> to vector<16xf32>
    %swap3A_333 = vector.shape_cast %broadcast_in_dim3A_106 : vector<16xf32> to vector<1x16xf32>
    tpu.vector_store %arg8[%swap3A_329, %swap3A_330], %swap3A_333 {strides = array<i32>} : memref<16x128xf32, #tpu.memory_space<vmem>>, vector<1x16xf32>,
    %swap3A_334 = arith.constant 4 : i32
    %swap3A_335 = arith.index_cast %swap3A_334 : i32 to index
    %swap3A_336 = arith.constant 96 : index
    %swap3A_337 = tpu.vector_load %arg8[%swap3A_335, %swap3A_336] {strides = array<i32>} : memref<16x128xf32, #tpu.memory_space<vmem>>, vector<1x16xf32>,
    %swap3A_338 = vector.shape_cast %swap3A_337 : vector<1x16xf32> to vector<16xf32>
    %swap3A_339 = vector.shape_cast %broadcast_in_dim3A_106 : vector<16xf32> to vector<1x16xf32>
    tpu.vector_store %arg8[%swap3A_335, %swap3A_336], %swap3A_339 {strides = array<i32>} : memref<16x128xf32, #tpu.memory_space<vmem>>, vector<1x16xf32>,
    %swap3A_340 = arith.constant 4 : i32
    %swap3A_341 = arith.index_cast %swap3A_340 : i32 to index
    %swap3A_342 = arith.constant 112 : index
    %swap3A_343 = tpu.vector_load %arg8[%swap3A_341, %swap3A_342] {strides = array<i32>} : memref<16x128xf32, #tpu.memory_space<vmem>>, vector<1x16xf32>,
    %swap3A_344 = vector.shape_cast %swap3A_343 : vector<1x16xf32> to vector<16xf32>
    %swap3A_345 = vector.shape_cast %broadcast_in_dim3A_106 : vector<16xf32> to vector<1x16xf32>
    tpu.vector_store %arg8[%swap3A_341, %swap3A_342], %swap3A_345 {strides = array<i32>} : memref<16x128xf32, #tpu.memory_space<vmem>>, vector<1x16xf32>,
    %swap3A_346 = arith.constant 5 : i32
    %swap3A_347 = arith.index_cast %swap3A_346 : i32 to index
    %swap3A_348 = arith.constant 0 : index
    %swap3A_349 = tpu.vector_load %arg8[%swap3A_347, %swap3A_348] {strides = array<i32>} : memref<16x128xf32, #tpu.memory_space<vmem>>, vector<1x16xf32>,
    %swap3A_350 = vector.shape_cast %swap3A_349 : vector<1x16xf32> to vector<16xf32>
    %swap3A_351 = vector.shape_cast %broadcast_in_dim3A_106 : vector<16xf32> to vector<1x16xf32>
    tpu.vector_store %arg8[%swap3A_347, %swap3A_348], %swap3A_351 {strides = array<i32>} : memref<16x128xf32, #tpu.memory_space<vmem>>, vector<1x16xf32>,
    %swap3A_352 = arith.constant 5 : i32
    %swap3A_353 = arith.index_cast %swap3A_352 : i32 to index
    %swap3A_354 = arith.constant 16 : index
    %swap3A_355 = tpu.vector_load %arg8[%swap3A_353, %swap3A_354] {strides = array<i32>} : memref<16x128xf32, #tpu.memory_space<vmem>>, vector<1x16xf32>,
    %swap3A_356 = vector.shape_cast %swap3A_355 : vector<1x16xf32> to vector<16xf32>
    %swap3A_357 = vector.shape_cast %broadcast_in_dim3A_106 : vector<16xf32> to vector<1x16xf32>
    tpu.vector_store %arg8[%swap3A_353, %swap3A_354], %swap3A_357 {strides = array<i32>} : memref<16x128xf32, #tpu.memory_space<vmem>>, vector<1x16xf32>,
    %swap3A_358 = arith.constant 5 : i32
    %swap3A_359 = arith.index_cast %swap3A_358 : i32 to index
    %swap3A_360 = arith.constant 32 : index
    %swap3A_361 = tpu.vector_load %arg8[%swap3A_359, %swap3A_360] {strides = array<i32>} : memref<16x128xf32, #tpu.memory_space<vmem>>, vector<1x16xf32>,
    %swap3A_362 = vector.shape_cast %swap3A_361 : vector<1x16xf32> to vector<16xf32>
    %swap3A_363 = vector.shape_cast %broadcast_in_dim3A_106 : vector<16xf32> to vector<1x16xf32>
    tpu.vector_store %arg8[%swap3A_359, %swap3A_360], %swap3A_363 {strides = array<i32>} : memref<16x128xf32, #tpu.memory_space<vmem>>, vector<1x16xf32>,
    %swap3A_364 = arith.constant 5 : i32
    %swap3A_365 = arith.index_cast %swap3A_364 : i32 to index
    %swap3A_366 = arith.constant 48 : index
    %swap3A_367 = tpu.vector_load %arg8[%swap3A_365, %swap3A_366] {strides = array<i32>} : memref<16x128xf32, #tpu.memory_space<vmem>>, vector<1x16xf32>,
    %swap3A_368 = vector.shape_cast %swap3A_367 : vector<1x16xf32> to vector<16xf32>
    %swap3A_369 = vector.shape_cast %broadcast_in_dim3A_106 : vector<16xf32> to vector<1x16xf32>
    tpu.vector_store %arg8[%swap3A_365, %swap3A_366], %swap3A_369 {strides = array<i32>} : memref<16x128xf32, #tpu.memory_space<vmem>>, vector<1x16xf32>,
    %swap3A_370 = arith.constant 5 : i32
    %swap3A_371 = arith.index_cast %swap3A_370 : i32 to index
    %swap3A_372 = arith.constant 64 : index
    %swap3A_373 = tpu.vector_load %arg8[%swap3A_371, %swap3A_372] {strides = array<i32>} : memref<16x128xf32, #tpu.memory_space<vmem>>, vector<1x16xf32>,
    %swap3A_374 = vector.shape_cast %swap3A_373 : vector<1x16xf32> to vector<16xf32>
    %swap3A_375 = vector.shape_cast %broadcast_in_dim3A_106 : vector<16xf32> to vector<1x16xf32>
    tpu.vector_store %arg8[%swap3A_371, %swap3A_372], %swap3A_375 {strides = array<i32>} : memref<16x128xf32, #tpu.memory_space<vmem>>, vector<1x16xf32>,
    %swap3A_376 = arith.constant 5 : i32
    %swap3A_377 = arith.index_cast %swap3A_376 : i32 to index
    %swap3A_378 = arith.constant 80 : index
    %swap3A_379 = tpu.vector_load %arg8[%swap3A_377, %swap3A_378] {strides = array<i32>} : memref<16x128xf32, #tpu.memory_space<vmem>>, vector<1x16xf32>,
    %swap3A_380 = vector.shape_cast %swap3A_379 : vector<1x16xf32> to vector<16xf32>
    %swap3A_381 = vector.shape_cast %broadcast_in_dim3A_106 : vector<16xf32> to vector<1x16xf32>
    tpu.vector_store %arg8[%swap3A_377, %swap3A_378], %swap3A_381 {strides = array<i32>} : memref<16x128xf32, #tpu.memory_space<vmem>>, vector<1x16xf32>,
    %swap3A_382 = arith.constant 5 : i32
    %swap3A_383 = arith.index_cast %swap3A_382 : i32 to index
    %swap3A_384 = arith.constant 96 : index
    %swap3A_385 = tpu.vector_load %arg8[%swap3A_383, %swap3A_384] {strides = array<i32>} : memref<16x128xf32, #tpu.memory_space<vmem>>, vector<1x16xf32>,
    %swap3A_386 = vector.shape_cast %swap3A_385 : vector<1x16xf32> to vector<16xf32>
    %swap3A_387 = vector.shape_cast %broadcast_in_dim3A_106 : vector<16xf32> to vector<1x16xf32>
    tpu.vector_store %arg8[%swap3A_383, %swap3A_384], %swap3A_387 {strides = array<i32>} : memref<16x128xf32, #tpu.memory_space<vmem>>, vector<1x16xf32>,
    %swap3A_388 = arith.constant 5 : i32
    %swap3A_389 = arith.index_cast %swap3A_388 : i32 to index
    %swap3A_390 = arith.constant 112 : index
    %swap3A_391 = tpu.vector_load %arg8[%swap3A_389, %swap3A_390] {strides = array<i32>} : memref<16x128xf32, #tpu.memory_space<vmem>>, vector<1x16xf32>,
    %swap3A_392 = vector.shape_cast %swap3A_391 : vector<1x16xf32> to vector<16xf32>
    %swap3A_393 = vector.shape_cast %broadcast_in_dim3A_106 : vector<16xf32> to vector<1x16xf32>
    tpu.vector_store %arg8[%swap3A_389, %swap3A_390], %swap3A_393 {strides = array<i32>} : memref<16x128xf32, #tpu.memory_space<vmem>>, vector<1x16xf32>,
    %swap3A_394 = arith.constant 6 : i32
    %swap3A_395 = arith.index_cast %swap3A_394 : i32 to index
    %swap3A_396 = arith.constant 0 : index
    %swap3A_397 = tpu.vector_load %arg8[%swap3A_395, %swap3A_396] {strides = array<i32>} : memref<16x128xf32, #tpu.memory_space<vmem>>, vector<1x16xf32>,
    %swap3A_398 = vector.shape_cast %swap3A_397 : vector<1x16xf32> to vector<16xf32>
    %swap3A_399 = vector.shape_cast %broadcast_in_dim3A_106 : vector<16xf32> to vector<1x16xf32>
    tpu.vector_store %arg8[%swap3A_395, %swap3A_396], %swap3A_399 {strides = array<i32>} : memref<16x128xf32, #tpu.memory_space<vmem>>, vector<1x16xf32>,
    %swap3A_400 = arith.constant 6 : i32
    %swap3A_401 = arith.index_cast %swap3A_400 : i32 to index
    %swap3A_402 = arith.constant 16 : index
    %swap3A_403 = tpu.vector_load %arg8[%swap3A_401, %swap3A_402] {strides = array<i32>} : memref<16x128xf32, #tpu.memory_space<vmem>>, vector<1x16xf32>,
    %swap3A_404 = vector.shape_cast %swap3A_403 : vector<1x16xf32> to vector<16xf32>
    %swap3A_405 = vector.shape_cast %broadcast_in_dim3A_106 : vector<16xf32> to vector<1x16xf32>
    tpu.vector_store %arg8[%swap3A_401, %swap3A_402], %swap3A_405 {strides = array<i32>} : memref<16x128xf32, #tpu.memory_space<vmem>>, vector<1x16xf32>,
    %swap3A_406 = arith.constant 6 : i32
    %swap3A_407 = arith.index_cast %swap3A_406 : i32 to index
    %swap3A_408 = arith.constant 32 : index
    %swap3A_409 = tpu.vector_load %arg8[%swap3A_407, %swap3A_408] {strides = array<i32>} : memref<16x128xf32, #tpu.memory_space<vmem>>, vector<1x16xf32>,
    %swap3A_410 = vector.shape_cast %swap3A_409 : vector<1x16xf32> to vector<16xf32>
    %swap3A_411 = vector.shape_cast %broadcast_in_dim3A_106 : vector<16xf32> to vector<1x16xf32>
    tpu.vector_store %arg8[%swap3A_407, %swap3A_408], %swap3A_411 {strides = array<i32>} : memref<16x128xf32, #tpu.memory_space<vmem>>, vector<1x16xf32>,
    %swap3A_412 = arith.constant 6 : i32
    %swap3A_413 = arith.index_cast %swap3A_412 : i32 to index
    %swap3A_414 = arith.constant 48 : index
    %swap3A_415 = tpu.vector_load %arg8[%swap3A_413, %swap3A_414] {strides = array<i32>} : memref<16x128xf32, #tpu.memory_space<vmem>>, vector<1x16xf32>,
    %swap3A_416 = vector.shape_cast %swap3A_415 : vector<1x16xf32> to vector<16xf32>
    %swap3A_417 = vector.shape_cast %broadcast_in_dim3A_106 : vector<16xf32> to vector<1x16xf32>
    tpu.vector_store %arg8[%swap3A_413, %swap3A_414], %swap3A_417 {strides = array<i32>} : memref<16x128xf32, #tpu.memory_space<vmem>>, vector<1x16xf32>,
    %swap3A_418 = arith.constant 6 : i32
    %swap3A_419 = arith.index_cast %swap3A_418 : i32 to index
    %swap3A_420 = arith.constant 64 : index
    %swap3A_421 = tpu.vector_load %arg8[%swap3A_419, %swap3A_420] {strides = array<i32>} : memref<16x128xf32, #tpu.memory_space<vmem>>, vector<1x16xf32>,
    %swap3A_422 = vector.shape_cast %swap3A_421 : vector<1x16xf32> to vector<16xf32>
    %swap3A_423 = vector.shape_cast %broadcast_in_dim3A_106 : vector<16xf32> to vector<1x16xf32>
    tpu.vector_store %arg8[%swap3A_419, %swap3A_420], %swap3A_423 {strides = array<i32>} : memref<16x128xf32, #tpu.memory_space<vmem>>, vector<1x16xf32>,
    %swap3A_424 = arith.constant 6 : i32
    %swap3A_425 = arith.index_cast %swap3A_424 : i32 to index
    %swap3A_426 = arith.constant 80 : index
    %swap3A_427 = tpu.vector_load %arg8[%swap3A_425, %swap3A_426] {strides = array<i32>} : memref<16x128xf32, #tpu.memory_space<vmem>>, vector<1x16xf32>,
    %swap3A_428 = vector.shape_cast %swap3A_427 : vector<1x16xf32> to vector<16xf32>
    %swap3A_429 = vector.shape_cast %broadcast_in_dim3A_106 : vector<16xf32> to vector<1x16xf32>
    tpu.vector_store %arg8[%swap3A_425, %swap3A_426], %swap3A_429 {strides = array<i32>} : memref<16x128xf32, #tpu.memory_space<vmem>>, vector<1x16xf32>,
    %swap3A_430 = arith.constant 6 : i32
    %swap3A_431 = arith.index_cast %swap3A_430 : i32 to index
    %swap3A_432 = arith.constant 96 : index
    %swap3A_433 = tpu.vector_load %arg8[%swap3A_431, %swap3A_432] {strides = array<i32>} : memref<16x128xf32, #tpu.memory_space<vmem>>, vector<1x16xf32>,
    %swap3A_434 = vector.shape_cast %swap3A_433 : vector<1x16xf32> to vector<16xf32>
    %swap3A_435 = vector.shape_cast %broadcast_in_dim3A_106 : vector<16xf32> to vector<1x16xf32>
    tpu.vector_store %arg8[%swap3A_431, %swap3A_432], %swap3A_435 {strides = array<i32>} : memref<16x128xf32, #tpu.memory_space<vmem>>, vector<1x16xf32>,
    %swap3A_436 = arith.constant 6 : i32
    %swap3A_437 = arith.index_cast %swap3A_436 : i32 to index
    %swap3A_438 = arith.constant 112 : index
    %swap3A_439 = tpu.vector_load %arg8[%swap3A_437, %swap3A_438] {strides = array<i32>} : memref<16x128xf32, #tpu.memory_space<vmem>>, vector<1x16xf32>,
    %swap3A_440 = vector.shape_cast %swap3A_439 : vector<1x16xf32> to vector<16xf32>
    %swap3A_441 = vector.shape_cast %broadcast_in_dim3A_106 : vector<16xf32> to vector<1x16xf32>
    tpu.vector_store %arg8[%swap3A_437, %swap3A_438], %swap3A_441 {strides = array<i32>} : memref<16x128xf32, #tpu.memory_space<vmem>>, vector<1x16xf32>,
    %swap3A_442 = arith.constant 7 : i32
    %swap3A_443 = arith.index_cast %swap3A_442 : i32 to index
    %swap3A_444 = arith.constant 0 : index
    %swap3A_445 = tpu.vector_load %arg8[%swap3A_443, %swap3A_444] {strides = array<i32>} : memref<16x128xf32, #tpu.memory_space<vmem>>, vector<1x16xf32>,
    %swap3A_446 = vector.shape_cast %swap3A_445 : vector<1x16xf32> to vector<16xf32>
    %swap3A_447 = vector.shape_cast %broadcast_in_dim3A_106 : vector<16xf32> to vector<1x16xf32>
    tpu.vector_store %arg8[%swap3A_443, %swap3A_444], %swap3A_447 {strides = array<i32>} : memref<16x128xf32, #tpu.memory_space<vmem>>, vector<1x16xf32>,
    %swap3A_448 = arith.constant 7 : i32
    %swap3A_449 = arith.index_cast %swap3A_448 : i32 to index
    %swap3A_450 = arith.constant 16 : index
    %swap3A_451 = tpu.vector_load %arg8[%swap3A_449, %swap3A_450] {strides = array<i32>} : memref<16x128xf32, #tpu.memory_space<vmem>>, vector<1x16xf32>,
    %swap3A_452 = vector.shape_cast %swap3A_451 : vector<1x16xf32> to vector<16xf32>
    %swap3A_453 = vector.shape_cast %broadcast_in_dim3A_106 : vector<16xf32> to vector<1x16xf32>
    tpu.vector_store %arg8[%swap3A_449, %swap3A_450], %swap3A_453 {strides = array<i32>} : memref<16x128xf32, #tpu.memory_space<vmem>>, vector<1x16xf32>,
    %swap3A_454 = arith.constant 7 : i32
    %swap3A_455 = arith.index_cast %swap3A_454 : i32 to index
    %swap3A_456 = arith.constant 32 : index
    %swap3A_457 = tpu.vector_load %arg8[%swap3A_455, %swap3A_456] {strides = array<i32>} : memref<16x128xf32, #tpu.memory_space<vmem>>, vector<1x16xf32>,
    %swap3A_458 = vector.shape_cast %swap3A_457 : vector<1x16xf32> to vector<16xf32>
    %swap3A_459 = vector.shape_cast %broadcast_in_dim3A_106 : vector<16xf32> to vector<1x16xf32>
    tpu.vector_store %arg8[%swap3A_455, %swap3A_456], %swap3A_459 {strides = array<i32>} : memref<16x128xf32, #tpu.memory_space<vmem>>, vector<1x16xf32>,
    %swap3A_460 = arith.constant 7 : i32
    %swap3A_461 = arith.index_cast %swap3A_460 : i32 to index
    %swap3A_462 = arith.constant 48 : index
    %swap3A_463 = tpu.vector_load %arg8[%swap3A_461, %swap3A_462] {strides = array<i32>} : memref<16x128xf32, #tpu.memory_space<vmem>>, vector<1x16xf32>,
    %swap3A_464 = vector.shape_cast %swap3A_463 : vector<1x16xf32> to vector<16xf32>
    %swap3A_465 = vector.shape_cast %broadcast_in_dim3A_106 : vector<16xf32> to vector<1x16xf32>
    tpu.vector_store %arg8[%swap3A_461, %swap3A_462], %swap3A_465 {strides = array<i32>} : memref<16x128xf32, #tpu.memory_space<vmem>>, vector<1x16xf32>,
    %swap3A_466 = arith.constant 7 : i32
    %swap3A_467 = arith.index_cast %swap3A_466 : i32 to index
    %swap3A_468 = arith.constant 64 : index
    %swap3A_469 = tpu.vector_load %arg8[%swap3A_467, %swap3A_468] {strides = array<i32>} : memref<16x128xf32, #tpu.memory_space<vmem>>, vector<1x16xf32>,
    %swap3A_470 = vector.shape_cast %swap3A_469 : vector<1x16xf32> to vector<16xf32>
    %swap3A_471 = vector.shape_cast %broadcast_in_dim3A_106 : vector<16xf32> to vector<1x16xf32>
    tpu.vector_store %arg8[%swap3A_467, %swap3A_468], %swap3A_471 {strides = array<i32>} : memref<16x128xf32, #tpu.memory_space<vmem>>, vector<1x16xf32>,
    %swap3A_472 = arith.constant 7 : i32
    %swap3A_473 = arith.index_cast %swap3A_472 : i32 to index
    %swap3A_474 = arith.constant 80 : index
    %swap3A_475 = tpu.vector_load %arg8[%swap3A_473, %swap3A_474] {strides = array<i32>} : memref<16x128xf32, #tpu.memory_space<vmem>>, vector<1x16xf32>,
    %swap3A_476 = vector.shape_cast %swap3A_475 : vector<1x16xf32> to vector<16xf32>
    %swap3A_477 = vector.shape_cast %broadcast_in_dim3A_106 : vector<16xf32> to vector<1x16xf32>
    tpu.vector_store %arg8[%swap3A_473, %swap3A_474], %swap3A_477 {strides = array<i32>} : memref<16x128xf32, #tpu.memory_space<vmem>>, vector<1x16xf32>,
    %swap3A_478 = arith.constant 7 : i32
    %swap3A_479 = arith.index_cast %swap3A_478 : i32 to index
    %swap3A_480 = arith.constant 96 : index
    %swap3A_481 = tpu.vector_load %arg8[%swap3A_479, %swap3A_480] {strides = array<i32>} : memref<16x128xf32, #tpu.memory_space<vmem>>, vector<1x16xf32>,
    %swap3A_482 = vector.shape_cast %swap3A_481 : vector<1x16xf32> to vector<16xf32>
    %swap3A_483 = vector.shape_cast %broadcast_in_dim3A_106 : vector<16xf32> to vector<1x16xf32>
    tpu.vector_store %arg8[%swap3A_479, %swap3A_480], %swap3A_483 {strides = array<i32>} : memref<16x128xf32, #tpu.memory_space<vmem>>, vector<1x16xf32>,
    %swap3A_484 = arith.constant 7 : i32
    %swap3A_485 = arith.index_cast %swap3A_484 : i32 to index
    %swap3A_486 = arith.constant 112 : index
    %swap3A_487 = tpu.vector_load %arg8[%swap3A_485, %swap3A_486] {strides = array<i32>} : memref<16x128xf32, #tpu.memory_space<vmem>>, vector<1x16xf32>,
    %swap3A_488 = vector.shape_cast %swap3A_487 : vector<1x16xf32> to vector<16xf32>
    %swap3A_489 = vector.shape_cast %broadcast_in_dim3A_106 : vector<16xf32> to vector<1x16xf32>
    tpu.vector_store %arg8[%swap3A_485, %swap3A_486], %swap3A_489 {strides = array<i32>} : memref<16x128xf32, #tpu.memory_space<vmem>>, vector<1x16xf32>,
    %swap3A_490 = arith.constant 8 : i32
    %swap3A_491 = arith.index_cast %swap3A_490 : i32 to index
    %swap3A_492 = arith.constant 0 : index
    %swap3A_493 = tpu.vector_load %arg8[%swap3A_491, %swap3A_492] {strides = array<i32>} : memref<16x128xf32, #tpu.memory_space<vmem>>, vector<1x16xf32>,
    %swap3A_494 = vector.shape_cast %swap3A_493 : vector<1x16xf32> to vector<16xf32>
    %swap3A_495 = vector.shape_cast %broadcast_in_dim3A_106 : vector<16xf32> to vector<1x16xf32>
    tpu.vector_store %arg8[%swap3A_491, %swap3A_492], %swap3A_495 {strides = array<i32>} : memref<16x128xf32, #tpu.memory_space<vmem>>, vector<1x16xf32>,
    %swap3A_496 = arith.constant 8 : i32
    %swap3A_497 = arith.index_cast %swap3A_496 : i32 to index
    %swap3A_498 = arith.constant 16 : index
    %swap3A_499 = tpu.vector_load %arg8[%swap3A_497, %swap3A_498] {strides = array<i32>} : memref<16x128xf32, #tpu.memory_space<vmem>>, vector<1x16xf32>,
    %swap3A_500 = vector.shape_cast %swap3A_499 : vector<1x16xf32> to vector<16xf32>
    %swap3A_501 = vector.shape_cast %broadcast_in_dim3A_106 : vector<16xf32> to vector<1x16xf32>
    tpu.vector_store %arg8[%swap3A_497, %swap3A_498], %swap3A_501 {strides = array<i32>} : memref<16x128xf32, #tpu.memory_space<vmem>>, vector<1x16xf32>,
    %swap3A_502 = arith.constant 8 : i32
    %swap3A_503 = arith.index_cast %swap3A_502 : i32 to index
    %swap3A_504 = arith.constant 32 : index
    %swap3A_505 = tpu.vector_load %arg8[%swap3A_503, %swap3A_504] {strides = array<i32>} : memref<16x128xf32, #tpu.memory_space<vmem>>, vector<1x16xf32>,
    %swap3A_506 = vector.shape_cast %swap3A_505 : vector<1x16xf32> to vector<16xf32>
    %swap3A_507 = vector.shape_cast %broadcast_in_dim3A_106 : vector<16xf32> to vector<1x16xf32>
    tpu.vector_store %arg8[%swap3A_503, %swap3A_504], %swap3A_507 {strides = array<i32>} : memref<16x128xf32, #tpu.memory_space<vmem>>, vector<1x16xf32>,
    %swap3A_508 = arith.constant 8 : i32
    %swap3A_509 = arith.index_cast %swap3A_508 : i32 to index
    %swap3A_510 = arith.constant 48 : index
    %swap3A_511 = tpu.vector_load %arg8[%swap3A_509, %swap3A_510] {strides = array<i32>} : memref<16x128xf32, #tpu.memory_space<vmem>>, vector<1x16xf32>,
    %swap3A_512 = vector.shape_cast %swap3A_511 : vector<1x16xf32> to vector<16xf32>
    %swap3A_513 = vector.shape_cast %broadcast_in_dim3A_106 : vector<16xf32> to vector<1x16xf32>
    tpu.vector_store %arg8[%swap3A_509, %swap3A_510], %swap3A_513 {strides = array<i32>} : memref<16x128xf32, #tpu.memory_space<vmem>>, vector<1x16xf32>,
    %swap3A_514 = arith.constant 8 : i32
    %swap3A_515 = arith.index_cast %swap3A_514 : i32 to index
    %swap3A_516 = arith.constant 64 : index
    %swap3A_517 = tpu.vector_load %arg8[%swap3A_515, %swap3A_516] {strides = array<i32>} : memref<16x128xf32, #tpu.memory_space<vmem>>, vector<1x16xf32>,
    %swap3A_518 = vector.shape_cast %swap3A_517 : vector<1x16xf32> to vector<16xf32>
    %swap3A_519 = vector.shape_cast %broadcast_in_dim3A_106 : vector<16xf32> to vector<1x16xf32>
    tpu.vector_store %arg8[%swap3A_515, %swap3A_516], %swap3A_519 {strides = array<i32>} : memref<16x128xf32, #tpu.memory_space<vmem>>, vector<1x16xf32>,
    %swap3A_520 = arith.constant 8 : i32
    %swap3A_521 = arith.index_cast %swap3A_520 : i32 to index
    %swap3A_522 = arith.constant 80 : index
    %swap3A_523 = tpu.vector_load %arg8[%swap3A_521, %swap3A_522] {strides = array<i32>} : memref<16x128xf32, #tpu.memory_space<vmem>>, vector<1x16xf32>,
    %swap3A_524 = vector.shape_cast %swap3A_523 : vector<1x16xf32> to vector<16xf32>
    %swap3A_525 = vector.shape_cast %broadcast_in_dim3A_106 : vector<16xf32> to vector<1x16xf32>
    tpu.vector_store %arg8[%swap3A_521, %swap3A_522], %swap3A_525 {strides = array<i32>} : memref<16x128xf32, #tpu.memory_space<vmem>>, vector<1x16xf32>,
    %swap3A_526 = arith.constant 8 : i32
    %swap3A_527 = arith.index_cast %swap3A_526 : i32 to index
    %swap3A_528 = arith.constant 96 : index
    %swap3A_529 = tpu.vector_load %arg8[%swap3A_527, %swap3A_528] {strides = array<i32>} : memref<16x128xf32, #tpu.memory_space<vmem>>, vector<1x16xf32>,
    %swap3A_530 = vector.shape_cast %swap3A_529 : vector<1x16xf32> to vector<16xf32>
    %swap3A_531 = vector.shape_cast %broadcast_in_dim3A_106 : vector<16xf32> to vector<1x16xf32>
    tpu.vector_store %arg8[%swap3A_527, %swap3A_528], %swap3A_531 {strides = array<i32>} : memref<16x128xf32, #tpu.memory_space<vmem>>, vector<1x16xf32>,
    %swap3A_532 = arith.constant 8 : i32
    %swap3A_533 = arith.index_cast %swap3A_532 : i32 to index
    %swap3A_534 = arith.constant 112 : index
    %swap3A_535 = tpu.vector_load %arg8[%swap3A_533, %swap3A_534] {strides = array<i32>} : memref<16x128xf32, #tpu.memory_space<vmem>>, vector<1x16xf32>,
    %swap3A_536 = vector.shape_cast %swap3A_535 : vector<1x16xf32> to vector<16xf32>
    %swap3A_537 = vector.shape_cast %broadcast_in_dim3A_106 : vector<16xf32> to vector<1x16xf32>
    tpu.vector_store %arg8[%swap3A_533, %swap3A_534], %swap3A_537 {strides = array<i32>} : memref<16x128xf32, #tpu.memory_space<vmem>>, vector<1x16xf32>,
    %swap3A_538 = arith.constant 9 : i32
    %swap3A_539 = arith.index_cast %swap3A_538 : i32 to index
    %swap3A_540 = arith.constant 0 : index
    %swap3A_541 = tpu.vector_load %arg8[%swap3A_539, %swap3A_540] {strides = array<i32>} : memref<16x128xf32, #tpu.memory_space<vmem>>, vector<1x16xf32>,
    %swap3A_542 = vector.shape_cast %swap3A_541 : vector<1x16xf32> to vector<16xf32>
    %swap3A_543 = vector.shape_cast %broadcast_in_dim3A_106 : vector<16xf32> to vector<1x16xf32>
    tpu.vector_store %arg8[%swap3A_539, %swap3A_540], %swap3A_543 {strides = array<i32>} : memref<16x128xf32, #tpu.memory_space<vmem>>, vector<1x16xf32>,
    %swap3A_544 = arith.constant 9 : i32
    %swap3A_545 = arith.index_cast %swap3A_544 : i32 to index
    %swap3A_546 = arith.constant 16 : index
    %swap3A_547 = tpu.vector_load %arg8[%swap3A_545, %swap3A_546] {strides = array<i32>} : memref<16x128xf32, #tpu.memory_space<vmem>>, vector<1x16xf32>,
    %swap3A_548 = vector.shape_cast %swap3A_547 : vector<1x16xf32> to vector<16xf32>
    %swap3A_549 = vector.shape_cast %broadcast_in_dim3A_106 : vector<16xf32> to vector<1x16xf32>
    tpu.vector_store %arg8[%swap3A_545, %swap3A_546], %swap3A_549 {strides = array<i32>} : memref<16x128xf32, #tpu.memory_space<vmem>>, vector<1x16xf32>,
    %swap3A_550 = arith.constant 9 : i32
    %swap3A_551 = arith.index_cast %swap3A_550 : i32 to index
    %swap3A_552 = arith.constant 32 : index
    %swap3A_553 = tpu.vector_load %arg8[%swap3A_551, %swap3A_552] {strides = array<i32>} : memref<16x128xf32, #tpu.memory_space<vmem>>, vector<1x16xf32>,
    %swap3A_554 = vector.shape_cast %swap3A_553 : vector<1x16xf32> to vector<16xf32>
    %swap3A_555 = vector.shape_cast %broadcast_in_dim3A_106 : vector<16xf32> to vector<1x16xf32>
    tpu.vector_store %arg8[%swap3A_551, %swap3A_552], %swap3A_555 {strides = array<i32>} : memref<16x128xf32, #tpu.memory_space<vmem>>, vector<1x16xf32>,
    %swap3A_556 = arith.constant 9 : i32
    %swap3A_557 = arith.index_cast %swap3A_556 : i32 to index
    %swap3A_558 = arith.constant 48 : index
    %swap3A_559 = tpu.vector_load %arg8[%swap3A_557, %swap3A_558] {strides = array<i32>} : memref<16x128xf32, #tpu.memory_space<vmem>>, vector<1x16xf32>,
    %swap3A_560 = vector.shape_cast %swap3A_559 : vector<1x16xf32> to vector<16xf32>
    %swap3A_561 = vector.shape_cast %broadcast_in_dim3A_106 : vector<16xf32> to vector<1x16xf32>
    tpu.vector_store %arg8[%swap3A_557, %swap3A_558], %swap3A_561 {strides = array<i32>} : memref<16x128xf32, #tpu.memory_space<vmem>>, vector<1x16xf32>,
    %swap3A_562 = arith.constant 9 : i32
    %swap3A_563 = arith.index_cast %swap3A_562 : i32 to index
    %swap3A_564 = arith.constant 64 : index
    %swap3A_565 = tpu.vector_load %arg8[%swap3A_563, %swap3A_564] {strides = array<i32>} : memref<16x128xf32, #tpu.memory_space<vmem>>, vector<1x16xf32>,
    %swap3A_566 = vector.shape_cast %swap3A_565 : vector<1x16xf32> to vector<16xf32>
    %swap3A_567 = vector.shape_cast %broadcast_in_dim3A_106 : vector<16xf32> to vector<1x16xf32>
    tpu.vector_store %arg8[%swap3A_563, %swap3A_564], %swap3A_567 {strides = array<i32>} : memref<16x128xf32, #tpu.memory_space<vmem>>, vector<1x16xf32>,
    %swap3A_568 = arith.constant 9 : i32
    %swap3A_569 = arith.index_cast %swap3A_568 : i32 to index
    %swap3A_570 = arith.constant 80 : index
    %swap3A_571 = tpu.vector_load %arg8[%swap3A_569, %swap3A_570] {strides = array<i32>} : memref<16x128xf32, #tpu.memory_space<vmem>>, vector<1x16xf32>,
    %swap3A_572 = vector.shape_cast %swap3A_571 : vector<1x16xf32> to vector<16xf32>
    %swap3A_573 = vector.shape_cast %broadcast_in_dim3A_106 : vector<16xf32> to vector<1x16xf32>
    tpu.vector_store %arg8[%swap3A_569, %swap3A_570], %swap3A_573 {strides = array<i32>} : memref<16x128xf32, #tpu.memory_space<vmem>>, vector<1x16xf32>,
    %swap3A_574 = arith.constant 9 : i32
    %swap3A_575 = arith.index_cast %swap3A_574 : i32 to index
    %swap3A_576 = arith.constant 96 : index
    %swap3A_577 = tpu.vector_load %arg8[%swap3A_575, %swap3A_576] {strides = array<i32>} : memref<16x128xf32, #tpu.memory_space<vmem>>, vector<1x16xf32>,
    %swap3A_578 = vector.shape_cast %swap3A_577 : vector<1x16xf32> to vector<16xf32>
    %swap3A_579 = vector.shape_cast %broadcast_in_dim3A_106 : vector<16xf32> to vector<1x16xf32>
    tpu.vector_store %arg8[%swap3A_575, %swap3A_576], %swap3A_579 {strides = array<i32>} : memref<16x128xf32, #tpu.memory_space<vmem>>, vector<1x16xf32>,
    %swap3A_580 = arith.constant 9 : i32
    %swap3A_581 = arith.index_cast %swap3A_580 : i32 to index
    %swap3A_582 = arith.constant 112 : index
    %swap3A_583 = tpu.vector_load %arg8[%swap3A_581, %swap3A_582] {strides = array<i32>} : memref<16x128xf32, #tpu.memory_space<vmem>>, vector<1x16xf32>,
    %swap3A_584 = vector.shape_cast %swap3A_583 : vector<1x16xf32> to vector<16xf32>
    %swap3A_585 = vector.shape_cast %broadcast_in_dim3A_106 : vector<16xf32> to vector<1x16xf32>
    tpu.vector_store %arg8[%swap3A_581, %swap3A_582], %swap3A_585 {strides = array<i32>} : memref<16x128xf32, #tpu.memory_space<vmem>>, vector<1x16xf32>,
    %swap3A_586 = arith.constant 10 : i32
    %swap3A_587 = arith.index_cast %swap3A_586 : i32 to index
    %swap3A_588 = arith.constant 0 : index
    %swap3A_589 = tpu.vector_load %arg8[%swap3A_587, %swap3A_588] {strides = array<i32>} : memref<16x128xf32, #tpu.memory_space<vmem>>, vector<1x16xf32>,
    %swap3A_590 = vector.shape_cast %swap3A_589 : vector<1x16xf32> to vector<16xf32>
    %swap3A_591 = vector.shape_cast %broadcast_in_dim3A_106 : vector<16xf32> to vector<1x16xf32>
    tpu.vector_store %arg8[%swap3A_587, %swap3A_588], %swap3A_591 {strides = array<i32>} : memref<16x128xf32, #tpu.memory_space<vmem>>, vector<1x16xf32>,
    %swap3A_592 = arith.constant 10 : i32
    %swap3A_593 = arith.index_cast %swap3A_592 : i32 to index
    %swap3A_594 = arith.constant 16 : index
    %swap3A_595 = tpu.vector_load %arg8[%swap3A_593, %swap3A_594] {strides = array<i32>} : memref<16x128xf32, #tpu.memory_space<vmem>>, vector<1x16xf32>,
    %swap3A_596 = vector.shape_cast %swap3A_595 : vector<1x16xf32> to vector<16xf32>
    %swap3A_597 = vector.shape_cast %broadcast_in_dim3A_106 : vector<16xf32> to vector<1x16xf32>
    tpu.vector_store %arg8[%swap3A_593, %swap3A_594], %swap3A_597 {strides = array<i32>} : memref<16x128xf32, #tpu.memory_space<vmem>>, vector<1x16xf32>,
    %swap3A_598 = arith.constant 10 : i32
    %swap3A_599 = arith.index_cast %swap3A_598 : i32 to index
    %swap3A_600 = arith.constant 32 : index
    %swap3A_601 = tpu.vector_load %arg8[%swap3A_599, %swap3A_600] {strides = array<i32>} : memref<16x128xf32, #tpu.memory_space<vmem>>, vector<1x16xf32>,
    %swap3A_602 = vector.shape_cast %swap3A_601 : vector<1x16xf32> to vector<16xf32>
    %swap3A_603 = vector.shape_cast %broadcast_in_dim3A_106 : vector<16xf32> to vector<1x16xf32>
    tpu.vector_store %arg8[%swap3A_599, %swap3A_600], %swap3A_603 {strides = array<i32>} : memref<16x128xf32, #tpu.memory_space<vmem>>, vector<1x16xf32>,
    %swap3A_604 = arith.constant 10 : i32
    %swap3A_605 = arith.index_cast %swap3A_604 : i32 to index
    %swap3A_606 = arith.constant 48 : index
    %swap3A_607 = tpu.vector_load %arg8[%swap3A_605, %swap3A_606] {strides = array<i32>} : memref<16x128xf32, #tpu.memory_space<vmem>>, vector<1x16xf32>,
    %swap3A_608 = vector.shape_cast %swap3A_607 : vector<1x16xf32> to vector<16xf32>
    %swap3A_609 = vector.shape_cast %broadcast_in_dim3A_106 : vector<16xf32> to vector<1x16xf32>
    tpu.vector_store %arg8[%swap3A_605, %swap3A_606], %swap3A_609 {strides = array<i32>} : memref<16x128xf32, #tpu.memory_space<vmem>>, vector<1x16xf32>,
    %swap3A_610 = arith.constant 10 : i32
    %swap3A_611 = arith.index_cast %swap3A_610 : i32 to index
    %swap3A_612 = arith.constant 64 : index
    %swap3A_613 = tpu.vector_load %arg8[%swap3A_611, %swap3A_612] {strides = array<i32>} : memref<16x128xf32, #tpu.memory_space<vmem>>, vector<1x16xf32>,
    %swap3A_614 = vector.shape_cast %swap3A_613 : vector<1x16xf32> to vector<16xf32>
    %swap3A_615 = vector.shape_cast %broadcast_in_dim3A_106 : vector<16xf32> to vector<1x16xf32>
    tpu.vector_store %arg8[%swap3A_611, %swap3A_612], %swap3A_615 {strides = array<i32>} : memref<16x128xf32, #tpu.memory_space<vmem>>, vector<1x16xf32>,
    %swap3A_616 = arith.constant 10 : i32
    %swap3A_617 = arith.index_cast %swap3A_616 : i32 to index
    %swap3A_618 = arith.constant 80 : index
    %swap3A_619 = tpu.vector_load %arg8[%swap3A_617, %swap3A_618] {strides = array<i32>} : memref<16x128xf32, #tpu.memory_space<vmem>>, vector<1x16xf32>,
    %swap3A_620 = vector.shape_cast %swap3A_619 : vector<1x16xf32> to vector<16xf32>
    %swap3A_621 = vector.shape_cast %broadcast_in_dim3A_106 : vector<16xf32> to vector<1x16xf32>
    tpu.vector_store %arg8[%swap3A_617, %swap3A_618], %swap3A_621 {strides = array<i32>} : memref<16x128xf32, #tpu.memory_space<vmem>>, vector<1x16xf32>,
    %swap3A_622 = arith.constant 10 : i32
    %swap3A_623 = arith.index_cast %swap3A_622 : i32 to index
    %swap3A_624 = arith.constant 96 : index
    %swap3A_625 = tpu.vector_load %arg8[%swap3A_623, %swap3A_624] {strides = array<i32>} : memref<16x128xf32, #tpu.memory_space<vmem>>, vector<1x16xf32>,
    %swap3A_626 = vector.shape_cast %swap3A_625 : vector<1x16xf32> to vector<16xf32>
    %swap3A_627 = vector.shape_cast %broadcast_in_dim3A_106 : vector<16xf32> to vector<1x16xf32>
    tpu.vector_store %arg8[%swap3A_623, %swap3A_624], %swap3A_627 {strides = array<i32>} : memref<16x128xf32, #tpu.memory_space<vmem>>, vector<1x16xf32>,
    %swap3A_628 = arith.constant 10 : i32
    %swap3A_629 = arith.index_cast %swap3A_628 : i32 to index
    %swap3A_630 = arith.constant 112 : index
    %swap3A_631 = tpu.vector_load %arg8[%swap3A_629, %swap3A_630] {strides = array<i32>} : memref<16x128xf32, #tpu.memory_space<vmem>>, vector<1x16xf32>,
    %swap3A_632 = vector.shape_cast %swap3A_631 : vector<1x16xf32> to vector<16xf32>
    %swap3A_633 = vector.shape_cast %broadcast_in_dim3A_106 : vector<16xf32> to vector<1x16xf32>
    tpu.vector_store %arg8[%swap3A_629, %swap3A_630], %swap3A_633 {strides = array<i32>} : memref<16x128xf32, #tpu.memory_space<vmem>>, vector<1x16xf32>,
    %swap3A_634 = arith.constant 11 : i32
    %swap3A_635 = arith.index_cast %swap3A_634 : i32 to index
    %swap3A_636 = arith.constant 0 : index
    %swap3A_637 = tpu.vector_load %arg8[%swap3A_635, %swap3A_636] {strides = array<i32>} : memref<16x128xf32, #tpu.memory_space<vmem>>, vector<1x16xf32>,
    %swap3A_638 = vector.shape_cast %swap3A_637 : vector<1x16xf32> to vector<16xf32>
    %swap3A_639 = vector.shape_cast %broadcast_in_dim3A_106 : vector<16xf32> to vector<1x16xf32>
    tpu.vector_store %arg8[%swap3A_635, %swap3A_636], %swap3A_639 {strides = array<i32>} : memref<16x128xf32, #tpu.memory_space<vmem>>, vector<1x16xf32>,
    %swap3A_640 = arith.constant 11 : i32
    %swap3A_641 = arith.index_cast %swap3A_640 : i32 to index
    %swap3A_642 = arith.constant 16 : index
    %swap3A_643 = tpu.vector_load %arg8[%swap3A_641, %swap3A_642] {strides = array<i32>} : memref<16x128xf32, #tpu.memory_space<vmem>>, vector<1x16xf32>,
    %swap3A_644 = vector.shape_cast %swap3A_643 : vector<1x16xf32> to vector<16xf32>
    %swap3A_645 = vector.shape_cast %broadcast_in_dim3A_106 : vector<16xf32> to vector<1x16xf32>
    tpu.vector_store %arg8[%swap3A_641, %swap3A_642], %swap3A_645 {strides = array<i32>} : memref<16x128xf32, #tpu.memory_space<vmem>>, vector<1x16xf32>,
    %swap3A_646 = arith.constant 11 : i32
    %swap3A_647 = arith.index_cast %swap3A_646 : i32 to index
    %swap3A_648 = arith.constant 32 : index
    %swap3A_649 = tpu.vector_load %arg8[%swap3A_647, %swap3A_648] {strides = array<i32>} : memref<16x128xf32, #tpu.memory_space<vmem>>, vector<1x16xf32>,
    %swap3A_650 = vector.shape_cast %swap3A_649 : vector<1x16xf32> to vector<16xf32>
    %swap3A_651 = vector.shape_cast %broadcast_in_dim3A_106 : vector<16xf32> to vector<1x16xf32>
    tpu.vector_store %arg8[%swap3A_647, %swap3A_648], %swap3A_651 {strides = array<i32>} : memref<16x128xf32, #tpu.memory_space<vmem>>, vector<1x16xf32>,
    %swap3A_652 = arith.constant 11 : i32
    %swap3A_653 = arith.index_cast %swap3A_652 : i32 to index
    %swap3A_654 = arith.constant 48 : index
    %swap3A_655 = tpu.vector_load %arg8[%swap3A_653, %swap3A_654] {strides = array<i32>} : memref<16x128xf32, #tpu.memory_space<vmem>>, vector<1x16xf32>,
    %swap3A_656 = vector.shape_cast %swap3A_655 : vector<1x16xf32> to vector<16xf32>
    %swap3A_657 = vector.shape_cast %broadcast_in_dim3A_106 : vector<16xf32> to vector<1x16xf32>
    tpu.vector_store %arg8[%swap3A_653, %swap3A_654], %swap3A_657 {strides = array<i32>} : memref<16x128xf32, #tpu.memory_space<vmem>>, vector<1x16xf32>,
    %swap3A_658 = arith.constant 11 : i32
    %swap3A_659 = arith.index_cast %swap3A_658 : i32 to index
    %swap3A_660 = arith.constant 64 : index
    %swap3A_661 = tpu.vector_load %arg8[%swap3A_659, %swap3A_660] {strides = array<i32>} : memref<16x128xf32, #tpu.memory_space<vmem>>, vector<1x16xf32>,
    %swap3A_662 = vector.shape_cast %swap3A_661 : vector<1x16xf32> to vector<16xf32>
    %swap3A_663 = vector.shape_cast %broadcast_in_dim3A_106 : vector<16xf32> to vector<1x16xf32>
    tpu.vector_store %arg8[%swap3A_659, %swap3A_660], %swap3A_663 {strides = array<i32>} : memref<16x128xf32, #tpu.memory_space<vmem>>, vector<1x16xf32>,
    %swap3A_664 = arith.constant 11 : i32
    %swap3A_665 = arith.index_cast %swap3A_664 : i32 to index
    %swap3A_666 = arith.constant 80 : index
    %swap3A_667 = tpu.vector_load %arg8[%swap3A_665, %swap3A_666] {strides = array<i32>} : memref<16x128xf32, #tpu.memory_space<vmem>>, vector<1x16xf32>,
    %swap3A_668 = vector.shape_cast %swap3A_667 : vector<1x16xf32> to vector<16xf32>
    %swap3A_669 = vector.shape_cast %broadcast_in_dim3A_106 : vector<16xf32> to vector<1x16xf32>
    tpu.vector_store %arg8[%swap3A_665, %swap3A_666], %swap3A_669 {strides = array<i32>} : memref<16x128xf32, #tpu.memory_space<vmem>>, vector<1x16xf32>,
    %swap3A_670 = arith.constant 11 : i32
    %swap3A_671 = arith.index_cast %swap3A_670 : i32 to index
    %swap3A_672 = arith.constant 96 : index
    %swap3A_673 = tpu.vector_load %arg8[%swap3A_671, %swap3A_672] {strides = array<i32>} : memref<16x128xf32, #tpu.memory_space<vmem>>, vector<1x16xf32>,
    %swap3A_674 = vector.shape_cast %swap3A_673 : vector<1x16xf32> to vector<16xf32>
    %swap3A_675 = vector.shape_cast %broadcast_in_dim3A_106 : vector<16xf32> to vector<1x16xf32>
    tpu.vector_store %arg8[%swap3A_671, %swap3A_672], %swap3A_675 {strides = array<i32>} : memref<16x128xf32, #tpu.memory_space<vmem>>, vector<1x16xf32>,
    %swap3A_676 = arith.constant 11 : i32
    %swap3A_677 = arith.index_cast %swap3A_676 : i32 to index
    %swap3A_678 = arith.constant 112 : index
    %swap3A_679 = tpu.vector_load %arg8[%swap3A_677, %swap3A_678] {strides = array<i32>} : memref<16x128xf32, #tpu.memory_space<vmem>>, vector<1x16xf32>,
    %swap3A_680 = vector.shape_cast %swap3A_679 : vector<1x16xf32> to vector<16xf32>
    %swap3A_681 = vector.shape_cast %broadcast_in_dim3A_106 : vector<16xf32> to vector<1x16xf32>
    tpu.vector_store %arg8[%swap3A_677, %swap3A_678], %swap3A_681 {strides = array<i32>} : memref<16x128xf32, #tpu.memory_space<vmem>>, vector<1x16xf32>,
    %swap3A_682 = arith.constant 12 : i32
    %swap3A_683 = arith.index_cast %swap3A_682 : i32 to index
    %swap3A_684 = arith.constant 0 : index
    %swap3A_685 = tpu.vector_load %arg8[%swap3A_683, %swap3A_684] {strides = array<i32>} : memref<16x128xf32, #tpu.memory_space<vmem>>, vector<1x16xf32>,
    %swap3A_686 = vector.shape_cast %swap3A_685 : vector<1x16xf32> to vector<16xf32>
    %swap3A_687 = vector.shape_cast %broadcast_in_dim3A_106 : vector<16xf32> to vector<1x16xf32>
    tpu.vector_store %arg8[%swap3A_683, %swap3A_684], %swap3A_687 {strides = array<i32>} : memref<16x128xf32, #tpu.memory_space<vmem>>, vector<1x16xf32>,
    %swap3A_688 = arith.constant 12 : i32
    %swap3A_689 = arith.index_cast %swap3A_688 : i32 to index
    %swap3A_690 = arith.constant 16 : index
    %swap3A_691 = tpu.vector_load %arg8[%swap3A_689, %swap3A_690] {strides = array<i32>} : memref<16x128xf32, #tpu.memory_space<vmem>>, vector<1x16xf32>,
    %swap3A_692 = vector.shape_cast %swap3A_691 : vector<1x16xf32> to vector<16xf32>
    %swap3A_693 = vector.shape_cast %broadcast_in_dim3A_106 : vector<16xf32> to vector<1x16xf32>
    tpu.vector_store %arg8[%swap3A_689, %swap3A_690], %swap3A_693 {strides = array<i32>} : memref<16x128xf32, #tpu.memory_space<vmem>>, vector<1x16xf32>,
    %swap3A_694 = arith.constant 12 : i32
    %swap3A_695 = arith.index_cast %swap3A_694 : i32 to index
    %swap3A_696 = arith.constant 32 : index
    %swap3A_697 = tpu.vector_load %arg8[%swap3A_695, %swap3A_696] {strides = array<i32>} : memref<16x128xf32, #tpu.memory_space<vmem>>, vector<1x16xf32>,
    %swap3A_698 = vector.shape_cast %swap3A_697 : vector<1x16xf32> to vector<16xf32>
    %swap3A_699 = vector.shape_cast %broadcast_in_dim3A_106 : vector<16xf32> to vector<1x16xf32>
    tpu.vector_store %arg8[%swap3A_695, %swap3A_696], %swap3A_699 {strides = array<i32>} : memref<16x128xf32, #tpu.memory_space<vmem>>, vector<1x16xf32>,
    %swap3A_700 = arith.constant 12 : i32
    %swap3A_701 = arith.index_cast %swap3A_700 : i32 to index
    %swap3A_702 = arith.constant 48 : index
    %swap3A_703 = tpu.vector_load %arg8[%swap3A_701, %swap3A_702] {strides = array<i32>} : memref<16x128xf32, #tpu.memory_space<vmem>>, vector<1x16xf32>,
    %swap3A_704 = vector.shape_cast %swap3A_703 : vector<1x16xf32> to vector<16xf32>
    %swap3A_705 = vector.shape_cast %broadcast_in_dim3A_106 : vector<16xf32> to vector<1x16xf32>
    tpu.vector_store %arg8[%swap3A_701, %swap3A_702], %swap3A_705 {strides = array<i32>} : memref<16x128xf32, #tpu.memory_space<vmem>>, vector<1x16xf32>,
    %swap3A_706 = arith.constant 12 : i32
    %swap3A_707 = arith.index_cast %swap3A_706 : i32 to index
    %swap3A_708 = arith.constant 64 : index
    %swap3A_709 = tpu.vector_load %arg8[%swap3A_707, %swap3A_708] {strides = array<i32>} : memref<16x128xf32, #tpu.memory_space<vmem>>, vector<1x16xf32>,
    %swap3A_710 = vector.shape_cast %swap3A_709 : vector<1x16xf32> to vector<16xf32>
    %swap3A_711 = vector.shape_cast %broadcast_in_dim3A_106 : vector<16xf32> to vector<1x16xf32>
    tpu.vector_store %arg8[%swap3A_707, %swap3A_708], %swap3A_711 {strides = array<i32>} : memref<16x128xf32, #tpu.memory_space<vmem>>, vector<1x16xf32>,
    %swap3A_712 = arith.constant 12 : i32
    %swap3A_713 = arith.index_cast %swap3A_712 : i32 to index
    %swap3A_714 = arith.constant 80 : index
    %swap3A_715 = tpu.vector_load %arg8[%swap3A_713, %swap3A_714] {strides = array<i32>} : memref<16x128xf32, #tpu.memory_space<vmem>>, vector<1x16xf32>,
    %swap3A_716 = vector.shape_cast %swap3A_715 : vector<1x16xf32> to vector<16xf32>
    %swap3A_717 = vector.shape_cast %broadcast_in_dim3A_106 : vector<16xf32> to vector<1x16xf32>
    tpu.vector_store %arg8[%swap3A_713, %swap3A_714], %swap3A_717 {strides = array<i32>} : memref<16x128xf32, #tpu.memory_space<vmem>>, vector<1x16xf32>,
    %swap3A_718 = arith.constant 12 : i32
    %swap3A_719 = arith.index_cast %swap3A_718 : i32 to index
    %swap3A_720 = arith.constant 96 : index
    %swap3A_721 = tpu.vector_load %arg8[%swap3A_719, %swap3A_720] {strides = array<i32>} : memref<16x128xf32, #tpu.memory_space<vmem>>, vector<1x16xf32>,
    %swap3A_722 = vector.shape_cast %swap3A_721 : vector<1x16xf32> to vector<16xf32>
    %swap3A_723 = vector.shape_cast %broadcast_in_dim3A_106 : vector<16xf32> to vector<1x16xf32>
    tpu.vector_store %arg8[%swap3A_719, %swap3A_720], %swap3A_723 {strides = array<i32>} : memref<16x128xf32, #tpu.memory_space<vmem>>, vector<1x16xf32>,
    %swap3A_724 = arith.constant 12 : i32
    %swap3A_725 = arith.index_cast %swap3A_724 : i32 to index
    %swap3A_726 = arith.constant 112 : index
    %swap3A_727 = tpu.vector_load %arg8[%swap3A_725, %swap3A_726] {strides = array<i32>} : memref<16x128xf32, #tpu.memory_space<vmem>>, vector<1x16xf32>,
    %swap3A_728 = vector.shape_cast %swap3A_727 : vector<1x16xf32> to vector<16xf32>
    %swap3A_729 = vector.shape_cast %broadcast_in_dim3A_106 : vector<16xf32> to vector<1x16xf32>
    tpu.vector_store %arg8[%swap3A_725, %swap3A_726], %swap3A_729 {strides = array<i32>} : memref<16x128xf32, #tpu.memory_space<vmem>>, vector<1x16xf32>,
    %swap3A_730 = arith.constant 13 : i32
    %swap3A_731 = arith.index_cast %swap3A_730 : i32 to index
    %swap3A_732 = arith.constant 0 : index
    %swap3A_733 = tpu.vector_load %arg8[%swap3A_731, %swap3A_732] {strides = array<i32>} : memref<16x128xf32, #tpu.memory_space<vmem>>, vector<1x16xf32>,
    %swap3A_734 = vector.shape_cast %swap3A_733 : vector<1x16xf32> to vector<16xf32>
    %swap3A_735 = vector.shape_cast %broadcast_in_dim3A_106 : vector<16xf32> to vector<1x16xf32>
    tpu.vector_store %arg8[%swap3A_731, %swap3A_732], %swap3A_735 {strides = array<i32>} : memref<16x128xf32, #tpu.memory_space<vmem>>, vector<1x16xf32>,
    %swap3A_736 = arith.constant 13 : i32
    %swap3A_737 = arith.index_cast %swap3A_736 : i32 to index
    %swap3A_738 = arith.constant 16 : index
    %swap3A_739 = tpu.vector_load %arg8[%swap3A_737, %swap3A_738] {strides = array<i32>} : memref<16x128xf32, #tpu.memory_space<vmem>>, vector<1x16xf32>,
    %swap3A_740 = vector.shape_cast %swap3A_739 : vector<1x16xf32> to vector<16xf32>
    %swap3A_741 = vector.shape_cast %broadcast_in_dim3A_106 : vector<16xf32> to vector<1x16xf32>
    tpu.vector_store %arg8[%swap3A_737, %swap3A_738], %swap3A_741 {strides = array<i32>} : memref<16x128xf32, #tpu.memory_space<vmem>>, vector<1x16xf32>,
    %swap3A_742 = arith.constant 13 : i32
    %swap3A_743 = arith.index_cast %swap3A_742 : i32 to index
    %swap3A_744 = arith.constant 32 : index
    %swap3A_745 = tpu.vector_load %arg8[%swap3A_743, %swap3A_744] {strides = array<i32>} : memref<16x128xf32, #tpu.memory_space<vmem>>, vector<1x16xf32>,
    %swap3A_746 = vector.shape_cast %swap3A_745 : vector<1x16xf32> to vector<16xf32>
    %swap3A_747 = vector.shape_cast %broadcast_in_dim3A_106 : vector<16xf32> to vector<1x16xf32>
    tpu.vector_store %arg8[%swap3A_743, %swap3A_744], %swap3A_747 {strides = array<i32>} : memref<16x128xf32, #tpu.memory_space<vmem>>, vector<1x16xf32>,
    %swap3A_748 = arith.constant 13 : i32
    %swap3A_749 = arith.index_cast %swap3A_748 : i32 to index
    %swap3A_750 = arith.constant 48 : index
    %swap3A_751 = tpu.vector_load %arg8[%swap3A_749, %swap3A_750] {strides = array<i32>} : memref<16x128xf32, #tpu.memory_space<vmem>>, vector<1x16xf32>,
    %swap3A_752 = vector.shape_cast %swap3A_751 : vector<1x16xf32> to vector<16xf32>
    %swap3A_753 = vector.shape_cast %broadcast_in_dim3A_106 : vector<16xf32> to vector<1x16xf32>
    tpu.vector_store %arg8[%swap3A_749, %swap3A_750], %swap3A_753 {strides = array<i32>} : memref<16x128xf32, #tpu.memory_space<vmem>>, vector<1x16xf32>,
    %swap3A_754 = arith.constant 13 : i32
    %swap3A_755 = arith.index_cast %swap3A_754 : i32 to index
    %swap3A_756 = arith.constant 64 : index
    %swap3A_757 = tpu.vector_load %arg8[%swap3A_755, %swap3A_756] {strides = array<i32>} : memref<16x128xf32, #tpu.memory_space<vmem>>, vector<1x16xf32>,
    %swap3A_758 = vector.shape_cast %swap3A_757 : vector<1x16xf32> to vector<16xf32>
    %swap3A_759 = vector.shape_cast %broadcast_in_dim3A_106 : vector<16xf32> to vector<1x16xf32>
    tpu.vector_store %arg8[%swap3A_755, %swap3A_756], %swap3A_759 {strides = array<i32>} : memref<16x128xf32, #tpu.memory_space<vmem>>, vector<1x16xf32>,
    %swap3A_760 = arith.constant 13 : i32
    %swap3A_761 = arith.index_cast %swap3A_760 : i32 to index
    %swap3A_762 = arith.constant 80 : index
    %swap3A_763 = tpu.vector_load %arg8[%swap3A_761, %swap3A_762] {strides = array<i32>} : memref<16x128xf32, #tpu.memory_space<vmem>>, vector<1x16xf32>,
    %swap3A_764 = vector.shape_cast %swap3A_763 : vector<1x16xf32> to vector<16xf32>
    %swap3A_765 = vector.shape_cast %broadcast_in_dim3A_106 : vector<16xf32> to vector<1x16xf32>
    tpu.vector_store %arg8[%swap3A_761, %swap3A_762], %swap3A_765 {strides = array<i32>} : memref<16x128xf32, #tpu.memory_space<vmem>>, vector<1x16xf32>,
    %swap3A_766 = arith.constant 13 : i32
    %swap3A_767 = arith.index_cast %swap3A_766 : i32 to index
    %swap3A_768 = arith.constant 96 : index
    %swap3A_769 = tpu.vector_load %arg8[%swap3A_767, %swap3A_768] {strides = array<i32>} : memref<16x128xf32, #tpu.memory_space<vmem>>, vector<1x16xf32>,
    %swap3A_770 = vector.shape_cast %swap3A_769 : vector<1x16xf32> to vector<16xf32>
    %swap3A_771 = vector.shape_cast %broadcast_in_dim3A_106 : vector<16xf32> to vector<1x16xf32>
    tpu.vector_store %arg8[%swap3A_767, %swap3A_768], %swap3A_771 {strides = array<i32>} : memref<16x128xf32, #tpu.memory_space<vmem>>, vector<1x16xf32>,
    %swap3A_772 = arith.constant 13 : i32
    %swap3A_773 = arith.index_cast %swap3A_772 : i32 to index
    %swap3A_774 = arith.constant 112 : index
    %swap3A_775 = tpu.vector_load %arg8[%swap3A_773, %swap3A_774] {strides = array<i32>} : memref<16x128xf32, #tpu.memory_space<vmem>>, vector<1x16xf32>,
    %swap3A_776 = vector.shape_cast %swap3A_775 : vector<1x16xf32> to vector<16xf32>
    %swap3A_777 = vector.shape_cast %broadcast_in_dim3A_106 : vector<16xf32> to vector<1x16xf32>
    tpu.vector_store %arg8[%swap3A_773, %swap3A_774], %swap3A_777 {strides = array<i32>} : memref<16x128xf32, #tpu.memory_space<vmem>>, vector<1x16xf32>,
    %swap3A_778 = arith.constant 14 : i32
    %swap3A_779 = arith.index_cast %swap3A_778 : i32 to index
    %swap3A_780 = arith.constant 0 : index
    %swap3A_781 = tpu.vector_load %arg8[%swap3A_779, %swap3A_780] {strides = array<i32>} : memref<16x128xf32, #tpu.memory_space<vmem>>, vector<1x16xf32>,
    %swap3A_782 = vector.shape_cast %swap3A_781 : vector<1x16xf32> to vector<16xf32>
    %swap3A_783 = vector.shape_cast %broadcast_in_dim3A_106 : vector<16xf32> to vector<1x16xf32>
    tpu.vector_store %arg8[%swap3A_779, %swap3A_780], %swap3A_783 {strides = array<i32>} : memref<16x128xf32, #tpu.memory_space<vmem>>, vector<1x16xf32>,
    %swap3A_784 = arith.constant 14 : i32
    %swap3A_785 = arith.index_cast %swap3A_784 : i32 to index
    %swap3A_786 = arith.constant 16 : index
    %swap3A_787 = tpu.vector_load %arg8[%swap3A_785, %swap3A_786] {strides = array<i32>} : memref<16x128xf32, #tpu.memory_space<vmem>>, vector<1x16xf32>,
    %swap3A_788 = vector.shape_cast %swap3A_787 : vector<1x16xf32> to vector<16xf32>
    %swap3A_789 = vector.shape_cast %broadcast_in_dim3A_106 : vector<16xf32> to vector<1x16xf32>
    tpu.vector_store %arg8[%swap3A_785, %swap3A_786], %swap3A_789 {strides = array<i32>} : memref<16x128xf32, #tpu.memory_space<vmem>>, vector<1x16xf32>,
    %swap3A_790 = arith.constant 14 : i32
    %swap3A_791 = arith.index_cast %swap3A_790 : i32 to index
    %swap3A_792 = arith.constant 32 : index
    %swap3A_793 = tpu.vector_load %arg8[%swap3A_791, %swap3A_792] {strides = array<i32>} : memref<16x128xf32, #tpu.memory_space<vmem>>, vector<1x16xf32>,
    %swap3A_794 = vector.shape_cast %swap3A_793 : vector<1x16xf32> to vector<16xf32>
    %swap3A_795 = vector.shape_cast %broadcast_in_dim3A_106 : vector<16xf32> to vector<1x16xf32>
    tpu.vector_store %arg8[%swap3A_791, %swap3A_792], %swap3A_795 {strides = array<i32>} : memref<16x128xf32, #tpu.memory_space<vmem>>, vector<1x16xf32>,
    %swap3A_796 = arith.constant 14 : i32
    %swap3A_797 = arith.index_cast %swap3A_796 : i32 to index
    %swap3A_798 = arith.constant 48 : index
    %swap3A_799 = tpu.vector_load %arg8[%swap3A_797, %swap3A_798] {strides = array<i32>} : memref<16x128xf32, #tpu.memory_space<vmem>>, vector<1x16xf32>,
    %swap3A_800 = vector.shape_cast %swap3A_799 : vector<1x16xf32> to vector<16xf32>
    %swap3A_801 = vector.shape_cast %broadcast_in_dim3A_106 : vector<16xf32> to vector<1x16xf32>
    tpu.vector_store %arg8[%swap3A_797, %swap3A_798], %swap3A_801 {strides = array<i32>} : memref<16x128xf32, #tpu.memory_space<vmem>>, vector<1x16xf32>,
    %swap3A_802 = arith.constant 14 : i32
    %swap3A_803 = arith.index_cast %swap3A_802 : i32 to index
    %swap3A_804 = arith.constant 64 : index
    %swap3A_805 = tpu.vector_load %arg8[%swap3A_803, %swap3A_804] {strides = array<i32>} : memref<16x128xf32, #tpu.memory_space<vmem>>, vector<1x16xf32>,
    %swap3A_806 = vector.shape_cast %swap3A_805 : vector<1x16xf32> to vector<16xf32>
    %swap3A_807 = vector.shape_cast %broadcast_in_dim3A_106 : vector<16xf32> to vector<1x16xf32>
    tpu.vector_store %arg8[%swap3A_803, %swap3A_804], %swap3A_807 {strides = array<i32>} : memref<16x128xf32, #tpu.memory_space<vmem>>, vector<1x16xf32>,
    %swap3A_808 = arith.constant 14 : i32
    %swap3A_809 = arith.index_cast %swap3A_808 : i32 to index
    %swap3A_810 = arith.constant 80 : index
    %swap3A_811 = tpu.vector_load %arg8[%swap3A_809, %swap3A_810] {strides = array<i32>} : memref<16x128xf32, #tpu.memory_space<vmem>>, vector<1x16xf32>,
    %swap3A_812 = vector.shape_cast %swap3A_811 : vector<1x16xf32> to vector<16xf32>
    %swap3A_813 = vector.shape_cast %broadcast_in_dim3A_106 : vector<16xf32> to vector<1x16xf32>
    tpu.vector_store %arg8[%swap3A_809, %swap3A_810], %swap3A_813 {strides = array<i32>} : memref<16x128xf32, #tpu.memory_space<vmem>>, vector<1x16xf32>,
    %swap3A_814 = arith.constant 14 : i32
    %swap3A_815 = arith.index_cast %swap3A_814 : i32 to index
    %swap3A_816 = arith.constant 96 : index
    %swap3A_817 = tpu.vector_load %arg8[%swap3A_815, %swap3A_816] {strides = array<i32>} : memref<16x128xf32, #tpu.memory_space<vmem>>, vector<1x16xf32>,
    %swap3A_818 = vector.shape_cast %swap3A_817 : vector<1x16xf32> to vector<16xf32>
    %swap3A_819 = vector.shape_cast %broadcast_in_dim3A_106 : vector<16xf32> to vector<1x16xf32>
    tpu.vector_store %arg8[%swap3A_815, %swap3A_816], %swap3A_819 {strides = array<i32>} : memref<16x128xf32, #tpu.memory_space<vmem>>, vector<1x16xf32>,
    %swap3A_820 = arith.constant 14 : i32
    %swap3A_821 = arith.index_cast %swap3A_820 : i32 to index
    %swap3A_822 = arith.constant 112 : index
    %swap3A_823 = tpu.vector_load %arg8[%swap3A_821, %swap3A_822] {strides = array<i32>} : memref<16x128xf32, #tpu.memory_space<vmem>>, vector<1x16xf32>,
    %swap3A_824 = vector.shape_cast %swap3A_823 : vector<1x16xf32> to vector<16xf32>
    %swap3A_825 = vector.shape_cast %broadcast_in_dim3A_106 : vector<16xf32> to vector<1x16xf32>
    tpu.vector_store %arg8[%swap3A_821, %swap3A_822], %swap3A_825 {strides = array<i32>} : memref<16x128xf32, #tpu.memory_space<vmem>>, vector<1x16xf32>,
    %swap3A_826 = arith.constant 15 : i32
    %swap3A_827 = arith.index_cast %swap3A_826 : i32 to index
    %swap3A_828 = arith.constant 0 : index
    %swap3A_829 = tpu.vector_load %arg8[%swap3A_827, %swap3A_828] {strides = array<i32>} : memref<16x128xf32, #tpu.memory_space<vmem>>, vector<1x16xf32>,
    %swap3A_830 = vector.shape_cast %swap3A_829 : vector<1x16xf32> to vector<16xf32>
    %swap3A_831 = vector.shape_cast %broadcast_in_dim3A_106 : vector<16xf32> to vector<1x16xf32>
    tpu.vector_store %arg8[%swap3A_827, %swap3A_828], %swap3A_831 {strides = array<i32>} : memref<16x128xf32, #tpu.memory_space<vmem>>, vector<1x16xf32>,
    %swap3A_832 = arith.constant 15 : i32
    %swap3A_833 = arith.index_cast %swap3A_832 : i32 to index
    %swap3A_834 = arith.constant 16 : index
    %swap3A_835 = tpu.vector_load %arg8[%swap3A_833, %swap3A_834] {strides = array<i32>} : memref<16x128xf32, #tpu.memory_space<vmem>>, vector<1x16xf32>,
    %swap3A_836 = vector.shape_cast %swap3A_835 : vector<1x16xf32> to vector<16xf32>
    %swap3A_837 = vector.shape_cast %broadcast_in_dim3A_106 : vector<16xf32> to vector<1x16xf32>
    tpu.vector_store %arg8[%swap3A_833, %swap3A_834], %swap3A_837 {strides = array<i32>} : memref<16x128xf32, #tpu.memory_space<vmem>>, vector<1x16xf32>,
    %swap3A_838 = arith.constant 15 : i32
    %swap3A_839 = arith.index_cast %swap3A_838 : i32 to index
    %swap3A_840 = arith.constant 32 : index
    %swap3A_841 = tpu.vector_load %arg8[%swap3A_839, %swap3A_840] {strides = array<i32>} : memref<16x128xf32, #tpu.memory_space<vmem>>, vector<1x16xf32>,
    %swap3A_842 = vector.shape_cast %swap3A_841 : vector<1x16xf32> to vector<16xf32>
    %swap3A_843 = vector.shape_cast %broadcast_in_dim3A_106 : vector<16xf32> to vector<1x16xf32>
    tpu.vector_store %arg8[%swap3A_839, %swap3A_840], %swap3A_843 {strides = array<i32>} : memref<16x128xf32, #tpu.memory_space<vmem>>, vector<1x16xf32>,
    %swap3A_844 = arith.constant 15 : i32
    %swap3A_845 = arith.index_cast %swap3A_844 : i32 to index
    %swap3A_846 = arith.constant 48 : index
    %swap3A_847 = tpu.vector_load %arg8[%swap3A_845, %swap3A_846] {strides = array<i32>} : memref<16x128xf32, #tpu.memory_space<vmem>>, vector<1x16xf32>,
    %swap3A_848 = vector.shape_cast %swap3A_847 : vector<1x16xf32> to vector<16xf32>
    %swap3A_849 = vector.shape_cast %broadcast_in_dim3A_106 : vector<16xf32> to vector<1x16xf32>
    tpu.vector_store %arg8[%swap3A_845, %swap3A_846], %swap3A_849 {strides = array<i32>} : memref<16x128xf32, #tpu.memory_space<vmem>>, vector<1x16xf32>,
    %swap3A_850 = arith.constant 15 : i32
    %swap3A_851 = arith.index_cast %swap3A_850 : i32 to index
    %swap3A_852 = arith.constant 64 : index
    %swap3A_853 = tpu.vector_load %arg8[%swap3A_851, %swap3A_852] {strides = array<i32>} : memref<16x128xf32, #tpu.memory_space<vmem>>, vector<1x16xf32>,
    %swap3A_854 = vector.shape_cast %swap3A_853 : vector<1x16xf32> to vector<16xf32>
    %swap3A_855 = vector.shape_cast %broadcast_in_dim3A_106 : vector<16xf32> to vector<1x16xf32>
    tpu.vector_store %arg8[%swap3A_851, %swap3A_852], %swap3A_855 {strides = array<i32>} : memref<16x128xf32, #tpu.memory_space<vmem>>, vector<1x16xf32>,
    %swap3A_856 = arith.constant 15 : i32
    %swap3A_857 = arith.index_cast %swap3A_856 : i32 to index
    %swap3A_858 = arith.constant 80 : index
    %swap3A_859 = tpu.vector_load %arg8[%swap3A_857, %swap3A_858] {strides = array<i32>} : memref<16x128xf32, #tpu.memory_space<vmem>>, vector<1x16xf32>,
    %swap3A_860 = vector.shape_cast %swap3A_859 : vector<1x16xf32> to vector<16xf32>
    %swap3A_861 = vector.shape_cast %broadcast_in_dim3A_106 : vector<16xf32> to vector<1x16xf32>
    tpu.vector_store %arg8[%swap3A_857, %swap3A_858], %swap3A_861 {strides = array<i32>} : memref<16x128xf32, #tpu.memory_space<vmem>>, vector<1x16xf32>,
    %swap3A_862 = arith.constant 15 : i32
    %swap3A_863 = arith.index_cast %swap3A_862 : i32 to index
    %swap3A_864 = arith.constant 96 : index
    %swap3A_865 = tpu.vector_load %arg8[%swap3A_863, %swap3A_864] {strides = array<i32>} : memref<16x128xf32, #tpu.memory_space<vmem>>, vector<1x16xf32>,
    %swap3A_866 = vector.shape_cast %swap3A_865 : vector<1x16xf32> to vector<16xf32>
    %swap3A_867 = vector.shape_cast %broadcast_in_dim3A_106 : vector<16xf32> to vector<1x16xf32>
    tpu.vector_store %arg8[%swap3A_863, %swap3A_864], %swap3A_867 {strides = array<i32>} : memref<16x128xf32, #tpu.memory_space<vmem>>, vector<1x16xf32>,
    %swap3A_868 = arith.constant 15 : i32
    %swap3A_869 = arith.index_cast %swap3A_868 : i32 to index
    %swap3A_870 = arith.constant 112 : index
    %swap3A_871 = tpu.vector_load %arg8[%swap3A_869, %swap3A_870] {strides = array<i32>} : memref<16x128xf32, #tpu.memory_space<vmem>>, vector<1x16xf32>,
    %swap3A_872 = vector.shape_cast %swap3A_871 : vector<1x16xf32> to vector<16xf32>
    %swap3A_873 = vector.shape_cast %broadcast_in_dim3A_106 : vector<16xf32> to vector<1x16xf32>
    tpu.vector_store %arg8[%swap3A_869, %swap3A_870], %swap3A_873 {strides = array<i32>} : memref<16x128xf32, #tpu.memory_space<vmem>>, vector<1x16xf32>,
    %scan3A = arith.constant 0 : i32
    %scan3A_874 = arith.constant 40 : i32
    %scan3A_875 = arith.addi %scan3A, %scan3A_874 : i32
    %scan3A_876 = arith.constant 1 : i32
    scf.for %scan3A_948 = %scan3A to %scan3A_875 step %scan3A_876  : i32 {
      %mul3A_949 = arith.constant 640 : i32
      %mul3A_950 = arith.muli %arg1, %mul3A_949 : i32
      %mul3A_951 = arith.constant 16 : i32
      %mul3A_952 = arith.muli %scan3A_948, %mul3A_951 : i32
      %add3A_953 = arith.addi %mul3A_950, %mul3A_952 : i32
      "tpu.region"() ({
        %run_scoped3A_954 = tpu.sem_alloc : memref<!tpu.dma_semaphore, #tpu.memory_space<semaphore_mem>>
        %dma_start3A_955 = arith.constant 0 : i32
        %dma_start3A_956 = tpu.memref_slice %arg5[%add3A_953, %dma_start3A_955] : memref<10240x128xf32, #tpu.memory_space<vmem_shared>> -> memref<16x128xf32, #tpu.memory_space<vmem_shared>>
        %dma_start3A_957 = arith.constant 0 : i32
        %dma_start3A_958 = tpu.memref_slice %arg5[%add3A_953, %dma_start3A_957] : memref<10240x128xf32, #tpu.memory_space<vmem_shared>> -> memref<16x128xf32, #tpu.memory_space<vmem_shared>>
        tpu.enqueue_dma source(%arg8 : memref<16x128xf32, #tpu.memory_space<vmem>>) target(%dma_start3A_958 : memref<16x128xf32, #tpu.memory_space<vmem_shared>>) target_semaphore(%run_scoped3A_954 : memref<!tpu.dma_semaphore, #tpu.memory_space<semaphore_mem>>)
        %dma_wait3A_959 = arith.constant 0 : i32
        %dma_wait3A_960 = tpu.memref_slice %arg5[%add3A_953, %dma_wait3A_959] : memref<10240x128xf32, #tpu.memory_space<vmem_shared>> -> memref<16x128xf32, #tpu.memory_space<vmem_shared>>
        %dma_wait3A_961 = arith.constant 0 : i32
        %dma_wait3A_962 = tpu.memref_slice %arg5[%add3A_953, %dma_wait3A_961] : memref<10240x128xf32, #tpu.memory_space<vmem_shared>> -> memref<16x128xf32, #tpu.memory_space<vmem_shared>>
        tpu.wait_dma2 semaphore(%run_scoped3A_954 : memref<!tpu.dma_semaphore, #tpu.memory_space<semaphore_mem>>) src(%arg8 : memref<16x128xf32, #tpu.memory_space<vmem>>) dst(%dma_wait3A_962 : memref<16x128xf32, #tpu.memory_space<vmem_shared>>)
        tpu.yield
      }) : () -> ()
    }
    %scan3A_877 = arith.constant 40 : i32
    %barrier3A = arith.constant 0 : index
    tpu.barrier barrier_id(%barrier3A)
    %scan3A_878 = arith.constant 0 : i32
    %scan3A_879 = arith.constant 20 : i32
    %scan3A_880 = arith.addi %scan3A_878, %scan3A_879 : i32
    %scan3A_881 = arith.constant 1 : i32
    scf.for %scan3A_948 = %scan3A_878 to %scan3A_880 step %scan3A_881  : i32 {
      %mul3A_949 = arith.constant 4 : i32
      %mul3A_950 = arith.muli %scan3A_948, %mul3A_949 : i32
      %add3A_951 = arith.addi %mul3A_2, %mul3A_950 : i32
      %dma_wait3A_952 = arith.constant 0 : i32
      %dma_wait3A_953 = arith.constant 0 : i32
      %dma_wait3A_954 = arith.constant 0 : i32
      %dma_wait3A_955 = arith.constant 0 : i32
      %dma_wait3A_956 = arith.constant 0 : i32
      %dma_wait3A_957 = tpu.memref_slice %arg7[%dma_wait3A_954, %dma_wait3A_955, %dma_wait3A_956] : memref<2x128x128xf32, #tpu.memory_space<vmem>> -> memref<1x128x128xf32, #tpu.memory_space<vmem>>
      %dma_wait3A_958 = tpu.memref_squeeze %dma_wait3A_957 : memref<1x128x128xf32, #tpu.memory_space<vmem>> -> memref<128x128xf32, #tpu.memory_space<vmem>>
      %dma_wait3A_959 = arith.constant 0 : i32
      %dma_wait3A_960 = tpu.memref_slice %arg6[%dma_wait3A_952, %dma_wait3A_953, %dma_wait3A_959] : memref<4x2x128xi32, #tpu.memory_space<vmem>> -> memref<1x1x128xi32, #tpu.memory_space<vmem>>
      %dma_wait3A_961 = tpu.memref_squeeze %dma_wait3A_960 : memref<1x1x128xi32, #tpu.memory_space<vmem>> -> memref<128xi32, #tpu.memory_space<vmem>>
      %dma_wait3A_962 = arith.constant 0 : i32
      %dma_wait3A_963 = arith.constant 0 : i32
      %dma_wait3A_964 = tpu.memref_slice %arg3[%dma_wait3A_962, %dma_wait3A_963] : memref<10240x128xf32, #tpu.memory_space<hbm>> -> memref<10240x128xf32, #tpu.memory_space<hbm>>
      tpu.wait_indirect_dma semaphore(%arg13 : memref<!tpu.dma_semaphore, #tpu.memory_space<semaphore_mem>>) src(%dma_wait3A_964 : memref<10240x128xf32, #tpu.memory_space<hbm>>) dst(%dma_wait3A_958 : memref<128x128xf32, #tpu.memory_space<vmem>>)
      %run_scoped3A_965 = arith.constant 0 : i32
      %run_scoped3A_966 = arith.constant 0 : i32
      %run_scoped3A_967 = arith.constant 1 : i32
      "tpu.region"() ({
        %run_scoped3A_1243 = tpu.sem_alloc : memref<!tpu.dma_semaphore, #tpu.memory_space<semaphore_mem>>
        %dma_start3A_1244 = arith.constant 0 : i32
        %dma_start3A_1245 = arith.constant 0 : i32
        %dma_start3A_1246 = tpu.memref_slice %arg7[%run_scoped3A_965, %dma_start3A_1244, %dma_start3A_1245] : memref<2x128x128xf32, #tpu.memory_space<vmem>> -> memref<1x128x128xf32, #tpu.memory_space<vmem>>
        %dma_start3A_1247 = tpu.memref_squeeze %dma_start3A_1246 : memref<1x128x128xf32, #tpu.memory_space<vmem>> -> memref<128x128xf32, #tpu.memory_space<vmem>>
        %dma_start3A_1248 = arith.constant 0 : i32
        %dma_start3A_1249 = tpu.memref_slice %arg6[%run_scoped3A_966, %run_scoped3A_967, %dma_start3A_1248] : memref<4x2x128xi32, #tpu.memory_space<vmem>> -> memref<1x1x128xi32, #tpu.memory_space<vmem>>
        %dma_start3A_1250 = tpu.memref_squeeze %dma_start3A_1249 : memref<1x1x128xi32, #tpu.memory_space<vmem>> -> memref<128xi32, #tpu.memory_space<vmem>>
        %dma_start3A_1251 = arith.constant 0 : i32
        %dma_start3A_1252 = arith.constant 0 : i32
        %dma_start3A_1253 = tpu.memref_slice %arg5[%dma_start3A_1251, %dma_start3A_1252] : memref<10240x128xf32, #tpu.memory_space<vmem_shared>> -> memref<10240x128xf32, #tpu.memory_space<vmem_shared>>
        tpu.enqueue_indirect_dma source(%dma_start3A_1247 : memref<128x128xf32, #tpu.memory_space<vmem>>) target(%dma_start3A_1253 : memref<10240x128xf32, #tpu.memory_space<vmem_shared>>) offsets(%dma_start3A_1250 : memref<128xi32, #tpu.memory_space<vmem>>) semaphore(%run_scoped3A_1243 : memref<!tpu.dma_semaphore, #tpu.memory_space<semaphore_mem>>) {add = true}
        %dma_wait3A_1254 = arith.constant 0 : i32
        %dma_wait3A_1255 = arith.constant 0 : i32
        %dma_wait3A_1256 = tpu.memref_slice %arg7[%run_scoped3A_965, %dma_wait3A_1254, %dma_wait3A_1255] : memref<2x128x128xf32, #tpu.memory_space<vmem>> -> memref<1x128x128xf32, #tpu.memory_space<vmem>>
        %dma_wait3A_1257 = tpu.memref_squeeze %dma_wait3A_1256 : memref<1x128x128xf32, #tpu.memory_space<vmem>> -> memref<128x128xf32, #tpu.memory_space<vmem>>
        %dma_wait3A_1258 = arith.constant 0 : i32
        %dma_wait3A_1259 = tpu.memref_slice %arg6[%run_scoped3A_966, %run_scoped3A_967, %dma_wait3A_1258] : memref<4x2x128xi32, #tpu.memory_space<vmem>> -> memref<1x1x128xi32, #tpu.memory_space<vmem>>
        %dma_wait3A_1260 = tpu.memref_squeeze %dma_wait3A_1259 : memref<1x1x128xi32, #tpu.memory_space<vmem>> -> memref<128xi32, #tpu.memory_space<vmem>>
        %dma_wait3A_1261 = arith.constant 0 : i32
        %dma_wait3A_1262 = arith.constant 0 : i32
        %dma_wait3A_1263 = tpu.memref_slice %arg5[%dma_wait3A_1261, %dma_wait3A_1262] : memref<10240x128xf32, #tpu.memory_space<vmem_shared>> -> memref<10240x128xf32, #tpu.memory_space<vmem_shared>>
        tpu.wait_indirect_dma semaphore(%run_scoped3A_1243 : memref<!tpu.dma_semaphore, #tpu.memory_space<semaphore_mem>>) src(%dma_wait3A_1257 : memref<128x128xf32, #tpu.memory_space<vmem>>) dst(%dma_wait3A_1263 : memref<10240x128xf32, #tpu.memory_space<vmem_shared>>)
        tpu.yield
      }) : () -> ()
      %add3A_968 = arith.constant 0 : i32
      %add3A_969 = arith.addi %add3A_951, %add3A_968 : i32
      %add3A_970 = arith.constant 4 : i32
      %add3A_971 = arith.addi %add3A_969, %add3A_970 : i32
      %min3A = arith.minsi %add3A_971, %sub3A_5 : i32
      %dma_start3A_972 = arith.constant 0 : i32
      %dma_start3A_973 = arith.constant 0 : i32
      %dma_start3A_974 = arith.constant 0 : i32
      %dma_start3A_975 = tpu.memref_slice %arg6[%dma_start3A_972, %dma_start3A_973, %dma_start3A_974] : memref<4x2x128xi32, #tpu.memory_space<vmem>> -> memref<1x2x128xi32, #tpu.memory_space<vmem>>
      %dma_start3A_976 = tpu.memref_squeeze %dma_start3A_975 : memref<1x2x128xi32, #tpu.memory_space<vmem>> -> memref<2x128xi32, #tpu.memory_space<vmem>>
      %dma_start3A_977 = arith.constant 0 : i32
      %dma_start3A_978 = arith.constant 0 : i32
      %dma_start3A_979 = tpu.memref_slice %arg2[%min3A, %dma_start3A_977, %dma_start3A_978] : memref<2560x2x128xi32, #tpu.memory_space<hbm>> -> memref<1x2x128xi32, #tpu.memory_space<hbm>>
      %dma_start3A_980 = tpu.memref_squeeze %dma_start3A_979 : memref<1x2x128xi32, #tpu.memory_space<hbm>> -> memref<2x128xi32, #tpu.memory_space<hbm>>
      %dma_start3A_981 = arith.constant 0 : i32
      %dma_start3A_982 = arith.constant 0 : i32
      %dma_start3A_983 = tpu.memref_slice %arg6[%dma_start3A_972, %dma_start3A_981, %dma_start3A_982] : memref<4x2x128xi32, #tpu.memory_space<vmem>> -> memref<1x2x128xi32, #tpu.memory_space<vmem>>
      %dma_start3A_984 = tpu.memref_squeeze %dma_start3A_983 : memref<1x2x128xi32, #tpu.memory_space<vmem>> -> memref<2x128xi32, #tpu.memory_space<vmem>>
      %dma_start3A_985 = arith.constant 0 : i32
      %dma_start3A_986 = arith.constant 0 : i32
      %dma_start3A_987 = tpu.memref_slice %arg2[%min3A, %dma_start3A_985, %dma_start3A_986] : memref<2560x2x128xi32, #tpu.memory_space<hbm>> -> memref<1x2x128xi32, #tpu.memory_space<hbm>>
      %dma_start3A_988 = tpu.memref_squeeze %dma_start3A_987 : memref<1x2x128xi32, #tpu.memory_space<hbm>> -> memref<2x128xi32, #tpu.memory_space<hbm>>
      tpu.enqueue_dma source(%dma_start3A_988 : memref<2x128xi32, #tpu.memory_space<hbm>>) target(%dma_start3A_984 : memref<2x128xi32, #tpu.memory_space<vmem>>) target_semaphore(%arg9 : memref<!tpu.dma_semaphore, #tpu.memory_space<semaphore_mem>>)
      %add3A_989 = arith.constant 0 : i32
      %add3A_990 = arith.addi %add3A_951, %add3A_989 : i32
      %add3A_991 = arith.constant 2 : i32
      %add3A_992 = arith.addi %add3A_990, %add3A_991 : i32
      %min3A_993 = arith.minsi %add3A_992, %sub3A_5 : i32
      %dma_wait3A_994 = arith.constant 2 : i32
      %dma_wait3A_995 = arith.constant 0 : i32
      %dma_wait3A_996 = arith.constant 0 : i32
      %dma_wait3A_997 = tpu.memref_slice %arg6[%dma_wait3A_994, %dma_wait3A_995, %dma_wait3A_996] : memref<4x2x128xi32, #tpu.memory_space<vmem>> -> memref<1x2x128xi32, #tpu.memory_space<vmem>>
      %dma_wait3A_998 = tpu.memref_squeeze %dma_wait3A_997 : memref<1x2x128xi32, #tpu.memory_space<vmem>> -> memref<2x128xi32, #tpu.memory_space<vmem>>
      %dma_wait3A_999 = arith.constant 0 : i32
      %dma_wait3A_1000 = arith.constant 0 : i32
      %dma_wait3A_1001 = tpu.memref_slice %arg2[%min3A_993, %dma_wait3A_999, %dma_wait3A_1000] : memref<2560x2x128xi32, #tpu.memory_space<hbm>> -> memref<1x2x128xi32, #tpu.memory_space<hbm>>
      %dma_wait3A_1002 = tpu.memref_squeeze %dma_wait3A_1001 : memref<1x2x128xi32, #tpu.memory_space<hbm>> -> memref<2x128xi32, #tpu.memory_space<hbm>>
      %dma_wait3A_1003 = arith.constant 0 : i32
      %dma_wait3A_1004 = arith.constant 0 : i32
      %dma_wait3A_1005 = tpu.memref_slice %arg6[%dma_wait3A_994, %dma_wait3A_1003, %dma_wait3A_1004] : memref<4x2x128xi32, #tpu.memory_space<vmem>> -> memref<1x2x128xi32, #tpu.memory_space<vmem>>
      %dma_wait3A_1006 = tpu.memref_squeeze %dma_wait3A_1005 : memref<1x2x128xi32, #tpu.memory_space<vmem>> -> memref<2x128xi32, #tpu.memory_space<vmem>>
      %dma_wait3A_1007 = arith.constant 0 : i32
      %dma_wait3A_1008 = arith.constant 0 : i32
      %dma_wait3A_1009 = tpu.memref_slice %arg2[%min3A_993, %dma_wait3A_1007, %dma_wait3A_1008] : memref<2560x2x128xi32, #tpu.memory_space<hbm>> -> memref<1x2x128xi32, #tpu.memory_space<hbm>>
      %dma_wait3A_1010 = tpu.memref_squeeze %dma_wait3A_1009 : memref<1x2x128xi32, #tpu.memory_space<hbm>> -> memref<2x128xi32, #tpu.memory_space<hbm>>
      tpu.wait_dma2 semaphore(%arg11 : memref<!tpu.dma_semaphore, #tpu.memory_space<semaphore_mem>>) src(%dma_wait3A_1010 : memref<2x128xi32, #tpu.memory_space<hbm>>) dst(%dma_wait3A_1006 : memref<2x128xi32, #tpu.memory_space<vmem>>)
      %dma_start3A_1011 = arith.constant 2 : i32
      %dma_start3A_1012 = arith.constant 0 : i32
      %dma_start3A_1013 = arith.constant 0 : i32
      %dma_start3A_1014 = arith.constant 0 : i32
      %dma_start3A_1015 = arith.constant 0 : i32
      %dma_start3A_1016 = tpu.memref_slice %arg7[%dma_start3A_1013, %dma_start3A_1014, %dma_start3A_1015] : memref<2x128x128xf32, #tpu.memory_space<vmem>> -> memref<1x128x128xf32, #tpu.memory_space<vmem>>
      %dma_start3A_1017 = tpu.memref_squeeze %dma_start3A_1016 : memref<1x128x128xf32, #tpu.memory_space<vmem>> -> memref<128x128xf32, #tpu.memory_space<vmem>>
      %dma_start3A_1018 = arith.constant 0 : i32
      %dma_start3A_1019 = tpu.memref_slice %arg6[%dma_start3A_1011, %dma_start3A_1012, %dma_start3A_1018] : memref<4x2x128xi32, #tpu.memory_space<vmem>> -> memref<1x1x128xi32, #tpu.memory_space<vmem>>
      %dma_start3A_1020 = tpu.memref_squeeze %dma_start3A_1019 : memref<1x1x128xi32, #tpu.memory_space<vmem>> -> memref<128xi32, #tpu.memory_space<vmem>>
      %dma_start3A_1021 = arith.constant 0 : i32
      %dma_start3A_1022 = arith.constant 0 : i32
      %dma_start3A_1023 = tpu.memref_slice %arg3[%dma_start3A_1021, %dma_start3A_1022] : memref<10240x128xf32, #tpu.memory_space<hbm>> -> memref<10240x128xf32, #tpu.memory_space<hbm>>
      tpu.enqueue_indirect_dma source(%dma_start3A_1023 : memref<10240x128xf32, #tpu.memory_space<hbm>>) target(%dma_start3A_1017 : memref<128x128xf32, #tpu.memory_space<vmem>>) offsets(%dma_start3A_1020 : memref<128xi32, #tpu.memory_space<vmem>>) semaphore(%arg13 : memref<!tpu.dma_semaphore, #tpu.memory_space<semaphore_mem>>)
      %dma_wait3A_1024 = arith.constant 1 : i32
      %dma_wait3A_1025 = arith.constant 0 : i32
      %dma_wait3A_1026 = arith.constant 1 : i32
      %dma_wait3A_1027 = arith.constant 0 : i32
      %dma_wait3A_1028 = arith.constant 0 : i32
      %dma_wait3A_1029 = tpu.memref_slice %arg7[%dma_wait3A_1026, %dma_wait3A_1027, %dma_wait3A_1028] : memref<2x128x128xf32, #tpu.memory_space<vmem>> -> memref<1x128x128xf32, #tpu.memory_space<vmem>>
      %dma_wait3A_1030 = tpu.memref_squeeze %dma_wait3A_1029 : memref<1x128x128xf32, #tpu.memory_space<vmem>> -> memref<128x128xf32, #tpu.memory_space<vmem>>
      %dma_wait3A_1031 = arith.constant 0 : i32
      %dma_wait3A_1032 = tpu.memref_slice %arg6[%dma_wait3A_1024, %dma_wait3A_1025, %dma_wait3A_1031] : memref<4x2x128xi32, #tpu.memory_space<vmem>> -> memref<1x1x128xi32, #tpu.memory_space<vmem>>
      %dma_wait3A_1033 = tpu.memref_squeeze %dma_wait3A_1032 : memref<1x1x128xi32, #tpu.memory_space<vmem>> -> memref<128xi32, #tpu.memory_space<vmem>>
      %dma_wait3A_1034 = arith.constant 0 : i32
      %dma_wait3A_1035 = arith.constant 0 : i32
      %dma_wait3A_1036 = tpu.memref_slice %arg3[%dma_wait3A_1034, %dma_wait3A_1035] : memref<10240x128xf32, #tpu.memory_space<hbm>> -> memref<10240x128xf32, #tpu.memory_space<hbm>>
      tpu.wait_indirect_dma semaphore(%arg14 : memref<!tpu.dma_semaphore, #tpu.memory_space<semaphore_mem>>) src(%dma_wait3A_1036 : memref<10240x128xf32, #tpu.memory_space<hbm>>) dst(%dma_wait3A_1030 : memref<128x128xf32, #tpu.memory_space<vmem>>)
      %run_scoped3A_1037 = arith.constant 1 : i32
      %run_scoped3A_1038 = arith.constant 1 : i32
      %run_scoped3A_1039 = arith.constant 1 : i32
      "tpu.region"() ({
        %run_scoped3A_1243 = tpu.sem_alloc : memref<!tpu.dma_semaphore, #tpu.memory_space<semaphore_mem>>
        %dma_start3A_1244 = arith.constant 0 : i32
        %dma_start3A_1245 = arith.constant 0 : i32
        %dma_start3A_1246 = tpu.memref_slice %arg7[%run_scoped3A_1037, %dma_start3A_1244, %dma_start3A_1245] : memref<2x128x128xf32, #tpu.memory_space<vmem>> -> memref<1x128x128xf32, #tpu.memory_space<vmem>>
        %dma_start3A_1247 = tpu.memref_squeeze %dma_start3A_1246 : memref<1x128x128xf32, #tpu.memory_space<vmem>> -> memref<128x128xf32, #tpu.memory_space<vmem>>
        %dma_start3A_1248 = arith.constant 0 : i32
        %dma_start3A_1249 = tpu.memref_slice %arg6[%run_scoped3A_1038, %run_scoped3A_1039, %dma_start3A_1248] : memref<4x2x128xi32, #tpu.memory_space<vmem>> -> memref<1x1x128xi32, #tpu.memory_space<vmem>>
        %dma_start3A_1250 = tpu.memref_squeeze %dma_start3A_1249 : memref<1x1x128xi32, #tpu.memory_space<vmem>> -> memref<128xi32, #tpu.memory_space<vmem>>
        %dma_start3A_1251 = arith.constant 0 : i32
        %dma_start3A_1252 = arith.constant 0 : i32
        %dma_start3A_1253 = tpu.memref_slice %arg5[%dma_start3A_1251, %dma_start3A_1252] : memref<10240x128xf32, #tpu.memory_space<vmem_shared>> -> memref<10240x128xf32, #tpu.memory_space<vmem_shared>>
        tpu.enqueue_indirect_dma source(%dma_start3A_1247 : memref<128x128xf32, #tpu.memory_space<vmem>>) target(%dma_start3A_1253 : memref<10240x128xf32, #tpu.memory_space<vmem_shared>>) offsets(%dma_start3A_1250 : memref<128xi32, #tpu.memory_space<vmem>>) semaphore(%run_scoped3A_1243 : memref<!tpu.dma_semaphore, #tpu.memory_space<semaphore_mem>>) {add = true}
        %dma_wait3A_1254 = arith.constant 0 : i32
        %dma_wait3A_1255 = arith.constant 0 : i32
        %dma_wait3A_1256 = tpu.memref_slice %arg7[%run_scoped3A_1037, %dma_wait3A_1254, %dma_wait3A_1255] : memref<2x128x128xf32, #tpu.memory_space<vmem>> -> memref<1x128x128xf32, #tpu.memory_space<vmem>>
        %dma_wait3A_1257 = tpu.memref_squeeze %dma_wait3A_1256 : memref<1x128x128xf32, #tpu.memory_space<vmem>> -> memref<128x128xf32, #tpu.memory_space<vmem>>
        %dma_wait3A_1258 = arith.constant 0 : i32
        %dma_wait3A_1259 = tpu.memref_slice %arg6[%run_scoped3A_1038, %run_scoped3A_1039, %dma_wait3A_1258] : memref<4x2x128xi32, #tpu.memory_space<vmem>> -> memref<1x1x128xi32, #tpu.memory_space<vmem>>
        %dma_wait3A_1260 = tpu.memref_squeeze %dma_wait3A_1259 : memref<1x1x128xi32, #tpu.memory_space<vmem>> -> memref<128xi32, #tpu.memory_space<vmem>>
        %dma_wait3A_1261 = arith.constant 0 : i32
        %dma_wait3A_1262 = arith.constant 0 : i32
        %dma_wait3A_1263 = tpu.memref_slice %arg5[%dma_wait3A_1261, %dma_wait3A_1262] : memref<10240x128xf32, #tpu.memory_space<vmem_shared>> -> memref<10240x128xf32, #tpu.memory_space<vmem_shared>>
        tpu.wait_indirect_dma semaphore(%run_scoped3A_1243 : memref<!tpu.dma_semaphore, #tpu.memory_space<semaphore_mem>>) src(%dma_wait3A_1257 : memref<128x128xf32, #tpu.memory_space<vmem>>) dst(%dma_wait3A_1263 : memref<10240x128xf32, #tpu.memory_space<vmem_shared>>)
        tpu.yield
      }) : () -> ()
      %add3A_1040 = arith.constant 1 : i32
      %add3A_1041 = arith.addi %add3A_951, %add3A_1040 : i32
      %add3A_1042 = arith.constant 4 : i32
      %add3A_1043 = arith.addi %add3A_1041, %add3A_1042 : i32
      %min3A_1044 = arith.minsi %add3A_1043, %sub3A_5 : i32
      %dma_start3A_1045 = arith.constant 1 : i32
      %dma_start3A_1046 = arith.constant 0 : i32
      %dma_start3A_1047 = arith.constant 0 : i32
      %dma_start3A_1048 = tpu.memref_slice %arg6[%dma_start3A_1045, %dma_start3A_1046, %dma_start3A_1047] : memref<4x2x128xi32, #tpu.memory_space<vmem>> -> memref<1x2x128xi32, #tpu.memory_space<vmem>>
      %dma_start3A_1049 = tpu.memref_squeeze %dma_start3A_1048 : memref<1x2x128xi32, #tpu.memory_space<vmem>> -> memref<2x128xi32, #tpu.memory_space<vmem>>
      %dma_start3A_1050 = arith.constant 0 : i32
      %dma_start3A_1051 = arith.constant 0 : i32
      %dma_start3A_1052 = tpu.memref_slice %arg2[%min3A_1044, %dma_start3A_1050, %dma_start3A_1051] : memref<2560x2x128xi32, #tpu.memory_space<hbm>> -> memref<1x2x128xi32, #tpu.memory_space<hbm>>
      %dma_start3A_1053 = tpu.memref_squeeze %dma_start3A_1052 : memref<1x2x128xi32, #tpu.memory_space<hbm>> -> memref<2x128xi32, #tpu.memory_space<hbm>>
      %dma_start3A_1054 = arith.constant 0 : i32
      %dma_start3A_1055 = arith.constant 0 : i32
      %dma_start3A_1056 = tpu.memref_slice %arg6[%dma_start3A_1045, %dma_start3A_1054, %dma_start3A_1055] : memref<4x2x128xi32, #tpu.memory_space<vmem>> -> memref<1x2x128xi32, #tpu.memory_space<vmem>>
      %dma_start3A_1057 = tpu.memref_squeeze %dma_start3A_1056 : memref<1x2x128xi32, #tpu.memory_space<vmem>> -> memref<2x128xi32, #tpu.memory_space<vmem>>
      %dma_start3A_1058 = arith.constant 0 : i32
      %dma_start3A_1059 = arith.constant 0 : i32
      %dma_start3A_1060 = tpu.memref_slice %arg2[%min3A_1044, %dma_start3A_1058, %dma_start3A_1059] : memref<2560x2x128xi32, #tpu.memory_space<hbm>> -> memref<1x2x128xi32, #tpu.memory_space<hbm>>
      %dma_start3A_1061 = tpu.memref_squeeze %dma_start3A_1060 : memref<1x2x128xi32, #tpu.memory_space<hbm>> -> memref<2x128xi32, #tpu.memory_space<hbm>>
      tpu.enqueue_dma source(%dma_start3A_1061 : memref<2x128xi32, #tpu.memory_space<hbm>>) target(%dma_start3A_1057 : memref<2x128xi32, #tpu.memory_space<vmem>>) target_semaphore(%arg10 : memref<!tpu.dma_semaphore, #tpu.memory_space<semaphore_mem>>)
      %add3A_1062 = arith.constant 1 : i32
      %add3A_1063 = arith.addi %add3A_951, %add3A_1062 : i32
      %add3A_1064 = arith.constant 2 : i32
      %add3A_1065 = arith.addi %add3A_1063, %add3A_1064 : i32
      %min3A_1066 = arith.minsi %add3A_1065, %sub3A_5 : i32
      %dma_wait3A_1067 = arith.constant 3 : i32
      %dma_wait3A_1068 = arith.constant 0 : i32
      %dma_wait3A_1069 = arith.constant 0 : i32
      %dma_wait3A_1070 = tpu.memref_slice %arg6[%dma_wait3A_1067, %dma_wait3A_1068, %dma_wait3A_1069] : memref<4x2x128xi32, #tpu.memory_space<vmem>> -> memref<1x2x128xi32, #tpu.memory_space<vmem>>
      %dma_wait3A_1071 = tpu.memref_squeeze %dma_wait3A_1070 : memref<1x2x128xi32, #tpu.memory_space<vmem>> -> memref<2x128xi32, #tpu.memory_space<vmem>>
      %dma_wait3A_1072 = arith.constant 0 : i32
      %dma_wait3A_1073 = arith.constant 0 : i32
      %dma_wait3A_1074 = tpu.memref_slice %arg2[%min3A_1066, %dma_wait3A_1072, %dma_wait3A_1073] : memref<2560x2x128xi32, #tpu.memory_space<hbm>> -> memref<1x2x128xi32, #tpu.memory_space<hbm>>
      %dma_wait3A_1075 = tpu.memref_squeeze %dma_wait3A_1074 : memref<1x2x128xi32, #tpu.memory_space<hbm>> -> memref<2x128xi32, #tpu.memory_space<hbm>>
      %dma_wait3A_1076 = arith.constant 0 : i32
      %dma_wait3A_1077 = arith.constant 0 : i32
      %dma_wait3A_1078 = tpu.memref_slice %arg6[%dma_wait3A_1067, %dma_wait3A_1076, %dma_wait3A_1077] : memref<4x2x128xi32, #tpu.memory_space<vmem>> -> memref<1x2x128xi32, #tpu.memory_space<vmem>>
      %dma_wait3A_1079 = tpu.memref_squeeze %dma_wait3A_1078 : memref<1x2x128xi32, #tpu.memory_space<vmem>> -> memref<2x128xi32, #tpu.memory_space<vmem>>
      %dma_wait3A_1080 = arith.constant 0 : i32
      %dma_wait3A_1081 = arith.constant 0 : i32
      %dma_wait3A_1082 = tpu.memref_slice %arg2[%min3A_1066, %dma_wait3A_1080, %dma_wait3A_1081] : memref<2560x2x128xi32, #tpu.memory_space<hbm>> -> memref<1x2x128xi32, #tpu.memory_space<hbm>>
      %dma_wait3A_1083 = tpu.memref_squeeze %dma_wait3A_1082 : memref<1x2x128xi32, #tpu.memory_space<hbm>> -> memref<2x128xi32, #tpu.memory_space<hbm>>
      tpu.wait_dma2 semaphore(%arg12 : memref<!tpu.dma_semaphore, #tpu.memory_space<semaphore_mem>>) src(%dma_wait3A_1083 : memref<2x128xi32, #tpu.memory_space<hbm>>) dst(%dma_wait3A_1079 : memref<2x128xi32, #tpu.memory_space<vmem>>)
      %dma_start3A_1084 = arith.constant 3 : i32
      %dma_start3A_1085 = arith.constant 0 : i32
      %dma_start3A_1086 = arith.constant 1 : i32
      %dma_start3A_1087 = arith.constant 0 : i32
      %dma_start3A_1088 = arith.constant 0 : i32
      %dma_start3A_1089 = tpu.memref_slice %arg7[%dma_start3A_1086, %dma_start3A_1087, %dma_start3A_1088] : memref<2x128x128xf32, #tpu.memory_space<vmem>> -> memref<1x128x128xf32, #tpu.memory_space<vmem>>
      %dma_start3A_1090 = tpu.memref_squeeze %dma_start3A_1089 : memref<1x128x128xf32, #tpu.memory_space<vmem>> -> memref<128x128xf32, #tpu.memory_space<vmem>>
      %dma_start3A_1091 = arith.constant 0 : i32
      %dma_start3A_1092 = tpu.memref_slice %arg6[%dma_start3A_1084, %dma_start3A_1085, %dma_start3A_1091] : memref<4x2x128xi32, #tpu.memory_space<vmem>> -> memref<1x1x128xi32, #tpu.memory_space<vmem>>
      %dma_start3A_1093 = tpu.memref_squeeze %dma_start3A_1092 : memref<1x1x128xi32, #tpu.memory_space<vmem>> -> memref<128xi32, #tpu.memory_space<vmem>>
      %dma_start3A_1094 = arith.constant 0 : i32
      %dma_start3A_1095 = arith.constant 0 : i32
      %dma_start3A_1096 = tpu.memref_slice %arg3[%dma_start3A_1094, %dma_start3A_1095] : memref<10240x128xf32, #tpu.memory_space<hbm>> -> memref<10240x128xf32, #tpu.memory_space<hbm>>
      tpu.enqueue_indirect_dma source(%dma_start3A_1096 : memref<10240x128xf32, #tpu.memory_space<hbm>>) target(%dma_start3A_1090 : memref<128x128xf32, #tpu.memory_space<vmem>>) offsets(%dma_start3A_1093 : memref<128xi32, #tpu.memory_space<vmem>>) semaphore(%arg14 : memref<!tpu.dma_semaphore, #tpu.memory_space<semaphore_mem>>)
      %dma_wait3A_1097 = arith.constant 2 : i32
      %dma_wait3A_1098 = arith.constant 0 : i32
      %dma_wait3A_1099 = arith.constant 0 : i32
      %dma_wait3A_1100 = arith.constant 0 : i32
      %dma_wait3A_1101 = arith.constant 0 : i32
      %dma_wait3A_1102 = tpu.memref_slice %arg7[%dma_wait3A_1099, %dma_wait3A_1100, %dma_wait3A_1101] : memref<2x128x128xf32, #tpu.memory_space<vmem>> -> memref<1x128x128xf32, #tpu.memory_space<vmem>>
      %dma_wait3A_1103 = tpu.memref_squeeze %dma_wait3A_1102 : memref<1x128x128xf32, #tpu.memory_space<vmem>> -> memref<128x128xf32, #tpu.memory_space<vmem>>
      %dma_wait3A_1104 = arith.constant 0 : i32
      %dma_wait3A_1105 = tpu.memref_slice %arg6[%dma_wait3A_1097, %dma_wait3A_1098, %dma_wait3A_1104] : memref<4x2x128xi32, #tpu.memory_space<vmem>> -> memref<1x1x128xi32, #tpu.memory_space<vmem>>
      %dma_wait3A_1106 = tpu.memref_squeeze %dma_wait3A_1105 : memref<1x1x128xi32, #tpu.memory_space<vmem>> -> memref<128xi32, #tpu.memory_space<vmem>>
      %dma_wait3A_1107 = arith.constant 0 : i32
      %dma_wait3A_1108 = arith.constant 0 : i32
      %dma_wait3A_1109 = tpu.memref_slice %arg3[%dma_wait3A_1107, %dma_wait3A_1108] : memref<10240x128xf32, #tpu.memory_space<hbm>> -> memref<10240x128xf32, #tpu.memory_space<hbm>>
      tpu.wait_indirect_dma semaphore(%arg13 : memref<!tpu.dma_semaphore, #tpu.memory_space<semaphore_mem>>) src(%dma_wait3A_1109 : memref<10240x128xf32, #tpu.memory_space<hbm>>) dst(%dma_wait3A_1103 : memref<128x128xf32, #tpu.memory_space<vmem>>)
      %run_scoped3A_1110 = arith.constant 0 : i32
      %run_scoped3A_1111 = arith.constant 2 : i32
      %run_scoped3A_1112 = arith.constant 1 : i32
      "tpu.region"() ({
        %run_scoped3A_1243 = tpu.sem_alloc : memref<!tpu.dma_semaphore, #tpu.memory_space<semaphore_mem>>
        %dma_start3A_1244 = arith.constant 0 : i32
        %dma_start3A_1245 = arith.constant 0 : i32
        %dma_start3A_1246 = tpu.memref_slice %arg7[%run_scoped3A_1110, %dma_start3A_1244, %dma_start3A_1245] : memref<2x128x128xf32, #tpu.memory_space<vmem>> -> memref<1x128x128xf32, #tpu.memory_space<vmem>>
        %dma_start3A_1247 = tpu.memref_squeeze %dma_start3A_1246 : memref<1x128x128xf32, #tpu.memory_space<vmem>> -> memref<128x128xf32, #tpu.memory_space<vmem>>
        %dma_start3A_1248 = arith.constant 0 : i32
        %dma_start3A_1249 = tpu.memref_slice %arg6[%run_scoped3A_1111, %run_scoped3A_1112, %dma_start3A_1248] : memref<4x2x128xi32, #tpu.memory_space<vmem>> -> memref<1x1x128xi32, #tpu.memory_space<vmem>>
        %dma_start3A_1250 = tpu.memref_squeeze %dma_start3A_1249 : memref<1x1x128xi32, #tpu.memory_space<vmem>> -> memref<128xi32, #tpu.memory_space<vmem>>
        %dma_start3A_1251 = arith.constant 0 : i32
        %dma_start3A_1252 = arith.constant 0 : i32
        %dma_start3A_1253 = tpu.memref_slice %arg5[%dma_start3A_1251, %dma_start3A_1252] : memref<10240x128xf32, #tpu.memory_space<vmem_shared>> -> memref<10240x128xf32, #tpu.memory_space<vmem_shared>>
        tpu.enqueue_indirect_dma source(%dma_start3A_1247 : memref<128x128xf32, #tpu.memory_space<vmem>>) target(%dma_start3A_1253 : memref<10240x128xf32, #tpu.memory_space<vmem_shared>>) offsets(%dma_start3A_1250 : memref<128xi32, #tpu.memory_space<vmem>>) semaphore(%run_scoped3A_1243 : memref<!tpu.dma_semaphore, #tpu.memory_space<semaphore_mem>>) {add = true}
        %dma_wait3A_1254 = arith.constant 0 : i32
        %dma_wait3A_1255 = arith.constant 0 : i32
        %dma_wait3A_1256 = tpu.memref_slice %arg7[%run_scoped3A_1110, %dma_wait3A_1254, %dma_wait3A_1255] : memref<2x128x128xf32, #tpu.memory_space<vmem>> -> memref<1x128x128xf32, #tpu.memory_space<vmem>>
        %dma_wait3A_1257 = tpu.memref_squeeze %dma_wait3A_1256 : memref<1x128x128xf32, #tpu.memory_space<vmem>> -> memref<128x128xf32, #tpu.memory_space<vmem>>
        %dma_wait3A_1258 = arith.constant 0 : i32
        %dma_wait3A_1259 = tpu.memref_slice %arg6[%run_scoped3A_1111, %run_scoped3A_1112, %dma_wait3A_1258] : memref<4x2x128xi32, #tpu.memory_space<vmem>> -> memref<1x1x128xi32, #tpu.memory_space<vmem>>
        %dma_wait3A_1260 = tpu.memref_squeeze %dma_wait3A_1259 : memref<1x1x128xi32, #tpu.memory_space<vmem>> -> memref<128xi32, #tpu.memory_space<vmem>>
        %dma_wait3A_1261 = arith.constant 0 : i32
        %dma_wait3A_1262 = arith.constant 0 : i32
        %dma_wait3A_1263 = tpu.memref_slice %arg5[%dma_wait3A_1261, %dma_wait3A_1262] : memref<10240x128xf32, #tpu.memory_space<vmem_shared>> -> memref<10240x128xf32, #tpu.memory_space<vmem_shared>>
        tpu.wait_indirect_dma semaphore(%run_scoped3A_1243 : memref<!tpu.dma_semaphore, #tpu.memory_space<semaphore_mem>>) src(%dma_wait3A_1257 : memref<128x128xf32, #tpu.memory_space<vmem>>) dst(%dma_wait3A_1263 : memref<10240x128xf32, #tpu.memory_space<vmem_shared>>)
        tpu.yield
      }) : () -> ()
      %add3A_1113 = arith.constant 2 : i32
      %add3A_1114 = arith.addi %add3A_951, %add3A_1113 : i32
      %add3A_1115 = arith.constant 4 : i32
      %add3A_1116 = arith.addi %add3A_1114, %add3A_1115 : i32
      %min3A_1117 = arith.minsi %add3A_1116, %sub3A_5 : i32
      %dma_start3A_1118 = arith.constant 2 : i32
      %dma_start3A_1119 = arith.constant 0 : i32
      %dma_start3A_1120 = arith.constant 0 : i32
      %dma_start3A_1121 = tpu.memref_slice %arg6[%dma_start3A_1118, %dma_start3A_1119, %dma_start3A_1120] : memref<4x2x128xi32, #tpu.memory_space<vmem>> -> memref<1x2x128xi32, #tpu.memory_space<vmem>>
      %dma_start3A_1122 = tpu.memref_squeeze %dma_start3A_1121 : memref<1x2x128xi32, #tpu.memory_space<vmem>> -> memref<2x128xi32, #tpu.memory_space<vmem>>
      %dma_start3A_1123 = arith.constant 0 : i32
      %dma_start3A_1124 = arith.constant 0 : i32
      %dma_start3A_1125 = tpu.memref_slice %arg2[%min3A_1117, %dma_start3A_1123, %dma_start3A_1124] : memref<2560x2x128xi32, #tpu.memory_space<hbm>> -> memref<1x2x128xi32, #tpu.memory_space<hbm>>
      %dma_start3A_1126 = tpu.memref_squeeze %dma_start3A_1125 : memref<1x2x128xi32, #tpu.memory_space<hbm>> -> memref<2x128xi32, #tpu.memory_space<hbm>>
      %dma_start3A_1127 = arith.constant 0 : i32
      %dma_start3A_1128 = arith.constant 0 : i32
      %dma_start3A_1129 = tpu.memref_slice %arg6[%dma_start3A_1118, %dma_start3A_1127, %dma_start3A_1128] : memref<4x2x128xi32, #tpu.memory_space<vmem>> -> memref<1x2x128xi32, #tpu.memory_space<vmem>>
      %dma_start3A_1130 = tpu.memref_squeeze %dma_start3A_1129 : memref<1x2x128xi32, #tpu.memory_space<vmem>> -> memref<2x128xi32, #tpu.memory_space<vmem>>
      %dma_start3A_1131 = arith.constant 0 : i32
      %dma_start3A_1132 = arith.constant 0 : i32
      %dma_start3A_1133 = tpu.memref_slice %arg2[%min3A_1117, %dma_start3A_1131, %dma_start3A_1132] : memref<2560x2x128xi32, #tpu.memory_space<hbm>> -> memref<1x2x128xi32, #tpu.memory_space<hbm>>
      %dma_start3A_1134 = tpu.memref_squeeze %dma_start3A_1133 : memref<1x2x128xi32, #tpu.memory_space<hbm>> -> memref<2x128xi32, #tpu.memory_space<hbm>>
      tpu.enqueue_dma source(%dma_start3A_1134 : memref<2x128xi32, #tpu.memory_space<hbm>>) target(%dma_start3A_1130 : memref<2x128xi32, #tpu.memory_space<vmem>>) target_semaphore(%arg11 : memref<!tpu.dma_semaphore, #tpu.memory_space<semaphore_mem>>)
      %add3A_1135 = arith.constant 2 : i32
      %add3A_1136 = arith.addi %add3A_951, %add3A_1135 : i32
      %add3A_1137 = arith.constant 2 : i32
      %add3A_1138 = arith.addi %add3A_1136, %add3A_1137 : i32
      %min3A_1139 = arith.minsi %add3A_1138, %sub3A_5 : i32
      %dma_wait3A_1140 = arith.constant 0 : i32
      %dma_wait3A_1141 = arith.constant 0 : i32
      %dma_wait3A_1142 = arith.constant 0 : i32
      %dma_wait3A_1143 = tpu.memref_slice %arg6[%dma_wait3A_1140, %dma_wait3A_1141, %dma_wait3A_1142] : memref<4x2x128xi32, #tpu.memory_space<vmem>> -> memref<1x2x128xi32, #tpu.memory_space<vmem>>
      %dma_wait3A_1144 = tpu.memref_squeeze %dma_wait3A_1143 : memref<1x2x128xi32, #tpu.memory_space<vmem>> -> memref<2x128xi32, #tpu.memory_space<vmem>>
      %dma_wait3A_1145 = arith.constant 0 : i32
      %dma_wait3A_1146 = arith.constant 0 : i32
      %dma_wait3A_1147 = tpu.memref_slice %arg2[%min3A_1139, %dma_wait3A_1145, %dma_wait3A_1146] : memref<2560x2x128xi32, #tpu.memory_space<hbm>> -> memref<1x2x128xi32, #tpu.memory_space<hbm>>
      %dma_wait3A_1148 = tpu.memref_squeeze %dma_wait3A_1147 : memref<1x2x128xi32, #tpu.memory_space<hbm>> -> memref<2x128xi32, #tpu.memory_space<hbm>>
      %dma_wait3A_1149 = arith.constant 0 : i32
      %dma_wait3A_1150 = arith.constant 0 : i32
      %dma_wait3A_1151 = tpu.memref_slice %arg6[%dma_wait3A_1140, %dma_wait3A_1149, %dma_wait3A_1150] : memref<4x2x128xi32, #tpu.memory_space<vmem>> -> memref<1x2x128xi32, #tpu.memory_space<vmem>>
      %dma_wait3A_1152 = tpu.memref_squeeze %dma_wait3A_1151 : memref<1x2x128xi32, #tpu.memory_space<vmem>> -> memref<2x128xi32, #tpu.memory_space<vmem>>
      %dma_wait3A_1153 = arith.constant 0 : i32
      %dma_wait3A_1154 = arith.constant 0 : i32
      %dma_wait3A_1155 = tpu.memref_slice %arg2[%min3A_1139, %dma_wait3A_1153, %dma_wait3A_1154] : memref<2560x2x128xi32, #tpu.memory_space<hbm>> -> memref<1x2x128xi32, #tpu.memory_space<hbm>>
      %dma_wait3A_1156 = tpu.memref_squeeze %dma_wait3A_1155 : memref<1x2x128xi32, #tpu.memory_space<hbm>> -> memref<2x128xi32, #tpu.memory_space<hbm>>
      tpu.wait_dma2 semaphore(%arg9 : memref<!tpu.dma_semaphore, #tpu.memory_space<semaphore_mem>>) src(%dma_wait3A_1156 : memref<2x128xi32, #tpu.memory_space<hbm>>) dst(%dma_wait3A_1152 : memref<2x128xi32, #tpu.memory_space<vmem>>)
      %dma_start3A_1157 = arith.constant 0 : i32
      %dma_start3A_1158 = arith.constant 0 : i32
      %dma_start3A_1159 = arith.constant 0 : i32
      %dma_start3A_1160 = arith.constant 0 : i32
      %dma_start3A_1161 = arith.constant 0 : i32
      %dma_start3A_1162 = tpu.memref_slice %arg7[%dma_start3A_1159, %dma_start3A_1160, %dma_start3A_1161] : memref<2x128x128xf32, #tpu.memory_space<vmem>> -> memref<1x128x128xf32, #tpu.memory_space<vmem>>
      %dma_start3A_1163 = tpu.memref_squeeze %dma_start3A_1162 : memref<1x128x128xf32, #tpu.memory_space<vmem>> -> memref<128x128xf32, #tpu.memory_space<vmem>>
      %dma_start3A_1164 = arith.constant 0 : i32
      %dma_start3A_1165 = tpu.memref_slice %arg6[%dma_start3A_1157, %dma_start3A_1158, %dma_start3A_1164] : memref<4x2x128xi32, #tpu.memory_space<vmem>> -> memref<1x1x128xi32, #tpu.memory_space<vmem>>
      %dma_start3A_1166 = tpu.memref_squeeze %dma_start3A_1165 : memref<1x1x128xi32, #tpu.memory_space<vmem>> -> memref<128xi32, #tpu.memory_space<vmem>>
      %dma_start3A_1167 = arith.constant 0 : i32
      %dma_start3A_1168 = arith.constant 0 : i32
      %dma_start3A_1169 = tpu.memref_slice %arg3[%dma_start3A_1167, %dma_start3A_1168] : memref<10240x128xf32, #tpu.memory_space<hbm>> -> memref<10240x128xf32, #tpu.memory_space<hbm>>
      tpu.enqueue_indirect_dma source(%dma_start3A_1169 : memref<10240x128xf32, #tpu.memory_space<hbm>>) target(%dma_start3A_1163 : memref<128x128xf32, #tpu.memory_space<vmem>>) offsets(%dma_start3A_1166 : memref<128xi32, #tpu.memory_space<vmem>>) semaphore(%arg13 : memref<!tpu.dma_semaphore, #tpu.memory_space<semaphore_mem>>)
      %dma_wait3A_1170 = arith.constant 3 : i32
      %dma_wait3A_1171 = arith.constant 0 : i32
      %dma_wait3A_1172 = arith.constant 1 : i32
      %dma_wait3A_1173 = arith.constant 0 : i32
      %dma_wait3A_1174 = arith.constant 0 : i32
      %dma_wait3A_1175 = tpu.memref_slice %arg7[%dma_wait3A_1172, %dma_wait3A_1173, %dma_wait3A_1174] : memref<2x128x128xf32, #tpu.memory_space<vmem>> -> memref<1x128x128xf32, #tpu.memory_space<vmem>>
      %dma_wait3A_1176 = tpu.memref_squeeze %dma_wait3A_1175 : memref<1x128x128xf32, #tpu.memory_space<vmem>> -> memref<128x128xf32, #tpu.memory_space<vmem>>
      %dma_wait3A_1177 = arith.constant 0 : i32
      %dma_wait3A_1178 = tpu.memref_slice %arg6[%dma_wait3A_1170, %dma_wait3A_1171, %dma_wait3A_1177] : memref<4x2x128xi32, #tpu.memory_space<vmem>> -> memref<1x1x128xi32, #tpu.memory_space<vmem>>
      %dma_wait3A_1179 = tpu.memref_squeeze %dma_wait3A_1178 : memref<1x1x128xi32, #tpu.memory_space<vmem>> -> memref<128xi32, #tpu.memory_space<vmem>>
      %dma_wait3A_1180 = arith.constant 0 : i32
      %dma_wait3A_1181 = arith.constant 0 : i32
      %dma_wait3A_1182 = tpu.memref_slice %arg3[%dma_wait3A_1180, %dma_wait3A_1181] : memref<10240x128xf32, #tpu.memory_space<hbm>> -> memref<10240x128xf32, #tpu.memory_space<hbm>>
      tpu.wait_indirect_dma semaphore(%arg14 : memref<!tpu.dma_semaphore, #tpu.memory_space<semaphore_mem>>) src(%dma_wait3A_1182 : memref<10240x128xf32, #tpu.memory_space<hbm>>) dst(%dma_wait3A_1176 : memref<128x128xf32, #tpu.memory_space<vmem>>)
      %run_scoped3A_1183 = arith.constant 1 : i32
      %run_scoped3A_1184 = arith.constant 3 : i32
      %run_scoped3A_1185 = arith.constant 1 : i32
      "tpu.region"() ({
        %run_scoped3A_1243 = tpu.sem_alloc : memref<!tpu.dma_semaphore, #tpu.memory_space<semaphore_mem>>
        %dma_start3A_1244 = arith.constant 0 : i32
        %dma_start3A_1245 = arith.constant 0 : i32
        %dma_start3A_1246 = tpu.memref_slice %arg7[%run_scoped3A_1183, %dma_start3A_1244, %dma_start3A_1245] : memref<2x128x128xf32, #tpu.memory_space<vmem>> -> memref<1x128x128xf32, #tpu.memory_space<vmem>>
        %dma_start3A_1247 = tpu.memref_squeeze %dma_start3A_1246 : memref<1x128x128xf32, #tpu.memory_space<vmem>> -> memref<128x128xf32, #tpu.memory_space<vmem>>
        %dma_start3A_1248 = arith.constant 0 : i32
        %dma_start3A_1249 = tpu.memref_slice %arg6[%run_scoped3A_1184, %run_scoped3A_1185, %dma_start3A_1248] : memref<4x2x128xi32, #tpu.memory_space<vmem>> -> memref<1x1x128xi32, #tpu.memory_space<vmem>>
        %dma_start3A_1250 = tpu.memref_squeeze %dma_start3A_1249 : memref<1x1x128xi32, #tpu.memory_space<vmem>> -> memref<128xi32, #tpu.memory_space<vmem>>
        %dma_start3A_1251 = arith.constant 0 : i32
        %dma_start3A_1252 = arith.constant 0 : i32
        %dma_start3A_1253 = tpu.memref_slice %arg5[%dma_start3A_1251, %dma_start3A_1252] : memref<10240x128xf32, #tpu.memory_space<vmem_shared>> -> memref<10240x128xf32, #tpu.memory_space<vmem_shared>>
        tpu.enqueue_indirect_dma source(%dma_start3A_1247 : memref<128x128xf32, #tpu.memory_space<vmem>>) target(%dma_start3A_1253 : memref<10240x128xf32, #tpu.memory_space<vmem_shared>>) offsets(%dma_start3A_1250 : memref<128xi32, #tpu.memory_space<vmem>>) semaphore(%run_scoped3A_1243 : memref<!tpu.dma_semaphore, #tpu.memory_space<semaphore_mem>>) {add = true}
        %dma_wait3A_1254 = arith.constant 0 : i32
        %dma_wait3A_1255 = arith.constant 0 : i32
        %dma_wait3A_1256 = tpu.memref_slice %arg7[%run_scoped3A_1183, %dma_wait3A_1254, %dma_wait3A_1255] : memref<2x128x128xf32, #tpu.memory_space<vmem>> -> memref<1x128x128xf32, #tpu.memory_space<vmem>>
        %dma_wait3A_1257 = tpu.memref_squeeze %dma_wait3A_1256 : memref<1x128x128xf32, #tpu.memory_space<vmem>> -> memref<128x128xf32, #tpu.memory_space<vmem>>
        %dma_wait3A_1258 = arith.constant 0 : i32
        %dma_wait3A_1259 = tpu.memref_slice %arg6[%run_scoped3A_1184, %run_scoped3A_1185, %dma_wait3A_1258] : memref<4x2x128xi32, #tpu.memory_space<vmem>> -> memref<1x1x128xi32, #tpu.memory_space<vmem>>
        %dma_wait3A_1260 = tpu.memref_squeeze %dma_wait3A_1259 : memref<1x1x128xi32, #tpu.memory_space<vmem>> -> memref<128xi32, #tpu.memory_space<vmem>>
        %dma_wait3A_1261 = arith.constant 0 : i32
        %dma_wait3A_1262 = arith.constant 0 : i32
        %dma_wait3A_1263 = tpu.memref_slice %arg5[%dma_wait3A_1261, %dma_wait3A_1262] : memref<10240x128xf32, #tpu.memory_space<vmem_shared>> -> memref<10240x128xf32, #tpu.memory_space<vmem_shared>>
        tpu.wait_indirect_dma semaphore(%run_scoped3A_1243 : memref<!tpu.dma_semaphore, #tpu.memory_space<semaphore_mem>>) src(%dma_wait3A_1257 : memref<128x128xf32, #tpu.memory_space<vmem>>) dst(%dma_wait3A_1263 : memref<10240x128xf32, #tpu.memory_space<vmem_shared>>)
        tpu.yield
      }) : () -> ()
      %add3A_1186 = arith.constant 3 : i32
      %add3A_1187 = arith.addi %add3A_951, %add3A_1186 : i32
      %add3A_1188 = arith.constant 4 : i32
      %add3A_1189 = arith.addi %add3A_1187, %add3A_1188 : i32
      %min3A_1190 = arith.minsi %add3A_1189, %sub3A_5 : i32
      %dma_start3A_1191 = arith.constant 3 : i32
      %dma_start3A_1192 = arith.constant 0 : i32
      %dma_start3A_1193 = arith.constant 0 : i32
      %dma_start3A_1194 = tpu.memref_slice %arg6[%dma_start3A_1191, %dma_start3A_1192, %dma_start3A_1193] : memref<4x2x128xi32, #tpu.memory_space<vmem>> -> memref<1x2x128xi32, #tpu.memory_space<vmem>>
      %dma_start3A_1195 = tpu.memref_squeeze %dma_start3A_1194 : memref<1x2x128xi32, #tpu.memory_space<vmem>> -> memref<2x128xi32, #tpu.memory_space<vmem>>
      %dma_start3A_1196 = arith.constant 0 : i32
      %dma_start3A_1197 = arith.constant 0 : i32
      %dma_start3A_1198 = tpu.memref_slice %arg2[%min3A_1190, %dma_start3A_1196, %dma_start3A_1197] : memref<2560x2x128xi32, #tpu.memory_space<hbm>> -> memref<1x2x128xi32, #tpu.memory_space<hbm>>
      %dma_start3A_1199 = tpu.memref_squeeze %dma_start3A_1198 : memref<1x2x128xi32, #tpu.memory_space<hbm>> -> memref<2x128xi32, #tpu.memory_space<hbm>>
      %dma_start3A_1200 = arith.constant 0 : i32
      %dma_start3A_1201 = arith.constant 0 : i32
      %dma_start3A_1202 = tpu.memref_slice %arg6[%dma_start3A_1191, %dma_start3A_1200, %dma_start3A_1201] : memref<4x2x128xi32, #tpu.memory_space<vmem>> -> memref<1x2x128xi32, #tpu.memory_space<vmem>>
      %dma_start3A_1203 = tpu.memref_squeeze %dma_start3A_1202 : memref<1x2x128xi32, #tpu.memory_space<vmem>> -> memref<2x128xi32, #tpu.memory_space<vmem>>
      %dma_start3A_1204 = arith.constant 0 : i32
      %dma_start3A_1205 = arith.constant 0 : i32
      %dma_start3A_1206 = tpu.memref_slice %arg2[%min3A_1190, %dma_start3A_1204, %dma_start3A_1205] : memref<2560x2x128xi32, #tpu.memory_space<hbm>> -> memref<1x2x128xi32, #tpu.memory_space<hbm>>
      %dma_start3A_1207 = tpu.memref_squeeze %dma_start3A_1206 : memref<1x2x128xi32, #tpu.memory_space<hbm>> -> memref<2x128xi32, #tpu.memory_space<hbm>>
      tpu.enqueue_dma source(%dma_start3A_1207 : memref<2x128xi32, #tpu.memory_space<hbm>>) target(%dma_start3A_1203 : memref<2x128xi32, #tpu.memory_space<vmem>>) target_semaphore(%arg12 : memref<!tpu.dma_semaphore, #tpu.memory_space<semaphore_mem>>)
      %add3A_1208 = arith.constant 3 : i32
      %add3A_1209 = arith.addi %add3A_951, %add3A_1208 : i32
      %add3A_1210 = arith.constant 2 : i32
      %add3A_1211 = arith.addi %add3A_1209, %add3A_1210 : i32
      %min3A_1212 = arith.minsi %add3A_1211, %sub3A_5 : i32
      %dma_wait3A_1213 = arith.constant 1 : i32
      %dma_wait3A_1214 = arith.constant 0 : i32
      %dma_wait3A_1215 = arith.constant 0 : i32
      %dma_wait3A_1216 = tpu.memref_slice %arg6[%dma_wait3A_1213, %dma_wait3A_1214, %dma_wait3A_1215] : memref<4x2x128xi32, #tpu.memory_space<vmem>> -> memref<1x2x128xi32, #tpu.memory_space<vmem>>
      %dma_wait3A_1217 = tpu.memref_squeeze %dma_wait3A_1216 : memref<1x2x128xi32, #tpu.memory_space<vmem>> -> memref<2x128xi32, #tpu.memory_space<vmem>>
      %dma_wait3A_1218 = arith.constant 0 : i32
      %dma_wait3A_1219 = arith.constant 0 : i32
      %dma_wait3A_1220 = tpu.memref_slice %arg2[%min3A_1212, %dma_wait3A_1218, %dma_wait3A_1219] : memref<2560x2x128xi32, #tpu.memory_space<hbm>> -> memref<1x2x128xi32, #tpu.memory_space<hbm>>
      %dma_wait3A_1221 = tpu.memref_squeeze %dma_wait3A_1220 : memref<1x2x128xi32, #tpu.memory_space<hbm>> -> memref<2x128xi32, #tpu.memory_space<hbm>>
      %dma_wait3A_1222 = arith.constant 0 : i32
      %dma_wait3A_1223 = arith.constant 0 : i32
      %dma_wait3A_1224 = tpu.memref_slice %arg6[%dma_wait3A_1213, %dma_wait3A_1222, %dma_wait3A_1223] : memref<4x2x128xi32, #tpu.memory_space<vmem>> -> memref<1x2x128xi32, #tpu.memory_space<vmem>>
      %dma_wait3A_1225 = tpu.memref_squeeze %dma_wait3A_1224 : memref<1x2x128xi32, #tpu.memory_space<vmem>> -> memref<2x128xi32, #tpu.memory_space<vmem>>
      %dma_wait3A_1226 = arith.constant 0 : i32
      %dma_wait3A_1227 = arith.constant 0 : i32
      %dma_wait3A_1228 = tpu.memref_slice %arg2[%min3A_1212, %dma_wait3A_1226, %dma_wait3A_1227] : memref<2560x2x128xi32, #tpu.memory_space<hbm>> -> memref<1x2x128xi32, #tpu.memory_space<hbm>>
      %dma_wait3A_1229 = tpu.memref_squeeze %dma_wait3A_1228 : memref<1x2x128xi32, #tpu.memory_space<hbm>> -> memref<2x128xi32, #tpu.memory_space<hbm>>
      tpu.wait_dma2 semaphore(%arg10 : memref<!tpu.dma_semaphore, #tpu.memory_space<semaphore_mem>>) src(%dma_wait3A_1229 : memref<2x128xi32, #tpu.memory_space<hbm>>) dst(%dma_wait3A_1225 : memref<2x128xi32, #tpu.memory_space<vmem>>)
      %dma_start3A_1230 = arith.constant 1 : i32
      %dma_start3A_1231 = arith.constant 0 : i32
      %dma_start3A_1232 = arith.constant 1 : i32
      %dma_start3A_1233 = arith.constant 0 : i32
      %dma_start3A_1234 = arith.constant 0 : i32
      %dma_start3A_1235 = tpu.memref_slice %arg7[%dma_start3A_1232, %dma_start3A_1233, %dma_start3A_1234] : memref<2x128x128xf32, #tpu.memory_space<vmem>> -> memref<1x128x128xf32, #tpu.memory_space<vmem>>
      %dma_start3A_1236 = tpu.memref_squeeze %dma_start3A_1235 : memref<1x128x128xf32, #tpu.memory_space<vmem>> -> memref<128x128xf32, #tpu.memory_space<vmem>>
      %dma_start3A_1237 = arith.constant 0 : i32
      %dma_start3A_1238 = tpu.memref_slice %arg6[%dma_start3A_1230, %dma_start3A_1231, %dma_start3A_1237] : memref<4x2x128xi32, #tpu.memory_space<vmem>> -> memref<1x1x128xi32, #tpu.memory_space<vmem>>
      %dma_start3A_1239 = tpu.memref_squeeze %dma_start3A_1238 : memref<1x1x128xi32, #tpu.memory_space<vmem>> -> memref<128xi32, #tpu.memory_space<vmem>>
      %dma_start3A_1240 = arith.constant 0 : i32
      %dma_start3A_1241 = arith.constant 0 : i32
      %dma_start3A_1242 = tpu.memref_slice %arg3[%dma_start3A_1240, %dma_start3A_1241] : memref<10240x128xf32, #tpu.memory_space<hbm>> -> memref<10240x128xf32, #tpu.memory_space<hbm>>
      tpu.enqueue_indirect_dma source(%dma_start3A_1242 : memref<10240x128xf32, #tpu.memory_space<hbm>>) target(%dma_start3A_1236 : memref<128x128xf32, #tpu.memory_space<vmem>>) offsets(%dma_start3A_1239 : memref<128xi32, #tpu.memory_space<vmem>>) semaphore(%arg14 : memref<!tpu.dma_semaphore, #tpu.memory_space<semaphore_mem>>)
    }
    %scan3A_882 = arith.constant 20 : i32
    %dma_wait3A_883 = arith.constant 0 : i32
    %dma_wait3A_884 = arith.constant 0 : i32
    %dma_wait3A_885 = arith.constant 0 : i32
    %dma_wait3A_886 = arith.constant 0 : i32
    %dma_wait3A_887 = arith.constant 0 : i32
    %dma_wait3A_888 = tpu.memref_slice %arg7[%dma_wait3A_885, %dma_wait3A_886, %dma_wait3A_887] : memref<2x128x128xf32, #tpu.memory_space<vmem>> -> memref<1x128x128xf32, #tpu.memory_space<vmem>>
    %dma_wait3A_889 = tpu.memref_squeeze %dma_wait3A_888 : memref<1x128x128xf32, #tpu.memory_space<vmem>> -> memref<128x128xf32, #tpu.memory_space<vmem>>
    %dma_wait3A_890 = arith.constant 0 : i32
    %dma_wait3A_891 = tpu.memref_slice %arg6[%dma_wait3A_883, %dma_wait3A_884, %dma_wait3A_890] : memref<4x2x128xi32, #tpu.memory_space<vmem>> -> memref<1x1x128xi32, #tpu.memory_space<vmem>>
    %dma_wait3A_892 = tpu.memref_squeeze %dma_wait3A_891 : memref<1x1x128xi32, #tpu.memory_space<vmem>> -> memref<128xi32, #tpu.memory_space<vmem>>
    %dma_wait3A_893 = arith.constant 0 : i32
    %dma_wait3A_894 = arith.constant 0 : i32
    %dma_wait3A_895 = tpu.memref_slice %arg3[%dma_wait3A_893, %dma_wait3A_894] : memref<10240x128xf32, #tpu.memory_space<hbm>> -> memref<10240x128xf32, #tpu.memory_space<hbm>>
    tpu.wait_indirect_dma semaphore(%arg13 : memref<!tpu.dma_semaphore, #tpu.memory_space<semaphore_mem>>) src(%dma_wait3A_895 : memref<10240x128xf32, #tpu.memory_space<hbm>>) dst(%dma_wait3A_889 : memref<128x128xf32, #tpu.memory_space<vmem>>)
    %dma_wait3A_896 = arith.constant 1 : i32
    %dma_wait3A_897 = arith.constant 0 : i32
    %dma_wait3A_898 = arith.constant 1 : i32
    %dma_wait3A_899 = arith.constant 0 : i32
    %dma_wait3A_900 = arith.constant 0 : i32
    %dma_wait3A_901 = tpu.memref_slice %arg7[%dma_wait3A_898, %dma_wait3A_899, %dma_wait3A_900] : memref<2x128x128xf32, #tpu.memory_space<vmem>> -> memref<1x128x128xf32, #tpu.memory_space<vmem>>
    %dma_wait3A_902 = tpu.memref_squeeze %dma_wait3A_901 : memref<1x128x128xf32, #tpu.memory_space<vmem>> -> memref<128x128xf32, #tpu.memory_space<vmem>>
    %dma_wait3A_903 = arith.constant 0 : i32
    %dma_wait3A_904 = tpu.memref_slice %arg6[%dma_wait3A_896, %dma_wait3A_897, %dma_wait3A_903] : memref<4x2x128xi32, #tpu.memory_space<vmem>> -> memref<1x1x128xi32, #tpu.memory_space<vmem>>
    %dma_wait3A_905 = tpu.memref_squeeze %dma_wait3A_904 : memref<1x1x128xi32, #tpu.memory_space<vmem>> -> memref<128xi32, #tpu.memory_space<vmem>>
    %dma_wait3A_906 = arith.constant 0 : i32
    %dma_wait3A_907 = arith.constant 0 : i32
    %dma_wait3A_908 = tpu.memref_slice %arg3[%dma_wait3A_906, %dma_wait3A_907] : memref<10240x128xf32, #tpu.memory_space<hbm>> -> memref<10240x128xf32, #tpu.memory_space<hbm>>
    tpu.wait_indirect_dma semaphore(%arg14 : memref<!tpu.dma_semaphore, #tpu.memory_space<semaphore_mem>>) src(%dma_wait3A_908 : memref<10240x128xf32, #tpu.memory_space<hbm>>) dst(%dma_wait3A_902 : memref<128x128xf32, #tpu.memory_space<vmem>>)
    %dma_wait3A_909 = arith.constant 2 : i32
    %dma_wait3A_910 = arith.constant 0 : i32
    %dma_wait3A_911 = arith.constant 0 : i32
    %dma_wait3A_912 = tpu.memref_slice %arg6[%dma_wait3A_909, %dma_wait3A_910, %dma_wait3A_911] : memref<4x2x128xi32, #tpu.memory_space<vmem>> -> memref<1x2x128xi32, #tpu.memory_space<vmem>>
    %dma_wait3A_913 = tpu.memref_squeeze %dma_wait3A_912 : memref<1x2x128xi32, #tpu.memory_space<vmem>> -> memref<2x128xi32, #tpu.memory_space<vmem>>
    %dma_wait3A_914 = arith.constant 0 : i32
    %dma_wait3A_915 = arith.constant 0 : i32
    %dma_wait3A_916 = tpu.memref_slice %arg2[%sub3A_5, %dma_wait3A_914, %dma_wait3A_915] : memref<2560x2x128xi32, #tpu.memory_space<hbm>> -> memref<1x2x128xi32, #tpu.memory_space<hbm>>
    %dma_wait3A_917 = tpu.memref_squeeze %dma_wait3A_916 : memref<1x2x128xi32, #tpu.memory_space<hbm>> -> memref<2x128xi32, #tpu.memory_space<hbm>>
    %dma_wait3A_918 = arith.constant 0 : i32
    %dma_wait3A_919 = arith.constant 0 : i32
    %dma_wait3A_920 = tpu.memref_slice %arg6[%dma_wait3A_909, %dma_wait3A_918, %dma_wait3A_919] : memref<4x2x128xi32, #tpu.memory_space<vmem>> -> memref<1x2x128xi32, #tpu.memory_space<vmem>>
    %dma_wait3A_921 = tpu.memref_squeeze %dma_wait3A_920 : memref<1x2x128xi32, #tpu.memory_space<vmem>> -> memref<2x128xi32, #tpu.memory_space<vmem>>
    %dma_wait3A_922 = arith.constant 0 : i32
    %dma_wait3A_923 = arith.constant 0 : i32
    %dma_wait3A_924 = tpu.memref_slice %arg2[%sub3A_5, %dma_wait3A_922, %dma_wait3A_923] : memref<2560x2x128xi32, #tpu.memory_space<hbm>> -> memref<1x2x128xi32, #tpu.memory_space<hbm>>
    %dma_wait3A_925 = tpu.memref_squeeze %dma_wait3A_924 : memref<1x2x128xi32, #tpu.memory_space<hbm>> -> memref<2x128xi32, #tpu.memory_space<hbm>>
    tpu.wait_dma2 semaphore(%arg11 : memref<!tpu.dma_semaphore, #tpu.memory_space<semaphore_mem>>) src(%dma_wait3A_925 : memref<2x128xi32, #tpu.memory_space<hbm>>) dst(%dma_wait3A_921 : memref<2x128xi32, #tpu.memory_space<vmem>>)
    %dma_wait3A_926 = arith.constant 3 : i32
    %dma_wait3A_927 = arith.constant 0 : i32
    %dma_wait3A_928 = arith.constant 0 : i32
    %dma_wait3A_929 = tpu.memref_slice %arg6[%dma_wait3A_926, %dma_wait3A_927, %dma_wait3A_928] : memref<4x2x128xi32, #tpu.memory_space<vmem>> -> memref<1x2x128xi32, #tpu.memory_space<vmem>>
    %dma_wait3A_930 = tpu.memref_squeeze %dma_wait3A_929 : memref<1x2x128xi32, #tpu.memory_space<vmem>> -> memref<2x128xi32, #tpu.memory_space<vmem>>
    %dma_wait3A_931 = arith.constant 0 : i32
    %dma_wait3A_932 = arith.constant 0 : i32
    %dma_wait3A_933 = tpu.memref_slice %arg2[%sub3A_5, %dma_wait3A_931, %dma_wait3A_932] : memref<2560x2x128xi32, #tpu.memory_space<hbm>> -> memref<1x2x128xi32, #tpu.memory_space<hbm>>
    %dma_wait3A_934 = tpu.memref_squeeze %dma_wait3A_933 : memref<1x2x128xi32, #tpu.memory_space<hbm>> -> memref<2x128xi32, #tpu.memory_space<hbm>>
    %dma_wait3A_935 = arith.constant 0 : i32
    %dma_wait3A_936 = arith.constant 0 : i32
    %dma_wait3A_937 = tpu.memref_slice %arg6[%dma_wait3A_926, %dma_wait3A_935, %dma_wait3A_936] : memref<4x2x128xi32, #tpu.memory_space<vmem>> -> memref<1x2x128xi32, #tpu.memory_space<vmem>>
    %dma_wait3A_938 = tpu.memref_squeeze %dma_wait3A_937 : memref<1x2x128xi32, #tpu.memory_space<vmem>> -> memref<2x128xi32, #tpu.memory_space<vmem>>
    %dma_wait3A_939 = arith.constant 0 : i32
    %dma_wait3A_940 = arith.constant 0 : i32
    %dma_wait3A_941 = tpu.memref_slice %arg2[%sub3A_5, %dma_wait3A_939, %dma_wait3A_940] : memref<2560x2x128xi32, #tpu.memory_space<hbm>> -> memref<1x2x128xi32, #tpu.memory_space<hbm>>
    %dma_wait3A_942 = tpu.memref_squeeze %dma_wait3A_941 : memref<1x2x128xi32, #tpu.memory_space<hbm>> -> memref<2x128xi32, #tpu.memory_space<hbm>>
    tpu.wait_dma2 semaphore(%arg12 : memref<!tpu.dma_semaphore, #tpu.memory_space<semaphore_mem>>) src(%dma_wait3A_942 : memref<2x128xi32, #tpu.memory_space<hbm>>) dst(%dma_wait3A_938 : memref<2x128xi32, #tpu.memory_space<vmem>>)
    %barrier3A_943 = arith.constant 0 : index
    tpu.barrier barrier_id(%barrier3A_943)
    %mul3A_944 = arith.constant 640 : i32
    %mul3A_945 = arith.muli %arg1, %mul3A_944 : i32
    %mul3A_946 = arith.constant 640 : i32
    %mul3A_947 = arith.muli %arg1, %mul3A_946 : i32
    "tpu.region"() ({
      %run_scoped3A_948 = tpu.sem_alloc : memref<!tpu.dma_semaphore, #tpu.memory_space<semaphore_mem>>
      %dma_start3A_949 = arith.constant 0 : i32
      %dma_start3A_950 = tpu.memref_slice %arg4[%arg0, %mul3A_947, %dma_start3A_949] : memref<2x10240x128xf32, #tpu.memory_space<hbm>> -> memref<1x640x128xf32, #tpu.memory_space<hbm>>
      %dma_start3A_951 = tpu.memref_squeeze %dma_start3A_950 : memref<1x640x128xf32, #tpu.memory_space<hbm>> -> memref<640x128xf32, #tpu.memory_space<hbm>>
      %dma_start3A_952 = arith.constant 0 : i32
      %dma_start3A_953 = tpu.memref_slice %arg5[%mul3A_945, %dma_start3A_952] : memref<10240x128xf32, #tpu.memory_space<vmem_shared>> -> memref<640x128xf32, #tpu.memory_space<vmem_shared>>
      tpu.enqueue_dma source(%dma_start3A_953 : memref<640x128xf32, #tpu.memory_space<vmem_shared>>) target(%dma_start3A_951 : memref<640x128xf32, #tpu.memory_space<hbm>>) target_semaphore(%run_scoped3A_948 : memref<!tpu.dma_semaphore, #tpu.memory_space<semaphore_mem>>)
      %dma_wait3A_954 = arith.constant 0 : i32
      %dma_wait3A_955 = tpu.memref_slice %arg4[%arg0, %mul3A_947, %dma_wait3A_954] : memref<2x10240x128xf32, #tpu.memory_space<hbm>> -> memref<1x640x128xf32, #tpu.memory_space<hbm>>
      %dma_wait3A_956 = tpu.memref_squeeze %dma_wait3A_955 : memref<1x640x128xf32, #tpu.memory_space<hbm>> -> memref<640x128xf32, #tpu.memory_space<hbm>>
      %dma_wait3A_957 = arith.constant 0 : i32
      %dma_wait3A_958 = tpu.memref_slice %arg5[%mul3A_945, %dma_wait3A_957] : memref<10240x128xf32, #tpu.memory_space<vmem_shared>> -> memref<640x128xf32, #tpu.memory_space<vmem_shared>>
      tpu.wait_dma2 semaphore(%run_scoped3A_948 : memref<!tpu.dma_semaphore, #tpu.memory_space<semaphore_mem>>) src(%dma_wait3A_958 : memref<640x128xf32, #tpu.memory_space<vmem_shared>>) dst(%dma_wait3A_956 : memref<640x128xf32, #tpu.memory_space<hbm>>)
      tpu.yield
    }) : () -> ()
    return
  }
}

#map = affine_map<(d0, d1) -> (0, 0, 0)>
#map1 = affine_map<(d0, d1) -> (0, 0)>
module attributes {stable_mosaic.version = 14 : i64} {
  func.func @k(%arg0: i32, %arg1: i32, %arg2: memref<2560x2x128xi32, #tpu.memory_space<hbm>>, %arg3: memref<10240x128xf32, #tpu.memory_space<hbm>>, %arg4: memref<2x10240x128xf32, #tpu.memory_space<hbm>>, %arg5: memref<10240x128xf32, #tpu.memory_space<vmem_shared>>, %arg6: memref<4x2x128xi32, #tpu.memory_space<vmem>>, %arg7: memref<2x128x128xf32, #tpu.memory_space<vmem>>, %arg8: memref<16x128xf32, #tpu.memory_space<vmem>>, %arg9: memref<!tpu.dma_semaphore, #tpu.memory_space<semaphore_mem>>, %arg10: memref<!tpu.dma_semaphore, #tpu.memory_space<semaphore_mem>>, %arg11: memref<!tpu.dma_semaphore, #tpu.memory_space<semaphore_mem>>, %arg12: memref<!tpu.dma_semaphore, #tpu.memory_space<semaphore_mem>>, %arg13: memref<!tpu.dma_semaphore, #tpu.memory_space<semaphore_mem>>, %arg14: memref<!tpu.dma_semaphore, #tpu.memory_space<semaphore_mem>>) attributes {dimension_semantics = [#tpu.dimension_semantics<core_parallel>, #tpu.dimension_semantics<subcore_parallel>], iteration_bounds = array<i64: 2, 16>, scalar_prefetch = 0 : i64, scratch_operands = 10 : i64, tpu.core_type = #tpu.core_type<sc_vector_subcore>, window_params = [{transform_indices = #map}, {transform_indices = #map1}, {transform_indices = #map}]} {
    %mul3A = arith.constant 16 : i32
    %mul3A_0 = arith.muli %arg0, %mul3A : i32
    %add3A = arith.addi %mul3A_0, %arg1 : i32
    %mul3A_1 = arith.constant 80 : i32
    %mul3A_2 = arith.muli %add3A, %mul3A_1 : i32
    %add3A_3 = arith.constant 80 : i32
    %add3A_4 = arith.addi %mul3A_2, %add3A_3 : i32
    %sub3A = arith.constant 1 : i32
    %sub3A_5 = arith.subi %add3A_4, %sub3A : i32
    %run_scoped3A = arith.constant 0 : i32
    "tpu.region"() ({
      %run_scoped3A_948 = tpu.sem_alloc : memref<!tpu.dma_semaphore, #tpu.memory_space<semaphore_mem>>
      %dma_start3A_949 = arith.constant 0 : i32
      %dma_start3A_950 = arith.constant 0 : i32
      %dma_start3A_951 = tpu.memref_slice %arg6[%run_scoped3A, %dma_start3A_949, %dma_start3A_950] : memref<4x2x128xi32, #tpu.memory_space<vmem>> -> memref<1x2x128xi32, #tpu.memory_space<vmem>>
      %dma_start3A_952 = tpu.memref_squeeze %dma_start3A_951 : memref<1x2x128xi32, #tpu.memory_space<vmem>> -> memref<2x128xi32, #tpu.memory_space<vmem>>
      %dma_start3A_953 = arith.constant 0 : i32
      %dma_start3A_954 = arith.constant 0 : i32
      %dma_start3A_955 = tpu.memref_slice %arg2[%mul3A_2, %dma_start3A_953, %dma_start3A_954] : memref<2560x2x128xi32, #tpu.memory_space<hbm>> -> memref<1x2x128xi32, #tpu.memory_space<hbm>>
      %dma_start3A_956 = tpu.memref_squeeze %dma_start3A_955 : memref<1x2x128xi32, #tpu.memory_space<hbm>> -> memref<2x128xi32, #tpu.memory_space<hbm>>
      %dma_start3A_957 = arith.constant 0 : i32
      %dma_start3A_958 = arith.constant 0 : i32
      %dma_start3A_959 = tpu.memref_slice %arg6[%run_scoped3A, %dma_start3A_957, %dma_start3A_958] : memref<4x2x128xi32, #tpu.memory_space<vmem>> -> memref<1x2x128xi32, #tpu.memory_space<vmem>>
      %dma_start3A_960 = tpu.memref_squeeze %dma_start3A_959 : memref<1x2x128xi32, #tpu.memory_space<vmem>> -> memref<2x128xi32, #tpu.memory_space<vmem>>
      %dma_start3A_961 = arith.constant 0 : i32
      %dma_start3A_962 = arith.constant 0 : i32
      %dma_start3A_963 = tpu.memref_slice %arg2[%mul3A_2, %dma_start3A_961, %dma_start3A_962] : memref<2560x2x128xi32, #tpu.memory_space<hbm>> -> memref<1x2x128xi32, #tpu.memory_space<hbm>>
      %dma_start3A_964 = tpu.memref_squeeze %dma_start3A_963 : memref<1x2x128xi32, #tpu.memory_space<hbm>> -> memref<2x128xi32, #tpu.memory_space<hbm>>
      tpu.enqueue_dma source(%dma_start3A_964 : memref<2x128xi32, #tpu.memory_space<hbm>>) target(%dma_start3A_960 : memref<2x128xi32, #tpu.memory_space<vmem>>) target_semaphore(%run_scoped3A_948 : memref<!tpu.dma_semaphore, #tpu.memory_space<semaphore_mem>>)
      %dma_wait3A_965 = arith.constant 0 : i32
      %dma_wait3A_966 = arith.constant 0 : i32
      %dma_wait3A_967 = tpu.memref_slice %arg6[%run_scoped3A, %dma_wait3A_965, %dma_wait3A_966] : memref<4x2x128xi32, #tpu.memory_space<vmem>> -> memref<1x2x128xi32, #tpu.memory_space<vmem>>
      %dma_wait3A_968 = tpu.memref_squeeze %dma_wait3A_967 : memref<1x2x128xi32, #tpu.memory_space<vmem>> -> memref<2x128xi32, #tpu.memory_space<vmem>>
      %dma_wait3A_969 = arith.constant 0 : i32
      %dma_wait3A_970 = arith.constant 0 : i32
      %dma_wait3A_971 = tpu.memref_slice %arg2[%mul3A_2, %dma_wait3A_969, %dma_wait3A_970] : memref<2560x2x128xi32, #tpu.memory_space<hbm>> -> memref<1x2x128xi32, #tpu.memory_space<hbm>>
      %dma_wait3A_972 = tpu.memref_squeeze %dma_wait3A_971 : memref<1x2x128xi32, #tpu.memory_space<hbm>> -> memref<2x128xi32, #tpu.memory_space<hbm>>
      %dma_wait3A_973 = arith.constant 0 : i32
      %dma_wait3A_974 = arith.constant 0 : i32
      %dma_wait3A_975 = tpu.memref_slice %arg6[%run_scoped3A, %dma_wait3A_973, %dma_wait3A_974] : memref<4x2x128xi32, #tpu.memory_space<vmem>> -> memref<1x2x128xi32, #tpu.memory_space<vmem>>
      %dma_wait3A_976 = tpu.memref_squeeze %dma_wait3A_975 : memref<1x2x128xi32, #tpu.memory_space<vmem>> -> memref<2x128xi32, #tpu.memory_space<vmem>>
      %dma_wait3A_977 = arith.constant 0 : i32
      %dma_wait3A_978 = arith.constant 0 : i32
      %dma_wait3A_979 = tpu.memref_slice %arg2[%mul3A_2, %dma_wait3A_977, %dma_wait3A_978] : memref<2560x2x128xi32, #tpu.memory_space<hbm>> -> memref<1x2x128xi32, #tpu.memory_space<hbm>>
      %dma_wait3A_980 = tpu.memref_squeeze %dma_wait3A_979 : memref<1x2x128xi32, #tpu.memory_space<hbm>> -> memref<2x128xi32, #tpu.memory_space<hbm>>
      tpu.wait_dma2 semaphore(%run_scoped3A_948 : memref<!tpu.dma_semaphore, #tpu.memory_space<semaphore_mem>>) src(%dma_wait3A_980 : memref<2x128xi32, #tpu.memory_space<hbm>>) dst(%dma_wait3A_976 : memref<2x128xi32, #tpu.memory_space<vmem>>)
      tpu.yield
    }) : () -> ()
    %add3A_6 = arith.constant 1 : i32
    %add3A_7 = arith.addi %mul3A_2, %add3A_6 : i32
    %dma_start3A = arith.constant 1 : i32
    %dma_start3A_8 = arith.constant 0 : i32
    %dma_start3A_9 = arith.constant 0 : i32
    %dma_start3A_10 = tpu.memref_slice %arg6[%dma_start3A, %dma_start3A_8, %dma_start3A_9] : memref<4x2x128xi32, #tpu.memory_space<vmem>> -> memref<1x2x128xi32, #tpu.memory_space<vmem>>
    %dma_start3A_11 = tpu.memref_squeeze %dma_start3A_10 : memref<1x2x128xi32, #tpu.memory_space<vmem>> -> memref<2x128xi32, #tpu.memory_space<vmem>>
    %dma_start3A_12 = arith.constant 0 : i32
    %dma_start3A_13 = arith.constant 0 : i32
    %dma_start3A_14 = tpu.memref_slice %arg2[%add3A_7, %dma_start3A_12, %dma_start3A_13] : memref<2560x2x128xi32, #tpu.memory_space<hbm>> -> memref<1x2x128xi32, #tpu.memory_space<hbm>>
    %dma_start3A_15 = tpu.memref_squeeze %dma_start3A_14 : memref<1x2x128xi32, #tpu.memory_space<hbm>> -> memref<2x128xi32, #tpu.memory_space<hbm>>
    %dma_start3A_16 = arith.constant 0 : i32
    %dma_start3A_17 = arith.constant 0 : i32
    %dma_start3A_18 = tpu.memref_slice %arg6[%dma_start3A, %dma_start3A_16, %dma_start3A_17] : memref<4x2x128xi32, #tpu.memory_space<vmem>> -> memref<1x2x128xi32, #tpu.memory_space<vmem>>
    %dma_start3A_19 = tpu.memref_squeeze %dma_start3A_18 : memref<1x2x128xi32, #tpu.memory_space<vmem>> -> memref<2x128xi32, #tpu.memory_space<vmem>>
    %dma_start3A_20 = arith.constant 0 : i32
    %dma_start3A_21 = arith.constant 0 : i32
    %dma_start3A_22 = tpu.memref_slice %arg2[%add3A_7, %dma_start3A_20, %dma_start3A_21] : memref<2560x2x128xi32, #tpu.memory_space<hbm>> -> memref<1x2x128xi32, #tpu.memory_space<hbm>>
    %dma_start3A_23 = tpu.memref_squeeze %dma_start3A_22 : memref<1x2x128xi32, #tpu.memory_space<hbm>> -> memref<2x128xi32, #tpu.memory_space<hbm>>
    tpu.enqueue_dma source(%dma_start3A_23 : memref<2x128xi32, #tpu.memory_space<hbm>>) target(%dma_start3A_19 : memref<2x128xi32, #tpu.memory_space<vmem>>) target_semaphore(%arg10 : memref<!tpu.dma_semaphore, #tpu.memory_space<semaphore_mem>>)
    %add3A_24 = arith.constant 2 : i32
    %add3A_25 = arith.addi %mul3A_2, %add3A_24 : i32
    %dma_start3A_26 = arith.constant 2 : i32
    %dma_start3A_27 = arith.constant 0 : i32
    %dma_start3A_28 = arith.constant 0 : i32
    %dma_start3A_29 = tpu.memref_slice %arg6[%dma_start3A_26, %dma_start3A_27, %dma_start3A_28] : memref<4x2x128xi32, #tpu.memory_space<vmem>> -> memref<1x2x128xi32, #tpu.memory_space<vmem>>
    %dma_start3A_30 = tpu.memref_squeeze %dma_start3A_29 : memref<1x2x128xi32, #tpu.memory_space<vmem>> -> memref<2x128xi32, #tpu.memory_space<vmem>>
    %dma_start3A_31 = arith.constant 0 : i32
    %dma_start3A_32 = arith.constant 0 : i32
    %dma_start3A_33 = tpu.memref_slice %arg2[%add3A_25, %dma_start3A_31, %dma_start3A_32] : memref<2560x2x128xi32, #tpu.memory_space<hbm>> -> memref<1x2x128xi32, #tpu.memory_space<hbm>>
    %dma_start3A_34 = tpu.memref_squeeze %dma_start3A_33 : memref<1x2x128xi32, #tpu.memory_space<hbm>> -> memref<2x128xi32, #tpu.memory_space<hbm>>
    %dma_start3A_35 = arith.constant 0 : i32
    %dma_start3A_36 = arith.constant 0 : i32
    %dma_start3A_37 = tpu.memref_slice %arg6[%dma_start3A_26, %dma_start3A_35, %dma_start3A_36] : memref<4x2x128xi32, #tpu.memory_space<vmem>> -> memref<1x2x128xi32, #tpu.memory_space<vmem>>
    %dma_start3A_38 = tpu.memref_squeeze %dma_start3A_37 : memref<1x2x128xi32, #tpu.memory_space<vmem>> -> memref<2x128xi32, #tpu.memory_space<vmem>>
    %dma_start3A_39 = arith.constant 0 : i32
    %dma_start3A_40 = arith.constant 0 : i32
    %dma_start3A_41 = tpu.memref_slice %arg2[%add3A_25, %dma_start3A_39, %dma_start3A_40] : memref<2560x2x128xi32, #tpu.memory_space<hbm>> -> memref<1x2x128xi32, #tpu.memory_space<hbm>>
    %dma_start3A_42 = tpu.memref_squeeze %dma_start3A_41 : memref<1x2x128xi32, #tpu.memory_space<hbm>> -> memref<2x128xi32, #tpu.memory_space<hbm>>
    tpu.enqueue_dma source(%dma_start3A_42 : memref<2x128xi32, #tpu.memory_space<hbm>>) target(%dma_start3A_38 : memref<2x128xi32, #tpu.memory_space<vmem>>) target_semaphore(%arg11 : memref<!tpu.dma_semaphore, #tpu.memory_space<semaphore_mem>>)
    %add3A_43 = arith.constant 3 : i32
    %add3A_44 = arith.addi %mul3A_2, %add3A_43 : i32
    %dma_start3A_45 = arith.constant 3 : i32
    %dma_start3A_46 = arith.constant 0 : i32
    %dma_start3A_47 = arith.constant 0 : i32
    %dma_start3A_48 = tpu.memref_slice %arg6[%dma_start3A_45, %dma_start3A_46, %dma_start3A_47] : memref<4x2x128xi32, #tpu.memory_space<vmem>> -> memref<1x2x128xi32, #tpu.memory_space<vmem>>
    %dma_start3A_49 = tpu.memref_squeeze %dma_start3A_48 : memref<1x2x128xi32, #tpu.memory_space<vmem>> -> memref<2x128xi32, #tpu.memory_space<vmem>>
    %dma_start3A_50 = arith.constant 0 : i32
    %dma_start3A_51 = arith.constant 0 : i32
    %dma_start3A_52 = tpu.memref_slice %arg2[%add3A_44, %dma_start3A_50, %dma_start3A_51] : memref<2560x2x128xi32, #tpu.memory_space<hbm>> -> memref<1x2x128xi32, #tpu.memory_space<hbm>>
    %dma_start3A_53 = tpu.memref_squeeze %dma_start3A_52 : memref<1x2x128xi32, #tpu.memory_space<hbm>> -> memref<2x128xi32, #tpu.memory_space<hbm>>
    %dma_start3A_54 = arith.constant 0 : i32
    %dma_start3A_55 = arith.constant 0 : i32
    %dma_start3A_56 = tpu.memref_slice %arg6[%dma_start3A_45, %dma_start3A_54, %dma_start3A_55] : memref<4x2x128xi32, #tpu.memory_space<vmem>> -> memref<1x2x128xi32, #tpu.memory_space<vmem>>
    %dma_start3A_57 = tpu.memref_squeeze %dma_start3A_56 : memref<1x2x128xi32, #tpu.memory_space<vmem>> -> memref<2x128xi32, #tpu.memory_space<vmem>>
    %dma_start3A_58 = arith.constant 0 : i32
    %dma_start3A_59 = arith.constant 0 : i32
    %dma_start3A_60 = tpu.memref_slice %arg2[%add3A_44, %dma_start3A_58, %dma_start3A_59] : memref<2560x2x128xi32, #tpu.memory_space<hbm>> -> memref<1x2x128xi32, #tpu.memory_space<hbm>>
    %dma_start3A_61 = tpu.memref_squeeze %dma_start3A_60 : memref<1x2x128xi32, #tpu.memory_space<hbm>> -> memref<2x128xi32, #tpu.memory_space<hbm>>
    tpu.enqueue_dma source(%dma_start3A_61 : memref<2x128xi32, #tpu.memory_space<hbm>>) target(%dma_start3A_57 : memref<2x128xi32, #tpu.memory_space<vmem>>) target_semaphore(%arg12 : memref<!tpu.dma_semaphore, #tpu.memory_space<semaphore_mem>>)
    %dma_start3A_62 = arith.constant 0 : i32
    %dma_start3A_63 = arith.constant 0 : i32
    %dma_start3A_64 = arith.constant 0 : i32
    %dma_start3A_65 = arith.constant 0 : i32
    %dma_start3A_66 = arith.constant 0 : i32
    %dma_start3A_67 = tpu.memref_slice %arg7[%dma_start3A_64, %dma_start3A_65, %dma_start3A_66] : memref<2x128x128xf32, #tpu.memory_space<vmem>> -> memref<1x128x128xf32, #tpu.memory_space<vmem>>
    %dma_start3A_68 = tpu.memref_squeeze %dma_start3A_67 : memref<1x128x128xf32, #tpu.memory_space<vmem>> -> memref<128x128xf32, #tpu.memory_space<vmem>>
    %dma_start3A_69 = arith.constant 0 : i32
    %dma_start3A_70 = tpu.memref_slice %arg6[%dma_start3A_62, %dma_start3A_63, %dma_start3A_69] : memref<4x2x128xi32, #tpu.memory_space<vmem>> -> memref<1x1x128xi32, #tpu.memory_space<vmem>>
    %dma_start3A_71 = tpu.memref_squeeze %dma_start3A_70 : memref<1x1x128xi32, #tpu.memory_space<vmem>> -> memref<128xi32, #tpu.memory_space<vmem>>
    %dma_start3A_72 = arith.constant 0 : i32
    %dma_start3A_73 = arith.constant 0 : i32
    %dma_start3A_74 = tpu.memref_slice %arg3[%dma_start3A_72, %dma_start3A_73] : memref<10240x128xf32, #tpu.memory_space<hbm>> -> memref<10240x128xf32, #tpu.memory_space<hbm>>
    tpu.enqueue_indirect_dma source(%dma_start3A_74 : memref<10240x128xf32, #tpu.memory_space<hbm>>) target(%dma_start3A_68 : memref<128x128xf32, #tpu.memory_space<vmem>>) offsets(%dma_start3A_71 : memref<128xi32, #tpu.memory_space<vmem>>) semaphore(%arg13 : memref<!tpu.dma_semaphore, #tpu.memory_space<semaphore_mem>>)
    %add3A_75 = arith.constant 1 : i32
    %add3A_76 = arith.addi %mul3A_2, %add3A_75 : i32
    %dma_wait3A = arith.constant 1 : i32
    %dma_wait3A_77 = arith.constant 0 : i32
    %dma_wait3A_78 = arith.constant 0 : i32
    %dma_wait3A_79 = tpu.memref_slice %arg6[%dma_wait3A, %dma_wait3A_77, %dma_wait3A_78] : memref<4x2x128xi32, #tpu.memory_space<vmem>> -> memref<1x2x128xi32, #tpu.memory_space<vmem>>
    %dma_wait3A_80 = tpu.memref_squeeze %dma_wait3A_79 : memref<1x2x128xi32, #tpu.memory_space<vmem>> -> memref<2x128xi32, #tpu.memory_space<vmem>>
    %dma_wait3A_81 = arith.constant 0 : i32
    %dma_wait3A_82 = arith.constant 0 : i32
    %dma_wait3A_83 = tpu.memref_slice %arg2[%add3A_76, %dma_wait3A_81, %dma_wait3A_82] : memref<2560x2x128xi32, #tpu.memory_space<hbm>> -> memref<1x2x128xi32, #tpu.memory_space<hbm>>
    %dma_wait3A_84 = tpu.memref_squeeze %dma_wait3A_83 : memref<1x2x128xi32, #tpu.memory_space<hbm>> -> memref<2x128xi32, #tpu.memory_space<hbm>>
    %dma_wait3A_85 = arith.constant 0 : i32
    %dma_wait3A_86 = arith.constant 0 : i32
    %dma_wait3A_87 = tpu.memref_slice %arg6[%dma_wait3A, %dma_wait3A_85, %dma_wait3A_86] : memref<4x2x128xi32, #tpu.memory_space<vmem>> -> memref<1x2x128xi32, #tpu.memory_space<vmem>>
    %dma_wait3A_88 = tpu.memref_squeeze %dma_wait3A_87 : memref<1x2x128xi32, #tpu.memory_space<vmem>> -> memref<2x128xi32, #tpu.memory_space<vmem>>
    %dma_wait3A_89 = arith.constant 0 : i32
    %dma_wait3A_90 = arith.constant 0 : i32
    %dma_wait3A_91 = tpu.memref_slice %arg2[%add3A_76, %dma_wait3A_89, %dma_wait3A_90] : memref<2560x2x128xi32, #tpu.memory_space<hbm>> -> memref<1x2x128xi32, #tpu.memory_space<hbm>>
    %dma_wait3A_92 = tpu.memref_squeeze %dma_wait3A_91 : memref<1x2x128xi32, #tpu.memory_space<hbm>> -> memref<2x128xi32, #tpu.memory_space<hbm>>
    tpu.wait_dma2 semaphore(%arg10 : memref<!tpu.dma_semaphore, #tpu.memory_space<semaphore_mem>>) src(%dma_wait3A_92 : memref<2x128xi32, #tpu.memory_space<hbm>>) dst(%dma_wait3A_88 : memref<2x128xi32, #tpu.memory_space<vmem>>)
    %dma_start3A_93 = arith.constant 1 : i32
    %dma_start3A_94 = arith.constant 0 : i32
    %dma_start3A_95 = arith.constant 1 : i32
    %dma_start3A_96 = arith.constant 0 : i32
    %dma_start3A_97 = arith.constant 0 : i32
    %dma_start3A_98 = tpu.memref_slice %arg7[%dma_start3A_95, %dma_start3A_96, %dma_start3A_97] : memref<2x128x128xf32, #tpu.memory_space<vmem>> -> memref<1x128x128xf32, #tpu.memory_space<vmem>>
    %dma_start3A_99 = tpu.memref_squeeze %dma_start3A_98 : memref<1x128x128xf32, #tpu.memory_space<vmem>> -> memref<128x128xf32, #tpu.memory_space<vmem>>
    %dma_start3A_100 = arith.constant 0 : i32
    %dma_start3A_101 = tpu.memref_slice %arg6[%dma_start3A_93, %dma_start3A_94, %dma_start3A_100] : memref<4x2x128xi32, #tpu.memory_space<vmem>> -> memref<1x1x128xi32, #tpu.memory_space<vmem>>
    %dma_start3A_102 = tpu.memref_squeeze %dma_start3A_101 : memref<1x1x128xi32, #tpu.memory_space<vmem>> -> memref<128xi32, #tpu.memory_space<vmem>>
    %dma_start3A_103 = arith.constant 0 : i32
    %dma_start3A_104 = arith.constant 0 : i32
    %dma_start3A_105 = tpu.memref_slice %arg3[%dma_start3A_103, %dma_start3A_104] : memref<10240x128xf32, #tpu.memory_space<hbm>> -> memref<10240x128xf32, #tpu.memory_space<hbm>>
    tpu.enqueue_indirect_dma source(%dma_start3A_105 : memref<10240x128xf32, #tpu.memory_space<hbm>>) target(%dma_start3A_99 : memref<128x128xf32, #tpu.memory_space<vmem>>) offsets(%dma_start3A_102 : memref<128xi32, #tpu.memory_space<vmem>>) semaphore(%arg14 : memref<!tpu.dma_semaphore, #tpu.memory_space<semaphore_mem>>)
    %broadcast_in_dim3A = arith.constant 0.000000e+00 : f32
    %broadcast_in_dim3A_106 = vector.broadcast %broadcast_in_dim3A : f32 to vector<16xf32>
    %swap3A = arith.constant 0 : i32
    %swap3A_107 = arith.index_cast %swap3A : i32 to index
    %swap3A_108 = arith.constant 0 : index
    %swap3A_109 = tpu.vector_load %arg8[%swap3A_107, %swap3A_108] {strides = array<i32>} : memref<16x128xf32, #tpu.memory_space<vmem>>, vector<1x16xf32>,
    %swap3A_110 = vector.shape_cast %swap3A_109 : vector<1x16xf32> to vector<16xf32>
    %swap3A_111 = vector.shape_cast %broadcast_in_dim3A_106 : vector<16xf32> to vector<1x16xf32>
    tpu.vector_store %arg8[%swap3A_107, %swap3A_108], %swap3A_111 {strides = array<i32>} : memref<16x128xf32, #tpu.memory_space<vmem>>, vector<1x16xf32>,
    %swap3A_112 = arith.constant 0 : i32
    %swap3A_113 = arith.index_cast %swap3A_112 : i32 to index
    %swap3A_114 = arith.constant 16 : index
    %swap3A_115 = tpu.vector_load %arg8[%swap3A_113, %swap3A_114] {strides = array<i32>} : memref<16x128xf32, #tpu.memory_space<vmem>>, vector<1x16xf32>,
    %swap3A_116 = vector.shape_cast %swap3A_115 : vector<1x16xf32> to vector<16xf32>
    %swap3A_117 = vector.shape_cast %broadcast_in_dim3A_106 : vector<16xf32> to vector<1x16xf32>
    tpu.vector_store %arg8[%swap3A_113, %swap3A_114], %swap3A_117 {strides = array<i32>} : memref<16x128xf32, #tpu.memory_space<vmem>>, vector<1x16xf32>,
    %swap3A_118 = arith.constant 0 : i32
    %swap3A_119 = arith.index_cast %swap3A_118 : i32 to index
    %swap3A_120 = arith.constant 32 : index
    %swap3A_121 = tpu.vector_load %arg8[%swap3A_119, %swap3A_120] {strides = array<i32>} : memref<16x128xf32, #tpu.memory_space<vmem>>, vector<1x16xf32>,
    %swap3A_122 = vector.shape_cast %swap3A_121 : vector<1x16xf32> to vector<16xf32>
    %swap3A_123 = vector.shape_cast %broadcast_in_dim3A_106 : vector<16xf32> to vector<1x16xf32>
    tpu.vector_store %arg8[%swap3A_119, %swap3A_120], %swap3A_123 {strides = array<i32>} : memref<16x128xf32, #tpu.memory_space<vmem>>, vector<1x16xf32>,
    %swap3A_124 = arith.constant 0 : i32
    %swap3A_125 = arith.index_cast %swap3A_124 : i32 to index
    %swap3A_126 = arith.constant 48 : index
    %swap3A_127 = tpu.vector_load %arg8[%swap3A_125, %swap3A_126] {strides = array<i32>} : memref<16x128xf32, #tpu.memory_space<vmem>>, vector<1x16xf32>,
    %swap3A_128 = vector.shape_cast %swap3A_127 : vector<1x16xf32> to vector<16xf32>
    %swap3A_129 = vector.shape_cast %broadcast_in_dim3A_106 : vector<16xf32> to vector<1x16xf32>
    tpu.vector_store %arg8[%swap3A_125, %swap3A_126], %swap3A_129 {strides = array<i32>} : memref<16x128xf32, #tpu.memory_space<vmem>>, vector<1x16xf32>,
    %swap3A_130 = arith.constant 0 : i32
    %swap3A_131 = arith.index_cast %swap3A_130 : i32 to index
    %swap3A_132 = arith.constant 64 : index
    %swap3A_133 = tpu.vector_load %arg8[%swap3A_131, %swap3A_132] {strides = array<i32>} : memref<16x128xf32, #tpu.memory_space<vmem>>, vector<1x16xf32>,
    %swap3A_134 = vector.shape_cast %swap3A_133 : vector<1x16xf32> to vector<16xf32>
    %swap3A_135 = vector.shape_cast %broadcast_in_dim3A_106 : vector<16xf32> to vector<1x16xf32>
    tpu.vector_store %arg8[%swap3A_131, %swap3A_132], %swap3A_135 {strides = array<i32>} : memref<16x128xf32, #tpu.memory_space<vmem>>, vector<1x16xf32>,
    %swap3A_136 = arith.constant 0 : i32
    %swap3A_137 = arith.index_cast %swap3A_136 : i32 to index
    %swap3A_138 = arith.constant 80 : index
    %swap3A_139 = tpu.vector_load %arg8[%swap3A_137, %swap3A_138] {strides = array<i32>} : memref<16x128xf32, #tpu.memory_space<vmem>>, vector<1x16xf32>,
    %swap3A_140 = vector.shape_cast %swap3A_139 : vector<1x16xf32> to vector<16xf32>
    %swap3A_141 = vector.shape_cast %broadcast_in_dim3A_106 : vector<16xf32> to vector<1x16xf32>
    tpu.vector_store %arg8[%swap3A_137, %swap3A_138], %swap3A_141 {strides = array<i32>} : memref<16x128xf32, #tpu.memory_space<vmem>>, vector<1x16xf32>,
    %swap3A_142 = arith.constant 0 : i32
    %swap3A_143 = arith.index_cast %swap3A_142 : i32 to index
    %swap3A_144 = arith.constant 96 : index
    %swap3A_145 = tpu.vector_load %arg8[%swap3A_143, %swap3A_144] {strides = array<i32>} : memref<16x128xf32, #tpu.memory_space<vmem>>, vector<1x16xf32>,
    %swap3A_146 = vector.shape_cast %swap3A_145 : vector<1x16xf32> to vector<16xf32>
    %swap3A_147 = vector.shape_cast %broadcast_in_dim3A_106 : vector<16xf32> to vector<1x16xf32>
    tpu.vector_store %arg8[%swap3A_143, %swap3A_144], %swap3A_147 {strides = array<i32>} : memref<16x128xf32, #tpu.memory_space<vmem>>, vector<1x16xf32>,
    %swap3A_148 = arith.constant 0 : i32
    %swap3A_149 = arith.index_cast %swap3A_148 : i32 to index
    %swap3A_150 = arith.constant 112 : index
    %swap3A_151 = tpu.vector_load %arg8[%swap3A_149, %swap3A_150] {strides = array<i32>} : memref<16x128xf32, #tpu.memory_space<vmem>>, vector<1x16xf32>,
    %swap3A_152 = vector.shape_cast %swap3A_151 : vector<1x16xf32> to vector<16xf32>
    %swap3A_153 = vector.shape_cast %broadcast_in_dim3A_106 : vector<16xf32> to vector<1x16xf32>
    tpu.vector_store %arg8[%swap3A_149, %swap3A_150], %swap3A_153 {strides = array<i32>} : memref<16x128xf32, #tpu.memory_space<vmem>>, vector<1x16xf32>,
    %swap3A_154 = arith.constant 1 : i32
    %swap3A_155 = arith.index_cast %swap3A_154 : i32 to index
    %swap3A_156 = arith.constant 0 : index
    %swap3A_157 = tpu.vector_load %arg8[%swap3A_155, %swap3A_156] {strides = array<i32>} : memref<16x128xf32, #tpu.memory_space<vmem>>, vector<1x16xf32>,
    %swap3A_158 = vector.shape_cast %swap3A_157 : vector<1x16xf32> to vector<16xf32>
    %swap3A_159 = vector.shape_cast %broadcast_in_dim3A_106 : vector<16xf32> to vector<1x16xf32>
    tpu.vector_store %arg8[%swap3A_155, %swap3A_156], %swap3A_159 {strides = array<i32>} : memref<16x128xf32, #tpu.memory_space<vmem>>, vector<1x16xf32>,
    %swap3A_160 = arith.constant 1 : i32
    %swap3A_161 = arith.index_cast %swap3A_160 : i32 to index
    %swap3A_162 = arith.constant 16 : index
    %swap3A_163 = tpu.vector_load %arg8[%swap3A_161, %swap3A_162] {strides = array<i32>} : memref<16x128xf32, #tpu.memory_space<vmem>>, vector<1x16xf32>,
    %swap3A_164 = vector.shape_cast %swap3A_163 : vector<1x16xf32> to vector<16xf32>
    %swap3A_165 = vector.shape_cast %broadcast_in_dim3A_106 : vector<16xf32> to vector<1x16xf32>
    tpu.vector_store %arg8[%swap3A_161, %swap3A_162], %swap3A_165 {strides = array<i32>} : memref<16x128xf32, #tpu.memory_space<vmem>>, vector<1x16xf32>,
    %swap3A_166 = arith.constant 1 : i32
    %swap3A_167 = arith.index_cast %swap3A_166 : i32 to index
    %swap3A_168 = arith.constant 32 : index
    %swap3A_169 = tpu.vector_load %arg8[%swap3A_167, %swap3A_168] {strides = array<i32>} : memref<16x128xf32, #tpu.memory_space<vmem>>, vector<1x16xf32>,
    %swap3A_170 = vector.shape_cast %swap3A_169 : vector<1x16xf32> to vector<16xf32>
    %swap3A_171 = vector.shape_cast %broadcast_in_dim3A_106 : vector<16xf32> to vector<1x16xf32>
    tpu.vector_store %arg8[%swap3A_167, %swap3A_168], %swap3A_171 {strides = array<i32>} : memref<16x128xf32, #tpu.memory_space<vmem>>, vector<1x16xf32>,
    %swap3A_172 = arith.constant 1 : i32
    %swap3A_173 = arith.index_cast %swap3A_172 : i32 to index
    %swap3A_174 = arith.constant 48 : index
    %swap3A_175 = tpu.vector_load %arg8[%swap3A_173, %swap3A_174] {strides = array<i32>} : memref<16x128xf32, #tpu.memory_space<vmem>>, vector<1x16xf32>,
    %swap3A_176 = vector.shape_cast %swap3A_175 : vector<1x16xf32> to vector<16xf32>
    %swap3A_177 = vector.shape_cast %broadcast_in_dim3A_106 : vector<16xf32> to vector<1x16xf32>
    tpu.vector_store %arg8[%swap3A_173, %swap3A_174], %swap3A_177 {strides = array<i32>} : memref<16x128xf32, #tpu.memory_space<vmem>>, vector<1x16xf32>,
    %swap3A_178 = arith.constant 1 : i32
    %swap3A_179 = arith.index_cast %swap3A_178 : i32 to index
    %swap3A_180 = arith.constant 64 : index
    %swap3A_181 = tpu.vector_load %arg8[%swap3A_179, %swap3A_180] {strides = array<i32>} : memref<16x128xf32, #tpu.memory_space<vmem>>, vector<1x16xf32>,
    %swap3A_182 = vector.shape_cast %swap3A_181 : vector<1x16xf32> to vector<16xf32>
    %swap3A_183 = vector.shape_cast %broadcast_in_dim3A_106 : vector<16xf32> to vector<1x16xf32>
    tpu.vector_store %arg8[%swap3A_179, %swap3A_180], %swap3A_183 {strides = array<i32>} : memref<16x128xf32, #tpu.memory_space<vmem>>, vector<1x16xf32>,
    %swap3A_184 = arith.constant 1 : i32
    %swap3A_185 = arith.index_cast %swap3A_184 : i32 to index
    %swap3A_186 = arith.constant 80 : index
    %swap3A_187 = tpu.vector_load %arg8[%swap3A_185, %swap3A_186] {strides = array<i32>} : memref<16x128xf32, #tpu.memory_space<vmem>>, vector<1x16xf32>,
    %swap3A_188 = vector.shape_cast %swap3A_187 : vector<1x16xf32> to vector<16xf32>
    %swap3A_189 = vector.shape_cast %broadcast_in_dim3A_106 : vector<16xf32> to vector<1x16xf32>
    tpu.vector_store %arg8[%swap3A_185, %swap3A_186], %swap3A_189 {strides = array<i32>} : memref<16x128xf32, #tpu.memory_space<vmem>>, vector<1x16xf32>,
    %swap3A_190 = arith.constant 1 : i32
    %swap3A_191 = arith.index_cast %swap3A_190 : i32 to index
    %swap3A_192 = arith.constant 96 : index
    %swap3A_193 = tpu.vector_load %arg8[%swap3A_191, %swap3A_192] {strides = array<i32>} : memref<16x128xf32, #tpu.memory_space<vmem>>, vector<1x16xf32>,
    %swap3A_194 = vector.shape_cast %swap3A_193 : vector<1x16xf32> to vector<16xf32>
    %swap3A_195 = vector.shape_cast %broadcast_in_dim3A_106 : vector<16xf32> to vector<1x16xf32>
    tpu.vector_store %arg8[%swap3A_191, %swap3A_192], %swap3A_195 {strides = array<i32>} : memref<16x128xf32, #tpu.memory_space<vmem>>, vector<1x16xf32>,
    %swap3A_196 = arith.constant 1 : i32
    %swap3A_197 = arith.index_cast %swap3A_196 : i32 to index
    %swap3A_198 = arith.constant 112 : index
    %swap3A_199 = tpu.vector_load %arg8[%swap3A_197, %swap3A_198] {strides = array<i32>} : memref<16x128xf32, #tpu.memory_space<vmem>>, vector<1x16xf32>,
    %swap3A_200 = vector.shape_cast %swap3A_199 : vector<1x16xf32> to vector<16xf32>
    %swap3A_201 = vector.shape_cast %broadcast_in_dim3A_106 : vector<16xf32> to vector<1x16xf32>
    tpu.vector_store %arg8[%swap3A_197, %swap3A_198], %swap3A_201 {strides = array<i32>} : memref<16x128xf32, #tpu.memory_space<vmem>>, vector<1x16xf32>,
    %swap3A_202 = arith.constant 2 : i32
    %swap3A_203 = arith.index_cast %swap3A_202 : i32 to index
    %swap3A_204 = arith.constant 0 : index
    %swap3A_205 = tpu.vector_load %arg8[%swap3A_203, %swap3A_204] {strides = array<i32>} : memref<16x128xf32, #tpu.memory_space<vmem>>, vector<1x16xf32>,
    %swap3A_206 = vector.shape_cast %swap3A_205 : vector<1x16xf32> to vector<16xf32>
    %swap3A_207 = vector.shape_cast %broadcast_in_dim3A_106 : vector<16xf32> to vector<1x16xf32>
    tpu.vector_store %arg8[%swap3A_203, %swap3A_204], %swap3A_207 {strides = array<i32>} : memref<16x128xf32, #tpu.memory_space<vmem>>, vector<1x16xf32>,
    %swap3A_208 = arith.constant 2 : i32
    %swap3A_209 = arith.index_cast %swap3A_208 : i32 to index
    %swap3A_210 = arith.constant 16 : index
    %swap3A_211 = tpu.vector_load %arg8[%swap3A_209, %swap3A_210] {strides = array<i32>} : memref<16x128xf32, #tpu.memory_space<vmem>>, vector<1x16xf32>,
    %swap3A_212 = vector.shape_cast %swap3A_211 : vector<1x16xf32> to vector<16xf32>
    %swap3A_213 = vector.shape_cast %broadcast_in_dim3A_106 : vector<16xf32> to vector<1x16xf32>
    tpu.vector_store %arg8[%swap3A_209, %swap3A_210], %swap3A_213 {strides = array<i32>} : memref<16x128xf32, #tpu.memory_space<vmem>>, vector<1x16xf32>,
    %swap3A_214 = arith.constant 2 : i32
    %swap3A_215 = arith.index_cast %swap3A_214 : i32 to index
    %swap3A_216 = arith.constant 32 : index
    %swap3A_217 = tpu.vector_load %arg8[%swap3A_215, %swap3A_216] {strides = array<i32>} : memref<16x128xf32, #tpu.memory_space<vmem>>, vector<1x16xf32>,
    %swap3A_218 = vector.shape_cast %swap3A_217 : vector<1x16xf32> to vector<16xf32>
    %swap3A_219 = vector.shape_cast %broadcast_in_dim3A_106 : vector<16xf32> to vector<1x16xf32>
    tpu.vector_store %arg8[%swap3A_215, %swap3A_216], %swap3A_219 {strides = array<i32>} : memref<16x128xf32, #tpu.memory_space<vmem>>, vector<1x16xf32>,
    %swap3A_220 = arith.constant 2 : i32
    %swap3A_221 = arith.index_cast %swap3A_220 : i32 to index
    %swap3A_222 = arith.constant 48 : index
    %swap3A_223 = tpu.vector_load %arg8[%swap3A_221, %swap3A_222] {strides = array<i32>} : memref<16x128xf32, #tpu.memory_space<vmem>>, vector<1x16xf32>,
    %swap3A_224 = vector.shape_cast %swap3A_223 : vector<1x16xf32> to vector<16xf32>
    %swap3A_225 = vector.shape_cast %broadcast_in_dim3A_106 : vector<16xf32> to vector<1x16xf32>
    tpu.vector_store %arg8[%swap3A_221, %swap3A_222], %swap3A_225 {strides = array<i32>} : memref<16x128xf32, #tpu.memory_space<vmem>>, vector<1x16xf32>,
    %swap3A_226 = arith.constant 2 : i32
    %swap3A_227 = arith.index_cast %swap3A_226 : i32 to index
    %swap3A_228 = arith.constant 64 : index
    %swap3A_229 = tpu.vector_load %arg8[%swap3A_227, %swap3A_228] {strides = array<i32>} : memref<16x128xf32, #tpu.memory_space<vmem>>, vector<1x16xf32>,
    %swap3A_230 = vector.shape_cast %swap3A_229 : vector<1x16xf32> to vector<16xf32>
    %swap3A_231 = vector.shape_cast %broadcast_in_dim3A_106 : vector<16xf32> to vector<1x16xf32>
    tpu.vector_store %arg8[%swap3A_227, %swap3A_228], %swap3A_231 {strides = array<i32>} : memref<16x128xf32, #tpu.memory_space<vmem>>, vector<1x16xf32>,
    %swap3A_232 = arith.constant 2 : i32
    %swap3A_233 = arith.index_cast %swap3A_232 : i32 to index
    %swap3A_234 = arith.constant 80 : index
    %swap3A_235 = tpu.vector_load %arg8[%swap3A_233, %swap3A_234] {strides = array<i32>} : memref<16x128xf32, #tpu.memory_space<vmem>>, vector<1x16xf32>,
    %swap3A_236 = vector.shape_cast %swap3A_235 : vector<1x16xf32> to vector<16xf32>
    %swap3A_237 = vector.shape_cast %broadcast_in_dim3A_106 : vector<16xf32> to vector<1x16xf32>
    tpu.vector_store %arg8[%swap3A_233, %swap3A_234], %swap3A_237 {strides = array<i32>} : memref<16x128xf32, #tpu.memory_space<vmem>>, vector<1x16xf32>,
    %swap3A_238 = arith.constant 2 : i32
    %swap3A_239 = arith.index_cast %swap3A_238 : i32 to index
    %swap3A_240 = arith.constant 96 : index
    %swap3A_241 = tpu.vector_load %arg8[%swap3A_239, %swap3A_240] {strides = array<i32>} : memref<16x128xf32, #tpu.memory_space<vmem>>, vector<1x16xf32>,
    %swap3A_242 = vector.shape_cast %swap3A_241 : vector<1x16xf32> to vector<16xf32>
    %swap3A_243 = vector.shape_cast %broadcast_in_dim3A_106 : vector<16xf32> to vector<1x16xf32>
    tpu.vector_store %arg8[%swap3A_239, %swap3A_240], %swap3A_243 {strides = array<i32>} : memref<16x128xf32, #tpu.memory_space<vmem>>, vector<1x16xf32>,
    %swap3A_244 = arith.constant 2 : i32
    %swap3A_245 = arith.index_cast %swap3A_244 : i32 to index
    %swap3A_246 = arith.constant 112 : index
    %swap3A_247 = tpu.vector_load %arg8[%swap3A_245, %swap3A_246] {strides = array<i32>} : memref<16x128xf32, #tpu.memory_space<vmem>>, vector<1x16xf32>,
    %swap3A_248 = vector.shape_cast %swap3A_247 : vector<1x16xf32> to vector<16xf32>
    %swap3A_249 = vector.shape_cast %broadcast_in_dim3A_106 : vector<16xf32> to vector<1x16xf32>
    tpu.vector_store %arg8[%swap3A_245, %swap3A_246], %swap3A_249 {strides = array<i32>} : memref<16x128xf32, #tpu.memory_space<vmem>>, vector<1x16xf32>,
    %swap3A_250 = arith.constant 3 : i32
    %swap3A_251 = arith.index_cast %swap3A_250 : i32 to index
    %swap3A_252 = arith.constant 0 : index
    %swap3A_253 = tpu.vector_load %arg8[%swap3A_251, %swap3A_252] {strides = array<i32>} : memref<16x128xf32, #tpu.memory_space<vmem>>, vector<1x16xf32>,
    %swap3A_254 = vector.shape_cast %swap3A_253 : vector<1x16xf32> to vector<16xf32>
    %swap3A_255 = vector.shape_cast %broadcast_in_dim3A_106 : vector<16xf32> to vector<1x16xf32>
    tpu.vector_store %arg8[%swap3A_251, %swap3A_252], %swap3A_255 {strides = array<i32>} : memref<16x128xf32, #tpu.memory_space<vmem>>, vector<1x16xf32>,
    %swap3A_256 = arith.constant 3 : i32
    %swap3A_257 = arith.index_cast %swap3A_256 : i32 to index
    %swap3A_258 = arith.constant 16 : index
    %swap3A_259 = tpu.vector_load %arg8[%swap3A_257, %swap3A_258] {strides = array<i32>} : memref<16x128xf32, #tpu.memory_space<vmem>>, vector<1x16xf32>,
    %swap3A_260 = vector.shape_cast %swap3A_259 : vector<1x16xf32> to vector<16xf32>
    %swap3A_261 = vector.shape_cast %broadcast_in_dim3A_106 : vector<16xf32> to vector<1x16xf32>
    tpu.vector_store %arg8[%swap3A_257, %swap3A_258], %swap3A_261 {strides = array<i32>} : memref<16x128xf32, #tpu.memory_space<vmem>>, vector<1x16xf32>,
    %swap3A_262 = arith.constant 3 : i32
    %swap3A_263 = arith.index_cast %swap3A_262 : i32 to index
    %swap3A_264 = arith.constant 32 : index
    %swap3A_265 = tpu.vector_load %arg8[%swap3A_263, %swap3A_264] {strides = array<i32>} : memref<16x128xf32, #tpu.memory_space<vmem>>, vector<1x16xf32>,
    %swap3A_266 = vector.shape_cast %swap3A_265 : vector<1x16xf32> to vector<16xf32>
    %swap3A_267 = vector.shape_cast %broadcast_in_dim3A_106 : vector<16xf32> to vector<1x16xf32>
    tpu.vector_store %arg8[%swap3A_263, %swap3A_264], %swap3A_267 {strides = array<i32>} : memref<16x128xf32, #tpu.memory_space<vmem>>, vector<1x16xf32>,
    %swap3A_268 = arith.constant 3 : i32
    %swap3A_269 = arith.index_cast %swap3A_268 : i32 to index
    %swap3A_270 = arith.constant 48 : index
    %swap3A_271 = tpu.vector_load %arg8[%swap3A_269, %swap3A_270] {strides = array<i32>} : memref<16x128xf32, #tpu.memory_space<vmem>>, vector<1x16xf32>,
    %swap3A_272 = vector.shape_cast %swap3A_271 : vector<1x16xf32> to vector<16xf32>
    %swap3A_273 = vector.shape_cast %broadcast_in_dim3A_106 : vector<16xf32> to vector<1x16xf32>
    tpu.vector_store %arg8[%swap3A_269, %swap3A_270], %swap3A_273 {strides = array<i32>} : memref<16x128xf32, #tpu.memory_space<vmem>>, vector<1x16xf32>,
    %swap3A_274 = arith.constant 3 : i32
    %swap3A_275 = arith.index_cast %swap3A_274 : i32 to index
    %swap3A_276 = arith.constant 64 : index
    %swap3A_277 = tpu.vector_load %arg8[%swap3A_275, %swap3A_276] {strides = array<i32>} : memref<16x128xf32, #tpu.memory_space<vmem>>, vector<1x16xf32>,
    %swap3A_278 = vector.shape_cast %swap3A_277 : vector<1x16xf32> to vector<16xf32>
    %swap3A_279 = vector.shape_cast %broadcast_in_dim3A_106 : vector<16xf32> to vector<1x16xf32>
    tpu.vector_store %arg8[%swap3A_275, %swap3A_276], %swap3A_279 {strides = array<i32>} : memref<16x128xf32, #tpu.memory_space<vmem>>, vector<1x16xf32>,
    %swap3A_280 = arith.constant 3 : i32
    %swap3A_281 = arith.index_cast %swap3A_280 : i32 to index
    %swap3A_282 = arith.constant 80 : index
    %swap3A_283 = tpu.vector_load %arg8[%swap3A_281, %swap3A_282] {strides = array<i32>} : memref<16x128xf32, #tpu.memory_space<vmem>>, vector<1x16xf32>,
    %swap3A_284 = vector.shape_cast %swap3A_283 : vector<1x16xf32> to vector<16xf32>
    %swap3A_285 = vector.shape_cast %broadcast_in_dim3A_106 : vector<16xf32> to vector<1x16xf32>
    tpu.vector_store %arg8[%swap3A_281, %swap3A_282], %swap3A_285 {strides = array<i32>} : memref<16x128xf32, #tpu.memory_space<vmem>>, vector<1x16xf32>,
    %swap3A_286 = arith.constant 3 : i32
    %swap3A_287 = arith.index_cast %swap3A_286 : i32 to index
    %swap3A_288 = arith.constant 96 : index
    %swap3A_289 = tpu.vector_load %arg8[%swap3A_287, %swap3A_288] {strides = array<i32>} : memref<16x128xf32, #tpu.memory_space<vmem>>, vector<1x16xf32>,
    %swap3A_290 = vector.shape_cast %swap3A_289 : vector<1x16xf32> to vector<16xf32>
    %swap3A_291 = vector.shape_cast %broadcast_in_dim3A_106 : vector<16xf32> to vector<1x16xf32>
    tpu.vector_store %arg8[%swap3A_287, %swap3A_288], %swap3A_291 {strides = array<i32>} : memref<16x128xf32, #tpu.memory_space<vmem>>, vector<1x16xf32>,
    %swap3A_292 = arith.constant 3 : i32
    %swap3A_293 = arith.index_cast %swap3A_292 : i32 to index
    %swap3A_294 = arith.constant 112 : index
    %swap3A_295 = tpu.vector_load %arg8[%swap3A_293, %swap3A_294] {strides = array<i32>} : memref<16x128xf32, #tpu.memory_space<vmem>>, vector<1x16xf32>,
    %swap3A_296 = vector.shape_cast %swap3A_295 : vector<1x16xf32> to vector<16xf32>
    %swap3A_297 = vector.shape_cast %broadcast_in_dim3A_106 : vector<16xf32> to vector<1x16xf32>
    tpu.vector_store %arg8[%swap3A_293, %swap3A_294], %swap3A_297 {strides = array<i32>} : memref<16x128xf32, #tpu.memory_space<vmem>>, vector<1x16xf32>,
    %swap3A_298 = arith.constant 4 : i32
    %swap3A_299 = arith.index_cast %swap3A_298 : i32 to index
    %swap3A_300 = arith.constant 0 : index
    %swap3A_301 = tpu.vector_load %arg8[%swap3A_299, %swap3A_300] {strides = array<i32>} : memref<16x128xf32, #tpu.memory_space<vmem>>, vector<1x16xf32>,
    %swap3A_302 = vector.shape_cast %swap3A_301 : vector<1x16xf32> to vector<16xf32>
    %swap3A_303 = vector.shape_cast %broadcast_in_dim3A_106 : vector<16xf32> to vector<1x16xf32>
    tpu.vector_store %arg8[%swap3A_299, %swap3A_300], %swap3A_303 {strides = array<i32>} : memref<16x128xf32, #tpu.memory_space<vmem>>, vector<1x16xf32>,
    %swap3A_304 = arith.constant 4 : i32
    %swap3A_305 = arith.index_cast %swap3A_304 : i32 to index
    %swap3A_306 = arith.constant 16 : index
    %swap3A_307 = tpu.vector_load %arg8[%swap3A_305, %swap3A_306] {strides = array<i32>} : memref<16x128xf32, #tpu.memory_space<vmem>>, vector<1x16xf32>,
    %swap3A_308 = vector.shape_cast %swap3A_307 : vector<1x16xf32> to vector<16xf32>
    %swap3A_309 = vector.shape_cast %broadcast_in_dim3A_106 : vector<16xf32> to vector<1x16xf32>
    tpu.vector_store %arg8[%swap3A_305, %swap3A_306], %swap3A_309 {strides = array<i32>} : memref<16x128xf32, #tpu.memory_space<vmem>>, vector<1x16xf32>,
    %swap3A_310 = arith.constant 4 : i32
    %swap3A_311 = arith.index_cast %swap3A_310 : i32 to index
    %swap3A_312 = arith.constant 32 : index
    %swap3A_313 = tpu.vector_load %arg8[%swap3A_311, %swap3A_312] {strides = array<i32>} : memref<16x128xf32, #tpu.memory_space<vmem>>, vector<1x16xf32>,
    %swap3A_314 = vector.shape_cast %swap3A_313 : vector<1x16xf32> to vector<16xf32>
    %swap3A_315 = vector.shape_cast %broadcast_in_dim3A_106 : vector<16xf32> to vector<1x16xf32>
    tpu.vector_store %arg8[%swap3A_311, %swap3A_312], %swap3A_315 {strides = array<i32>} : memref<16x128xf32, #tpu.memory_space<vmem>>, vector<1x16xf32>,
    %swap3A_316 = arith.constant 4 : i32
    %swap3A_317 = arith.index_cast %swap3A_316 : i32 to index
    %swap3A_318 = arith.constant 48 : index
    %swap3A_319 = tpu.vector_load %arg8[%swap3A_317, %swap3A_318] {strides = array<i32>} : memref<16x128xf32, #tpu.memory_space<vmem>>, vector<1x16xf32>,
    %swap3A_320 = vector.shape_cast %swap3A_319 : vector<1x16xf32> to vector<16xf32>
    %swap3A_321 = vector.shape_cast %broadcast_in_dim3A_106 : vector<16xf32> to vector<1x16xf32>
    tpu.vector_store %arg8[%swap3A_317, %swap3A_318], %swap3A_321 {strides = array<i32>} : memref<16x128xf32, #tpu.memory_space<vmem>>, vector<1x16xf32>,
    %swap3A_322 = arith.constant 4 : i32
    %swap3A_323 = arith.index_cast %swap3A_322 : i32 to index
    %swap3A_324 = arith.constant 64 : index
    %swap3A_325 = tpu.vector_load %arg8[%swap3A_323, %swap3A_324] {strides = array<i32>} : memref<16x128xf32, #tpu.memory_space<vmem>>, vector<1x16xf32>,
    %swap3A_326 = vector.shape_cast %swap3A_325 : vector<1x16xf32> to vector<16xf32>
    %swap3A_327 = vector.shape_cast %broadcast_in_dim3A_106 : vector<16xf32> to vector<1x16xf32>
    tpu.vector_store %arg8[%swap3A_323, %swap3A_324], %swap3A_327 {strides = array<i32>} : memref<16x128xf32, #tpu.memory_space<vmem>>, vector<1x16xf32>,
    %swap3A_328 = arith.constant 4 : i32
    %swap3A_329 = arith.index_cast %swap3A_328 : i32 to index
    %swap3A_330 = arith.constant 80 : index
    %swap3A_331 = tpu.vector_load %arg8[%swap3A_329, %swap3A_330] {strides = array<i32>} : memref<16x128xf32, #tpu.memory_space<vmem>>, vector<1x16xf32>,
    %swap3A_332 = vector.shape_cast %swap3A_331 : vector<1x16xf32> to vector<16xf32>
    %swap3A_333 = vector.shape_cast %broadcast_in_dim3A_106 : vector<16xf32> to vector<1x16xf32>
    tpu.vector_store %arg8[%swap3A_329, %swap3A_330], %swap3A_333 {strides = array<i32>} : memref<16x128xf32, #tpu.memory_space<vmem>>, vector<1x16xf32>,
    %swap3A_334 = arith.constant 4 : i32
    %swap3A_335 = arith.index_cast %swap3A_334 : i32 to index
    %swap3A_336 = arith.constant 96 : index
    %swap3A_337 = tpu.vector_load %arg8[%swap3A_335, %swap3A_336] {strides = array<i32>} : memref<16x128xf32, #tpu.memory_space<vmem>>, vector<1x16xf32>,
    %swap3A_338 = vector.shape_cast %swap3A_337 : vector<1x16xf32> to vector<16xf32>
    %swap3A_339 = vector.shape_cast %broadcast_in_dim3A_106 : vector<16xf32> to vector<1x16xf32>
    tpu.vector_store %arg8[%swap3A_335, %swap3A_336], %swap3A_339 {strides = array<i32>} : memref<16x128xf32, #tpu.memory_space<vmem>>, vector<1x16xf32>,
    %swap3A_340 = arith.constant 4 : i32
    %swap3A_341 = arith.index_cast %swap3A_340 : i32 to index
    %swap3A_342 = arith.constant 112 : index
    %swap3A_343 = tpu.vector_load %arg8[%swap3A_341, %swap3A_342] {strides = array<i32>} : memref<16x128xf32, #tpu.memory_space<vmem>>, vector<1x16xf32>,
    %swap3A_344 = vector.shape_cast %swap3A_343 : vector<1x16xf32> to vector<16xf32>
    %swap3A_345 = vector.shape_cast %broadcast_in_dim3A_106 : vector<16xf32> to vector<1x16xf32>
    tpu.vector_store %arg8[%swap3A_341, %swap3A_342], %swap3A_345 {strides = array<i32>} : memref<16x128xf32, #tpu.memory_space<vmem>>, vector<1x16xf32>,
    %swap3A_346 = arith.constant 5 : i32
    %swap3A_347 = arith.index_cast %swap3A_346 : i32 to index
    %swap3A_348 = arith.constant 0 : index
    %swap3A_349 = tpu.vector_load %arg8[%swap3A_347, %swap3A_348] {strides = array<i32>} : memref<16x128xf32, #tpu.memory_space<vmem>>, vector<1x16xf32>,
    %swap3A_350 = vector.shape_cast %swap3A_349 : vector<1x16xf32> to vector<16xf32>
    %swap3A_351 = vector.shape_cast %broadcast_in_dim3A_106 : vector<16xf32> to vector<1x16xf32>
    tpu.vector_store %arg8[%swap3A_347, %swap3A_348], %swap3A_351 {strides = array<i32>} : memref<16x128xf32, #tpu.memory_space<vmem>>, vector<1x16xf32>,
    %swap3A_352 = arith.constant 5 : i32
    %swap3A_353 = arith.index_cast %swap3A_352 : i32 to index
    %swap3A_354 = arith.constant 16 : index
    %swap3A_355 = tpu.vector_load %arg8[%swap3A_353, %swap3A_354] {strides = array<i32>} : memref<16x128xf32, #tpu.memory_space<vmem>>, vector<1x16xf32>,
    %swap3A_356 = vector.shape_cast %swap3A_355 : vector<1x16xf32> to vector<16xf32>
    %swap3A_357 = vector.shape_cast %broadcast_in_dim3A_106 : vector<16xf32> to vector<1x16xf32>
    tpu.vector_store %arg8[%swap3A_353, %swap3A_354], %swap3A_357 {strides = array<i32>} : memref<16x128xf32, #tpu.memory_space<vmem>>, vector<1x16xf32>,
    %swap3A_358 = arith.constant 5 : i32
    %swap3A_359 = arith.index_cast %swap3A_358 : i32 to index
    %swap3A_360 = arith.constant 32 : index
    %swap3A_361 = tpu.vector_load %arg8[%swap3A_359, %swap3A_360] {strides = array<i32>} : memref<16x128xf32, #tpu.memory_space<vmem>>, vector<1x16xf32>,
    %swap3A_362 = vector.shape_cast %swap3A_361 : vector<1x16xf32> to vector<16xf32>
    %swap3A_363 = vector.shape_cast %broadcast_in_dim3A_106 : vector<16xf32> to vector<1x16xf32>
    tpu.vector_store %arg8[%swap3A_359, %swap3A_360], %swap3A_363 {strides = array<i32>} : memref<16x128xf32, #tpu.memory_space<vmem>>, vector<1x16xf32>,
    %swap3A_364 = arith.constant 5 : i32
    %swap3A_365 = arith.index_cast %swap3A_364 : i32 to index
    %swap3A_366 = arith.constant 48 : index
    %swap3A_367 = tpu.vector_load %arg8[%swap3A_365, %swap3A_366] {strides = array<i32>} : memref<16x128xf32, #tpu.memory_space<vmem>>, vector<1x16xf32>,
    %swap3A_368 = vector.shape_cast %swap3A_367 : vector<1x16xf32> to vector<16xf32>
    %swap3A_369 = vector.shape_cast %broadcast_in_dim3A_106 : vector<16xf32> to vector<1x16xf32>
    tpu.vector_store %arg8[%swap3A_365, %swap3A_366], %swap3A_369 {strides = array<i32>} : memref<16x128xf32, #tpu.memory_space<vmem>>, vector<1x16xf32>,
    %swap3A_370 = arith.constant 5 : i32
    %swap3A_371 = arith.index_cast %swap3A_370 : i32 to index
    %swap3A_372 = arith.constant 64 : index
    %swap3A_373 = tpu.vector_load %arg8[%swap3A_371, %swap3A_372] {strides = array<i32>} : memref<16x128xf32, #tpu.memory_space<vmem>>, vector<1x16xf32>,
    %swap3A_374 = vector.shape_cast %swap3A_373 : vector<1x16xf32> to vector<16xf32>
    %swap3A_375 = vector.shape_cast %broadcast_in_dim3A_106 : vector<16xf32> to vector<1x16xf32>
    tpu.vector_store %arg8[%swap3A_371, %swap3A_372], %swap3A_375 {strides = array<i32>} : memref<16x128xf32, #tpu.memory_space<vmem>>, vector<1x16xf32>,
    %swap3A_376 = arith.constant 5 : i32
    %swap3A_377 = arith.index_cast %swap3A_376 : i32 to index
    %swap3A_378 = arith.constant 80 : index
    %swap3A_379 = tpu.vector_load %arg8[%swap3A_377, %swap3A_378] {strides = array<i32>} : memref<16x128xf32, #tpu.memory_space<vmem>>, vector<1x16xf32>,
    %swap3A_380 = vector.shape_cast %swap3A_379 : vector<1x16xf32> to vector<16xf32>
    %swap3A_381 = vector.shape_cast %broadcast_in_dim3A_106 : vector<16xf32> to vector<1x16xf32>
    tpu.vector_store %arg8[%swap3A_377, %swap3A_378], %swap3A_381 {strides = array<i32>} : memref<16x128xf32, #tpu.memory_space<vmem>>, vector<1x16xf32>,
    %swap3A_382 = arith.constant 5 : i32
    %swap3A_383 = arith.index_cast %swap3A_382 : i32 to index
    %swap3A_384 = arith.constant 96 : index
    %swap3A_385 = tpu.vector_load %arg8[%swap3A_383, %swap3A_384] {strides = array<i32>} : memref<16x128xf32, #tpu.memory_space<vmem>>, vector<1x16xf32>,
    %swap3A_386 = vector.shape_cast %swap3A_385 : vector<1x16xf32> to vector<16xf32>
    %swap3A_387 = vector.shape_cast %broadcast_in_dim3A_106 : vector<16xf32> to vector<1x16xf32>
    tpu.vector_store %arg8[%swap3A_383, %swap3A_384], %swap3A_387 {strides = array<i32>} : memref<16x128xf32, #tpu.memory_space<vmem>>, vector<1x16xf32>,
    %swap3A_388 = arith.constant 5 : i32
    %swap3A_389 = arith.index_cast %swap3A_388 : i32 to index
    %swap3A_390 = arith.constant 112 : index
    %swap3A_391 = tpu.vector_load %arg8[%swap3A_389, %swap3A_390] {strides = array<i32>} : memref<16x128xf32, #tpu.memory_space<vmem>>, vector<1x16xf32>,
    %swap3A_392 = vector.shape_cast %swap3A_391 : vector<1x16xf32> to vector<16xf32>
    %swap3A_393 = vector.shape_cast %broadcast_in_dim3A_106 : vector<16xf32> to vector<1x16xf32>
    tpu.vector_store %arg8[%swap3A_389, %swap3A_390], %swap3A_393 {strides = array<i32>} : memref<16x128xf32, #tpu.memory_space<vmem>>, vector<1x16xf32>,
    %swap3A_394 = arith.constant 6 : i32
    %swap3A_395 = arith.index_cast %swap3A_394 : i32 to index
    %swap3A_396 = arith.constant 0 : index
    %swap3A_397 = tpu.vector_load %arg8[%swap3A_395, %swap3A_396] {strides = array<i32>} : memref<16x128xf32, #tpu.memory_space<vmem>>, vector<1x16xf32>,
    %swap3A_398 = vector.shape_cast %swap3A_397 : vector<1x16xf32> to vector<16xf32>
    %swap3A_399 = vector.shape_cast %broadcast_in_dim3A_106 : vector<16xf32> to vector<1x16xf32>
    tpu.vector_store %arg8[%swap3A_395, %swap3A_396], %swap3A_399 {strides = array<i32>} : memref<16x128xf32, #tpu.memory_space<vmem>>, vector<1x16xf32>,
    %swap3A_400 = arith.constant 6 : i32
    %swap3A_401 = arith.index_cast %swap3A_400 : i32 to index
    %swap3A_402 = arith.constant 16 : index
    %swap3A_403 = tpu.vector_load %arg8[%swap3A_401, %swap3A_402] {strides = array<i32>} : memref<16x128xf32, #tpu.memory_space<vmem>>, vector<1x16xf32>,
    %swap3A_404 = vector.shape_cast %swap3A_403 : vector<1x16xf32> to vector<16xf32>
    %swap3A_405 = vector.shape_cast %broadcast_in_dim3A_106 : vector<16xf32> to vector<1x16xf32>
    tpu.vector_store %arg8[%swap3A_401, %swap3A_402], %swap3A_405 {strides = array<i32>} : memref<16x128xf32, #tpu.memory_space<vmem>>, vector<1x16xf32>,
    %swap3A_406 = arith.constant 6 : i32
    %swap3A_407 = arith.index_cast %swap3A_406 : i32 to index
    %swap3A_408 = arith.constant 32 : index
    %swap3A_409 = tpu.vector_load %arg8[%swap3A_407, %swap3A_408] {strides = array<i32>} : memref<16x128xf32, #tpu.memory_space<vmem>>, vector<1x16xf32>,
    %swap3A_410 = vector.shape_cast %swap3A_409 : vector<1x16xf32> to vector<16xf32>
    %swap3A_411 = vector.shape_cast %broadcast_in_dim3A_106 : vector<16xf32> to vector<1x16xf32>
    tpu.vector_store %arg8[%swap3A_407, %swap3A_408], %swap3A_411 {strides = array<i32>} : memref<16x128xf32, #tpu.memory_space<vmem>>, vector<1x16xf32>,
    %swap3A_412 = arith.constant 6 : i32
    %swap3A_413 = arith.index_cast %swap3A_412 : i32 to index
    %swap3A_414 = arith.constant 48 : index
    %swap3A_415 = tpu.vector_load %arg8[%swap3A_413, %swap3A_414] {strides = array<i32>} : memref<16x128xf32, #tpu.memory_space<vmem>>, vector<1x16xf32>,
    %swap3A_416 = vector.shape_cast %swap3A_415 : vector<1x16xf32> to vector<16xf32>
    %swap3A_417 = vector.shape_cast %broadcast_in_dim3A_106 : vector<16xf32> to vector<1x16xf32>
    tpu.vector_store %arg8[%swap3A_413, %swap3A_414], %swap3A_417 {strides = array<i32>} : memref<16x128xf32, #tpu.memory_space<vmem>>, vector<1x16xf32>,
    %swap3A_418 = arith.constant 6 : i32
    %swap3A_419 = arith.index_cast %swap3A_418 : i32 to index
    %swap3A_420 = arith.constant 64 : index
    %swap3A_421 = tpu.vector_load %arg8[%swap3A_419, %swap3A_420] {strides = array<i32>} : memref<16x128xf32, #tpu.memory_space<vmem>>, vector<1x16xf32>,
    %swap3A_422 = vector.shape_cast %swap3A_421 : vector<1x16xf32> to vector<16xf32>
    %swap3A_423 = vector.shape_cast %broadcast_in_dim3A_106 : vector<16xf32> to vector<1x16xf32>
    tpu.vector_store %arg8[%swap3A_419, %swap3A_420], %swap3A_423 {strides = array<i32>} : memref<16x128xf32, #tpu.memory_space<vmem>>, vector<1x16xf32>,
    %swap3A_424 = arith.constant 6 : i32
    %swap3A_425 = arith.index_cast %swap3A_424 : i32 to index
    %swap3A_426 = arith.constant 80 : index
    %swap3A_427 = tpu.vector_load %arg8[%swap3A_425, %swap3A_426] {strides = array<i32>} : memref<16x128xf32, #tpu.memory_space<vmem>>, vector<1x16xf32>,
    %swap3A_428 = vector.shape_cast %swap3A_427 : vector<1x16xf32> to vector<16xf32>
    %swap3A_429 = vector.shape_cast %broadcast_in_dim3A_106 : vector<16xf32> to vector<1x16xf32>
    tpu.vector_store %arg8[%swap3A_425, %swap3A_426], %swap3A_429 {strides = array<i32>} : memref<16x128xf32, #tpu.memory_space<vmem>>, vector<1x16xf32>,
    %swap3A_430 = arith.constant 6 : i32
    %swap3A_431 = arith.index_cast %swap3A_430 : i32 to index
    %swap3A_432 = arith.constant 96 : index
    %swap3A_433 = tpu.vector_load %arg8[%swap3A_431, %swap3A_432] {strides = array<i32>} : memref<16x128xf32, #tpu.memory_space<vmem>>, vector<1x16xf32>,
    %swap3A_434 = vector.shape_cast %swap3A_433 : vector<1x16xf32> to vector<16xf32>
    %swap3A_435 = vector.shape_cast %broadcast_in_dim3A_106 : vector<16xf32> to vector<1x16xf32>
    tpu.vector_store %arg8[%swap3A_431, %swap3A_432], %swap3A_435 {strides = array<i32>} : memref<16x128xf32, #tpu.memory_space<vmem>>, vector<1x16xf32>,
    %swap3A_436 = arith.constant 6 : i32
    %swap3A_437 = arith.index_cast %swap3A_436 : i32 to index
    %swap3A_438 = arith.constant 112 : index
    %swap3A_439 = tpu.vector_load %arg8[%swap3A_437, %swap3A_438] {strides = array<i32>} : memref<16x128xf32, #tpu.memory_space<vmem>>, vector<1x16xf32>,
    %swap3A_440 = vector.shape_cast %swap3A_439 : vector<1x16xf32> to vector<16xf32>
    %swap3A_441 = vector.shape_cast %broadcast_in_dim3A_106 : vector<16xf32> to vector<1x16xf32>
    tpu.vector_store %arg8[%swap3A_437, %swap3A_438], %swap3A_441 {strides = array<i32>} : memref<16x128xf32, #tpu.memory_space<vmem>>, vector<1x16xf32>,
    %swap3A_442 = arith.constant 7 : i32
    %swap3A_443 = arith.index_cast %swap3A_442 : i32 to index
    %swap3A_444 = arith.constant 0 : index
    %swap3A_445 = tpu.vector_load %arg8[%swap3A_443, %swap3A_444] {strides = array<i32>} : memref<16x128xf32, #tpu.memory_space<vmem>>, vector<1x16xf32>,
    %swap3A_446 = vector.shape_cast %swap3A_445 : vector<1x16xf32> to vector<16xf32>
    %swap3A_447 = vector.shape_cast %broadcast_in_dim3A_106 : vector<16xf32> to vector<1x16xf32>
    tpu.vector_store %arg8[%swap3A_443, %swap3A_444], %swap3A_447 {strides = array<i32>} : memref<16x128xf32, #tpu.memory_space<vmem>>, vector<1x16xf32>,
    %swap3A_448 = arith.constant 7 : i32
    %swap3A_449 = arith.index_cast %swap3A_448 : i32 to index
    %swap3A_450 = arith.constant 16 : index
    %swap3A_451 = tpu.vector_load %arg8[%swap3A_449, %swap3A_450] {strides = array<i32>} : memref<16x128xf32, #tpu.memory_space<vmem>>, vector<1x16xf32>,
    %swap3A_452 = vector.shape_cast %swap3A_451 : vector<1x16xf32> to vector<16xf32>
    %swap3A_453 = vector.shape_cast %broadcast_in_dim3A_106 : vector<16xf32> to vector<1x16xf32>
    tpu.vector_store %arg8[%swap3A_449, %swap3A_450], %swap3A_453 {strides = array<i32>} : memref<16x128xf32, #tpu.memory_space<vmem>>, vector<1x16xf32>,
    %swap3A_454 = arith.constant 7 : i32
    %swap3A_455 = arith.index_cast %swap3A_454 : i32 to index
    %swap3A_456 = arith.constant 32 : index
    %swap3A_457 = tpu.vector_load %arg8[%swap3A_455, %swap3A_456] {strides = array<i32>} : memref<16x128xf32, #tpu.memory_space<vmem>>, vector<1x16xf32>,
    %swap3A_458 = vector.shape_cast %swap3A_457 : vector<1x16xf32> to vector<16xf32>
    %swap3A_459 = vector.shape_cast %broadcast_in_dim3A_106 : vector<16xf32> to vector<1x16xf32>
    tpu.vector_store %arg8[%swap3A_455, %swap3A_456], %swap3A_459 {strides = array<i32>} : memref<16x128xf32, #tpu.memory_space<vmem>>, vector<1x16xf32>,
    %swap3A_460 = arith.constant 7 : i32
    %swap3A_461 = arith.index_cast %swap3A_460 : i32 to index
    %swap3A_462 = arith.constant 48 : index
    %swap3A_463 = tpu.vector_load %arg8[%swap3A_461, %swap3A_462] {strides = array<i32>} : memref<16x128xf32, #tpu.memory_space<vmem>>, vector<1x16xf32>,
    %swap3A_464 = vector.shape_cast %swap3A_463 : vector<1x16xf32> to vector<16xf32>
    %swap3A_465 = vector.shape_cast %broadcast_in_dim3A_106 : vector<16xf32> to vector<1x16xf32>
    tpu.vector_store %arg8[%swap3A_461, %swap3A_462], %swap3A_465 {strides = array<i32>} : memref<16x128xf32, #tpu.memory_space<vmem>>, vector<1x16xf32>,
    %swap3A_466 = arith.constant 7 : i32
    %swap3A_467 = arith.index_cast %swap3A_466 : i32 to index
    %swap3A_468 = arith.constant 64 : index
    %swap3A_469 = tpu.vector_load %arg8[%swap3A_467, %swap3A_468] {strides = array<i32>} : memref<16x128xf32, #tpu.memory_space<vmem>>, vector<1x16xf32>,
    %swap3A_470 = vector.shape_cast %swap3A_469 : vector<1x16xf32> to vector<16xf32>
    %swap3A_471 = vector.shape_cast %broadcast_in_dim3A_106 : vector<16xf32> to vector<1x16xf32>
    tpu.vector_store %arg8[%swap3A_467, %swap3A_468], %swap3A_471 {strides = array<i32>} : memref<16x128xf32, #tpu.memory_space<vmem>>, vector<1x16xf32>,
    %swap3A_472 = arith.constant 7 : i32
    %swap3A_473 = arith.index_cast %swap3A_472 : i32 to index
    %swap3A_474 = arith.constant 80 : index
    %swap3A_475 = tpu.vector_load %arg8[%swap3A_473, %swap3A_474] {strides = array<i32>} : memref<16x128xf32, #tpu.memory_space<vmem>>, vector<1x16xf32>,
    %swap3A_476 = vector.shape_cast %swap3A_475 : vector<1x16xf32> to vector<16xf32>
    %swap3A_477 = vector.shape_cast %broadcast_in_dim3A_106 : vector<16xf32> to vector<1x16xf32>
    tpu.vector_store %arg8[%swap3A_473, %swap3A_474], %swap3A_477 {strides = array<i32>} : memref<16x128xf32, #tpu.memory_space<vmem>>, vector<1x16xf32>,
    %swap3A_478 = arith.constant 7 : i32
    %swap3A_479 = arith.index_cast %swap3A_478 : i32 to index
    %swap3A_480 = arith.constant 96 : index
    %swap3A_481 = tpu.vector_load %arg8[%swap3A_479, %swap3A_480] {strides = array<i32>} : memref<16x128xf32, #tpu.memory_space<vmem>>, vector<1x16xf32>,
    %swap3A_482 = vector.shape_cast %swap3A_481 : vector<1x16xf32> to vector<16xf32>
    %swap3A_483 = vector.shape_cast %broadcast_in_dim3A_106 : vector<16xf32> to vector<1x16xf32>
    tpu.vector_store %arg8[%swap3A_479, %swap3A_480], %swap3A_483 {strides = array<i32>} : memref<16x128xf32, #tpu.memory_space<vmem>>, vector<1x16xf32>,
    %swap3A_484 = arith.constant 7 : i32
    %swap3A_485 = arith.index_cast %swap3A_484 : i32 to index
    %swap3A_486 = arith.constant 112 : index
    %swap3A_487 = tpu.vector_load %arg8[%swap3A_485, %swap3A_486] {strides = array<i32>} : memref<16x128xf32, #tpu.memory_space<vmem>>, vector<1x16xf32>,
    %swap3A_488 = vector.shape_cast %swap3A_487 : vector<1x16xf32> to vector<16xf32>
    %swap3A_489 = vector.shape_cast %broadcast_in_dim3A_106 : vector<16xf32> to vector<1x16xf32>
    tpu.vector_store %arg8[%swap3A_485, %swap3A_486], %swap3A_489 {strides = array<i32>} : memref<16x128xf32, #tpu.memory_space<vmem>>, vector<1x16xf32>,
    %swap3A_490 = arith.constant 8 : i32
    %swap3A_491 = arith.index_cast %swap3A_490 : i32 to index
    %swap3A_492 = arith.constant 0 : index
    %swap3A_493 = tpu.vector_load %arg8[%swap3A_491, %swap3A_492] {strides = array<i32>} : memref<16x128xf32, #tpu.memory_space<vmem>>, vector<1x16xf32>,
    %swap3A_494 = vector.shape_cast %swap3A_493 : vector<1x16xf32> to vector<16xf32>
    %swap3A_495 = vector.shape_cast %broadcast_in_dim3A_106 : vector<16xf32> to vector<1x16xf32>
    tpu.vector_store %arg8[%swap3A_491, %swap3A_492], %swap3A_495 {strides = array<i32>} : memref<16x128xf32, #tpu.memory_space<vmem>>, vector<1x16xf32>,
    %swap3A_496 = arith.constant 8 : i32
    %swap3A_497 = arith.index_cast %swap3A_496 : i32 to index
    %swap3A_498 = arith.constant 16 : index
    %swap3A_499 = tpu.vector_load %arg8[%swap3A_497, %swap3A_498] {strides = array<i32>} : memref<16x128xf32, #tpu.memory_space<vmem>>, vector<1x16xf32>,
    %swap3A_500 = vector.shape_cast %swap3A_499 : vector<1x16xf32> to vector<16xf32>
    %swap3A_501 = vector.shape_cast %broadcast_in_dim3A_106 : vector<16xf32> to vector<1x16xf32>
    tpu.vector_store %arg8[%swap3A_497, %swap3A_498], %swap3A_501 {strides = array<i32>} : memref<16x128xf32, #tpu.memory_space<vmem>>, vector<1x16xf32>,
    %swap3A_502 = arith.constant 8 : i32
    %swap3A_503 = arith.index_cast %swap3A_502 : i32 to index
    %swap3A_504 = arith.constant 32 : index
    %swap3A_505 = tpu.vector_load %arg8[%swap3A_503, %swap3A_504] {strides = array<i32>} : memref<16x128xf32, #tpu.memory_space<vmem>>, vector<1x16xf32>,
    %swap3A_506 = vector.shape_cast %swap3A_505 : vector<1x16xf32> to vector<16xf32>
    %swap3A_507 = vector.shape_cast %broadcast_in_dim3A_106 : vector<16xf32> to vector<1x16xf32>
    tpu.vector_store %arg8[%swap3A_503, %swap3A_504], %swap3A_507 {strides = array<i32>} : memref<16x128xf32, #tpu.memory_space<vmem>>, vector<1x16xf32>,
    %swap3A_508 = arith.constant 8 : i32
    %swap3A_509 = arith.index_cast %swap3A_508 : i32 to index
    %swap3A_510 = arith.constant 48 : index
    %swap3A_511 = tpu.vector_load %arg8[%swap3A_509, %swap3A_510] {strides = array<i32>} : memref<16x128xf32, #tpu.memory_space<vmem>>, vector<1x16xf32>,
    %swap3A_512 = vector.shape_cast %swap3A_511 : vector<1x16xf32> to vector<16xf32>
    %swap3A_513 = vector.shape_cast %broadcast_in_dim3A_106 : vector<16xf32> to vector<1x16xf32>
    tpu.vector_store %arg8[%swap3A_509, %swap3A_510], %swap3A_513 {strides = array<i32>} : memref<16x128xf32, #tpu.memory_space<vmem>>, vector<1x16xf32>,
    %swap3A_514 = arith.constant 8 : i32
    %swap3A_515 = arith.index_cast %swap3A_514 : i32 to index
    %swap3A_516 = arith.constant 64 : index
    %swap3A_517 = tpu.vector_load %arg8[%swap3A_515, %swap3A_516] {strides = array<i32>} : memref<16x128xf32, #tpu.memory_space<vmem>>, vector<1x16xf32>,
    %swap3A_518 = vector.shape_cast %swap3A_517 : vector<1x16xf32> to vector<16xf32>
    %swap3A_519 = vector.shape_cast %broadcast_in_dim3A_106 : vector<16xf32> to vector<1x16xf32>
    tpu.vector_store %arg8[%swap3A_515, %swap3A_516], %swap3A_519 {strides = array<i32>} : memref<16x128xf32, #tpu.memory_space<vmem>>, vector<1x16xf32>,
    %swap3A_520 = arith.constant 8 : i32
    %swap3A_521 = arith.index_cast %swap3A_520 : i32 to index
    %swap3A_522 = arith.constant 80 : index
    %swap3A_523 = tpu.vector_load %arg8[%swap3A_521, %swap3A_522] {strides = array<i32>} : memref<16x128xf32, #tpu.memory_space<vmem>>, vector<1x16xf32>,
    %swap3A_524 = vector.shape_cast %swap3A_523 : vector<1x16xf32> to vector<16xf32>
    %swap3A_525 = vector.shape_cast %broadcast_in_dim3A_106 : vector<16xf32> to vector<1x16xf32>
    tpu.vector_store %arg8[%swap3A_521, %swap3A_522], %swap3A_525 {strides = array<i32>} : memref<16x128xf32, #tpu.memory_space<vmem>>, vector<1x16xf32>,
    %swap3A_526 = arith.constant 8 : i32
    %swap3A_527 = arith.index_cast %swap3A_526 : i32 to index
    %swap3A_528 = arith.constant 96 : index
    %swap3A_529 = tpu.vector_load %arg8[%swap3A_527, %swap3A_528] {strides = array<i32>} : memref<16x128xf32, #tpu.memory_space<vmem>>, vector<1x16xf32>,
    %swap3A_530 = vector.shape_cast %swap3A_529 : vector<1x16xf32> to vector<16xf32>
    %swap3A_531 = vector.shape_cast %broadcast_in_dim3A_106 : vector<16xf32> to vector<1x16xf32>
    tpu.vector_store %arg8[%swap3A_527, %swap3A_528], %swap3A_531 {strides = array<i32>} : memref<16x128xf32, #tpu.memory_space<vmem>>, vector<1x16xf32>,
    %swap3A_532 = arith.constant 8 : i32
    %swap3A_533 = arith.index_cast %swap3A_532 : i32 to index
    %swap3A_534 = arith.constant 112 : index
    %swap3A_535 = tpu.vector_load %arg8[%swap3A_533, %swap3A_534] {strides = array<i32>} : memref<16x128xf32, #tpu.memory_space<vmem>>, vector<1x16xf32>,
    %swap3A_536 = vector.shape_cast %swap3A_535 : vector<1x16xf32> to vector<16xf32>
    %swap3A_537 = vector.shape_cast %broadcast_in_dim3A_106 : vector<16xf32> to vector<1x16xf32>
    tpu.vector_store %arg8[%swap3A_533, %swap3A_534], %swap3A_537 {strides = array<i32>} : memref<16x128xf32, #tpu.memory_space<vmem>>, vector<1x16xf32>,
    %swap3A_538 = arith.constant 9 : i32
    %swap3A_539 = arith.index_cast %swap3A_538 : i32 to index
    %swap3A_540 = arith.constant 0 : index
    %swap3A_541 = tpu.vector_load %arg8[%swap3A_539, %swap3A_540] {strides = array<i32>} : memref<16x128xf32, #tpu.memory_space<vmem>>, vector<1x16xf32>,
    %swap3A_542 = vector.shape_cast %swap3A_541 : vector<1x16xf32> to vector<16xf32>
    %swap3A_543 = vector.shape_cast %broadcast_in_dim3A_106 : vector<16xf32> to vector<1x16xf32>
    tpu.vector_store %arg8[%swap3A_539, %swap3A_540], %swap3A_543 {strides = array<i32>} : memref<16x128xf32, #tpu.memory_space<vmem>>, vector<1x16xf32>,
    %swap3A_544 = arith.constant 9 : i32
    %swap3A_545 = arith.index_cast %swap3A_544 : i32 to index
    %swap3A_546 = arith.constant 16 : index
    %swap3A_547 = tpu.vector_load %arg8[%swap3A_545, %swap3A_546] {strides = array<i32>} : memref<16x128xf32, #tpu.memory_space<vmem>>, vector<1x16xf32>,
    %swap3A_548 = vector.shape_cast %swap3A_547 : vector<1x16xf32> to vector<16xf32>
    %swap3A_549 = vector.shape_cast %broadcast_in_dim3A_106 : vector<16xf32> to vector<1x16xf32>
    tpu.vector_store %arg8[%swap3A_545, %swap3A_546], %swap3A_549 {strides = array<i32>} : memref<16x128xf32, #tpu.memory_space<vmem>>, vector<1x16xf32>,
    %swap3A_550 = arith.constant 9 : i32
    %swap3A_551 = arith.index_cast %swap3A_550 : i32 to index
    %swap3A_552 = arith.constant 32 : index
    %swap3A_553 = tpu.vector_load %arg8[%swap3A_551, %swap3A_552] {strides = array<i32>} : memref<16x128xf32, #tpu.memory_space<vmem>>, vector<1x16xf32>,
    %swap3A_554 = vector.shape_cast %swap3A_553 : vector<1x16xf32> to vector<16xf32>
    %swap3A_555 = vector.shape_cast %broadcast_in_dim3A_106 : vector<16xf32> to vector<1x16xf32>
    tpu.vector_store %arg8[%swap3A_551, %swap3A_552], %swap3A_555 {strides = array<i32>} : memref<16x128xf32, #tpu.memory_space<vmem>>, vector<1x16xf32>,
    %swap3A_556 = arith.constant 9 : i32
    %swap3A_557 = arith.index_cast %swap3A_556 : i32 to index
    %swap3A_558 = arith.constant 48 : index
    %swap3A_559 = tpu.vector_load %arg8[%swap3A_557, %swap3A_558] {strides = array<i32>} : memref<16x128xf32, #tpu.memory_space<vmem>>, vector<1x16xf32>,
    %swap3A_560 = vector.shape_cast %swap3A_559 : vector<1x16xf32> to vector<16xf32>
    %swap3A_561 = vector.shape_cast %broadcast_in_dim3A_106 : vector<16xf32> to vector<1x16xf32>
    tpu.vector_store %arg8[%swap3A_557, %swap3A_558], %swap3A_561 {strides = array<i32>} : memref<16x128xf32, #tpu.memory_space<vmem>>, vector<1x16xf32>,
    %swap3A_562 = arith.constant 9 : i32
    %swap3A_563 = arith.index_cast %swap3A_562 : i32 to index
    %swap3A_564 = arith.constant 64 : index
    %swap3A_565 = tpu.vector_load %arg8[%swap3A_563, %swap3A_564] {strides = array<i32>} : memref<16x128xf32, #tpu.memory_space<vmem>>, vector<1x16xf32>,
    %swap3A_566 = vector.shape_cast %swap3A_565 : vector<1x16xf32> to vector<16xf32>
    %swap3A_567 = vector.shape_cast %broadcast_in_dim3A_106 : vector<16xf32> to vector<1x16xf32>
    tpu.vector_store %arg8[%swap3A_563, %swap3A_564], %swap3A_567 {strides = array<i32>} : memref<16x128xf32, #tpu.memory_space<vmem>>, vector<1x16xf32>,
    %swap3A_568 = arith.constant 9 : i32
    %swap3A_569 = arith.index_cast %swap3A_568 : i32 to index
    %swap3A_570 = arith.constant 80 : index
    %swap3A_571 = tpu.vector_load %arg8[%swap3A_569, %swap3A_570] {strides = array<i32>} : memref<16x128xf32, #tpu.memory_space<vmem>>, vector<1x16xf32>,
    %swap3A_572 = vector.shape_cast %swap3A_571 : vector<1x16xf32> to vector<16xf32>
    %swap3A_573 = vector.shape_cast %broadcast_in_dim3A_106 : vector<16xf32> to vector<1x16xf32>
    tpu.vector_store %arg8[%swap3A_569, %swap3A_570], %swap3A_573 {strides = array<i32>} : memref<16x128xf32, #tpu.memory_space<vmem>>, vector<1x16xf32>,
    %swap3A_574 = arith.constant 9 : i32
    %swap3A_575 = arith.index_cast %swap3A_574 : i32 to index
    %swap3A_576 = arith.constant 96 : index
    %swap3A_577 = tpu.vector_load %arg8[%swap3A_575, %swap3A_576] {strides = array<i32>} : memref<16x128xf32, #tpu.memory_space<vmem>>, vector<1x16xf32>,
    %swap3A_578 = vector.shape_cast %swap3A_577 : vector<1x16xf32> to vector<16xf32>
    %swap3A_579 = vector.shape_cast %broadcast_in_dim3A_106 : vector<16xf32> to vector<1x16xf32>
    tpu.vector_store %arg8[%swap3A_575, %swap3A_576], %swap3A_579 {strides = array<i32>} : memref<16x128xf32, #tpu.memory_space<vmem>>, vector<1x16xf32>,
    %swap3A_580 = arith.constant 9 : i32
    %swap3A_581 = arith.index_cast %swap3A_580 : i32 to index
    %swap3A_582 = arith.constant 112 : index
    %swap3A_583 = tpu.vector_load %arg8[%swap3A_581, %swap3A_582] {strides = array<i32>} : memref<16x128xf32, #tpu.memory_space<vmem>>, vector<1x16xf32>,
    %swap3A_584 = vector.shape_cast %swap3A_583 : vector<1x16xf32> to vector<16xf32>
    %swap3A_585 = vector.shape_cast %broadcast_in_dim3A_106 : vector<16xf32> to vector<1x16xf32>
    tpu.vector_store %arg8[%swap3A_581, %swap3A_582], %swap3A_585 {strides = array<i32>} : memref<16x128xf32, #tpu.memory_space<vmem>>, vector<1x16xf32>,
    %swap3A_586 = arith.constant 10 : i32
    %swap3A_587 = arith.index_cast %swap3A_586 : i32 to index
    %swap3A_588 = arith.constant 0 : index
    %swap3A_589 = tpu.vector_load %arg8[%swap3A_587, %swap3A_588] {strides = array<i32>} : memref<16x128xf32, #tpu.memory_space<vmem>>, vector<1x16xf32>,
    %swap3A_590 = vector.shape_cast %swap3A_589 : vector<1x16xf32> to vector<16xf32>
    %swap3A_591 = vector.shape_cast %broadcast_in_dim3A_106 : vector<16xf32> to vector<1x16xf32>
    tpu.vector_store %arg8[%swap3A_587, %swap3A_588], %swap3A_591 {strides = array<i32>} : memref<16x128xf32, #tpu.memory_space<vmem>>, vector<1x16xf32>,
    %swap3A_592 = arith.constant 10 : i32
    %swap3A_593 = arith.index_cast %swap3A_592 : i32 to index
    %swap3A_594 = arith.constant 16 : index
    %swap3A_595 = tpu.vector_load %arg8[%swap3A_593, %swap3A_594] {strides = array<i32>} : memref<16x128xf32, #tpu.memory_space<vmem>>, vector<1x16xf32>,
    %swap3A_596 = vector.shape_cast %swap3A_595 : vector<1x16xf32> to vector<16xf32>
    %swap3A_597 = vector.shape_cast %broadcast_in_dim3A_106 : vector<16xf32> to vector<1x16xf32>
    tpu.vector_store %arg8[%swap3A_593, %swap3A_594], %swap3A_597 {strides = array<i32>} : memref<16x128xf32, #tpu.memory_space<vmem>>, vector<1x16xf32>,
    %swap3A_598 = arith.constant 10 : i32
    %swap3A_599 = arith.index_cast %swap3A_598 : i32 to index
    %swap3A_600 = arith.constant 32 : index
    %swap3A_601 = tpu.vector_load %arg8[%swap3A_599, %swap3A_600] {strides = array<i32>} : memref<16x128xf32, #tpu.memory_space<vmem>>, vector<1x16xf32>,
    %swap3A_602 = vector.shape_cast %swap3A_601 : vector<1x16xf32> to vector<16xf32>
    %swap3A_603 = vector.shape_cast %broadcast_in_dim3A_106 : vector<16xf32> to vector<1x16xf32>
    tpu.vector_store %arg8[%swap3A_599, %swap3A_600], %swap3A_603 {strides = array<i32>} : memref<16x128xf32, #tpu.memory_space<vmem>>, vector<1x16xf32>,
    %swap3A_604 = arith.constant 10 : i32
    %swap3A_605 = arith.index_cast %swap3A_604 : i32 to index
    %swap3A_606 = arith.constant 48 : index
    %swap3A_607 = tpu.vector_load %arg8[%swap3A_605, %swap3A_606] {strides = array<i32>} : memref<16x128xf32, #tpu.memory_space<vmem>>, vector<1x16xf32>,
    %swap3A_608 = vector.shape_cast %swap3A_607 : vector<1x16xf32> to vector<16xf32>
    %swap3A_609 = vector.shape_cast %broadcast_in_dim3A_106 : vector<16xf32> to vector<1x16xf32>
    tpu.vector_store %arg8[%swap3A_605, %swap3A_606], %swap3A_609 {strides = array<i32>} : memref<16x128xf32, #tpu.memory_space<vmem>>, vector<1x16xf32>,
    %swap3A_610 = arith.constant 10 : i32
    %swap3A_611 = arith.index_cast %swap3A_610 : i32 to index
    %swap3A_612 = arith.constant 64 : index
    %swap3A_613 = tpu.vector_load %arg8[%swap3A_611, %swap3A_612] {strides = array<i32>} : memref<16x128xf32, #tpu.memory_space<vmem>>, vector<1x16xf32>,
    %swap3A_614 = vector.shape_cast %swap3A_613 : vector<1x16xf32> to vector<16xf32>
    %swap3A_615 = vector.shape_cast %broadcast_in_dim3A_106 : vector<16xf32> to vector<1x16xf32>
    tpu.vector_store %arg8[%swap3A_611, %swap3A_612], %swap3A_615 {strides = array<i32>} : memref<16x128xf32, #tpu.memory_space<vmem>>, vector<1x16xf32>,
    %swap3A_616 = arith.constant 10 : i32
    %swap3A_617 = arith.index_cast %swap3A_616 : i32 to index
    %swap3A_618 = arith.constant 80 : index
    %swap3A_619 = tpu.vector_load %arg8[%swap3A_617, %swap3A_618] {strides = array<i32>} : memref<16x128xf32, #tpu.memory_space<vmem>>, vector<1x16xf32>,
    %swap3A_620 = vector.shape_cast %swap3A_619 : vector<1x16xf32> to vector<16xf32>
    %swap3A_621 = vector.shape_cast %broadcast_in_dim3A_106 : vector<16xf32> to vector<1x16xf32>
    tpu.vector_store %arg8[%swap3A_617, %swap3A_618], %swap3A_621 {strides = array<i32>} : memref<16x128xf32, #tpu.memory_space<vmem>>, vector<1x16xf32>,
    %swap3A_622 = arith.constant 10 : i32
    %swap3A_623 = arith.index_cast %swap3A_622 : i32 to index
    %swap3A_624 = arith.constant 96 : index
    %swap3A_625 = tpu.vector_load %arg8[%swap3A_623, %swap3A_624] {strides = array<i32>} : memref<16x128xf32, #tpu.memory_space<vmem>>, vector<1x16xf32>,
    %swap3A_626 = vector.shape_cast %swap3A_625 : vector<1x16xf32> to vector<16xf32>
    %swap3A_627 = vector.shape_cast %broadcast_in_dim3A_106 : vector<16xf32> to vector<1x16xf32>
    tpu.vector_store %arg8[%swap3A_623, %swap3A_624], %swap3A_627 {strides = array<i32>} : memref<16x128xf32, #tpu.memory_space<vmem>>, vector<1x16xf32>,
    %swap3A_628 = arith.constant 10 : i32
    %swap3A_629 = arith.index_cast %swap3A_628 : i32 to index
    %swap3A_630 = arith.constant 112 : index
    %swap3A_631 = tpu.vector_load %arg8[%swap3A_629, %swap3A_630] {strides = array<i32>} : memref<16x128xf32, #tpu.memory_space<vmem>>, vector<1x16xf32>,
    %swap3A_632 = vector.shape_cast %swap3A_631 : vector<1x16xf32> to vector<16xf32>
    %swap3A_633 = vector.shape_cast %broadcast_in_dim3A_106 : vector<16xf32> to vector<1x16xf32>
    tpu.vector_store %arg8[%swap3A_629, %swap3A_630], %swap3A_633 {strides = array<i32>} : memref<16x128xf32, #tpu.memory_space<vmem>>, vector<1x16xf32>,
    %swap3A_634 = arith.constant 11 : i32
    %swap3A_635 = arith.index_cast %swap3A_634 : i32 to index
    %swap3A_636 = arith.constant 0 : index
    %swap3A_637 = tpu.vector_load %arg8[%swap3A_635, %swap3A_636] {strides = array<i32>} : memref<16x128xf32, #tpu.memory_space<vmem>>, vector<1x16xf32>,
    %swap3A_638 = vector.shape_cast %swap3A_637 : vector<1x16xf32> to vector<16xf32>
    %swap3A_639 = vector.shape_cast %broadcast_in_dim3A_106 : vector<16xf32> to vector<1x16xf32>
    tpu.vector_store %arg8[%swap3A_635, %swap3A_636], %swap3A_639 {strides = array<i32>} : memref<16x128xf32, #tpu.memory_space<vmem>>, vector<1x16xf32>,
    %swap3A_640 = arith.constant 11 : i32
    %swap3A_641 = arith.index_cast %swap3A_640 : i32 to index
    %swap3A_642 = arith.constant 16 : index
    %swap3A_643 = tpu.vector_load %arg8[%swap3A_641, %swap3A_642] {strides = array<i32>} : memref<16x128xf32, #tpu.memory_space<vmem>>, vector<1x16xf32>,
    %swap3A_644 = vector.shape_cast %swap3A_643 : vector<1x16xf32> to vector<16xf32>
    %swap3A_645 = vector.shape_cast %broadcast_in_dim3A_106 : vector<16xf32> to vector<1x16xf32>
    tpu.vector_store %arg8[%swap3A_641, %swap3A_642], %swap3A_645 {strides = array<i32>} : memref<16x128xf32, #tpu.memory_space<vmem>>, vector<1x16xf32>,
    %swap3A_646 = arith.constant 11 : i32
    %swap3A_647 = arith.index_cast %swap3A_646 : i32 to index
    %swap3A_648 = arith.constant 32 : index
    %swap3A_649 = tpu.vector_load %arg8[%swap3A_647, %swap3A_648] {strides = array<i32>} : memref<16x128xf32, #tpu.memory_space<vmem>>, vector<1x16xf32>,
    %swap3A_650 = vector.shape_cast %swap3A_649 : vector<1x16xf32> to vector<16xf32>
    %swap3A_651 = vector.shape_cast %broadcast_in_dim3A_106 : vector<16xf32> to vector<1x16xf32>
    tpu.vector_store %arg8[%swap3A_647, %swap3A_648], %swap3A_651 {strides = array<i32>} : memref<16x128xf32, #tpu.memory_space<vmem>>, vector<1x16xf32>,
    %swap3A_652 = arith.constant 11 : i32
    %swap3A_653 = arith.index_cast %swap3A_652 : i32 to index
    %swap3A_654 = arith.constant 48 : index
    %swap3A_655 = tpu.vector_load %arg8[%swap3A_653, %swap3A_654] {strides = array<i32>} : memref<16x128xf32, #tpu.memory_space<vmem>>, vector<1x16xf32>,
    %swap3A_656 = vector.shape_cast %swap3A_655 : vector<1x16xf32> to vector<16xf32>
    %swap3A_657 = vector.shape_cast %broadcast_in_dim3A_106 : vector<16xf32> to vector<1x16xf32>
    tpu.vector_store %arg8[%swap3A_653, %swap3A_654], %swap3A_657 {strides = array<i32>} : memref<16x128xf32, #tpu.memory_space<vmem>>, vector<1x16xf32>,
    %swap3A_658 = arith.constant 11 : i32
    %swap3A_659 = arith.index_cast %swap3A_658 : i32 to index
    %swap3A_660 = arith.constant 64 : index
    %swap3A_661 = tpu.vector_load %arg8[%swap3A_659, %swap3A_660] {strides = array<i32>} : memref<16x128xf32, #tpu.memory_space<vmem>>, vector<1x16xf32>,
    %swap3A_662 = vector.shape_cast %swap3A_661 : vector<1x16xf32> to vector<16xf32>
    %swap3A_663 = vector.shape_cast %broadcast_in_dim3A_106 : vector<16xf32> to vector<1x16xf32>
    tpu.vector_store %arg8[%swap3A_659, %swap3A_660], %swap3A_663 {strides = array<i32>} : memref<16x128xf32, #tpu.memory_space<vmem>>, vector<1x16xf32>,
    %swap3A_664 = arith.constant 11 : i32
    %swap3A_665 = arith.index_cast %swap3A_664 : i32 to index
    %swap3A_666 = arith.constant 80 : index
    %swap3A_667 = tpu.vector_load %arg8[%swap3A_665, %swap3A_666] {strides = array<i32>} : memref<16x128xf32, #tpu.memory_space<vmem>>, vector<1x16xf32>,
    %swap3A_668 = vector.shape_cast %swap3A_667 : vector<1x16xf32> to vector<16xf32>
    %swap3A_669 = vector.shape_cast %broadcast_in_dim3A_106 : vector<16xf32> to vector<1x16xf32>
    tpu.vector_store %arg8[%swap3A_665, %swap3A_666], %swap3A_669 {strides = array<i32>} : memref<16x128xf32, #tpu.memory_space<vmem>>, vector<1x16xf32>,
    %swap3A_670 = arith.constant 11 : i32
    %swap3A_671 = arith.index_cast %swap3A_670 : i32 to index
    %swap3A_672 = arith.constant 96 : index
    %swap3A_673 = tpu.vector_load %arg8[%swap3A_671, %swap3A_672] {strides = array<i32>} : memref<16x128xf32, #tpu.memory_space<vmem>>, vector<1x16xf32>,
    %swap3A_674 = vector.shape_cast %swap3A_673 : vector<1x16xf32> to vector<16xf32>
    %swap3A_675 = vector.shape_cast %broadcast_in_dim3A_106 : vector<16xf32> to vector<1x16xf32>
    tpu.vector_store %arg8[%swap3A_671, %swap3A_672], %swap3A_675 {strides = array<i32>} : memref<16x128xf32, #tpu.memory_space<vmem>>, vector<1x16xf32>,
    %swap3A_676 = arith.constant 11 : i32
    %swap3A_677 = arith.index_cast %swap3A_676 : i32 to index
    %swap3A_678 = arith.constant 112 : index
    %swap3A_679 = tpu.vector_load %arg8[%swap3A_677, %swap3A_678] {strides = array<i32>} : memref<16x128xf32, #tpu.memory_space<vmem>>, vector<1x16xf32>,
    %swap3A_680 = vector.shape_cast %swap3A_679 : vector<1x16xf32> to vector<16xf32>
    %swap3A_681 = vector.shape_cast %broadcast_in_dim3A_106 : vector<16xf32> to vector<1x16xf32>
    tpu.vector_store %arg8[%swap3A_677, %swap3A_678], %swap3A_681 {strides = array<i32>} : memref<16x128xf32, #tpu.memory_space<vmem>>, vector<1x16xf32>,
    %swap3A_682 = arith.constant 12 : i32
    %swap3A_683 = arith.index_cast %swap3A_682 : i32 to index
    %swap3A_684 = arith.constant 0 : index
    %swap3A_685 = tpu.vector_load %arg8[%swap3A_683, %swap3A_684] {strides = array<i32>} : memref<16x128xf32, #tpu.memory_space<vmem>>, vector<1x16xf32>,
    %swap3A_686 = vector.shape_cast %swap3A_685 : vector<1x16xf32> to vector<16xf32>
    %swap3A_687 = vector.shape_cast %broadcast_in_dim3A_106 : vector<16xf32> to vector<1x16xf32>
    tpu.vector_store %arg8[%swap3A_683, %swap3A_684], %swap3A_687 {strides = array<i32>} : memref<16x128xf32, #tpu.memory_space<vmem>>, vector<1x16xf32>,
    %swap3A_688 = arith.constant 12 : i32
    %swap3A_689 = arith.index_cast %swap3A_688 : i32 to index
    %swap3A_690 = arith.constant 16 : index
    %swap3A_691 = tpu.vector_load %arg8[%swap3A_689, %swap3A_690] {strides = array<i32>} : memref<16x128xf32, #tpu.memory_space<vmem>>, vector<1x16xf32>,
    %swap3A_692 = vector.shape_cast %swap3A_691 : vector<1x16xf32> to vector<16xf32>
    %swap3A_693 = vector.shape_cast %broadcast_in_dim3A_106 : vector<16xf32> to vector<1x16xf32>
    tpu.vector_store %arg8[%swap3A_689, %swap3A_690], %swap3A_693 {strides = array<i32>} : memref<16x128xf32, #tpu.memory_space<vmem>>, vector<1x16xf32>,
    %swap3A_694 = arith.constant 12 : i32
    %swap3A_695 = arith.index_cast %swap3A_694 : i32 to index
    %swap3A_696 = arith.constant 32 : index
    %swap3A_697 = tpu.vector_load %arg8[%swap3A_695, %swap3A_696] {strides = array<i32>} : memref<16x128xf32, #tpu.memory_space<vmem>>, vector<1x16xf32>,
    %swap3A_698 = vector.shape_cast %swap3A_697 : vector<1x16xf32> to vector<16xf32>
    %swap3A_699 = vector.shape_cast %broadcast_in_dim3A_106 : vector<16xf32> to vector<1x16xf32>
    tpu.vector_store %arg8[%swap3A_695, %swap3A_696], %swap3A_699 {strides = array<i32>} : memref<16x128xf32, #tpu.memory_space<vmem>>, vector<1x16xf32>,
    %swap3A_700 = arith.constant 12 : i32
    %swap3A_701 = arith.index_cast %swap3A_700 : i32 to index
    %swap3A_702 = arith.constant 48 : index
    %swap3A_703 = tpu.vector_load %arg8[%swap3A_701, %swap3A_702] {strides = array<i32>} : memref<16x128xf32, #tpu.memory_space<vmem>>, vector<1x16xf32>,
    %swap3A_704 = vector.shape_cast %swap3A_703 : vector<1x16xf32> to vector<16xf32>
    %swap3A_705 = vector.shape_cast %broadcast_in_dim3A_106 : vector<16xf32> to vector<1x16xf32>
    tpu.vector_store %arg8[%swap3A_701, %swap3A_702], %swap3A_705 {strides = array<i32>} : memref<16x128xf32, #tpu.memory_space<vmem>>, vector<1x16xf32>,
    %swap3A_706 = arith.constant 12 : i32
    %swap3A_707 = arith.index_cast %swap3A_706 : i32 to index
    %swap3A_708 = arith.constant 64 : index
    %swap3A_709 = tpu.vector_load %arg8[%swap3A_707, %swap3A_708] {strides = array<i32>} : memref<16x128xf32, #tpu.memory_space<vmem>>, vector<1x16xf32>,
    %swap3A_710 = vector.shape_cast %swap3A_709 : vector<1x16xf32> to vector<16xf32>
    %swap3A_711 = vector.shape_cast %broadcast_in_dim3A_106 : vector<16xf32> to vector<1x16xf32>
    tpu.vector_store %arg8[%swap3A_707, %swap3A_708], %swap3A_711 {strides = array<i32>} : memref<16x128xf32, #tpu.memory_space<vmem>>, vector<1x16xf32>,
    %swap3A_712 = arith.constant 12 : i32
    %swap3A_713 = arith.index_cast %swap3A_712 : i32 to index
    %swap3A_714 = arith.constant 80 : index
    %swap3A_715 = tpu.vector_load %arg8[%swap3A_713, %swap3A_714] {strides = array<i32>} : memref<16x128xf32, #tpu.memory_space<vmem>>, vector<1x16xf32>,
    %swap3A_716 = vector.shape_cast %swap3A_715 : vector<1x16xf32> to vector<16xf32>
    %swap3A_717 = vector.shape_cast %broadcast_in_dim3A_106 : vector<16xf32> to vector<1x16xf32>
    tpu.vector_store %arg8[%swap3A_713, %swap3A_714], %swap3A_717 {strides = array<i32>} : memref<16x128xf32, #tpu.memory_space<vmem>>, vector<1x16xf32>,
    %swap3A_718 = arith.constant 12 : i32
    %swap3A_719 = arith.index_cast %swap3A_718 : i32 to index
    %swap3A_720 = arith.constant 96 : index
    %swap3A_721 = tpu.vector_load %arg8[%swap3A_719, %swap3A_720] {strides = array<i32>} : memref<16x128xf32, #tpu.memory_space<vmem>>, vector<1x16xf32>,
    %swap3A_722 = vector.shape_cast %swap3A_721 : vector<1x16xf32> to vector<16xf32>
    %swap3A_723 = vector.shape_cast %broadcast_in_dim3A_106 : vector<16xf32> to vector<1x16xf32>
    tpu.vector_store %arg8[%swap3A_719, %swap3A_720], %swap3A_723 {strides = array<i32>} : memref<16x128xf32, #tpu.memory_space<vmem>>, vector<1x16xf32>,
    %swap3A_724 = arith.constant 12 : i32
    %swap3A_725 = arith.index_cast %swap3A_724 : i32 to index
    %swap3A_726 = arith.constant 112 : index
    %swap3A_727 = tpu.vector_load %arg8[%swap3A_725, %swap3A_726] {strides = array<i32>} : memref<16x128xf32, #tpu.memory_space<vmem>>, vector<1x16xf32>,
    %swap3A_728 = vector.shape_cast %swap3A_727 : vector<1x16xf32> to vector<16xf32>
    %swap3A_729 = vector.shape_cast %broadcast_in_dim3A_106 : vector<16xf32> to vector<1x16xf32>
    tpu.vector_store %arg8[%swap3A_725, %swap3A_726], %swap3A_729 {strides = array<i32>} : memref<16x128xf32, #tpu.memory_space<vmem>>, vector<1x16xf32>,
    %swap3A_730 = arith.constant 13 : i32
    %swap3A_731 = arith.index_cast %swap3A_730 : i32 to index
    %swap3A_732 = arith.constant 0 : index
    %swap3A_733 = tpu.vector_load %arg8[%swap3A_731, %swap3A_732] {strides = array<i32>} : memref<16x128xf32, #tpu.memory_space<vmem>>, vector<1x16xf32>,
    %swap3A_734 = vector.shape_cast %swap3A_733 : vector<1x16xf32> to vector<16xf32>
    %swap3A_735 = vector.shape_cast %broadcast_in_dim3A_106 : vector<16xf32> to vector<1x16xf32>
    tpu.vector_store %arg8[%swap3A_731, %swap3A_732], %swap3A_735 {strides = array<i32>} : memref<16x128xf32, #tpu.memory_space<vmem>>, vector<1x16xf32>,
    %swap3A_736 = arith.constant 13 : i32
    %swap3A_737 = arith.index_cast %swap3A_736 : i32 to index
    %swap3A_738 = arith.constant 16 : index
    %swap3A_739 = tpu.vector_load %arg8[%swap3A_737, %swap3A_738] {strides = array<i32>} : memref<16x128xf32, #tpu.memory_space<vmem>>, vector<1x16xf32>,
    %swap3A_740 = vector.shape_cast %swap3A_739 : vector<1x16xf32> to vector<16xf32>
    %swap3A_741 = vector.shape_cast %broadcast_in_dim3A_106 : vector<16xf32> to vector<1x16xf32>
    tpu.vector_store %arg8[%swap3A_737, %swap3A_738], %swap3A_741 {strides = array<i32>} : memref<16x128xf32, #tpu.memory_space<vmem>>, vector<1x16xf32>,
    %swap3A_742 = arith.constant 13 : i32
    %swap3A_743 = arith.index_cast %swap3A_742 : i32 to index
    %swap3A_744 = arith.constant 32 : index
    %swap3A_745 = tpu.vector_load %arg8[%swap3A_743, %swap3A_744] {strides = array<i32>} : memref<16x128xf32, #tpu.memory_space<vmem>>, vector<1x16xf32>,
    %swap3A_746 = vector.shape_cast %swap3A_745 : vector<1x16xf32> to vector<16xf32>
    %swap3A_747 = vector.shape_cast %broadcast_in_dim3A_106 : vector<16xf32> to vector<1x16xf32>
    tpu.vector_store %arg8[%swap3A_743, %swap3A_744], %swap3A_747 {strides = array<i32>} : memref<16x128xf32, #tpu.memory_space<vmem>>, vector<1x16xf32>,
    %swap3A_748 = arith.constant 13 : i32
    %swap3A_749 = arith.index_cast %swap3A_748 : i32 to index
    %swap3A_750 = arith.constant 48 : index
    %swap3A_751 = tpu.vector_load %arg8[%swap3A_749, %swap3A_750] {strides = array<i32>} : memref<16x128xf32, #tpu.memory_space<vmem>>, vector<1x16xf32>,
    %swap3A_752 = vector.shape_cast %swap3A_751 : vector<1x16xf32> to vector<16xf32>
    %swap3A_753 = vector.shape_cast %broadcast_in_dim3A_106 : vector<16xf32> to vector<1x16xf32>
    tpu.vector_store %arg8[%swap3A_749, %swap3A_750], %swap3A_753 {strides = array<i32>} : memref<16x128xf32, #tpu.memory_space<vmem>>, vector<1x16xf32>,
    %swap3A_754 = arith.constant 13 : i32
    %swap3A_755 = arith.index_cast %swap3A_754 : i32 to index
    %swap3A_756 = arith.constant 64 : index
    %swap3A_757 = tpu.vector_load %arg8[%swap3A_755, %swap3A_756] {strides = array<i32>} : memref<16x128xf32, #tpu.memory_space<vmem>>, vector<1x16xf32>,
    %swap3A_758 = vector.shape_cast %swap3A_757 : vector<1x16xf32> to vector<16xf32>
    %swap3A_759 = vector.shape_cast %broadcast_in_dim3A_106 : vector<16xf32> to vector<1x16xf32>
    tpu.vector_store %arg8[%swap3A_755, %swap3A_756], %swap3A_759 {strides = array<i32>} : memref<16x128xf32, #tpu.memory_space<vmem>>, vector<1x16xf32>,
    %swap3A_760 = arith.constant 13 : i32
    %swap3A_761 = arith.index_cast %swap3A_760 : i32 to index
    %swap3A_762 = arith.constant 80 : index
    %swap3A_763 = tpu.vector_load %arg8[%swap3A_761, %swap3A_762] {strides = array<i32>} : memref<16x128xf32, #tpu.memory_space<vmem>>, vector<1x16xf32>,
    %swap3A_764 = vector.shape_cast %swap3A_763 : vector<1x16xf32> to vector<16xf32>
    %swap3A_765 = vector.shape_cast %broadcast_in_dim3A_106 : vector<16xf32> to vector<1x16xf32>
    tpu.vector_store %arg8[%swap3A_761, %swap3A_762], %swap3A_765 {strides = array<i32>} : memref<16x128xf32, #tpu.memory_space<vmem>>, vector<1x16xf32>,
    %swap3A_766 = arith.constant 13 : i32
    %swap3A_767 = arith.index_cast %swap3A_766 : i32 to index
    %swap3A_768 = arith.constant 96 : index
    %swap3A_769 = tpu.vector_load %arg8[%swap3A_767, %swap3A_768] {strides = array<i32>} : memref<16x128xf32, #tpu.memory_space<vmem>>, vector<1x16xf32>,
    %swap3A_770 = vector.shape_cast %swap3A_769 : vector<1x16xf32> to vector<16xf32>
    %swap3A_771 = vector.shape_cast %broadcast_in_dim3A_106 : vector<16xf32> to vector<1x16xf32>
    tpu.vector_store %arg8[%swap3A_767, %swap3A_768], %swap3A_771 {strides = array<i32>} : memref<16x128xf32, #tpu.memory_space<vmem>>, vector<1x16xf32>,
    %swap3A_772 = arith.constant 13 : i32
    %swap3A_773 = arith.index_cast %swap3A_772 : i32 to index
    %swap3A_774 = arith.constant 112 : index
    %swap3A_775 = tpu.vector_load %arg8[%swap3A_773, %swap3A_774] {strides = array<i32>} : memref<16x128xf32, #tpu.memory_space<vmem>>, vector<1x16xf32>,
    %swap3A_776 = vector.shape_cast %swap3A_775 : vector<1x16xf32> to vector<16xf32>
    %swap3A_777 = vector.shape_cast %broadcast_in_dim3A_106 : vector<16xf32> to vector<1x16xf32>
    tpu.vector_store %arg8[%swap3A_773, %swap3A_774], %swap3A_777 {strides = array<i32>} : memref<16x128xf32, #tpu.memory_space<vmem>>, vector<1x16xf32>,
    %swap3A_778 = arith.constant 14 : i32
    %swap3A_779 = arith.index_cast %swap3A_778 : i32 to index
    %swap3A_780 = arith.constant 0 : index
    %swap3A_781 = tpu.vector_load %arg8[%swap3A_779, %swap3A_780] {strides = array<i32>} : memref<16x128xf32, #tpu.memory_space<vmem>>, vector<1x16xf32>,
    %swap3A_782 = vector.shape_cast %swap3A_781 : vector<1x16xf32> to vector<16xf32>
    %swap3A_783 = vector.shape_cast %broadcast_in_dim3A_106 : vector<16xf32> to vector<1x16xf32>
    tpu.vector_store %arg8[%swap3A_779, %swap3A_780], %swap3A_783 {strides = array<i32>} : memref<16x128xf32, #tpu.memory_space<vmem>>, vector<1x16xf32>,
    %swap3A_784 = arith.constant 14 : i32
    %swap3A_785 = arith.index_cast %swap3A_784 : i32 to index
    %swap3A_786 = arith.constant 16 : index
    %swap3A_787 = tpu.vector_load %arg8[%swap3A_785, %swap3A_786] {strides = array<i32>} : memref<16x128xf32, #tpu.memory_space<vmem>>, vector<1x16xf32>,
    %swap3A_788 = vector.shape_cast %swap3A_787 : vector<1x16xf32> to vector<16xf32>
    %swap3A_789 = vector.shape_cast %broadcast_in_dim3A_106 : vector<16xf32> to vector<1x16xf32>
    tpu.vector_store %arg8[%swap3A_785, %swap3A_786], %swap3A_789 {strides = array<i32>} : memref<16x128xf32, #tpu.memory_space<vmem>>, vector<1x16xf32>,
    %swap3A_790 = arith.constant 14 : i32
    %swap3A_791 = arith.index_cast %swap3A_790 : i32 to index
    %swap3A_792 = arith.constant 32 : index
    %swap3A_793 = tpu.vector_load %arg8[%swap3A_791, %swap3A_792] {strides = array<i32>} : memref<16x128xf32, #tpu.memory_space<vmem>>, vector<1x16xf32>,
    %swap3A_794 = vector.shape_cast %swap3A_793 : vector<1x16xf32> to vector<16xf32>
    %swap3A_795 = vector.shape_cast %broadcast_in_dim3A_106 : vector<16xf32> to vector<1x16xf32>
    tpu.vector_store %arg8[%swap3A_791, %swap3A_792], %swap3A_795 {strides = array<i32>} : memref<16x128xf32, #tpu.memory_space<vmem>>, vector<1x16xf32>,
    %swap3A_796 = arith.constant 14 : i32
    %swap3A_797 = arith.index_cast %swap3A_796 : i32 to index
    %swap3A_798 = arith.constant 48 : index
    %swap3A_799 = tpu.vector_load %arg8[%swap3A_797, %swap3A_798] {strides = array<i32>} : memref<16x128xf32, #tpu.memory_space<vmem>>, vector<1x16xf32>,
    %swap3A_800 = vector.shape_cast %swap3A_799 : vector<1x16xf32> to vector<16xf32>
    %swap3A_801 = vector.shape_cast %broadcast_in_dim3A_106 : vector<16xf32> to vector<1x16xf32>
    tpu.vector_store %arg8[%swap3A_797, %swap3A_798], %swap3A_801 {strides = array<i32>} : memref<16x128xf32, #tpu.memory_space<vmem>>, vector<1x16xf32>,
    %swap3A_802 = arith.constant 14 : i32
    %swap3A_803 = arith.index_cast %swap3A_802 : i32 to index
    %swap3A_804 = arith.constant 64 : index
    %swap3A_805 = tpu.vector_load %arg8[%swap3A_803, %swap3A_804] {strides = array<i32>} : memref<16x128xf32, #tpu.memory_space<vmem>>, vector<1x16xf32>,
    %swap3A_806 = vector.shape_cast %swap3A_805 : vector<1x16xf32> to vector<16xf32>
    %swap3A_807 = vector.shape_cast %broadcast_in_dim3A_106 : vector<16xf32> to vector<1x16xf32>
    tpu.vector_store %arg8[%swap3A_803, %swap3A_804], %swap3A_807 {strides = array<i32>} : memref<16x128xf32, #tpu.memory_space<vmem>>, vector<1x16xf32>,
    %swap3A_808 = arith.constant 14 : i32
    %swap3A_809 = arith.index_cast %swap3A_808 : i32 to index
    %swap3A_810 = arith.constant 80 : index
    %swap3A_811 = tpu.vector_load %arg8[%swap3A_809, %swap3A_810] {strides = array<i32>} : memref<16x128xf32, #tpu.memory_space<vmem>>, vector<1x16xf32>,
    %swap3A_812 = vector.shape_cast %swap3A_811 : vector<1x16xf32> to vector<16xf32>
    %swap3A_813 = vector.shape_cast %broadcast_in_dim3A_106 : vector<16xf32> to vector<1x16xf32>
    tpu.vector_store %arg8[%swap3A_809, %swap3A_810], %swap3A_813 {strides = array<i32>} : memref<16x128xf32, #tpu.memory_space<vmem>>, vector<1x16xf32>,
    %swap3A_814 = arith.constant 14 : i32
    %swap3A_815 = arith.index_cast %swap3A_814 : i32 to index
    %swap3A_816 = arith.constant 96 : index
    %swap3A_817 = tpu.vector_load %arg8[%swap3A_815, %swap3A_816] {strides = array<i32>} : memref<16x128xf32, #tpu.memory_space<vmem>>, vector<1x16xf32>,
    %swap3A_818 = vector.shape_cast %swap3A_817 : vector<1x16xf32> to vector<16xf32>
    %swap3A_819 = vector.shape_cast %broadcast_in_dim3A_106 : vector<16xf32> to vector<1x16xf32>
    tpu.vector_store %arg8[%swap3A_815, %swap3A_816], %swap3A_819 {strides = array<i32>} : memref<16x128xf32, #tpu.memory_space<vmem>>, vector<1x16xf32>,
    %swap3A_820 = arith.constant 14 : i32
    %swap3A_821 = arith.index_cast %swap3A_820 : i32 to index
    %swap3A_822 = arith.constant 112 : index
    %swap3A_823 = tpu.vector_load %arg8[%swap3A_821, %swap3A_822] {strides = array<i32>} : memref<16x128xf32, #tpu.memory_space<vmem>>, vector<1x16xf32>,
    %swap3A_824 = vector.shape_cast %swap3A_823 : vector<1x16xf32> to vector<16xf32>
    %swap3A_825 = vector.shape_cast %broadcast_in_dim3A_106 : vector<16xf32> to vector<1x16xf32>
    tpu.vector_store %arg8[%swap3A_821, %swap3A_822], %swap3A_825 {strides = array<i32>} : memref<16x128xf32, #tpu.memory_space<vmem>>, vector<1x16xf32>,
    %swap3A_826 = arith.constant 15 : i32
    %swap3A_827 = arith.index_cast %swap3A_826 : i32 to index
    %swap3A_828 = arith.constant 0 : index
    %swap3A_829 = tpu.vector_load %arg8[%swap3A_827, %swap3A_828] {strides = array<i32>} : memref<16x128xf32, #tpu.memory_space<vmem>>, vector<1x16xf32>,
    %swap3A_830 = vector.shape_cast %swap3A_829 : vector<1x16xf32> to vector<16xf32>
    %swap3A_831 = vector.shape_cast %broadcast_in_dim3A_106 : vector<16xf32> to vector<1x16xf32>
    tpu.vector_store %arg8[%swap3A_827, %swap3A_828], %swap3A_831 {strides = array<i32>} : memref<16x128xf32, #tpu.memory_space<vmem>>, vector<1x16xf32>,
    %swap3A_832 = arith.constant 15 : i32
    %swap3A_833 = arith.index_cast %swap3A_832 : i32 to index
    %swap3A_834 = arith.constant 16 : index
    %swap3A_835 = tpu.vector_load %arg8[%swap3A_833, %swap3A_834] {strides = array<i32>} : memref<16x128xf32, #tpu.memory_space<vmem>>, vector<1x16xf32>,
    %swap3A_836 = vector.shape_cast %swap3A_835 : vector<1x16xf32> to vector<16xf32>
    %swap3A_837 = vector.shape_cast %broadcast_in_dim3A_106 : vector<16xf32> to vector<1x16xf32>
    tpu.vector_store %arg8[%swap3A_833, %swap3A_834], %swap3A_837 {strides = array<i32>} : memref<16x128xf32, #tpu.memory_space<vmem>>, vector<1x16xf32>,
    %swap3A_838 = arith.constant 15 : i32
    %swap3A_839 = arith.index_cast %swap3A_838 : i32 to index
    %swap3A_840 = arith.constant 32 : index
    %swap3A_841 = tpu.vector_load %arg8[%swap3A_839, %swap3A_840] {strides = array<i32>} : memref<16x128xf32, #tpu.memory_space<vmem>>, vector<1x16xf32>,
    %swap3A_842 = vector.shape_cast %swap3A_841 : vector<1x16xf32> to vector<16xf32>
    %swap3A_843 = vector.shape_cast %broadcast_in_dim3A_106 : vector<16xf32> to vector<1x16xf32>
    tpu.vector_store %arg8[%swap3A_839, %swap3A_840], %swap3A_843 {strides = array<i32>} : memref<16x128xf32, #tpu.memory_space<vmem>>, vector<1x16xf32>,
    %swap3A_844 = arith.constant 15 : i32
    %swap3A_845 = arith.index_cast %swap3A_844 : i32 to index
    %swap3A_846 = arith.constant 48 : index
    %swap3A_847 = tpu.vector_load %arg8[%swap3A_845, %swap3A_846] {strides = array<i32>} : memref<16x128xf32, #tpu.memory_space<vmem>>, vector<1x16xf32>,
    %swap3A_848 = vector.shape_cast %swap3A_847 : vector<1x16xf32> to vector<16xf32>
    %swap3A_849 = vector.shape_cast %broadcast_in_dim3A_106 : vector<16xf32> to vector<1x16xf32>
    tpu.vector_store %arg8[%swap3A_845, %swap3A_846], %swap3A_849 {strides = array<i32>} : memref<16x128xf32, #tpu.memory_space<vmem>>, vector<1x16xf32>,
    %swap3A_850 = arith.constant 15 : i32
    %swap3A_851 = arith.index_cast %swap3A_850 : i32 to index
    %swap3A_852 = arith.constant 64 : index
    %swap3A_853 = tpu.vector_load %arg8[%swap3A_851, %swap3A_852] {strides = array<i32>} : memref<16x128xf32, #tpu.memory_space<vmem>>, vector<1x16xf32>,
    %swap3A_854 = vector.shape_cast %swap3A_853 : vector<1x16xf32> to vector<16xf32>
    %swap3A_855 = vector.shape_cast %broadcast_in_dim3A_106 : vector<16xf32> to vector<1x16xf32>
    tpu.vector_store %arg8[%swap3A_851, %swap3A_852], %swap3A_855 {strides = array<i32>} : memref<16x128xf32, #tpu.memory_space<vmem>>, vector<1x16xf32>,
    %swap3A_856 = arith.constant 15 : i32
    %swap3A_857 = arith.index_cast %swap3A_856 : i32 to index
    %swap3A_858 = arith.constant 80 : index
    %swap3A_859 = tpu.vector_load %arg8[%swap3A_857, %swap3A_858] {strides = array<i32>} : memref<16x128xf32, #tpu.memory_space<vmem>>, vector<1x16xf32>,
    %swap3A_860 = vector.shape_cast %swap3A_859 : vector<1x16xf32> to vector<16xf32>
    %swap3A_861 = vector.shape_cast %broadcast_in_dim3A_106 : vector<16xf32> to vector<1x16xf32>
    tpu.vector_store %arg8[%swap3A_857, %swap3A_858], %swap3A_861 {strides = array<i32>} : memref<16x128xf32, #tpu.memory_space<vmem>>, vector<1x16xf32>,
    %swap3A_862 = arith.constant 15 : i32
    %swap3A_863 = arith.index_cast %swap3A_862 : i32 to index
    %swap3A_864 = arith.constant 96 : index
    %swap3A_865 = tpu.vector_load %arg8[%swap3A_863, %swap3A_864] {strides = array<i32>} : memref<16x128xf32, #tpu.memory_space<vmem>>, vector<1x16xf32>,
    %swap3A_866 = vector.shape_cast %swap3A_865 : vector<1x16xf32> to vector<16xf32>
    %swap3A_867 = vector.shape_cast %broadcast_in_dim3A_106 : vector<16xf32> to vector<1x16xf32>
    tpu.vector_store %arg8[%swap3A_863, %swap3A_864], %swap3A_867 {strides = array<i32>} : memref<16x128xf32, #tpu.memory_space<vmem>>, vector<1x16xf32>,
    %swap3A_868 = arith.constant 15 : i32
    %swap3A_869 = arith.index_cast %swap3A_868 : i32 to index
    %swap3A_870 = arith.constant 112 : index
    %swap3A_871 = tpu.vector_load %arg8[%swap3A_869, %swap3A_870] {strides = array<i32>} : memref<16x128xf32, #tpu.memory_space<vmem>>, vector<1x16xf32>,
    %swap3A_872 = vector.shape_cast %swap3A_871 : vector<1x16xf32> to vector<16xf32>
    %swap3A_873 = vector.shape_cast %broadcast_in_dim3A_106 : vector<16xf32> to vector<1x16xf32>
    tpu.vector_store %arg8[%swap3A_869, %swap3A_870], %swap3A_873 {strides = array<i32>} : memref<16x128xf32, #tpu.memory_space<vmem>>, vector<1x16xf32>,
    %scan3A = arith.constant 0 : i32
    %scan3A_874 = arith.constant 40 : i32
    %scan3A_875 = arith.addi %scan3A, %scan3A_874 : i32
    %scan3A_876 = arith.constant 1 : i32
    scf.for %scan3A_948 = %scan3A to %scan3A_875 step %scan3A_876  : i32 {
      %mul3A_949 = arith.constant 640 : i32
      %mul3A_950 = arith.muli %arg1, %mul3A_949 : i32
      %mul3A_951 = arith.constant 16 : i32
      %mul3A_952 = arith.muli %scan3A_948, %mul3A_951 : i32
      %add3A_953 = arith.addi %mul3A_950, %mul3A_952 : i32
      "tpu.region"() ({
        %run_scoped3A_954 = tpu.sem_alloc : memref<!tpu.dma_semaphore, #tpu.memory_space<semaphore_mem>>
        %dma_start3A_955 = arith.constant 0 : i32
        %dma_start3A_956 = tpu.memref_slice %arg5[%add3A_953, %dma_start3A_955] : memref<10240x128xf32, #tpu.memory_space<vmem_shared>> -> memref<16x128xf32, #tpu.memory_space<vmem_shared>>
        %dma_start3A_957 = arith.constant 0 : i32
        %dma_start3A_958 = tpu.memref_slice %arg5[%add3A_953, %dma_start3A_957] : memref<10240x128xf32, #tpu.memory_space<vmem_shared>> -> memref<16x128xf32, #tpu.memory_space<vmem_shared>>
        tpu.enqueue_dma source(%arg8 : memref<16x128xf32, #tpu.memory_space<vmem>>) target(%dma_start3A_958 : memref<16x128xf32, #tpu.memory_space<vmem_shared>>) target_semaphore(%run_scoped3A_954 : memref<!tpu.dma_semaphore, #tpu.memory_space<semaphore_mem>>)
        %dma_wait3A_959 = arith.constant 0 : i32
        %dma_wait3A_960 = tpu.memref_slice %arg5[%add3A_953, %dma_wait3A_959] : memref<10240x128xf32, #tpu.memory_space<vmem_shared>> -> memref<16x128xf32, #tpu.memory_space<vmem_shared>>
        %dma_wait3A_961 = arith.constant 0 : i32
        %dma_wait3A_962 = tpu.memref_slice %arg5[%add3A_953, %dma_wait3A_961] : memref<10240x128xf32, #tpu.memory_space<vmem_shared>> -> memref<16x128xf32, #tpu.memory_space<vmem_shared>>
        tpu.wait_dma2 semaphore(%run_scoped3A_954 : memref<!tpu.dma_semaphore, #tpu.memory_space<semaphore_mem>>) src(%arg8 : memref<16x128xf32, #tpu.memory_space<vmem>>) dst(%dma_wait3A_962 : memref<16x128xf32, #tpu.memory_space<vmem_shared>>)
        tpu.yield
      }) : () -> ()
    }
    %scan3A_877 = arith.constant 40 : i32
    %barrier3A = arith.constant 0 : index
    tpu.barrier barrier_id(%barrier3A)
    %scan3A_878 = arith.constant 0 : i32
    %scan3A_879 = arith.constant 20 : i32
    %scan3A_880 = arith.addi %scan3A_878, %scan3A_879 : i32
    %scan3A_881 = arith.constant 1 : i32
    scf.for %scan3A_948 = %scan3A_878 to %scan3A_880 step %scan3A_881  : i32 {
      %mul3A_949 = arith.constant 4 : i32
      %mul3A_950 = arith.muli %scan3A_948, %mul3A_949 : i32
      %add3A_951 = arith.addi %mul3A_2, %mul3A_950 : i32
      %dma_wait3A_952 = arith.constant 0 : i32
      %dma_wait3A_953 = arith.constant 0 : i32
      %dma_wait3A_954 = arith.constant 0 : i32
      %dma_wait3A_955 = arith.constant 0 : i32
      %dma_wait3A_956 = arith.constant 0 : i32
      %dma_wait3A_957 = tpu.memref_slice %arg7[%dma_wait3A_954, %dma_wait3A_955, %dma_wait3A_956] : memref<2x128x128xf32, #tpu.memory_space<vmem>> -> memref<1x128x128xf32, #tpu.memory_space<vmem>>
      %dma_wait3A_958 = tpu.memref_squeeze %dma_wait3A_957 : memref<1x128x128xf32, #tpu.memory_space<vmem>> -> memref<128x128xf32, #tpu.memory_space<vmem>>
      %dma_wait3A_959 = arith.constant 0 : i32
      %dma_wait3A_960 = tpu.memref_slice %arg6[%dma_wait3A_952, %dma_wait3A_953, %dma_wait3A_959] : memref<4x2x128xi32, #tpu.memory_space<vmem>> -> memref<1x1x128xi32, #tpu.memory_space<vmem>>
      %dma_wait3A_961 = tpu.memref_squeeze %dma_wait3A_960 : memref<1x1x128xi32, #tpu.memory_space<vmem>> -> memref<128xi32, #tpu.memory_space<vmem>>
      %dma_wait3A_962 = arith.constant 0 : i32
      %dma_wait3A_963 = arith.constant 0 : i32
      %dma_wait3A_964 = tpu.memref_slice %arg3[%dma_wait3A_962, %dma_wait3A_963] : memref<10240x128xf32, #tpu.memory_space<hbm>> -> memref<10240x128xf32, #tpu.memory_space<hbm>>
      tpu.wait_indirect_dma semaphore(%arg13 : memref<!tpu.dma_semaphore, #tpu.memory_space<semaphore_mem>>) src(%dma_wait3A_964 : memref<10240x128xf32, #tpu.memory_space<hbm>>) dst(%dma_wait3A_958 : memref<128x128xf32, #tpu.memory_space<vmem>>)
      %run_scoped3A_965 = arith.constant 0 : i32
      %run_scoped3A_966 = arith.constant 0 : i32
      %run_scoped3A_967 = arith.constant 1 : i32
      "tpu.region"() ({
        %run_scoped3A_1243 = tpu.sem_alloc : memref<!tpu.dma_semaphore, #tpu.memory_space<semaphore_mem>>
        %dma_start3A_1244 = arith.constant 0 : i32
        %dma_start3A_1245 = arith.constant 0 : i32
        %dma_start3A_1246 = tpu.memref_slice %arg7[%run_scoped3A_965, %dma_start3A_1244, %dma_start3A_1245] : memref<2x128x128xf32, #tpu.memory_space<vmem>> -> memref<1x128x128xf32, #tpu.memory_space<vmem>>
        %dma_start3A_1247 = tpu.memref_squeeze %dma_start3A_1246 : memref<1x128x128xf32, #tpu.memory_space<vmem>> -> memref<128x128xf32, #tpu.memory_space<vmem>>
        %dma_start3A_1248 = arith.constant 0 : i32
        %dma_start3A_1249 = tpu.memref_slice %arg6[%run_scoped3A_966, %run_scoped3A_967, %dma_start3A_1248] : memref<4x2x128xi32, #tpu.memory_space<vmem>> -> memref<1x1x128xi32, #tpu.memory_space<vmem>>
        %dma_start3A_1250 = tpu.memref_squeeze %dma_start3A_1249 : memref<1x1x128xi32, #tpu.memory_space<vmem>> -> memref<128xi32, #tpu.memory_space<vmem>>
        %dma_start3A_1251 = arith.constant 0 : i32
        %dma_start3A_1252 = arith.constant 0 : i32
        %dma_start3A_1253 = tpu.memref_slice %arg5[%dma_start3A_1251, %dma_start3A_1252] : memref<10240x128xf32, #tpu.memory_space<vmem_shared>> -> memref<10240x128xf32, #tpu.memory_space<vmem_shared>>
        tpu.enqueue_indirect_dma source(%dma_start3A_1247 : memref<128x128xf32, #tpu.memory_space<vmem>>) target(%dma_start3A_1253 : memref<10240x128xf32, #tpu.memory_space<vmem_shared>>) offsets(%dma_start3A_1250 : memref<128xi32, #tpu.memory_space<vmem>>) semaphore(%run_scoped3A_1243 : memref<!tpu.dma_semaphore, #tpu.memory_space<semaphore_mem>>) {add = true}
        %dma_wait3A_1254 = arith.constant 0 : i32
        %dma_wait3A_1255 = arith.constant 0 : i32
        %dma_wait3A_1256 = tpu.memref_slice %arg7[%run_scoped3A_965, %dma_wait3A_1254, %dma_wait3A_1255] : memref<2x128x128xf32, #tpu.memory_space<vmem>> -> memref<1x128x128xf32, #tpu.memory_space<vmem>>
        %dma_wait3A_1257 = tpu.memref_squeeze %dma_wait3A_1256 : memref<1x128x128xf32, #tpu.memory_space<vmem>> -> memref<128x128xf32, #tpu.memory_space<vmem>>
        %dma_wait3A_1258 = arith.constant 0 : i32
        %dma_wait3A_1259 = tpu.memref_slice %arg6[%run_scoped3A_966, %run_scoped3A_967, %dma_wait3A_1258] : memref<4x2x128xi32, #tpu.memory_space<vmem>> -> memref<1x1x128xi32, #tpu.memory_space<vmem>>
        %dma_wait3A_1260 = tpu.memref_squeeze %dma_wait3A_1259 : memref<1x1x128xi32, #tpu.memory_space<vmem>> -> memref<128xi32, #tpu.memory_space<vmem>>
        %dma_wait3A_1261 = arith.constant 0 : i32
        %dma_wait3A_1262 = arith.constant 0 : i32
        %dma_wait3A_1263 = tpu.memref_slice %arg5[%dma_wait3A_1261, %dma_wait3A_1262] : memref<10240x128xf32, #tpu.memory_space<vmem_shared>> -> memref<10240x128xf32, #tpu.memory_space<vmem_shared>>
        tpu.wait_indirect_dma semaphore(%run_scoped3A_1243 : memref<!tpu.dma_semaphore, #tpu.memory_space<semaphore_mem>>) src(%dma_wait3A_1257 : memref<128x128xf32, #tpu.memory_space<vmem>>) dst(%dma_wait3A_1263 : memref<10240x128xf32, #tpu.memory_space<vmem_shared>>)
        tpu.yield
      }) : () -> ()
      %add3A_968 = arith.constant 0 : i32
      %add3A_969 = arith.addi %add3A_951, %add3A_968 : i32
      %add3A_970 = arith.constant 4 : i32
      %add3A_971 = arith.addi %add3A_969, %add3A_970 : i32
      %min3A = arith.minsi %add3A_971, %sub3A_5 : i32
      %dma_start3A_972 = arith.constant 0 : i32
      %dma_start3A_973 = arith.constant 0 : i32
      %dma_start3A_974 = arith.constant 0 : i32
      %dma_start3A_975 = tpu.memref_slice %arg6[%dma_start3A_972, %dma_start3A_973, %dma_start3A_974] : memref<4x2x128xi32, #tpu.memory_space<vmem>> -> memref<1x2x128xi32, #tpu.memory_space<vmem>>
      %dma_start3A_976 = tpu.memref_squeeze %dma_start3A_975 : memref<1x2x128xi32, #tpu.memory_space<vmem>> -> memref<2x128xi32, #tpu.memory_space<vmem>>
      %dma_start3A_977 = arith.constant 0 : i32
      %dma_start3A_978 = arith.constant 0 : i32
      %dma_start3A_979 = tpu.memref_slice %arg2[%min3A, %dma_start3A_977, %dma_start3A_978] : memref<2560x2x128xi32, #tpu.memory_space<hbm>> -> memref<1x2x128xi32, #tpu.memory_space<hbm>>
      %dma_start3A_980 = tpu.memref_squeeze %dma_start3A_979 : memref<1x2x128xi32, #tpu.memory_space<hbm>> -> memref<2x128xi32, #tpu.memory_space<hbm>>
      %dma_start3A_981 = arith.constant 0 : i32
      %dma_start3A_982 = arith.constant 0 : i32
      %dma_start3A_983 = tpu.memref_slice %arg6[%dma_start3A_972, %dma_start3A_981, %dma_start3A_982] : memref<4x2x128xi32, #tpu.memory_space<vmem>> -> memref<1x2x128xi32, #tpu.memory_space<vmem>>
      %dma_start3A_984 = tpu.memref_squeeze %dma_start3A_983 : memref<1x2x128xi32, #tpu.memory_space<vmem>> -> memref<2x128xi32, #tpu.memory_space<vmem>>
      %dma_start3A_985 = arith.constant 0 : i32
      %dma_start3A_986 = arith.constant 0 : i32
      %dma_start3A_987 = tpu.memref_slice %arg2[%min3A, %dma_start3A_985, %dma_start3A_986] : memref<2560x2x128xi32, #tpu.memory_space<hbm>> -> memref<1x2x128xi32, #tpu.memory_space<hbm>>
      %dma_start3A_988 = tpu.memref_squeeze %dma_start3A_987 : memref<1x2x128xi32, #tpu.memory_space<hbm>> -> memref<2x128xi32, #tpu.memory_space<hbm>>
      tpu.enqueue_dma source(%dma_start3A_988 : memref<2x128xi32, #tpu.memory_space<hbm>>) target(%dma_start3A_984 : memref<2x128xi32, #tpu.memory_space<vmem>>) target_semaphore(%arg9 : memref<!tpu.dma_semaphore, #tpu.memory_space<semaphore_mem>>)
      %add3A_989 = arith.constant 0 : i32
      %add3A_990 = arith.addi %add3A_951, %add3A_989 : i32
      %add3A_991 = arith.constant 2 : i32
      %add3A_992 = arith.addi %add3A_990, %add3A_991 : i32
      %min3A_993 = arith.minsi %add3A_992, %sub3A_5 : i32
      %dma_wait3A_994 = arith.constant 2 : i32
      %dma_wait3A_995 = arith.constant 0 : i32
      %dma_wait3A_996 = arith.constant 0 : i32
      %dma_wait3A_997 = tpu.memref_slice %arg6[%dma_wait3A_994, %dma_wait3A_995, %dma_wait3A_996] : memref<4x2x128xi32, #tpu.memory_space<vmem>> -> memref<1x2x128xi32, #tpu.memory_space<vmem>>
      %dma_wait3A_998 = tpu.memref_squeeze %dma_wait3A_997 : memref<1x2x128xi32, #tpu.memory_space<vmem>> -> memref<2x128xi32, #tpu.memory_space<vmem>>
      %dma_wait3A_999 = arith.constant 0 : i32
      %dma_wait3A_1000 = arith.constant 0 : i32
      %dma_wait3A_1001 = tpu.memref_slice %arg2[%min3A_993, %dma_wait3A_999, %dma_wait3A_1000] : memref<2560x2x128xi32, #tpu.memory_space<hbm>> -> memref<1x2x128xi32, #tpu.memory_space<hbm>>
      %dma_wait3A_1002 = tpu.memref_squeeze %dma_wait3A_1001 : memref<1x2x128xi32, #tpu.memory_space<hbm>> -> memref<2x128xi32, #tpu.memory_space<hbm>>
      %dma_wait3A_1003 = arith.constant 0 : i32
      %dma_wait3A_1004 = arith.constant 0 : i32
      %dma_wait3A_1005 = tpu.memref_slice %arg6[%dma_wait3A_994, %dma_wait3A_1003, %dma_wait3A_1004] : memref<4x2x128xi32, #tpu.memory_space<vmem>> -> memref<1x2x128xi32, #tpu.memory_space<vmem>>
      %dma_wait3A_1006 = tpu.memref_squeeze %dma_wait3A_1005 : memref<1x2x128xi32, #tpu.memory_space<vmem>> -> memref<2x128xi32, #tpu.memory_space<vmem>>
      %dma_wait3A_1007 = arith.constant 0 : i32
      %dma_wait3A_1008 = arith.constant 0 : i32
      %dma_wait3A_1009 = tpu.memref_slice %arg2[%min3A_993, %dma_wait3A_1007, %dma_wait3A_1008] : memref<2560x2x128xi32, #tpu.memory_space<hbm>> -> memref<1x2x128xi32, #tpu.memory_space<hbm>>
      %dma_wait3A_1010 = tpu.memref_squeeze %dma_wait3A_1009 : memref<1x2x128xi32, #tpu.memory_space<hbm>> -> memref<2x128xi32, #tpu.memory_space<hbm>>
      tpu.wait_dma2 semaphore(%arg11 : memref<!tpu.dma_semaphore, #tpu.memory_space<semaphore_mem>>) src(%dma_wait3A_1010 : memref<2x128xi32, #tpu.memory_space<hbm>>) dst(%dma_wait3A_1006 : memref<2x128xi32, #tpu.memory_space<vmem>>)
      %dma_start3A_1011 = arith.constant 2 : i32
      %dma_start3A_1012 = arith.constant 0 : i32
      %dma_start3A_1013 = arith.constant 0 : i32
      %dma_start3A_1014 = arith.constant 0 : i32
      %dma_start3A_1015 = arith.constant 0 : i32
      %dma_start3A_1016 = tpu.memref_slice %arg7[%dma_start3A_1013, %dma_start3A_1014, %dma_start3A_1015] : memref<2x128x128xf32, #tpu.memory_space<vmem>> -> memref<1x128x128xf32, #tpu.memory_space<vmem>>
      %dma_start3A_1017 = tpu.memref_squeeze %dma_start3A_1016 : memref<1x128x128xf32, #tpu.memory_space<vmem>> -> memref<128x128xf32, #tpu.memory_space<vmem>>
      %dma_start3A_1018 = arith.constant 0 : i32
      %dma_start3A_1019 = tpu.memref_slice %arg6[%dma_start3A_1011, %dma_start3A_1012, %dma_start3A_1018] : memref<4x2x128xi32, #tpu.memory_space<vmem>> -> memref<1x1x128xi32, #tpu.memory_space<vmem>>
      %dma_start3A_1020 = tpu.memref_squeeze %dma_start3A_1019 : memref<1x1x128xi32, #tpu.memory_space<vmem>> -> memref<128xi32, #tpu.memory_space<vmem>>
      %dma_start3A_1021 = arith.constant 0 : i32
      %dma_start3A_1022 = arith.constant 0 : i32
      %dma_start3A_1023 = tpu.memref_slice %arg3[%dma_start3A_1021, %dma_start3A_1022] : memref<10240x128xf32, #tpu.memory_space<hbm>> -> memref<10240x128xf32, #tpu.memory_space<hbm>>
      tpu.enqueue_indirect_dma source(%dma_start3A_1023 : memref<10240x128xf32, #tpu.memory_space<hbm>>) target(%dma_start3A_1017 : memref<128x128xf32, #tpu.memory_space<vmem>>) offsets(%dma_start3A_1020 : memref<128xi32, #tpu.memory_space<vmem>>) semaphore(%arg13 : memref<!tpu.dma_semaphore, #tpu.memory_space<semaphore_mem>>)
      %dma_wait3A_1024 = arith.constant 1 : i32
      %dma_wait3A_1025 = arith.constant 0 : i32
      %dma_wait3A_1026 = arith.constant 1 : i32
      %dma_wait3A_1027 = arith.constant 0 : i32
      %dma_wait3A_1028 = arith.constant 0 : i32
      %dma_wait3A_1029 = tpu.memref_slice %arg7[%dma_wait3A_1026, %dma_wait3A_1027, %dma_wait3A_1028] : memref<2x128x128xf32, #tpu.memory_space<vmem>> -> memref<1x128x128xf32, #tpu.memory_space<vmem>>
      %dma_wait3A_1030 = tpu.memref_squeeze %dma_wait3A_1029 : memref<1x128x128xf32, #tpu.memory_space<vmem>> -> memref<128x128xf32, #tpu.memory_space<vmem>>
      %dma_wait3A_1031 = arith.constant 0 : i32
      %dma_wait3A_1032 = tpu.memref_slice %arg6[%dma_wait3A_1024, %dma_wait3A_1025, %dma_wait3A_1031] : memref<4x2x128xi32, #tpu.memory_space<vmem>> -> memref<1x1x128xi32, #tpu.memory_space<vmem>>
      %dma_wait3A_1033 = tpu.memref_squeeze %dma_wait3A_1032 : memref<1x1x128xi32, #tpu.memory_space<vmem>> -> memref<128xi32, #tpu.memory_space<vmem>>
      %dma_wait3A_1034 = arith.constant 0 : i32
      %dma_wait3A_1035 = arith.constant 0 : i32
      %dma_wait3A_1036 = tpu.memref_slice %arg3[%dma_wait3A_1034, %dma_wait3A_1035] : memref<10240x128xf32, #tpu.memory_space<hbm>> -> memref<10240x128xf32, #tpu.memory_space<hbm>>
      tpu.wait_indirect_dma semaphore(%arg14 : memref<!tpu.dma_semaphore, #tpu.memory_space<semaphore_mem>>) src(%dma_wait3A_1036 : memref<10240x128xf32, #tpu.memory_space<hbm>>) dst(%dma_wait3A_1030 : memref<128x128xf32, #tpu.memory_space<vmem>>)
      %run_scoped3A_1037 = arith.constant 1 : i32
      %run_scoped3A_1038 = arith.constant 1 : i32
      %run_scoped3A_1039 = arith.constant 1 : i32
      "tpu.region"() ({
        %run_scoped3A_1243 = tpu.sem_alloc : memref<!tpu.dma_semaphore, #tpu.memory_space<semaphore_mem>>
        %dma_start3A_1244 = arith.constant 0 : i32
        %dma_start3A_1245 = arith.constant 0 : i32
        %dma_start3A_1246 = tpu.memref_slice %arg7[%run_scoped3A_1037, %dma_start3A_1244, %dma_start3A_1245] : memref<2x128x128xf32, #tpu.memory_space<vmem>> -> memref<1x128x128xf32, #tpu.memory_space<vmem>>
        %dma_start3A_1247 = tpu.memref_squeeze %dma_start3A_1246 : memref<1x128x128xf32, #tpu.memory_space<vmem>> -> memref<128x128xf32, #tpu.memory_space<vmem>>
        %dma_start3A_1248 = arith.constant 0 : i32
        %dma_start3A_1249 = tpu.memref_slice %arg6[%run_scoped3A_1038, %run_scoped3A_1039, %dma_start3A_1248] : memref<4x2x128xi32, #tpu.memory_space<vmem>> -> memref<1x1x128xi32, #tpu.memory_space<vmem>>
        %dma_start3A_1250 = tpu.memref_squeeze %dma_start3A_1249 : memref<1x1x128xi32, #tpu.memory_space<vmem>> -> memref<128xi32, #tpu.memory_space<vmem>>
        %dma_start3A_1251 = arith.constant 0 : i32
        %dma_start3A_1252 = arith.constant 0 : i32
        %dma_start3A_1253 = tpu.memref_slice %arg5[%dma_start3A_1251, %dma_start3A_1252] : memref<10240x128xf32, #tpu.memory_space<vmem_shared>> -> memref<10240x128xf32, #tpu.memory_space<vmem_shared>>
        tpu.enqueue_indirect_dma source(%dma_start3A_1247 : memref<128x128xf32, #tpu.memory_space<vmem>>) target(%dma_start3A_1253 : memref<10240x128xf32, #tpu.memory_space<vmem_shared>>) offsets(%dma_start3A_1250 : memref<128xi32, #tpu.memory_space<vmem>>) semaphore(%run_scoped3A_1243 : memref<!tpu.dma_semaphore, #tpu.memory_space<semaphore_mem>>) {add = true}
        %dma_wait3A_1254 = arith.constant 0 : i32
        %dma_wait3A_1255 = arith.constant 0 : i32
        %dma_wait3A_1256 = tpu.memref_slice %arg7[%run_scoped3A_1037, %dma_wait3A_1254, %dma_wait3A_1255] : memref<2x128x128xf32, #tpu.memory_space<vmem>> -> memref<1x128x128xf32, #tpu.memory_space<vmem>>
        %dma_wait3A_1257 = tpu.memref_squeeze %dma_wait3A_1256 : memref<1x128x128xf32, #tpu.memory_space<vmem>> -> memref<128x128xf32, #tpu.memory_space<vmem>>
        %dma_wait3A_1258 = arith.constant 0 : i32
        %dma_wait3A_1259 = tpu.memref_slice %arg6[%run_scoped3A_1038, %run_scoped3A_1039, %dma_wait3A_1258] : memref<4x2x128xi32, #tpu.memory_space<vmem>> -> memref<1x1x128xi32, #tpu.memory_space<vmem>>
        %dma_wait3A_1260 = tpu.memref_squeeze %dma_wait3A_1259 : memref<1x1x128xi32, #tpu.memory_space<vmem>> -> memref<128xi32, #tpu.memory_space<vmem>>
        %dma_wait3A_1261 = arith.constant 0 : i32
        %dma_wait3A_1262 = arith.constant 0 : i32
        %dma_wait3A_1263 = tpu.memref_slice %arg5[%dma_wait3A_1261, %dma_wait3A_1262] : memref<10240x128xf32, #tpu.memory_space<vmem_shared>> -> memref<10240x128xf32, #tpu.memory_space<vmem_shared>>
        tpu.wait_indirect_dma semaphore(%run_scoped3A_1243 : memref<!tpu.dma_semaphore, #tpu.memory_space<semaphore_mem>>) src(%dma_wait3A_1257 : memref<128x128xf32, #tpu.memory_space<vmem>>) dst(%dma_wait3A_1263 : memref<10240x128xf32, #tpu.memory_space<vmem_shared>>)
        tpu.yield
      }) : () -> ()
      %add3A_1040 = arith.constant 1 : i32
      %add3A_1041 = arith.addi %add3A_951, %add3A_1040 : i32
      %add3A_1042 = arith.constant 4 : i32
      %add3A_1043 = arith.addi %add3A_1041, %add3A_1042 : i32
      %min3A_1044 = arith.minsi %add3A_1043, %sub3A_5 : i32
      %dma_start3A_1045 = arith.constant 1 : i32
      %dma_start3A_1046 = arith.constant 0 : i32
      %dma_start3A_1047 = arith.constant 0 : i32
      %dma_start3A_1048 = tpu.memref_slice %arg6[%dma_start3A_1045, %dma_start3A_1046, %dma_start3A_1047] : memref<4x2x128xi32, #tpu.memory_space<vmem>> -> memref<1x2x128xi32, #tpu.memory_space<vmem>>
      %dma_start3A_1049 = tpu.memref_squeeze %dma_start3A_1048 : memref<1x2x128xi32, #tpu.memory_space<vmem>> -> memref<2x128xi32, #tpu.memory_space<vmem>>
      %dma_start3A_1050 = arith.constant 0 : i32
      %dma_start3A_1051 = arith.constant 0 : i32
      %dma_start3A_1052 = tpu.memref_slice %arg2[%min3A_1044, %dma_start3A_1050, %dma_start3A_1051] : memref<2560x2x128xi32, #tpu.memory_space<hbm>> -> memref<1x2x128xi32, #tpu.memory_space<hbm>>
      %dma_start3A_1053 = tpu.memref_squeeze %dma_start3A_1052 : memref<1x2x128xi32, #tpu.memory_space<hbm>> -> memref<2x128xi32, #tpu.memory_space<hbm>>
      %dma_start3A_1054 = arith.constant 0 : i32
      %dma_start3A_1055 = arith.constant 0 : i32
      %dma_start3A_1056 = tpu.memref_slice %arg6[%dma_start3A_1045, %dma_start3A_1054, %dma_start3A_1055] : memref<4x2x128xi32, #tpu.memory_space<vmem>> -> memref<1x2x128xi32, #tpu.memory_space<vmem>>
      %dma_start3A_1057 = tpu.memref_squeeze %dma_start3A_1056 : memref<1x2x128xi32, #tpu.memory_space<vmem>> -> memref<2x128xi32, #tpu.memory_space<vmem>>
      %dma_start3A_1058 = arith.constant 0 : i32
      %dma_start3A_1059 = arith.constant 0 : i32
      %dma_start3A_1060 = tpu.memref_slice %arg2[%min3A_1044, %dma_start3A_1058, %dma_start3A_1059] : memref<2560x2x128xi32, #tpu.memory_space<hbm>> -> memref<1x2x128xi32, #tpu.memory_space<hbm>>
      %dma_start3A_1061 = tpu.memref_squeeze %dma_start3A_1060 : memref<1x2x128xi32, #tpu.memory_space<hbm>> -> memref<2x128xi32, #tpu.memory_space<hbm>>
      tpu.enqueue_dma source(%dma_start3A_1061 : memref<2x128xi32, #tpu.memory_space<hbm>>) target(%dma_start3A_1057 : memref<2x128xi32, #tpu.memory_space<vmem>>) target_semaphore(%arg10 : memref<!tpu.dma_semaphore, #tpu.memory_space<semaphore_mem>>)
      %add3A_1062 = arith.constant 1 : i32
      %add3A_1063 = arith.addi %add3A_951, %add3A_1062 : i32
      %add3A_1064 = arith.constant 2 : i32
      %add3A_1065 = arith.addi %add3A_1063, %add3A_1064 : i32
      %min3A_1066 = arith.minsi %add3A_1065, %sub3A_5 : i32
      %dma_wait3A_1067 = arith.constant 3 : i32
      %dma_wait3A_1068 = arith.constant 0 : i32
      %dma_wait3A_1069 = arith.constant 0 : i32
      %dma_wait3A_1070 = tpu.memref_slice %arg6[%dma_wait3A_1067, %dma_wait3A_1068, %dma_wait3A_1069] : memref<4x2x128xi32, #tpu.memory_space<vmem>> -> memref<1x2x128xi32, #tpu.memory_space<vmem>>
      %dma_wait3A_1071 = tpu.memref_squeeze %dma_wait3A_1070 : memref<1x2x128xi32, #tpu.memory_space<vmem>> -> memref<2x128xi32, #tpu.memory_space<vmem>>
      %dma_wait3A_1072 = arith.constant 0 : i32
      %dma_wait3A_1073 = arith.constant 0 : i32
      %dma_wait3A_1074 = tpu.memref_slice %arg2[%min3A_1066, %dma_wait3A_1072, %dma_wait3A_1073] : memref<2560x2x128xi32, #tpu.memory_space<hbm>> -> memref<1x2x128xi32, #tpu.memory_space<hbm>>
      %dma_wait3A_1075 = tpu.memref_squeeze %dma_wait3A_1074 : memref<1x2x128xi32, #tpu.memory_space<hbm>> -> memref<2x128xi32, #tpu.memory_space<hbm>>
      %dma_wait3A_1076 = arith.constant 0 : i32
      %dma_wait3A_1077 = arith.constant 0 : i32
      %dma_wait3A_1078 = tpu.memref_slice %arg6[%dma_wait3A_1067, %dma_wait3A_1076, %dma_wait3A_1077] : memref<4x2x128xi32, #tpu.memory_space<vmem>> -> memref<1x2x128xi32, #tpu.memory_space<vmem>>
      %dma_wait3A_1079 = tpu.memref_squeeze %dma_wait3A_1078 : memref<1x2x128xi32, #tpu.memory_space<vmem>> -> memref<2x128xi32, #tpu.memory_space<vmem>>
      %dma_wait3A_1080 = arith.constant 0 : i32
      %dma_wait3A_1081 = arith.constant 0 : i32
      %dma_wait3A_1082 = tpu.memref_slice %arg2[%min3A_1066, %dma_wait3A_1080, %dma_wait3A_1081] : memref<2560x2x128xi32, #tpu.memory_space<hbm>> -> memref<1x2x128xi32, #tpu.memory_space<hbm>>
      %dma_wait3A_1083 = tpu.memref_squeeze %dma_wait3A_1082 : memref<1x2x128xi32, #tpu.memory_space<hbm>> -> memref<2x128xi32, #tpu.memory_space<hbm>>
      tpu.wait_dma2 semaphore(%arg12 : memref<!tpu.dma_semaphore, #tpu.memory_space<semaphore_mem>>) src(%dma_wait3A_1083 : memref<2x128xi32, #tpu.memory_space<hbm>>) dst(%dma_wait3A_1079 : memref<2x128xi32, #tpu.memory_space<vmem>>)
      %dma_start3A_1084 = arith.constant 3 : i32
      %dma_start3A_1085 = arith.constant 0 : i32
      %dma_start3A_1086 = arith.constant 1 : i32
      %dma_start3A_1087 = arith.constant 0 : i32
      %dma_start3A_1088 = arith.constant 0 : i32
      %dma_start3A_1089 = tpu.memref_slice %arg7[%dma_start3A_1086, %dma_start3A_1087, %dma_start3A_1088] : memref<2x128x128xf32, #tpu.memory_space<vmem>> -> memref<1x128x128xf32, #tpu.memory_space<vmem>>
      %dma_start3A_1090 = tpu.memref_squeeze %dma_start3A_1089 : memref<1x128x128xf32, #tpu.memory_space<vmem>> -> memref<128x128xf32, #tpu.memory_space<vmem>>
      %dma_start3A_1091 = arith.constant 0 : i32
      %dma_start3A_1092 = tpu.memref_slice %arg6[%dma_start3A_1084, %dma_start3A_1085, %dma_start3A_1091] : memref<4x2x128xi32, #tpu.memory_space<vmem>> -> memref<1x1x128xi32, #tpu.memory_space<vmem>>
      %dma_start3A_1093 = tpu.memref_squeeze %dma_start3A_1092 : memref<1x1x128xi32, #tpu.memory_space<vmem>> -> memref<128xi32, #tpu.memory_space<vmem>>
      %dma_start3A_1094 = arith.constant 0 : i32
      %dma_start3A_1095 = arith.constant 0 : i32
      %dma_start3A_1096 = tpu.memref_slice %arg3[%dma_start3A_1094, %dma_start3A_1095] : memref<10240x128xf32, #tpu.memory_space<hbm>> -> memref<10240x128xf32, #tpu.memory_space<hbm>>
      tpu.enqueue_indirect_dma source(%dma_start3A_1096 : memref<10240x128xf32, #tpu.memory_space<hbm>>) target(%dma_start3A_1090 : memref<128x128xf32, #tpu.memory_space<vmem>>) offsets(%dma_start3A_1093 : memref<128xi32, #tpu.memory_space<vmem>>) semaphore(%arg14 : memref<!tpu.dma_semaphore, #tpu.memory_space<semaphore_mem>>)
      %dma_wait3A_1097 = arith.constant 2 : i32
      %dma_wait3A_1098 = arith.constant 0 : i32
      %dma_wait3A_1099 = arith.constant 0 : i32
      %dma_wait3A_1100 = arith.constant 0 : i32
      %dma_wait3A_1101 = arith.constant 0 : i32
      %dma_wait3A_1102 = tpu.memref_slice %arg7[%dma_wait3A_1099, %dma_wait3A_1100, %dma_wait3A_1101] : memref<2x128x128xf32, #tpu.memory_space<vmem>> -> memref<1x128x128xf32, #tpu.memory_space<vmem>>
      %dma_wait3A_1103 = tpu.memref_squeeze %dma_wait3A_1102 : memref<1x128x128xf32, #tpu.memory_space<vmem>> -> memref<128x128xf32, #tpu.memory_space<vmem>>
      %dma_wait3A_1104 = arith.constant 0 : i32
      %dma_wait3A_1105 = tpu.memref_slice %arg6[%dma_wait3A_1097, %dma_wait3A_1098, %dma_wait3A_1104] : memref<4x2x128xi32, #tpu.memory_space<vmem>> -> memref<1x1x128xi32, #tpu.memory_space<vmem>>
      %dma_wait3A_1106 = tpu.memref_squeeze %dma_wait3A_1105 : memref<1x1x128xi32, #tpu.memory_space<vmem>> -> memref<128xi32, #tpu.memory_space<vmem>>
      %dma_wait3A_1107 = arith.constant 0 : i32
      %dma_wait3A_1108 = arith.constant 0 : i32
      %dma_wait3A_1109 = tpu.memref_slice %arg3[%dma_wait3A_1107, %dma_wait3A_1108] : memref<10240x128xf32, #tpu.memory_space<hbm>> -> memref<10240x128xf32, #tpu.memory_space<hbm>>
      tpu.wait_indirect_dma semaphore(%arg13 : memref<!tpu.dma_semaphore, #tpu.memory_space<semaphore_mem>>) src(%dma_wait3A_1109 : memref<10240x128xf32, #tpu.memory_space<hbm>>) dst(%dma_wait3A_1103 : memref<128x128xf32, #tpu.memory_space<vmem>>)
      %run_scoped3A_1110 = arith.constant 0 : i32
      %run_scoped3A_1111 = arith.constant 2 : i32
      %run_scoped3A_1112 = arith.constant 1 : i32
      "tpu.region"() ({
        %run_scoped3A_1243 = tpu.sem_alloc : memref<!tpu.dma_semaphore, #tpu.memory_space<semaphore_mem>>
        %dma_start3A_1244 = arith.constant 0 : i32
        %dma_start3A_1245 = arith.constant 0 : i32
        %dma_start3A_1246 = tpu.memref_slice %arg7[%run_scoped3A_1110, %dma_start3A_1244, %dma_start3A_1245] : memref<2x128x128xf32, #tpu.memory_space<vmem>> -> memref<1x128x128xf32, #tpu.memory_space<vmem>>
        %dma_start3A_1247 = tpu.memref_squeeze %dma_start3A_1246 : memref<1x128x128xf32, #tpu.memory_space<vmem>> -> memref<128x128xf32, #tpu.memory_space<vmem>>
        %dma_start3A_1248 = arith.constant 0 : i32
        %dma_start3A_1249 = tpu.memref_slice %arg6[%run_scoped3A_1111, %run_scoped3A_1112, %dma_start3A_1248] : memref<4x2x128xi32, #tpu.memory_space<vmem>> -> memref<1x1x128xi32, #tpu.memory_space<vmem>>
        %dma_start3A_1250 = tpu.memref_squeeze %dma_start3A_1249 : memref<1x1x128xi32, #tpu.memory_space<vmem>> -> memref<128xi32, #tpu.memory_space<vmem>>
        %dma_start3A_1251 = arith.constant 0 : i32
        %dma_start3A_1252 = arith.constant 0 : i32
        %dma_start3A_1253 = tpu.memref_slice %arg5[%dma_start3A_1251, %dma_start3A_1252] : memref<10240x128xf32, #tpu.memory_space<vmem_shared>> -> memref<10240x128xf32, #tpu.memory_space<vmem_shared>>
        tpu.enqueue_indirect_dma source(%dma_start3A_1247 : memref<128x128xf32, #tpu.memory_space<vmem>>) target(%dma_start3A_1253 : memref<10240x128xf32, #tpu.memory_space<vmem_shared>>) offsets(%dma_start3A_1250 : memref<128xi32, #tpu.memory_space<vmem>>) semaphore(%run_scoped3A_1243 : memref<!tpu.dma_semaphore, #tpu.memory_space<semaphore_mem>>) {add = true}
        %dma_wait3A_1254 = arith.constant 0 : i32
        %dma_wait3A_1255 = arith.constant 0 : i32
        %dma_wait3A_1256 = tpu.memref_slice %arg7[%run_scoped3A_1110, %dma_wait3A_1254, %dma_wait3A_1255] : memref<2x128x128xf32, #tpu.memory_space<vmem>> -> memref<1x128x128xf32, #tpu.memory_space<vmem>>
        %dma_wait3A_1257 = tpu.memref_squeeze %dma_wait3A_1256 : memref<1x128x128xf32, #tpu.memory_space<vmem>> -> memref<128x128xf32, #tpu.memory_space<vmem>>
        %dma_wait3A_1258 = arith.constant 0 : i32
        %dma_wait3A_1259 = tpu.memref_slice %arg6[%run_scoped3A_1111, %run_scoped3A_1112, %dma_wait3A_1258] : memref<4x2x128xi32, #tpu.memory_space<vmem>> -> memref<1x1x128xi32, #tpu.memory_space<vmem>>
        %dma_wait3A_1260 = tpu.memref_squeeze %dma_wait3A_1259 : memref<1x1x128xi32, #tpu.memory_space<vmem>> -> memref<128xi32, #tpu.memory_space<vmem>>
        %dma_wait3A_1261 = arith.constant 0 : i32
        %dma_wait3A_1262 = arith.constant 0 : i32
        %dma_wait3A_1263 = tpu.memref_slice %arg5[%dma_wait3A_1261, %dma_wait3A_1262] : memref<10240x128xf32, #tpu.memory_space<vmem_shared>> -> memref<10240x128xf32, #tpu.memory_space<vmem_shared>>
        tpu.wait_indirect_dma semaphore(%run_scoped3A_1243 : memref<!tpu.dma_semaphore, #tpu.memory_space<semaphore_mem>>) src(%dma_wait3A_1257 : memref<128x128xf32, #tpu.memory_space<vmem>>) dst(%dma_wait3A_1263 : memref<10240x128xf32, #tpu.memory_space<vmem_shared>>)
        tpu.yield
      }) : () -> ()
      %add3A_1113 = arith.constant 2 : i32
      %add3A_1114 = arith.addi %add3A_951, %add3A_1113 : i32
      %add3A_1115 = arith.constant 4 : i32
      %add3A_1116 = arith.addi %add3A_1114, %add3A_1115 : i32
      %min3A_1117 = arith.minsi %add3A_1116, %sub3A_5 : i32
      %dma_start3A_1118 = arith.constant 2 : i32
      %dma_start3A_1119 = arith.constant 0 : i32
      %dma_start3A_1120 = arith.constant 0 : i32
      %dma_start3A_1121 = tpu.memref_slice %arg6[%dma_start3A_1118, %dma_start3A_1119, %dma_start3A_1120] : memref<4x2x128xi32, #tpu.memory_space<vmem>> -> memref<1x2x128xi32, #tpu.memory_space<vmem>>
      %dma_start3A_1122 = tpu.memref_squeeze %dma_start3A_1121 : memref<1x2x128xi32, #tpu.memory_space<vmem>> -> memref<2x128xi32, #tpu.memory_space<vmem>>
      %dma_start3A_1123 = arith.constant 0 : i32
      %dma_start3A_1124 = arith.constant 0 : i32
      %dma_start3A_1125 = tpu.memref_slice %arg2[%min3A_1117, %dma_start3A_1123, %dma_start3A_1124] : memref<2560x2x128xi32, #tpu.memory_space<hbm>> -> memref<1x2x128xi32, #tpu.memory_space<hbm>>
      %dma_start3A_1126 = tpu.memref_squeeze %dma_start3A_1125 : memref<1x2x128xi32, #tpu.memory_space<hbm>> -> memref<2x128xi32, #tpu.memory_space<hbm>>
      %dma_start3A_1127 = arith.constant 0 : i32
      %dma_start3A_1128 = arith.constant 0 : i32
      %dma_start3A_1129 = tpu.memref_slice %arg6[%dma_start3A_1118, %dma_start3A_1127, %dma_start3A_1128] : memref<4x2x128xi32, #tpu.memory_space<vmem>> -> memref<1x2x128xi32, #tpu.memory_space<vmem>>
      %dma_start3A_1130 = tpu.memref_squeeze %dma_start3A_1129 : memref<1x2x128xi32, #tpu.memory_space<vmem>> -> memref<2x128xi32, #tpu.memory_space<vmem>>
      %dma_start3A_1131 = arith.constant 0 : i32
      %dma_start3A_1132 = arith.constant 0 : i32
      %dma_start3A_1133 = tpu.memref_slice %arg2[%min3A_1117, %dma_start3A_1131, %dma_start3A_1132] : memref<2560x2x128xi32, #tpu.memory_space<hbm>> -> memref<1x2x128xi32, #tpu.memory_space<hbm>>
      %dma_start3A_1134 = tpu.memref_squeeze %dma_start3A_1133 : memref<1x2x128xi32, #tpu.memory_space<hbm>> -> memref<2x128xi32, #tpu.memory_space<hbm>>
      tpu.enqueue_dma source(%dma_start3A_1134 : memref<2x128xi32, #tpu.memory_space<hbm>>) target(%dma_start3A_1130 : memref<2x128xi32, #tpu.memory_space<vmem>>) target_semaphore(%arg11 : memref<!tpu.dma_semaphore, #tpu.memory_space<semaphore_mem>>)
      %add3A_1135 = arith.constant 2 : i32
      %add3A_1136 = arith.addi %add3A_951, %add3A_1135 : i32
      %add3A_1137 = arith.constant 2 : i32
      %add3A_1138 = arith.addi %add3A_1136, %add3A_1137 : i32
      %min3A_1139 = arith.minsi %add3A_1138, %sub3A_5 : i32
      %dma_wait3A_1140 = arith.constant 0 : i32
      %dma_wait3A_1141 = arith.constant 0 : i32
      %dma_wait3A_1142 = arith.constant 0 : i32
      %dma_wait3A_1143 = tpu.memref_slice %arg6[%dma_wait3A_1140, %dma_wait3A_1141, %dma_wait3A_1142] : memref<4x2x128xi32, #tpu.memory_space<vmem>> -> memref<1x2x128xi32, #tpu.memory_space<vmem>>
      %dma_wait3A_1144 = tpu.memref_squeeze %dma_wait3A_1143 : memref<1x2x128xi32, #tpu.memory_space<vmem>> -> memref<2x128xi32, #tpu.memory_space<vmem>>
      %dma_wait3A_1145 = arith.constant 0 : i32
      %dma_wait3A_1146 = arith.constant 0 : i32
      %dma_wait3A_1147 = tpu.memref_slice %arg2[%min3A_1139, %dma_wait3A_1145, %dma_wait3A_1146] : memref<2560x2x128xi32, #tpu.memory_space<hbm>> -> memref<1x2x128xi32, #tpu.memory_space<hbm>>
      %dma_wait3A_1148 = tpu.memref_squeeze %dma_wait3A_1147 : memref<1x2x128xi32, #tpu.memory_space<hbm>> -> memref<2x128xi32, #tpu.memory_space<hbm>>
      %dma_wait3A_1149 = arith.constant 0 : i32
      %dma_wait3A_1150 = arith.constant 0 : i32
      %dma_wait3A_1151 = tpu.memref_slice %arg6[%dma_wait3A_1140, %dma_wait3A_1149, %dma_wait3A_1150] : memref<4x2x128xi32, #tpu.memory_space<vmem>> -> memref<1x2x128xi32, #tpu.memory_space<vmem>>
      %dma_wait3A_1152 = tpu.memref_squeeze %dma_wait3A_1151 : memref<1x2x128xi32, #tpu.memory_space<vmem>> -> memref<2x128xi32, #tpu.memory_space<vmem>>
      %dma_wait3A_1153 = arith.constant 0 : i32
      %dma_wait3A_1154 = arith.constant 0 : i32
      %dma_wait3A_1155 = tpu.memref_slice %arg2[%min3A_1139, %dma_wait3A_1153, %dma_wait3A_1154] : memref<2560x2x128xi32, #tpu.memory_space<hbm>> -> memref<1x2x128xi32, #tpu.memory_space<hbm>>
      %dma_wait3A_1156 = tpu.memref_squeeze %dma_wait3A_1155 : memref<1x2x128xi32, #tpu.memory_space<hbm>> -> memref<2x128xi32, #tpu.memory_space<hbm>>
      tpu.wait_dma2 semaphore(%arg9 : memref<!tpu.dma_semaphore, #tpu.memory_space<semaphore_mem>>) src(%dma_wait3A_1156 : memref<2x128xi32, #tpu.memory_space<hbm>>) dst(%dma_wait3A_1152 : memref<2x128xi32, #tpu.memory_space<vmem>>)
      %dma_start3A_1157 = arith.constant 0 : i32
      %dma_start3A_1158 = arith.constant 0 : i32
      %dma_start3A_1159 = arith.constant 0 : i32
      %dma_start3A_1160 = arith.constant 0 : i32
      %dma_start3A_1161 = arith.constant 0 : i32
      %dma_start3A_1162 = tpu.memref_slice %arg7[%dma_start3A_1159, %dma_start3A_1160, %dma_start3A_1161] : memref<2x128x128xf32, #tpu.memory_space<vmem>> -> memref<1x128x128xf32, #tpu.memory_space<vmem>>
      %dma_start3A_1163 = tpu.memref_squeeze %dma_start3A_1162 : memref<1x128x128xf32, #tpu.memory_space<vmem>> -> memref<128x128xf32, #tpu.memory_space<vmem>>
      %dma_start3A_1164 = arith.constant 0 : i32
      %dma_start3A_1165 = tpu.memref_slice %arg6[%dma_start3A_1157, %dma_start3A_1158, %dma_start3A_1164] : memref<4x2x128xi32, #tpu.memory_space<vmem>> -> memref<1x1x128xi32, #tpu.memory_space<vmem>>
      %dma_start3A_1166 = tpu.memref_squeeze %dma_start3A_1165 : memref<1x1x128xi32, #tpu.memory_space<vmem>> -> memref<128xi32, #tpu.memory_space<vmem>>
      %dma_start3A_1167 = arith.constant 0 : i32
      %dma_start3A_1168 = arith.constant 0 : i32
      %dma_start3A_1169 = tpu.memref_slice %arg3[%dma_start3A_1167, %dma_start3A_1168] : memref<10240x128xf32, #tpu.memory_space<hbm>> -> memref<10240x128xf32, #tpu.memory_space<hbm>>
      tpu.enqueue_indirect_dma source(%dma_start3A_1169 : memref<10240x128xf32, #tpu.memory_space<hbm>>) target(%dma_start3A_1163 : memref<128x128xf32, #tpu.memory_space<vmem>>) offsets(%dma_start3A_1166 : memref<128xi32, #tpu.memory_space<vmem>>) semaphore(%arg13 : memref<!tpu.dma_semaphore, #tpu.memory_space<semaphore_mem>>)
      %dma_wait3A_1170 = arith.constant 3 : i32
      %dma_wait3A_1171 = arith.constant 0 : i32
      %dma_wait3A_1172 = arith.constant 1 : i32
      %dma_wait3A_1173 = arith.constant 0 : i32
      %dma_wait3A_1174 = arith.constant 0 : i32
      %dma_wait3A_1175 = tpu.memref_slice %arg7[%dma_wait3A_1172, %dma_wait3A_1173, %dma_wait3A_1174] : memref<2x128x128xf32, #tpu.memory_space<vmem>> -> memref<1x128x128xf32, #tpu.memory_space<vmem>>
      %dma_wait3A_1176 = tpu.memref_squeeze %dma_wait3A_1175 : memref<1x128x128xf32, #tpu.memory_space<vmem>> -> memref<128x128xf32, #tpu.memory_space<vmem>>
      %dma_wait3A_1177 = arith.constant 0 : i32
      %dma_wait3A_1178 = tpu.memref_slice %arg6[%dma_wait3A_1170, %dma_wait3A_1171, %dma_wait3A_1177] : memref<4x2x128xi32, #tpu.memory_space<vmem>> -> memref<1x1x128xi32, #tpu.memory_space<vmem>>
      %dma_wait3A_1179 = tpu.memref_squeeze %dma_wait3A_1178 : memref<1x1x128xi32, #tpu.memory_space<vmem>> -> memref<128xi32, #tpu.memory_space<vmem>>
      %dma_wait3A_1180 = arith.constant 0 : i32
      %dma_wait3A_1181 = arith.constant 0 : i32
      %dma_wait3A_1182 = tpu.memref_slice %arg3[%dma_wait3A_1180, %dma_wait3A_1181] : memref<10240x128xf32, #tpu.memory_space<hbm>> -> memref<10240x128xf32, #tpu.memory_space<hbm>>
      tpu.wait_indirect_dma semaphore(%arg14 : memref<!tpu.dma_semaphore, #tpu.memory_space<semaphore_mem>>) src(%dma_wait3A_1182 : memref<10240x128xf32, #tpu.memory_space<hbm>>) dst(%dma_wait3A_1176 : memref<128x128xf32, #tpu.memory_space<vmem>>)
      %run_scoped3A_1183 = arith.constant 1 : i32
      %run_scoped3A_1184 = arith.constant 3 : i32
      %run_scoped3A_1185 = arith.constant 1 : i32
      "tpu.region"() ({
        %run_scoped3A_1243 = tpu.sem_alloc : memref<!tpu.dma_semaphore, #tpu.memory_space<semaphore_mem>>
        %dma_start3A_1244 = arith.constant 0 : i32
        %dma_start3A_1245 = arith.constant 0 : i32
        %dma_start3A_1246 = tpu.memref_slice %arg7[%run_scoped3A_1183, %dma_start3A_1244, %dma_start3A_1245] : memref<2x128x128xf32, #tpu.memory_space<vmem>> -> memref<1x128x128xf32, #tpu.memory_space<vmem>>
        %dma_start3A_1247 = tpu.memref_squeeze %dma_start3A_1246 : memref<1x128x128xf32, #tpu.memory_space<vmem>> -> memref<128x128xf32, #tpu.memory_space<vmem>>
        %dma_start3A_1248 = arith.constant 0 : i32
        %dma_start3A_1249 = tpu.memref_slice %arg6[%run_scoped3A_1184, %run_scoped3A_1185, %dma_start3A_1248] : memref<4x2x128xi32, #tpu.memory_space<vmem>> -> memref<1x1x128xi32, #tpu.memory_space<vmem>>
        %dma_start3A_1250 = tpu.memref_squeeze %dma_start3A_1249 : memref<1x1x128xi32, #tpu.memory_space<vmem>> -> memref<128xi32, #tpu.memory_space<vmem>>
        %dma_start3A_1251 = arith.constant 0 : i32
        %dma_start3A_1252 = arith.constant 0 : i32
        %dma_start3A_1253 = tpu.memref_slice %arg5[%dma_start3A_1251, %dma_start3A_1252] : memref<10240x128xf32, #tpu.memory_space<vmem_shared>> -> memref<10240x128xf32, #tpu.memory_space<vmem_shared>>
        tpu.enqueue_indirect_dma source(%dma_start3A_1247 : memref<128x128xf32, #tpu.memory_space<vmem>>) target(%dma_start3A_1253 : memref<10240x128xf32, #tpu.memory_space<vmem_shared>>) offsets(%dma_start3A_1250 : memref<128xi32, #tpu.memory_space<vmem>>) semaphore(%run_scoped3A_1243 : memref<!tpu.dma_semaphore, #tpu.memory_space<semaphore_mem>>) {add = true}
        %dma_wait3A_1254 = arith.constant 0 : i32
        %dma_wait3A_1255 = arith.constant 0 : i32
        %dma_wait3A_1256 = tpu.memref_slice %arg7[%run_scoped3A_1183, %dma_wait3A_1254, %dma_wait3A_1255] : memref<2x128x128xf32, #tpu.memory_space<vmem>> -> memref<1x128x128xf32, #tpu.memory_space<vmem>>
        %dma_wait3A_1257 = tpu.memref_squeeze %dma_wait3A_1256 : memref<1x128x128xf32, #tpu.memory_space<vmem>> -> memref<128x128xf32, #tpu.memory_space<vmem>>
        %dma_wait3A_1258 = arith.constant 0 : i32
        %dma_wait3A_1259 = tpu.memref_slice %arg6[%run_scoped3A_1184, %run_scoped3A_1185, %dma_wait3A_1258] : memref<4x2x128xi32, #tpu.memory_space<vmem>> -> memref<1x1x128xi32, #tpu.memory_space<vmem>>
        %dma_wait3A_1260 = tpu.memref_squeeze %dma_wait3A_1259 : memref<1x1x128xi32, #tpu.memory_space<vmem>> -> memref<128xi32, #tpu.memory_space<vmem>>
        %dma_wait3A_1261 = arith.constant 0 : i32
        %dma_wait3A_1262 = arith.constant 0 : i32
        %dma_wait3A_1263 = tpu.memref_slice %arg5[%dma_wait3A_1261, %dma_wait3A_1262] : memref<10240x128xf32, #tpu.memory_space<vmem_shared>> -> memref<10240x128xf32, #tpu.memory_space<vmem_shared>>
        tpu.wait_indirect_dma semaphore(%run_scoped3A_1243 : memref<!tpu.dma_semaphore, #tpu.memory_space<semaphore_mem>>) src(%dma_wait3A_1257 : memref<128x128xf32, #tpu.memory_space<vmem>>) dst(%dma_wait3A_1263 : memref<10240x128xf32, #tpu.memory_space<vmem_shared>>)
        tpu.yield
      }) : () -> ()
      %add3A_1186 = arith.constant 3 : i32
      %add3A_1187 = arith.addi %add3A_951, %add3A_1186 : i32
      %add3A_1188 = arith.constant 4 : i32
      %add3A_1189 = arith.addi %add3A_1187, %add3A_1188 : i32
      %min3A_1190 = arith.minsi %add3A_1189, %sub3A_5 : i32
      %dma_start3A_1191 = arith.constant 3 : i32
      %dma_start3A_1192 = arith.constant 0 : i32
      %dma_start3A_1193 = arith.constant 0 : i32
      %dma_start3A_1194 = tpu.memref_slice %arg6[%dma_start3A_1191, %dma_start3A_1192, %dma_start3A_1193] : memref<4x2x128xi32, #tpu.memory_space<vmem>> -> memref<1x2x128xi32, #tpu.memory_space<vmem>>
      %dma_start3A_1195 = tpu.memref_squeeze %dma_start3A_1194 : memref<1x2x128xi32, #tpu.memory_space<vmem>> -> memref<2x128xi32, #tpu.memory_space<vmem>>
      %dma_start3A_1196 = arith.constant 0 : i32
      %dma_start3A_1197 = arith.constant 0 : i32
      %dma_start3A_1198 = tpu.memref_slice %arg2[%min3A_1190, %dma_start3A_1196, %dma_start3A_1197] : memref<2560x2x128xi32, #tpu.memory_space<hbm>> -> memref<1x2x128xi32, #tpu.memory_space<hbm>>
      %dma_start3A_1199 = tpu.memref_squeeze %dma_start3A_1198 : memref<1x2x128xi32, #tpu.memory_space<hbm>> -> memref<2x128xi32, #tpu.memory_space<hbm>>
      %dma_start3A_1200 = arith.constant 0 : i32
      %dma_start3A_1201 = arith.constant 0 : i32
      %dma_start3A_1202 = tpu.memref_slice %arg6[%dma_start3A_1191, %dma_start3A_1200, %dma_start3A_1201] : memref<4x2x128xi32, #tpu.memory_space<vmem>> -> memref<1x2x128xi32, #tpu.memory_space<vmem>>
      %dma_start3A_1203 = tpu.memref_squeeze %dma_start3A_1202 : memref<1x2x128xi32, #tpu.memory_space<vmem>> -> memref<2x128xi32, #tpu.memory_space<vmem>>
      %dma_start3A_1204 = arith.constant 0 : i32
      %dma_start3A_1205 = arith.constant 0 : i32
      %dma_start3A_1206 = tpu.memref_slice %arg2[%min3A_1190, %dma_start3A_1204, %dma_start3A_1205] : memref<2560x2x128xi32, #tpu.memory_space<hbm>> -> memref<1x2x128xi32, #tpu.memory_space<hbm>>
      %dma_start3A_1207 = tpu.memref_squeeze %dma_start3A_1206 : memref<1x2x128xi32, #tpu.memory_space<hbm>> -> memref<2x128xi32, #tpu.memory_space<hbm>>
      tpu.enqueue_dma source(%dma_start3A_1207 : memref<2x128xi32, #tpu.memory_space<hbm>>) target(%dma_start3A_1203 : memref<2x128xi32, #tpu.memory_space<vmem>>) target_semaphore(%arg12 : memref<!tpu.dma_semaphore, #tpu.memory_space<semaphore_mem>>)
      %add3A_1208 = arith.constant 3 : i32
      %add3A_1209 = arith.addi %add3A_951, %add3A_1208 : i32
      %add3A_1210 = arith.constant 2 : i32
      %add3A_1211 = arith.addi %add3A_1209, %add3A_1210 : i32
      %min3A_1212 = arith.minsi %add3A_1211, %sub3A_5 : i32
      %dma_wait3A_1213 = arith.constant 1 : i32
      %dma_wait3A_1214 = arith.constant 0 : i32
      %dma_wait3A_1215 = arith.constant 0 : i32
      %dma_wait3A_1216 = tpu.memref_slice %arg6[%dma_wait3A_1213, %dma_wait3A_1214, %dma_wait3A_1215] : memref<4x2x128xi32, #tpu.memory_space<vmem>> -> memref<1x2x128xi32, #tpu.memory_space<vmem>>
      %dma_wait3A_1217 = tpu.memref_squeeze %dma_wait3A_1216 : memref<1x2x128xi32, #tpu.memory_space<vmem>> -> memref<2x128xi32, #tpu.memory_space<vmem>>
      %dma_wait3A_1218 = arith.constant 0 : i32
      %dma_wait3A_1219 = arith.constant 0 : i32
      %dma_wait3A_1220 = tpu.memref_slice %arg2[%min3A_1212, %dma_wait3A_1218, %dma_wait3A_1219] : memref<2560x2x128xi32, #tpu.memory_space<hbm>> -> memref<1x2x128xi32, #tpu.memory_space<hbm>>
      %dma_wait3A_1221 = tpu.memref_squeeze %dma_wait3A_1220 : memref<1x2x128xi32, #tpu.memory_space<hbm>> -> memref<2x128xi32, #tpu.memory_space<hbm>>
      %dma_wait3A_1222 = arith.constant 0 : i32
      %dma_wait3A_1223 = arith.constant 0 : i32
      %dma_wait3A_1224 = tpu.memref_slice %arg6[%dma_wait3A_1213, %dma_wait3A_1222, %dma_wait3A_1223] : memref<4x2x128xi32, #tpu.memory_space<vmem>> -> memref<1x2x128xi32, #tpu.memory_space<vmem>>
      %dma_wait3A_1225 = tpu.memref_squeeze %dma_wait3A_1224 : memref<1x2x128xi32, #tpu.memory_space<vmem>> -> memref<2x128xi32, #tpu.memory_space<vmem>>
      %dma_wait3A_1226 = arith.constant 0 : i32
      %dma_wait3A_1227 = arith.constant 0 : i32
      %dma_wait3A_1228 = tpu.memref_slice %arg2[%min3A_1212, %dma_wait3A_1226, %dma_wait3A_1227] : memref<2560x2x128xi32, #tpu.memory_space<hbm>> -> memref<1x2x128xi32, #tpu.memory_space<hbm>>
      %dma_wait3A_1229 = tpu.memref_squeeze %dma_wait3A_1228 : memref<1x2x128xi32, #tpu.memory_space<hbm>> -> memref<2x128xi32, #tpu.memory_space<hbm>>
      tpu.wait_dma2 semaphore(%arg10 : memref<!tpu.dma_semaphore, #tpu.memory_space<semaphore_mem>>) src(%dma_wait3A_1229 : memref<2x128xi32, #tpu.memory_space<hbm>>) dst(%dma_wait3A_1225 : memref<2x128xi32, #tpu.memory_space<vmem>>)
      %dma_start3A_1230 = arith.constant 1 : i32
      %dma_start3A_1231 = arith.constant 0 : i32
      %dma_start3A_1232 = arith.constant 1 : i32
      %dma_start3A_1233 = arith.constant 0 : i32
      %dma_start3A_1234 = arith.constant 0 : i32
      %dma_start3A_1235 = tpu.memref_slice %arg7[%dma_start3A_1232, %dma_start3A_1233, %dma_start3A_1234] : memref<2x128x128xf32, #tpu.memory_space<vmem>> -> memref<1x128x128xf32, #tpu.memory_space<vmem>>
      %dma_start3A_1236 = tpu.memref_squeeze %dma_start3A_1235 : memref<1x128x128xf32, #tpu.memory_space<vmem>> -> memref<128x128xf32, #tpu.memory_space<vmem>>
      %dma_start3A_1237 = arith.constant 0 : i32
      %dma_start3A_1238 = tpu.memref_slice %arg6[%dma_start3A_1230, %dma_start3A_1231, %dma_start3A_1237] : memref<4x2x128xi32, #tpu.memory_space<vmem>> -> memref<1x1x128xi32, #tpu.memory_space<vmem>>
      %dma_start3A_1239 = tpu.memref_squeeze %dma_start3A_1238 : memref<1x1x128xi32, #tpu.memory_space<vmem>> -> memref<128xi32, #tpu.memory_space<vmem>>
      %dma_start3A_1240 = arith.constant 0 : i32
      %dma_start3A_1241 = arith.constant 0 : i32
      %dma_start3A_1242 = tpu.memref_slice %arg3[%dma_start3A_1240, %dma_start3A_1241] : memref<10240x128xf32, #tpu.memory_space<hbm>> -> memref<10240x128xf32, #tpu.memory_space<hbm>>
      tpu.enqueue_indirect_dma source(%dma_start3A_1242 : memref<10240x128xf32, #tpu.memory_space<hbm>>) target(%dma_start3A_1236 : memref<128x128xf32, #tpu.memory_space<vmem>>) offsets(%dma_start3A_1239 : memref<128xi32, #tpu.memory_space<vmem>>) semaphore(%arg14 : memref<!tpu.dma_semaphore, #tpu.memory_space<semaphore_mem>>)
    }
    %scan3A_882 = arith.constant 20 : i32
    %dma_wait3A_883 = arith.constant 0 : i32
    %dma_wait3A_884 = arith.constant 0 : i32
    %dma_wait3A_885 = arith.constant 0 : i32
    %dma_wait3A_886 = arith.constant 0 : i32
    %dma_wait3A_887 = arith.constant 0 : i32
    %dma_wait3A_888 = tpu.memref_slice %arg7[%dma_wait3A_885, %dma_wait3A_886, %dma_wait3A_887] : memref<2x128x128xf32, #tpu.memory_space<vmem>> -> memref<1x128x128xf32, #tpu.memory_space<vmem>>
    %dma_wait3A_889 = tpu.memref_squeeze %dma_wait3A_888 : memref<1x128x128xf32, #tpu.memory_space<vmem>> -> memref<128x128xf32, #tpu.memory_space<vmem>>
    %dma_wait3A_890 = arith.constant 0 : i32
    %dma_wait3A_891 = tpu.memref_slice %arg6[%dma_wait3A_883, %dma_wait3A_884, %dma_wait3A_890] : memref<4x2x128xi32, #tpu.memory_space<vmem>> -> memref<1x1x128xi32, #tpu.memory_space<vmem>>
    %dma_wait3A_892 = tpu.memref_squeeze %dma_wait3A_891 : memref<1x1x128xi32, #tpu.memory_space<vmem>> -> memref<128xi32, #tpu.memory_space<vmem>>
    %dma_wait3A_893 = arith.constant 0 : i32
    %dma_wait3A_894 = arith.constant 0 : i32
    %dma_wait3A_895 = tpu.memref_slice %arg3[%dma_wait3A_893, %dma_wait3A_894] : memref<10240x128xf32, #tpu.memory_space<hbm>> -> memref<10240x128xf32, #tpu.memory_space<hbm>>
    tpu.wait_indirect_dma semaphore(%arg13 : memref<!tpu.dma_semaphore, #tpu.memory_space<semaphore_mem>>) src(%dma_wait3A_895 : memref<10240x128xf32, #tpu.memory_space<hbm>>) dst(%dma_wait3A_889 : memref<128x128xf32, #tpu.memory_space<vmem>>)
    %dma_wait3A_896 = arith.constant 1 : i32
    %dma_wait3A_897 = arith.constant 0 : i32
    %dma_wait3A_898 = arith.constant 1 : i32
    %dma_wait3A_899 = arith.constant 0 : i32
    %dma_wait3A_900 = arith.constant 0 : i32
    %dma_wait3A_901 = tpu.memref_slice %arg7[%dma_wait3A_898, %dma_wait3A_899, %dma_wait3A_900] : memref<2x128x128xf32, #tpu.memory_space<vmem>> -> memref<1x128x128xf32, #tpu.memory_space<vmem>>
    %dma_wait3A_902 = tpu.memref_squeeze %dma_wait3A_901 : memref<1x128x128xf32, #tpu.memory_space<vmem>> -> memref<128x128xf32, #tpu.memory_space<vmem>>
    %dma_wait3A_903 = arith.constant 0 : i32
    %dma_wait3A_904 = tpu.memref_slice %arg6[%dma_wait3A_896, %dma_wait3A_897, %dma_wait3A_903] : memref<4x2x128xi32, #tpu.memory_space<vmem>> -> memref<1x1x128xi32, #tpu.memory_space<vmem>>
    %dma_wait3A_905 = tpu.memref_squeeze %dma_wait3A_904 : memref<1x1x128xi32, #tpu.memory_space<vmem>> -> memref<128xi32, #tpu.memory_space<vmem>>
    %dma_wait3A_906 = arith.constant 0 : i32
    %dma_wait3A_907 = arith.constant 0 : i32
    %dma_wait3A_908 = tpu.memref_slice %arg3[%dma_wait3A_906, %dma_wait3A_907] : memref<10240x128xf32, #tpu.memory_space<hbm>> -> memref<10240x128xf32, #tpu.memory_space<hbm>>
    tpu.wait_indirect_dma semaphore(%arg14 : memref<!tpu.dma_semaphore, #tpu.memory_space<semaphore_mem>>) src(%dma_wait3A_908 : memref<10240x128xf32, #tpu.memory_space<hbm>>) dst(%dma_wait3A_902 : memref<128x128xf32, #tpu.memory_space<vmem>>)
    %dma_wait3A_909 = arith.constant 2 : i32
    %dma_wait3A_910 = arith.constant 0 : i32
    %dma_wait3A_911 = arith.constant 0 : i32
    %dma_wait3A_912 = tpu.memref_slice %arg6[%dma_wait3A_909, %dma_wait3A_910, %dma_wait3A_911] : memref<4x2x128xi32, #tpu.memory_space<vmem>> -> memref<1x2x128xi32, #tpu.memory_space<vmem>>
    %dma_wait3A_913 = tpu.memref_squeeze %dma_wait3A_912 : memref<1x2x128xi32, #tpu.memory_space<vmem>> -> memref<2x128xi32, #tpu.memory_space<vmem>>
    %dma_wait3A_914 = arith.constant 0 : i32
    %dma_wait3A_915 = arith.constant 0 : i32
    %dma_wait3A_916 = tpu.memref_slice %arg2[%sub3A_5, %dma_wait3A_914, %dma_wait3A_915] : memref<2560x2x128xi32, #tpu.memory_space<hbm>> -> memref<1x2x128xi32, #tpu.memory_space<hbm>>
    %dma_wait3A_917 = tpu.memref_squeeze %dma_wait3A_916 : memref<1x2x128xi32, #tpu.memory_space<hbm>> -> memref<2x128xi32, #tpu.memory_space<hbm>>
    %dma_wait3A_918 = arith.constant 0 : i32
    %dma_wait3A_919 = arith.constant 0 : i32
    %dma_wait3A_920 = tpu.memref_slice %arg6[%dma_wait3A_909, %dma_wait3A_918, %dma_wait3A_919] : memref<4x2x128xi32, #tpu.memory_space<vmem>> -> memref<1x2x128xi32, #tpu.memory_space<vmem>>
    %dma_wait3A_921 = tpu.memref_squeeze %dma_wait3A_920 : memref<1x2x128xi32, #tpu.memory_space<vmem>> -> memref<2x128xi32, #tpu.memory_space<vmem>>
    %dma_wait3A_922 = arith.constant 0 : i32
    %dma_wait3A_923 = arith.constant 0 : i32
    %dma_wait3A_924 = tpu.memref_slice %arg2[%sub3A_5, %dma_wait3A_922, %dma_wait3A_923] : memref<2560x2x128xi32, #tpu.memory_space<hbm>> -> memref<1x2x128xi32, #tpu.memory_space<hbm>>
    %dma_wait3A_925 = tpu.memref_squeeze %dma_wait3A_924 : memref<1x2x128xi32, #tpu.memory_space<hbm>> -> memref<2x128xi32, #tpu.memory_space<hbm>>
    tpu.wait_dma2 semaphore(%arg11 : memref<!tpu.dma_semaphore, #tpu.memory_space<semaphore_mem>>) src(%dma_wait3A_925 : memref<2x128xi32, #tpu.memory_space<hbm>>) dst(%dma_wait3A_921 : memref<2x128xi32, #tpu.memory_space<vmem>>)
    %dma_wait3A_926 = arith.constant 3 : i32
    %dma_wait3A_927 = arith.constant 0 : i32
    %dma_wait3A_928 = arith.constant 0 : i32
    %dma_wait3A_929 = tpu.memref_slice %arg6[%dma_wait3A_926, %dma_wait3A_927, %dma_wait3A_928] : memref<4x2x128xi32, #tpu.memory_space<vmem>> -> memref<1x2x128xi32, #tpu.memory_space<vmem>>
    %dma_wait3A_930 = tpu.memref_squeeze %dma_wait3A_929 : memref<1x2x128xi32, #tpu.memory_space<vmem>> -> memref<2x128xi32, #tpu.memory_space<vmem>>
    %dma_wait3A_931 = arith.constant 0 : i32
    %dma_wait3A_932 = arith.constant 0 : i32
    %dma_wait3A_933 = tpu.memref_slice %arg2[%sub3A_5, %dma_wait3A_931, %dma_wait3A_932] : memref<2560x2x128xi32, #tpu.memory_space<hbm>> -> memref<1x2x128xi32, #tpu.memory_space<hbm>>
    %dma_wait3A_934 = tpu.memref_squeeze %dma_wait3A_933 : memref<1x2x128xi32, #tpu.memory_space<hbm>> -> memref<2x128xi32, #tpu.memory_space<hbm>>
    %dma_wait3A_935 = arith.constant 0 : i32
    %dma_wait3A_936 = arith.constant 0 : i32
    %dma_wait3A_937 = tpu.memref_slice %arg6[%dma_wait3A_926, %dma_wait3A_935, %dma_wait3A_936] : memref<4x2x128xi32, #tpu.memory_space<vmem>> -> memref<1x2x128xi32, #tpu.memory_space<vmem>>
    %dma_wait3A_938 = tpu.memref_squeeze %dma_wait3A_937 : memref<1x2x128xi32, #tpu.memory_space<vmem>> -> memref<2x128xi32, #tpu.memory_space<vmem>>
    %dma_wait3A_939 = arith.constant 0 : i32
    %dma_wait3A_940 = arith.constant 0 : i32
    %dma_wait3A_941 = tpu.memref_slice %arg2[%sub3A_5, %dma_wait3A_939, %dma_wait3A_940] : memref<2560x2x128xi32, #tpu.memory_space<hbm>> -> memref<1x2x128xi32, #tpu.memory_space<hbm>>
    %dma_wait3A_942 = tpu.memref_squeeze %dma_wait3A_941 : memref<1x2x128xi32, #tpu.memory_space<hbm>> -> memref<2x128xi32, #tpu.memory_space<hbm>>
    tpu.wait_dma2 semaphore(%arg12 : memref<!tpu.dma_semaphore, #tpu.memory_space<semaphore_mem>>) src(%dma_wait3A_942 : memref<2x128xi32, #tpu.memory_space<hbm>>) dst(%dma_wait3A_938 : memref<2x128xi32, #tpu.memory_space<vmem>>)
    %barrier3A_943 = arith.constant 0 : index
    tpu.barrier barrier_id(%barrier3A_943)
    %mul3A_944 = arith.constant 640 : i32
    %mul3A_945 = arith.muli %arg1, %mul3A_944 : i32
    %mul3A_946 = arith.constant 640 : i32
    %mul3A_947 = arith.muli %arg1, %mul3A_946 : i32
    "tpu.region"() ({
      %run_scoped3A_948 = tpu.sem_alloc : memref<!tpu.dma_semaphore, #tpu.memory_space<semaphore_mem>>
      %dma_start3A_949 = arith.constant 0 : i32
      %dma_start3A_950 = tpu.memref_slice %arg4[%arg0, %mul3A_947, %dma_start3A_949] : memref<2x10240x128xf32, #tpu.memory_space<hbm>> -> memref<1x640x128xf32, #tpu.memory_space<hbm>>
      %dma_start3A_951 = tpu.memref_squeeze %dma_start3A_950 : memref<1x640x128xf32, #tpu.memory_space<hbm>> -> memref<640x128xf32, #tpu.memory_space<hbm>>
      %dma_start3A_952 = arith.constant 0 : i32
      %dma_start3A_953 = tpu.memref_slice %arg5[%mul3A_945, %dma_start3A_952] : memref<10240x128xf32, #tpu.memory_space<vmem_shared>> -> memref<640x128xf32, #tpu.memory_space<vmem_shared>>
      tpu.enqueue_dma source(%dma_start3A_953 : memref<640x128xf32, #tpu.memory_space<vmem_shared>>) target(%dma_start3A_951 : memref<640x128xf32, #tpu.memory_space<hbm>>) target_semaphore(%run_scoped3A_948 : memref<!tpu.dma_semaphore, #tpu.memory_space<semaphore_mem>>)
      %dma_wait3A_954 = arith.constant 0 : i32
      %dma_wait3A_955 = tpu.memref_slice %arg4[%arg0, %mul3A_947, %dma_wait3A_954] : memref<2x10240x128xf32, #tpu.memory_space<hbm>> -> memref<1x640x128xf32, #tpu.memory_space<hbm>>
      %dma_wait3A_956 = tpu.memref_squeeze %dma_wait3A_955 : memref<1x640x128xf32, #tpu.memory_space<hbm>> -> memref<640x128xf32, #tpu.memory_space<hbm>>
      %dma_wait3A_957 = arith.constant 0 : i32
      %dma_wait3A_958 = tpu.memref_slice %arg5[%mul3A_945, %dma_wait3A_957] : memref<10240x128xf32, #tpu.memory_space<vmem_shared>> -> memref<640x128xf32, #tpu.memory_space<vmem_shared>>
      tpu.wait_dma2 semaphore(%run_scoped3A_948 : memref<!tpu.dma_semaphore, #tpu.memory_space<semaphore_mem>>) src(%dma_wait3A_958 : memref<640x128xf32, #tpu.memory_space<vmem_shared>>) dst(%dma_wait3A_956 : memref<640x128xf32, #tpu.memory_space<hbm>>)
      tpu.yield
    }) : () -> ()
    return
  }
}

module attributes {stable_mosaic.version = 14 : i64} {
  func.func @_tc_g1_body(%arg0: i32, %arg1: memref<1024x128xf32, #tpu.memory_space<vmem>>, %arg2: memref<128x128xf32, #tpu.memory_space<vmem>>, %arg3: memref<2x1024x16xf32, #tpu.memory_space<vmem>>, %arg4: memref<1024x128xf32, #tpu.memory_space<vmem>>) attributes {dimension_semantics = [#tpu.dimension_semantics<arbitrary>], iteration_bounds = array<i64: 10>, scalar_prefetch = 0 : i64, scratch_operands = 0 : i64, tpu.core_type = #tpu.core_type<tc>, window_params = [{transform_indices = @transform_0, window_bounds = array<i64: 1024, 128>}, {pipeline_mode = #tpu.pipeline_mode<synchronous>, transform_indices = @transform_1, window_bounds = array<i64: 128, 128>}, {transform_indices = @transform_2, window_bounds = array<i64: 2, 1024, 16>}, {transform_indices = @transform_3, window_bounds = array<i64: 1024, 128>}]} {
    %get3A = arith.constant 0 : index
    %get3A_0 = arith.constant 0 : index
    %get3A_1 = arith.constant 0 : index
    %get3A_2 = vector.load %arg3[%get3A, %get3A_0, %get3A_1] : memref<2x1024x16xf32, #tpu.memory_space<vmem>>, vector<1x1024x1xf32>
    %get3A_3 = vector.shape_cast %get3A_2 : vector<1x1024x1xf32> to vector<1024x1xf32>
    %get3A_4 = arith.constant 1 : index
    %get3A_5 = arith.constant 0 : index
    %get3A_6 = arith.constant 0 : index
    %get3A_7 = vector.load %arg3[%get3A_4, %get3A_5, %get3A_6] : memref<2x1024x16xf32, #tpu.memory_space<vmem>>, vector<1x1024x1xf32>
    %get3A_8 = vector.shape_cast %get3A_7 : vector<1x1024x1xf32> to vector<1024x1xf32>
    %add3A = arith.addf %get3A_3, %get3A_8 : vector<1024x1xf32>
    %add3A_9 = arith.constant 1.000000e+00 : f32
    %add3A_10 = vector.broadcast %add3A_9 : f32 to vector<1024x1xf32>
    %add3A_11 = arith.addf %add3A, %add3A_10 : vector<1024x1xf32>
    %rsqrt3A = math.rsqrt %add3A_11 : vector<1024x1xf32>
    %get3A_12 = arith.constant 0 : index
    %get3A_13 = arith.constant 0 : index
    %get3A_14 = vector.load %arg1[%get3A_12, %get3A_13] : memref<1024x128xf32, #tpu.memory_space<vmem>>, vector<1024x128xf32>
    %get3A_15 = arith.constant 0 : index
    %get3A_16 = arith.constant 0 : index
    %get3A_17 = vector.load %arg2[%get3A_15, %get3A_16] : memref<128x128xf32, #tpu.memory_space<vmem>>, vector<128x128xf32>
    %dot_general3A = arith.constant dense<0.000000e+00> : vector<1024x128xf32>
    %dot_general3A_18 = tpu.matmul %get3A_14, %get3A_17, %dot_general3A {dimension_numbers = #tpu.dot_dimension_numbers<[1], [0], [0], [1], [0, 0, 1, 1], [], []>, transpose_lhs_hint = false} : vector<1024x128xf32>, vector<128x128xf32>, vector<1024x128xf32> -> vector<1024x128xf32>
    %mul3A = vector.broadcast %rsqrt3A : vector<1024x1xf32> to vector<1024x128xf32>
    %mul3A_19 = arith.mulf %dot_general3A_18, %mul3A : vector<1024x128xf32>
    %swap3A = arith.constant 0 : index
    %swap3A_20 = arith.constant 0 : index
    %swap3A_21 = vector.load %arg4[%swap3A, %swap3A_20] : memref<1024x128xf32, #tpu.memory_space<vmem>>, vector<1024x128xf32>
    tpu.vector_store %arg4[%swap3A, %swap3A_20], %mul3A_19 {strides = array<i32>} : memref<1024x128xf32, #tpu.memory_space<vmem>>, vector<1024x128xf32>,
    return
  }
  func.func @transform_0(%arg0: i32) -> (i32, i32) {
    %c0_i32 = arith.constant 0 : i32
    %c0_i32_0 = arith.constant 0 : i32
    return %arg0, %c0_i32 : i32, i32
  }
  func.func @transform_1(%arg0: i32) -> (i32, i32) {
    %c0_i32 = arith.constant 0 : i32
    %c0_i32_0 = arith.constant 0 : i32
    %c0_i32_1 = arith.constant 0 : i32
    return %c0_i32, %c0_i32_0 : i32, i32
  }
  func.func @transform_2(%arg0: i32) -> (i32, i32, i32) {
    %c0_i32 = arith.constant 0 : i32
    %c0_i32_0 = arith.constant 0 : i32
    %c0_i32_1 = arith.constant 0 : i32
    return %c0_i32, %arg0, %c0_i32_0 : i32, i32, i32
  }
  func.func @transform_3(%arg0: i32) -> (i32, i32) {
    %c0_i32 = arith.constant 0 : i32
    %c0_i32_0 = arith.constant 0 : i32
    return %arg0, %c0_i32 : i32, i32
  }
}

module attributes {stable_mosaic.version = 14 : i64} {
  func.func @_tc_mid_body(%arg0: i32, %arg1: memref<2x1024x128xf32, #tpu.memory_space<vmem>>, %arg2: memref<1024x128xf32, #tpu.memory_space<vmem>>, %arg3: memref<2x1024x16xf32, #tpu.memory_space<vmem>>, %arg4: memref<1x128xf32, #tpu.memory_space<vmem>>, %arg5: memref<128x64xf32, #tpu.memory_space<vmem>>, %arg6: memref<1024x128xf32, #tpu.memory_space<vmem>>) attributes {dimension_semantics = [#tpu.dimension_semantics<arbitrary>], iteration_bounds = array<i64: 10>, scalar_prefetch = 0 : i64, scratch_operands = 0 : i64, tpu.core_type = #tpu.core_type<tc>, window_params = [{transform_indices = @transform_0, window_bounds = array<i64: 2, 1024, 128>}, {transform_indices = @transform_1, window_bounds = array<i64: 1024, 128>}, {transform_indices = @transform_2, window_bounds = array<i64: 2, 1024, 16>}, {pipeline_mode = #tpu.pipeline_mode<synchronous>, transform_indices = @transform_3, window_bounds = array<i64: 1, 128>}, {pipeline_mode = #tpu.pipeline_mode<synchronous>, transform_indices = @transform_4, window_bounds = array<i64: 128, 64>}, {transform_indices = @transform_5, window_bounds = array<i64: 1024, 128>}]} {
    %get3A = arith.constant 0 : index
    %get3A_0 = arith.constant 0 : index
    %get3A_1 = arith.constant 0 : index
    %get3A_2 = vector.load %arg3[%get3A, %get3A_0, %get3A_1] : memref<2x1024x16xf32, #tpu.memory_space<vmem>>, vector<1x1024x1xf32>
    %get3A_3 = vector.shape_cast %get3A_2 : vector<1x1024x1xf32> to vector<1024x1xf32>
    %get3A_4 = arith.constant 1 : index
    %get3A_5 = arith.constant 0 : index
    %get3A_6 = arith.constant 0 : index
    %get3A_7 = vector.load %arg3[%get3A_4, %get3A_5, %get3A_6] : memref<2x1024x16xf32, #tpu.memory_space<vmem>>, vector<1x1024x1xf32>
    %get3A_8 = vector.shape_cast %get3A_7 : vector<1x1024x1xf32> to vector<1024x1xf32>
    %add3A = arith.addf %get3A_3, %get3A_8 : vector<1024x1xf32>
    %add3A_9 = arith.constant 1.000000e+00 : f32
    %add3A_10 = vector.broadcast %add3A_9 : f32 to vector<1024x1xf32>
    %add3A_11 = arith.addf %add3A, %add3A_10 : vector<1024x1xf32>
    %rsqrt3A = math.rsqrt %add3A_11 : vector<1024x1xf32>
    %get3A_12 = arith.constant 0 : index
    %get3A_13 = arith.constant 0 : index
    %get3A_14 = arith.constant 0 : index
    %get3A_15 = vector.load %arg1[%get3A_12, %get3A_13, %get3A_14] : memref<2x1024x128xf32, #tpu.memory_space<vmem>>, vector<1x1024x128xf32>
    %get3A_16 = vector.shape_cast %get3A_15 : vector<1x1024x128xf32> to vector<1024x128xf32>
    %get3A_17 = arith.constant 1 : index
    %get3A_18 = arith.constant 0 : index
    %get3A_19 = arith.constant 0 : index
    %get3A_20 = vector.load %arg1[%get3A_17, %get3A_18, %get3A_19] : memref<2x1024x128xf32, #tpu.memory_space<vmem>>, vector<1x1024x128xf32>
    %get3A_21 = vector.shape_cast %get3A_20 : vector<1x1024x128xf32> to vector<1024x128xf32>
    %add3A_22 = arith.addf %get3A_16, %get3A_21 : vector<1024x128xf32>
    %get3A_23 = arith.constant 0 : index
    %get3A_24 = arith.constant 0 : index
    %get3A_25 = vector.load %arg2[%get3A_23, %get3A_24] : memref<1024x128xf32, #tpu.memory_space<vmem>>, vector<1024x128xf32>
    %add3A_26 = arith.addf %add3A_22, %get3A_25 : vector<1024x128xf32>
    %mul3A = vector.broadcast %rsqrt3A : vector<1024x1xf32> to vector<1024x128xf32>
    %mul3A_27 = arith.mulf %add3A_26, %mul3A : vector<1024x128xf32>
    %get3A_28 = arith.constant 0 : index
    %get3A_29 = arith.constant 0 : index
    %get3A_30 = vector.load %arg4[%get3A_28, %get3A_29] : memref<1x128xf32, #tpu.memory_space<vmem>>, vector<1x128xf32>
    %add3A_31 = vector.broadcast %get3A_30 : vector<1x128xf32> to vector<1024x128xf32>
    %add3A_32 = arith.addf %mul3A_27, %add3A_31 : vector<1024x128xf32>
    %max3A = arith.constant 0.000000e+00 : f32
    %max3A_33 = vector.broadcast %max3A : f32 to vector<1024x128xf32>
    %max3A_34 = arith.maximumf %add3A_32, %max3A_33 : vector<1024x128xf32>
    %get3A_35 = arith.constant 0 : index
    %get3A_36 = arith.constant 0 : index
    %get3A_37 = vector.load %arg5[%get3A_35, %get3A_36] : memref<128x64xf32, #tpu.memory_space<vmem>>, vector<128x64xf32>
    %dot_general3A = arith.constant dense<0.000000e+00> : vector<1024x64xf32>
    %dot_general3A_38 = tpu.matmul %max3A_34, %get3A_37, %dot_general3A {dimension_numbers = #tpu.dot_dimension_numbers<[1], [0], [0], [1], [0, 0, 1, 1], [], []>, transpose_lhs_hint = false} : vector<1024x128xf32>, vector<128x64xf32>, vector<1024x64xf32> -> vector<1024x64xf32>
    %mul3A_39 = vector.broadcast %rsqrt3A : vector<1024x1xf32> to vector<1024x64xf32>
    %mul3A_40 = arith.mulf %dot_general3A_38, %mul3A_39 : vector<1024x64xf32>
    %jit3A = arith.constant 0 : i32
    %convert_element_type3A = arith.sitofp %jit3A : i32 to f32
    %pad3A = vector.broadcast %convert_element_type3A : f32 to vector<1024x64xf32>
    %pad3A_41 = tpu.concatenate %mul3A_40, %pad3A in 1 : vector<1024x64xf32>, vector<1024x64xf32> -> vector<1024x128xf32>
    %swap3A = arith.constant 0 : index
    %swap3A_42 = arith.constant 0 : index
    %swap3A_43 = vector.load %arg6[%swap3A, %swap3A_42] : memref<1024x128xf32, #tpu.memory_space<vmem>>, vector<1024x128xf32>
    tpu.vector_store %arg6[%swap3A, %swap3A_42], %pad3A_41 {strides = array<i32>} : memref<1024x128xf32, #tpu.memory_space<vmem>>, vector<1024x128xf32>,
    return
  }
  func.func @transform_0(%arg0: i32) -> (i32, i32, i32) {
    %c0_i32 = arith.constant 0 : i32
    %c0_i32_0 = arith.constant 0 : i32
    %c0_i32_1 = arith.constant 0 : i32
    return %c0_i32, %arg0, %c0_i32_0 : i32, i32, i32
  }
  func.func @transform_1(%arg0: i32) -> (i32, i32) {
    %c0_i32 = arith.constant 0 : i32
    %c0_i32_0 = arith.constant 0 : i32
    return %arg0, %c0_i32 : i32, i32
  }
  func.func @transform_2(%arg0: i32) -> (i32, i32, i32) {
    %c0_i32 = arith.constant 0 : i32
    %c0_i32_0 = arith.constant 0 : i32
    %c0_i32_1 = arith.constant 0 : i32
    return %c0_i32, %arg0, %c0_i32_0 : i32, i32, i32
  }
  func.func @transform_3(%arg0: i32) -> (i32, i32) {
    %c0_i32 = arith.constant 0 : i32
    %c0_i32_0 = arith.constant 0 : i32
    %c0_i32_1 = arith.constant 0 : i32
    return %c0_i32, %c0_i32_0 : i32, i32
  }
  func.func @transform_4(%arg0: i32) -> (i32, i32) {
    %c0_i32 = arith.constant 0 : i32
    %c0_i32_0 = arith.constant 0 : i32
    %c0_i32_1 = arith.constant 0 : i32
    return %c0_i32, %c0_i32_0 : i32, i32
  }
  func.func @transform_5(%arg0: i32) -> (i32, i32) {
    %c0_i32 = arith.constant 0 : i32
    %c0_i32_0 = arith.constant 0 : i32
    return %arg0, %c0_i32 : i32, i32
  }
}

module attributes {stable_mosaic.version = 14 : i64} {
  func.func @_tc_out_body(%arg0: i32, %arg1: memref<2x1024x128xf32, #tpu.memory_space<vmem>>, %arg2: memref<1024x128xf32, #tpu.memory_space<vmem>>, %arg3: memref<2x1024x16xf32, #tpu.memory_space<vmem>>, %arg4: memref<1x128xf32, #tpu.memory_space<vmem>>, %arg5: memref<1024x128xf32, #tpu.memory_space<vmem>>) attributes {dimension_semantics = [#tpu.dimension_semantics<arbitrary>], iteration_bounds = array<i64: 10>, scalar_prefetch = 0 : i64, scratch_operands = 0 : i64, tpu.core_type = #tpu.core_type<tc>, window_params = [{transform_indices = @transform_0, window_bounds = array<i64: 2, 1024, 128>}, {transform_indices = @transform_1, window_bounds = array<i64: 1024, 128>}, {transform_indices = @transform_2, window_bounds = array<i64: 2, 1024, 16>}, {pipeline_mode = #tpu.pipeline_mode<synchronous>, transform_indices = @transform_3, window_bounds = array<i64: 1, 128>}, {transform_indices = @transform_4, window_bounds = array<i64: 1024, 128>}]} {
    %get3A = arith.constant 0 : index
    %get3A_0 = arith.constant 0 : index
    %get3A_1 = arith.constant 0 : index
    %get3A_2 = vector.load %arg3[%get3A, %get3A_0, %get3A_1] : memref<2x1024x16xf32, #tpu.memory_space<vmem>>, vector<1x1024x1xf32>
    %get3A_3 = vector.shape_cast %get3A_2 : vector<1x1024x1xf32> to vector<1024x1xf32>
    %get3A_4 = arith.constant 1 : index
    %get3A_5 = arith.constant 0 : index
    %get3A_6 = arith.constant 0 : index
    %get3A_7 = vector.load %arg3[%get3A_4, %get3A_5, %get3A_6] : memref<2x1024x16xf32, #tpu.memory_space<vmem>>, vector<1x1024x1xf32>
    %get3A_8 = vector.shape_cast %get3A_7 : vector<1x1024x1xf32> to vector<1024x1xf32>
    %add3A = arith.addf %get3A_3, %get3A_8 : vector<1024x1xf32>
    %add3A_9 = arith.constant 1.000000e+00 : f32
    %add3A_10 = vector.broadcast %add3A_9 : f32 to vector<1024x1xf32>
    %add3A_11 = arith.addf %add3A, %add3A_10 : vector<1024x1xf32>
    %rsqrt3A = math.rsqrt %add3A_11 : vector<1024x1xf32>
    %get3A_12 = arith.constant 0 : index
    %get3A_13 = arith.constant 0 : index
    %get3A_14 = arith.constant 0 : index
    %get3A_15 = vector.load %arg1[%get3A_12, %get3A_13, %get3A_14] : memref<2x1024x128xf32, #tpu.memory_space<vmem>>, vector<1x1024x128xf32>
    %get3A_16 = vector.shape_cast %get3A_15 : vector<1x1024x128xf32> to vector<1024x128xf32>
    %get3A_17 = arith.constant 1 : index
    %get3A_18 = arith.constant 0 : index
    %get3A_19 = arith.constant 0 : index
    %get3A_20 = vector.load %arg1[%get3A_17, %get3A_18, %get3A_19] : memref<2x1024x128xf32, #tpu.memory_space<vmem>>, vector<1x1024x128xf32>
    %get3A_21 = vector.shape_cast %get3A_20 : vector<1x1024x128xf32> to vector<1024x128xf32>
    %add3A_22 = arith.addf %get3A_16, %get3A_21 : vector<1024x128xf32>
    %get3A_23 = arith.constant 0 : index
    %get3A_24 = arith.constant 0 : index
    %get3A_25 = vector.load %arg2[%get3A_23, %get3A_24] : memref<1024x128xf32, #tpu.memory_space<vmem>>, vector<1024x128xf32>
    %add3A_26 = arith.addf %add3A_22, %get3A_25 : vector<1024x128xf32>
    %mul3A = vector.broadcast %rsqrt3A : vector<1024x1xf32> to vector<1024x128xf32>
    %mul3A_27 = arith.mulf %add3A_26, %mul3A : vector<1024x128xf32>
    %get3A_28 = arith.constant 0 : index
    %get3A_29 = arith.constant 0 : index
    %get3A_30 = vector.load %arg4[%get3A_28, %get3A_29] : memref<1x128xf32, #tpu.memory_space<vmem>>, vector<1x128xf32>
    %add3A_31 = vector.broadcast %get3A_30 : vector<1x128xf32> to vector<1024x128xf32>
    %add3A_32 = arith.addf %mul3A_27, %add3A_31 : vector<1024x128xf32>
    %max3A = arith.constant 0.000000e+00 : f32
    %max3A_33 = vector.broadcast %max3A : f32 to vector<1024x128xf32>
    %max3A_34 = arith.maximumf %add3A_32, %max3A_33 : vector<1024x128xf32>
    %swap3A = arith.constant 0 : index
    %swap3A_35 = arith.constant 0 : index
    %swap3A_36 = vector.load %arg5[%swap3A, %swap3A_35] : memref<1024x128xf32, #tpu.memory_space<vmem>>, vector<1024x128xf32>
    tpu.vector_store %arg5[%swap3A, %swap3A_35], %max3A_34 {strides = array<i32>} : memref<1024x128xf32, #tpu.memory_space<vmem>>, vector<1024x128xf32>,
    return
  }
  func.func @transform_0(%arg0: i32) -> (i32, i32, i32) {
    %c0_i32 = arith.constant 0 : i32
    %c0_i32_0 = arith.constant 0 : i32
    %c0_i32_1 = arith.constant 0 : i32
    return %c0_i32, %arg0, %c0_i32_0 : i32, i32, i32
  }
  func.func @transform_1(%arg0: i32) -> (i32, i32) {
    %c0_i32 = arith.constant 0 : i32
    %c0_i32_0 = arith.constant 0 : i32
    return %arg0, %c0_i32 : i32, i32
  }
  func.func @transform_2(%arg0: i32) -> (i32, i32, i32) {
    %c0_i32 = arith.constant 0 : i32
    %c0_i32_0 = arith.constant 0 : i32
    %c0_i32_1 = arith.constant 0 : i32
    return %c0_i32, %arg0, %c0_i32_0 : i32, i32, i32
  }
  func.func @transform_3(%arg0: i32) -> (i32, i32) {
    %c0_i32 = arith.constant 0 : i32
    %c0_i32_0 = arith.constant 0 : i32
    %c0_i32_1 = arith.constant 0 : i32
    return %c0_i32, %c0_i32_0 : i32, i32
  }
  func.func @transform_4(%arg0: i32) -> (i32, i32) {
    %c0_i32 = arith.constant 0 : i32
    %c0_i32_0 = arith.constant 0 : i32
    return %arg0, %c0_i32 : i32, i32
  }
}

</mosaic_0001>

<sc_bundles>
// kernel: kernel.11.cloned.1.call-start
scs
__scs_entry_jumppad:
0x0: {  	(pc) =	sbr.rel $0x88, $3  }
0x1: {  	(tag) =	ssettag $0x0;
	lr =	simm.s32 $0x1  }
0x2: {  	[smem:$0x3F9B] =	sst lr;
	_ =	strace $0xD0000000  }
0x3: {  	_ = 	snop  }
0x4: {  	_ = 	snop  }
0x5: {  	_ = 	snop  }
0x6: {  	_ = 	snop  }
0x7: {  	_ = 	snop  }
__scs_overlays_trampoline_lowered:
0x8: {  	[smem:$0x3FAA] =	sst s0  }
0x9: {  	[smem:$0x3FAB] =	sst s1  }
0xa: {  	[smem:$0x3FAC] =	sst s2  }
0xb: {  	[smem:$0x3FAD] =	sst s3  }
0xc: {  	[smem:$0x3FAE] =	sst s4  }
0xd: {  	[smem:$0x3FAF] =	sst s5  }
0xe: {  	[smem:$0x3FB0] =	sst s6  }
0xf: {  	[smem:$0x3FB1] =	sst s7  }
0x10: {  	[smem:$0x3FB2] =	sst s8  }
0x11: {  	[smem:$0x3FB3] =	sst s9;
	s0 =	simm.s32 @!p0 $0x0  }
0x12: {  	s1 =	sld [smem:$0x3F99];
	s0 =	simm.s32 @p0 $0x1  }
0x13: {  	[smem:$0x3FB4] =	sst s0;
	s0 =	simm.s32 @!p1 $0x0  }
0x14: {  	s2 =	sld [smem:$0x3F98];
	s0 =	simm.s32 @p1 $0x1  }
0x15: {  	[smem:$0x3FB5] =	sst s0;
	s0 =	simm.s32 @!p2 $0x0  }
0x16: {  	s3 =	sld [smem:$0x3FDB];
	s0 =	simm.s32 @p2 $0x1  }
0x17: {  	s4 =	simm.s32 $0x1BF5;
	[smem:$0x3FB7] =	sst s0  }
0x18: {  	s0 =	sld [smem:$0x3F9A];
	_ =	swait.ge [sflag:s4], $0x0  }
0x19: {  	s7 =	sld [smem:$0x3F9B]  }
0x1a: {  	s8 =	sadd.s32 $0xFFFFE003, lr  }
0x1b: {  	s9 =	sadd.s32 $0xFFFFFEF7, lr;
	s5 =	simm.s32 $0xFFFFFFFF;
	p2 =	slt.u32 s8, $0xFFFFF086  }
0x1c: {  	p1 =	slt.u32 s9, $0xF7A;
	s5 =	simm.s32 @!p2 $0x0  }
0x1d: {  	s5 =	simm.s32 @p1 $0x1;
	p0 =	seq.s32 s7, s2  }
0x1e: {  	s7 =	smul.u32 @!p0 $0xF7A, s2;
	p2 =	seq.s32 @!p0 s5, $0x0  }
0x1f: {  	s9 =	smul.u32 $0xF7A, s1;
	s8 =	simm.s32 @!p0 $0x1BF5;
	p2 =	por !p2, p0  }
0x20: {  	[sflag:s8] =	ssyncset.s32 @!p0 $0xFFFFF086;
	s6 =	sadd.s32 @!p0 s3, s7;
	s7 =	simm.s32 @!p0 $0x108  }
0x21: {  	s3 =	sadd.s32 s3, s9;
	s6 =	sadd.s32 @!p0 $0x88, s6;
	s7 =	simm.s32 @p2 $0x1082  }
0x22: {  	[simem:s7], [sflag:s8] =	dma.local @!p0 [hbm:s6], $0xF7A  }
0x23: {  	s9 =	sor.u32 $0xD0000000, s2;
	s6 =	simm.s32 $0x108;
	_ =	swait.ge @!p0 [sflag:s8], $0x0  }
0x24: {  	s3 =	sadd.s32 $0x88, s3;
	s6 =	simm.s32 @!p1 $0x1082;
	[sflag:s4] =	ssyncset.s32 $0xFFFFF086  }
0x25: {  	[simem:s6], [sflag:s4] =	dma.local [hbm:s3], $0xF7A  }
0x26: {  	[smem:$0x3F9B] =	sst s1;
	(tag) =	ssettag s2;
	_ =	strace s9  }
0x27: {  	s1 =	sld [smem:$0x3FAB]  }
0x28: {  	s2 =	sld [smem:$0x3FAC]  }
0x29: {  	s4 =	sld [smem:$0x3FAE]  }
0x2a: {  	p0 =	seq.s32 s5, $0x0;
	s5 =	sld [smem:$0x3FAF]  }
0x2b: {  	s6 =	sld [smem:$0x3FB0]  }
0x2c: {  	s7 =	sld [smem:$0x3FB1]  }
0x2d: {  	s3 =	simm.s32 $0x108;
	s8 =	sld [smem:$0x3FB2]  }
0x2e: {  	s3 =	simm.s32 @!p0 $0x1082;
	s9 =	sld [smem:$0x3FB3]  }
0x2f: {  	lr =	sadd.s32 s0, s3;
	s0 =	sld [smem:$0x3FAA]  }
0x30: {  	s3 =	sld [smem:$0x3FAD]  }
0x31: {  	[smem:$0x3FB6] =	sst s10  }
0x32: {  	s10 =	sld [smem:$0x3FB4];
	_ =	sdelay $0x3  }
0x33: {  	p0 =	seq.s32 s10, $0x1;
	s10 =	sld [smem:$0x3FB6];
	_ =	sdelay $0x3  }
0x34: {  	[smem:$0x3FB6] =	sst s10  }
0x35: {  	s10 =	sld [smem:$0x3FB5];
	_ =	sdelay $0x3  }
0x36: {  	p1 =	seq.s32 s10, $0x1;
	s10 =	sld [smem:$0x3FB6];
	_ =	sdelay $0x3  }
0x37: {  	[smem:$0x3FB6] =	sst s10  }
0x38: {  	s10 =	sld [smem:$0x3FB7]  }
0x39: {  	_ = 	snop;
	(pc) =	sbr.ind lr, $3  }
0x3a: {  	_ = 	snop  }
0x3b: {  	_ = 	snop  }
0x3c: {  	p2 =	seq.s32 s10, $0x1;
	s10 =	sld [smem:$0x3FB6]  }
0x3d: {  	_ =	shalt  }
0x3e: {  	_ =	shalt  }
0x3f: {  	_ =	shalt  }
0x40: {  	_ =	shalt  }
0x41: {  	_ =	shalt  }
0x42: {  	_ =	shalt  }
0x43: {  	_ =	shalt  }
0x44: {  	_ =	shalt  }
0x45: {  	_ =	shalt  }
0x46: {  	_ =	shalt  }
0x47: {  	_ =	shalt  }
0x48: {  	_ =	shalt  }
0x49: {  	_ =	shalt  }
0x4a: {  	_ =	shalt  }
0x4b: {  	_ =	shalt  }
0x4c: {  	_ =	shalt  }
0x4d: {  	_ =	shalt  }
0x4e: {  	_ =	shalt  }
0x4f: {  	_ =	shalt  }
0x50: {  	_ =	shalt  }
0x51: {  	_ =	shalt  }
0x52: {  	_ =	shalt  }
0x53: {  	_ =	shalt  }
0x54: {  	_ =	shalt  }
0x55: {  	_ =	shalt  }
0x56: {  	_ =	shalt  }
0x57: {  	_ =	shalt  }
0x58: {  	_ =	shalt  }
0x59: {  	_ =	shalt  }
0x5a: {  	_ =	shalt  }
0x5b: {  	_ =	shalt  }
0x5c: {  	_ =	shalt  }
0x5d: {  	_ =	shalt  }
0x5e: {  	_ =	shalt  }
0x5f: {  	_ =	shalt  }
0x60: {  	_ =	shalt  }
0x61: {  	_ =	shalt  }
0x62: {  	_ =	shalt  }
0x63: {  	_ =	shalt  }
0x64: {  	_ =	shalt  }
0x65: {  	_ =	shalt  }
0x66: {  	_ =	shalt  }
0x67: {  	_ =	shalt  }
0x68: {  	_ =	shalt  }
0x69: {  	_ =	shalt  }
0x6a: {  	_ =	shalt  }
0x6b: {  	_ =	shalt  }
0x6c: {  	_ =	shalt  }
0x6d: {  	_ =	shalt  }
0x6e: {  	_ =	shalt  }
0x6f: {  	_ =	shalt  }
0x70: {  	_ =	shalt  }
0x71: {  	_ =	shalt  }
0x72: {  	_ =	shalt  }
0x73: {  	_ =	shalt  }
0x74: {  	_ =	shalt  }
0x75: {  	_ =	shalt  }
0x76: {  	_ =	shalt  }
0x77: {  	_ =	shalt  }
0x78: {  	_ =	shalt  }
0x79: {  	_ =	shalt  }
0x7a: {  	_ =	shalt  }
0x7b: {  	_ =	shalt  }
0x7c: {  	_ =	shalt  }
0x7d: {  	_ =	shalt  }
0x7e: {  	_ =	shalt  }
0x7f: {  	_ =	shalt  }
0x80: {  	_ =	shalt  }
0x81: {  	_ =	shalt  }
0x82: {  	_ =	shalt  }
0x83: {  	_ =	shalt  }
0x84: {  	_ =	shalt  }
0x85: {  	_ =	shalt  }
0x86: {  	_ =	shalt  }
0x87: {  	_ =	shalt  }
.Lfunc_end0:
.L_simem_size_0:
called_computation.1_lowered:
.L_overlay_start_0:
0x88: {  	s2 =	sld [smem:$0x3FD9]  }
0x89: {  	s3 =	sld [smem:$0x3FFE];
	_ =	sdelay $0x1  }
0x8a: {  	s1 =	srdreg.scid  }
0x8b: {  	s0 =	sand.u32 $0x1, s1  }
0x8c: {  	s16 =	sshll.u32 s0, $0xA;
	s2 =	sadd.s32 s3, s2  }
0x8d: {  	s2 =	sadd.s32 s2, s16  }
0x8e: {  	[smem:$0x3FC2] =	sst s2  }
0x8f: {  	_ = 	snop  }
0x90: {  	(tm) =	ssettm $0x1  }
0x91: {  	s17 =	sld [smem:$0x3FFB];
	_ =	sdelay $0x3  }
0x92: {  	_ =	strace s17  }
0x93: {  	s2 =	sld [smem:$0x3FFC];
	_ =	sdelay $0x3  }
0x94: {  	_ =	strace s2  }
0x95: {  	s2 =	sld [smem:$0x3FFD];
	_ =	sdelay $0x3  }
0x96: {  	_ =	strace s2  }
0x97: {  	_ =	strace $0x8FFFFFFF  }
0x98: {  	s18 =	sld [smem:$0x3FDB];
	_ =	sdelay $0x1  }
0x99: {  	s19 =	simm.s32 $_scs_section_size  }
0x9a: {  	s4 =	simm.s32 $_size__tile_overlayer_lowered;
	s5 =	simm.s32 $_tile_overlayer_lowered  }
0x9b: {  	s22 =	simm.s32 $0x1BFF;
	s21 =	sshll.u32 s5, $0x1;
	s2 =	sadd.s32 s19, s18  }
0x9c: {  	s6 =	simm.s32 $0x0;
	s20 =	sshll.u32 s4, $0x1;
	s4 =	sadd.s32 s21, s2  }
0x9d: {  	[timem:s6], [sflag:s22] =	dma.local [hbm:s4], s20  }
0x9e: {  	_ =	swait.ge [sflag:s22], s20  }
0x9f: {  	s3 =	ssub.s32 $0x0, s20;
	[sflag:s22] =	ssyncset.done $0x0  }
0xa0: {  	[sflag:s22] =	ssyncadd.s32 s3;
	_ =	sdelay $0x1  }
0xa1: {  	s23 =	simm.s32 $0x1B8B  }
0xa2: {  	_ =	swait.ge [sflag:s23], $0x1  }
0xa3: {  	[sflag:s23] =	ssyncset.done $0x0  }
0xa4: {  	s25 =	simm.s32 $0x1B8E;
	s24 =	sld [smem:$0x3FFE];
	[sflag:s23] =	ssyncadd.s32 $0xFFFFFFFF  }
0xa5: {  	s26 =	simm.s32 $execute0_lowered;
	[smem:$0x3FD2] =	sst s25  }
0xa6: {  	s4 =	sshll.u32 s26, $0x1;
	_ =	strace $0x80000049;
	[dreg:$0x1] =	wrdreg $0xFFFFFFFF  }
0xa7: {  	s28 =	simm.s32 $_size_execute0_lowered;
	s2 =	sadd.s32 s2, s4;
	[dreg:$0x0] =	wrdreg $0x0  }
0xa8: {  	s4 =	sshll.u32 s28, $0x1;
	[dreg:$0x2] =	wrdreg s2  }
0xa9: {  	[dreg:$0x3] =	wrdreg s4  }
0xaa: {  	[dreg:$0x4] =	wrdreg $0xC0  }
0xab: {  	_ =	task [dreg:s6], $0x5FFFF  }
0xac: {  	[dreg:$0x1] =	wrdreg $0xFFFFFFFF  }
0xad: {  	[dreg:$0x0] =	wrdreg $0x60  }
0xae: {  	[dreg:$0x2] =	wrdreg s24  }
0xaf: {  	[dreg:$0x3] =	wrdreg $0x0  }
0xb0: {  	[dreg:$0x4] =	wrdreg $0x9  }
0xb1: {  	_ =	task.clear_ibuf [dreg:s6], $0x5FFFF;
	_ =	strace $0x90000049  }
0xb2: {  	s29 =	simm.s32 $0x9;
	_ =	strace $0x8000004B  }
0xb3: {  	_ =	swait.ge [sflag:s29], $0x1  }
0xb4: {  	[sflag:s29] =	ssyncadd.s32 $0xFFFFFFFF  }
0xb5: {  	_ =	strace $0x9000004B  }
0xb6: {  	_ =	sfence  }
0xb7: {  	s30 =	sld [smem:$0x0];
	_ =	sdelay $0x2  }
0xb8: {  	s31 =	sshll.u32 s1, $0xD;
	s1 =	sshrl.u32 s1, $0x2  }
0xb9: {  	s3 =	sand.u32 $0x4000, s31;
	s1 =	sadd.s32 s1, s30  }
0xba: {  	s0 =	sor.u32 s3, s0;
	s1 =	sshll.u32 s1, $0x11  }
0xbb: {  	s0 =	sor.u32 s1, s0  }
0xbc: {  	s0 =	sadd.s32 $0x8F2B, s0  }
0xbd: {  	[sflag:s0] =	ssyncadd.remote.s32 $0x1  }
0xbe: {  	_ =	sfence.sel $0xFFFF  }
0xbf: {  	[dreg:$0x0] =	wrdreg $0xFFFFFFFF;
	(pc) =	sbr.abs _section_cstart, $3  }
0xc0: {  	[dreg:$0x1] =	wrdreg $0xFFFFFFFF  }
0xc1: {  	_ =	task.clear_ibuf [dreg:s6], $0x2FFFF;
	_ =	strace $0x9FFFFFFF  }
0xc2: {  	(tm) =	ssettm $0x7FFFFFFF  }
0xc3: {  	_ =	shalt  }
tec
execute0_lowered:
.L_overlay_start_1:
0x0: {  	(tag) =	ssettag $0x1  }
0x1: {  	s0 =	rddreg [dreg:$0x0]  }
0x2: {  	s1 =	rddreg [dreg:$0x1];
	s3 =	simm.s32 $0x0  }
0x3: {  	s2 =	srdreg.scid;
	s18 =	stileid.u32;
	s16 =	simm.s32 $0x14100  }
0x4: {  	s17 =	simm.s32 $0x14200;
	s24 =	simm.s32 $0x14080;
	s25 =	simm.s32 $0x14180  }
0x5: {  	s26 =	simm.s32 $0x14280;
	s31 =	simm.s32 $0x14380;
	s28 =	simm.s32 $0x4  }
0x6: {  	s29 =	simm.s32 $0x1;
	s30 =	simm.s32 $0x0;
	s8 =	smul.u32 $0x14000, s18  }
0x7: {  	[smem:$0x7FF] =	sst s3;
	s6 =	sand.u32 $0x1, s2;
	s12 =	smul.u32 $0x50000, s18  }
0x8: {  	s15 =	smul.u32 $0x50, s18;
	_ =	strace $0x8000004A;
	[dreg:$0x4] =	wrdreg s24  }
0x9: {  	s5 =	sadd.s32 $0x66E00, s0;
	s7 =	smul.u32 $0x140000, s6;
	[dreg:$0x5] =	wrdreg s25  }
0xa: {  	s4 =	sshll.u32 s6, $0x4;
	s19 =	ssub.s32 $0x2, s6;
	[dreg:$0x6] =	wrdreg s26  }
0xb: {  	s14 =	smul.u32 $0x500, s6;
	s24 =	simm.s32 $0x5;
	[dreg:$0x7] =	wrdreg s31  }
0xc: {  	s25 =	simm.s32 $0x3;
	s26 =	simm.s32 $0x6;
	s9 =	sor.u32 s18, s4  }
0xd: {  	s4 =	sadd.s32 $0x52E00, s0;
	s11 =	sshrl.u32 s19, $0x1;
	s22 =	sshrl.u32 s12, $0x2  }
0xe: {  	s18 =	simm.s32 $0x14300;
	s10 =	smul.u32 $0x50, s9;
	s7 =	sadd.s32 s8, s7  }
0xf: {  	s9 =	smul.u32 $0xA00, s9;
	s13 =	ssub.s32 s19, s11;
	s11 =	sadd.s32 s22, s1  }
0x10: {  	s14 =	sadd.s32 s15, s14;
	s15 =	simm.s32 $0x7;
	s7 =	sshrl.u32 s7, $0x3  }
0x11: {  	s19 =	simm.s32 $0x80;
	s0 =	sadd.s32 s7, s0;
	s7 =	sadd.s32 s4, s9  }
0x12: {  	s22 =	simm.s32 $0x18400;
	[dreg:$0x3] =	wrdreg s14;
	s20 =	sadd.s32 $0x20, s7  }
0x13: {  	s13 =	smax.u32 s13, $0x1;
	s21 =	sadd.s32 $0x40, s7;
	[dreg:$0x8] =	wrdreg s20  }
0x14: {  	s14 =	simm.s32 $0x14000;
	s23 =	sadd.s32 $0x60, s7;
	[dreg:$0x9] =	wrdreg s21  }
0x15: {  	s10 =	sadd.s32 $0x4F, s10;
	s12 =	sadd.s32 $0x8EE00, s0;
	[dreg:$0xa] =	wrdreg s23  }
0x16: {  	v0 =	vimm.f32 $0.0e+00;
	s20 =	simm.s32 $0x14400;
	s21 =	simm.s32 $0x2;
	s23 =	simm.s32 $0x1C400  }
.LBB2_1:
0x17: {  	[tilespmem:s14], [sflag:$0x7] =	stream.linear.gather [hbm4b:s7+s3], $0x100, $0x38;
	[tilespmem:$0x1CC00] =	vst v63  }
0x18: {  	_ =	swait.ge [sflag:s15], $0x100  }
0x19: {  	[sflag:s15] =	ssyncset.done $0x0  }
0x1a: {  	s0 =	rddreg [dreg:$0x8];
	[sflag:s15] =	ssyncadd.s32 $0xFFFFFF00  }
0x1b: {  	[tilespmem:s16], [sflag:$0x2] =	stream.linear.gather [hbm4b:s0+s3], $0x100, $0x38;
	[tilespmem:$0x1CC00] =	vst v63  }
0x1c: {  	s8 =	rddreg [dreg:$0x9]  }
0x1d: {  	[tilespmem:s17], [sflag:$0x3] =	stream.linear.gather [hbm4b:s8+s3], $0x100, $0x38;
	[tilespmem:$0x1CC00] =	vst v63  }
0x1e: {  	s9 =	rddreg [dreg:$0xa]  }
0x1f: {  	[tilespmem:s18], [sflag:$0x4] =	stream.linear.gather [hbm4b:s9+s3], $0x100, $0x38;
	[tilespmem:$0x1CC00] =	vst v63  }
0x20: {  	_ = 	snop  }
0x21: {  	[tilespmem:s20], [sflag:$0x5] =	stream.indirect.gather [hbm4b:s5+s19], $0x80, s14, s19, $0xb8;
	[tilespmem:$0x1CC00] =	vst v63  }
0x22: {  	_ =	swait.ge [sflag:s21], $0x100  }
0x23: {  	[sflag:s21] =	ssyncset.done $0x0  }
0x24: {  	[sflag:s21] =	ssyncadd.s32 $0xFFFFFF00  }
0x25: {  	[tilespmem:s22], [sflag:$0x6] =	stream.indirect.gather [hbm4b:s5+s19], $0x80, s16, s19, $0xb8;
	[tilespmem:$0x1CC00] =	vst v63  }
0x26: {  	[tilespmem:$0x1C400] =	vst v0  }
0x27: {  	[tilespmem:$0x1C410] =	vst v0  }
0x28: {  	[tilespmem:$0x1C420] =	vst v0  }
0x29: {  	[tilespmem:$0x1C430] =	vst v0  }
0x2a: {  	[tilespmem:$0x1C440] =	vst v0  }
0x2b: {  	[tilespmem:$0x1C450] =	vst v0  }
0x2c: {  	[tilespmem:$0x1C460] =	vst v0  }
0x2d: {  	[tilespmem:$0x1C470] =	vst v0  }
0x2e: {  	[tilespmem:$0x1C480] =	vst v0  }
0x2f: {  	[tilespmem:$0x1C490] =	vst v0  }
0x30: {  	[tilespmem:$0x1C4A0] =	vst v0  }
0x31: {  	[tilespmem:$0x1C4B0] =	vst v0  }
0x32: {  	[tilespmem:$0x1C4C0] =	vst v0  }
0x33: {  	[tilespmem:$0x1C4D0] =	vst v0  }
0x34: {  	[tilespmem:$0x1C4E0] =	vst v0  }
0x35: {  	[tilespmem:$0x1C4F0] =	vst v0  }
0x36: {  	[tilespmem:$0x1C500] =	vst v0  }
0x37: {  	[tilespmem:$0x1C510] =	vst v0  }
0x38: {  	[tilespmem:$0x1C520] =	vst v0  }
0x39: {  	[tilespmem:$0x1C530] =	vst v0  }
0x3a: {  	[tilespmem:$0x1C540] =	vst v0  }
0x3b: {  	[tilespmem:$0x1C550] =	vst v0  }
0x3c: {  	[tilespmem:$0x1C560] =	vst v0  }
0x3d: {  	[tilespmem:$0x1C570] =	vst v0  }
0x3e: {  	[tilespmem:$0x1C580] =	vst v0  }
0x3f: {  	[tilespmem:$0x1C590] =	vst v0  }
0x40: {  	[tilespmem:$0x1C5A0] =	vst v0  }
0x41: {  	[tilespmem:$0x1C5B0] =	vst v0  }
0x42: {  	[tilespmem:$0x1C5C0] =	vst v0  }
0x43: {  	[tilespmem:$0x1C5D0] =	vst v0  }
0x44: {  	[tilespmem:$0x1C5E0] =	vst v0  }
0x45: {  	[tilespmem:$0x1C5F0] =	vst v0  }
0x46: {  	[tilespmem:$0x1C600] =	vst v0  }
0x47: {  	[tilespmem:$0x1C610] =	vst v0  }
0x48: {  	[tilespmem:$0x1C620] =	vst v0  }
0x49: {  	[tilespmem:$0x1C630] =	vst v0  }
0x4a: {  	[tilespmem:$0x1C640] =	vst v0  }
0x4b: {  	[tilespmem:$0x1C650] =	vst v0  }
0x4c: {  	[tilespmem:$0x1C660] =	vst v0  }
0x4d: {  	[tilespmem:$0x1C670] =	vst v0  }
0x4e: {  	[tilespmem:$0x1C680] =	vst v0  }
0x4f: {  	[tilespmem:$0x1C690] =	vst v0  }
0x50: {  	[tilespmem:$0x1C6A0] =	vst v0  }
0x51: {  	[tilespmem:$0x1C6B0] =	vst v0  }
0x52: {  	[tilespmem:$0x1C6C0] =	vst v0  }
0x53: {  	[tilespmem:$0x1C6D0] =	vst v0  }
0x54: {  	[tilespmem:$0x1C6E0] =	vst v0  }
0x55: {  	[tilespmem:$0x1C6F0] =	vst v0  }
0x56: {  	[tilespmem:$0x1C700] =	vst v0  }
0x57: {  	[tilespmem:$0x1C710] =	vst v0  }
0x58: {  	[tilespmem:$0x1C720] =	vst v0  }
0x59: {  	[tilespmem:$0x1C730] =	vst v0  }
0x5a: {  	[tilespmem:$0x1C740] =	vst v0  }
0x5b: {  	[tilespmem:$0x1C750] =	vst v0  }
0x5c: {  	[tilespmem:$0x1C760] =	vst v0  }
0x5d: {  	[tilespmem:$0x1C770] =	vst v0  }
0x5e: {  	[tilespmem:$0x1C780] =	vst v0  }
0x5f: {  	[tilespmem:$0x1C790] =	vst v0  }
0x60: {  	[tilespmem:$0x1C7A0] =	vst v0  }
0x61: {  	[tilespmem:$0x1C7B0] =	vst v0  }
0x62: {  	[tilespmem:$0x1C7C0] =	vst v0  }
0x63: {  	[tilespmem:$0x1C7D0] =	vst v0  }
0x64: {  	[tilespmem:$0x1C7E0] =	vst v0  }
0x65: {  	[tilespmem:$0x1C7F0] =	vst v0  }
0x66: {  	[tilespmem:$0x1C800] =	vst v0  }
0x67: {  	[tilespmem:$0x1C810] =	vst v0  }
0x68: {  	[tilespmem:$0x1C820] =	vst v0  }
0x69: {  	[tilespmem:$0x1C830] =	vst v0  }
0x6a: {  	[tilespmem:$0x1C840] =	vst v0  }
0x6b: {  	[tilespmem:$0x1C850] =	vst v0  }
0x6c: {  	[tilespmem:$0x1C860] =	vst v0  }
0x6d: {  	[tilespmem:$0x1C870] =	vst v0  }
0x6e: {  	[tilespmem:$0x1C880] =	vst v0  }
0x6f: {  	[tilespmem:$0x1C890] =	vst v0  }
0x70: {  	[tilespmem:$0x1C8A0] =	vst v0  }
0x71: {  	[tilespmem:$0x1C8B0] =	vst v0  }
0x72: {  	[tilespmem:$0x1C8C0] =	vst v0  }
0x73: {  	[tilespmem:$0x1C8D0] =	vst v0  }
0x74: {  	[tilespmem:$0x1C8E0] =	vst v0  }
0x75: {  	[tilespmem:$0x1C8F0] =	vst v0  }
0x76: {  	[tilespmem:$0x1C900] =	vst v0  }
0x77: {  	[tilespmem:$0x1C910] =	vst v0  }
0x78: {  	[tilespmem:$0x1C920] =	vst v0  }
0x79: {  	[tilespmem:$0x1C930] =	vst v0  }
0x7a: {  	[tilespmem:$0x1C940] =	vst v0  }
0x7b: {  	[tilespmem:$0x1C950] =	vst v0  }
0x7c: {  	[tilespmem:$0x1C960] =	vst v0  }
0x7d: {  	[tilespmem:$0x1C970] =	vst v0  }
0x7e: {  	[tilespmem:$0x1C980] =	vst v0  }
0x7f: {  	[tilespmem:$0x1C990] =	vst v0  }
0x80: {  	[tilespmem:$0x1C9A0] =	vst v0  }
0x81: {  	[tilespmem:$0x1C9B0] =	vst v0  }
0x82: {  	[tilespmem:$0x1C9C0] =	vst v0  }
0x83: {  	[tilespmem:$0x1C9D0] =	vst v0  }
0x84: {  	[tilespmem:$0x1C9E0] =	vst v0  }
0x85: {  	[tilespmem:$0x1C9F0] =	vst v0  }
0x86: {  	[tilespmem:$0x1CA00] =	vst v0  }
0x87: {  	[tilespmem:$0x1CA10] =	vst v0  }
0x88: {  	[tilespmem:$0x1CA20] =	vst v0  }
0x89: {  	[tilespmem:$0x1CA30] =	vst v0  }
0x8a: {  	[tilespmem:$0x1CA40] =	vst v0  }
0x8b: {  	[tilespmem:$0x1CA50] =	vst v0  }
0x8c: {  	[tilespmem:$0x1CA60] =	vst v0  }
0x8d: {  	[tilespmem:$0x1CA70] =	vst v0  }
0x8e: {  	[tilespmem:$0x1CA80] =	vst v0  }
0x8f: {  	[tilespmem:$0x1CA90] =	vst v0  }
0x90: {  	[tilespmem:$0x1CAA0] =	vst v0  }
0x91: {  	[tilespmem:$0x1CAB0] =	vst v0  }
0x92: {  	[tilespmem:$0x1CAC0] =	vst v0  }
0x93: {  	[tilespmem:$0x1CAD0] =	vst v0  }
0x94: {  	[tilespmem:$0x1CAE0] =	vst v0  }
0x95: {  	[tilespmem:$0x1CAF0] =	vst v0  }
0x96: {  	[tilespmem:$0x1CB00] =	vst v0  }
0x97: {  	[tilespmem:$0x1CB10] =	vst v0  }
0x98: {  	[tilespmem:$0x1CB20] =	vst v0  }
0x99: {  	[tilespmem:$0x1CB30] =	vst v0  }
0x9a: {  	[tilespmem:$0x1CB40] =	vst v0  }
0x9b: {  	[tilespmem:$0x1CB50] =	vst v0  }
0x9c: {  	[tilespmem:$0x1CB60] =	vst v0  }
0x9d: {  	[tilespmem:$0x1CB70] =	vst v0  }
0x9e: {  	[tilespmem:$0x1CB80] =	vst v0  }
0x9f: {  	[tilespmem:$0x1CB90] =	vst v0  }
0xa0: {  	[tilespmem:$0x1CBA0] =	vst v0  }
0xa1: {  	[tilespmem:$0x1CBB0] =	vst v0  }
0xa2: {  	[tilespmem:$0x1CBC0] =	vst v0  }
0xa3: {  	[tilespmem:$0x1CBD0] =	vst v0  }
0xa4: {  	[tilespmem:$0x1CBE0] =	vst v0  }
0xa5: {  	s31 =	sadd.s32 $0x0, s11;
	[tilespmem:$0x1CBF0] =	vst v0  }
0xa6: {  	[spmem:s31] =	stream.linear.scatter [tilespmem:s23], [sflag:$0x7], $0x800, $0x38;
	[tilespmem:$0x1CC00] =	vst v63  }
0xa7: {  	s0 =	simm.s32 $0x2000;
	_ =	swait.ge [sflag:s15], $0x800  }
.LBB2_2:
0xa8: {  	s31 =	sshra.s32 s0, $0x2;
	[sflag:s15] =	ssyncset.done $0x0;
	p0 =	sne.s32 s0, $0x4E000  }
.Ltmp0:
0xa9: {  	s31 =	sadd.s32 s31, s11;
	[sflag:s15] =	ssyncadd.s32 $0xFFFFF800;
	(pc) =	sbr.rel @p0 .LBB2_2-.Ltmp0, $3  }
0xaa: {  	[spmem:s31] =	stream.linear.scatter [tilespmem:s23], [sflag:$0x7], $0x800, $0x38;
	[tilespmem:$0x1CC00] =	vst v63  }
0xab: {  	s0 =	sadd.s32 $0x2000, s0;
	_ =	sdelay $0x1  }
0xac: {  	_ =	swait.ge [sflag:s15], $0x800  }
0xad: {  	[sflag:s15] =	ssyncset.done $0x0  }
0xae: {  	[sflag:s15] =	ssyncadd.s32 $0xFFFFF800  }
0xaf: {  	[bflag:$0x0] =	sbarrier.arrive $0xFFFF  }
0xb0: {  	_ =	swait.ge [sflag:s24], $0x4000  }
0xb1: {  	[sflag:s24] =	ssyncset.done $0x0  }
0xb2: {  	s0 =	rddreg [dreg:$0x4];
	[sflag:s24] =	ssyncadd.s32 $0xFFFFC000  }
0xb3: {  	[spmem:s1] =	stream.indirect.scatter.add.f32 [tilespmem:s20], [sflag:$0x7], $0x80, s0, s19, $0xb8;
	[tilespmem:$0x1CC00] =	vst v63  }
0xb4: {  	_ =	swait.ge [sflag:s15], $0x4000  }
0xb5: {  	s9 =	rddreg [dreg:$0x3]  }
0xb6: {  	s0 =	sadd.s32 $0xFFFFFFB0, s9  }
0xb7: {  	s31 =	sadd.s32 $0x54, s0  }
0xb8: {  	s6 =	smov.u32 s10;
	p0 =	slt.s32 s31, s10  }
0xb9: {  	s6 =	smov.u32 @p0 s31  }
0xba: {  	s6 =	sshll.u32 s6, $0x5  }
0xbb: {  	[sflag:s15] =	ssyncset.done $0x0;
	s6 =	sand.u32 $0x1FFFFFE0, s6  }
0xbc: {  	[sflag:s15] =	ssyncadd.s32 $0xFFFFC000;
	s6 =	sadd.s32 s4, s6  }
0xbd: {  	[tilespmem:s14], [sflag:$0x1] =	stream.linear.gather [hbm4b:s6+s3], $0x100, $0x38;
	[tilespmem:$0x1CC00] =	vst v63  }
0xbe: {  	_ =	swait.ge [sflag:s25], $0x100  }
0xbf: {  	[sflag:s25] =	ssyncset.done $0x0  }
0xc0: {  	[sflag:s25] =	ssyncadd.s32 $0xFFFFFF00  }
0xc1: {  	[tilespmem:s20], [sflag:$0x5] =	stream.indirect.gather [hbm4b:s5+s19], $0x80, s17, s19, $0xb8;
	[tilespmem:$0x1CC00] =	vst v63  }
0xc2: {  	s6 =	sadd.s32 $0x55, s0;
	_ =	swait.ge [sflag:s26], $0x4000  }
0xc3: {  	s8 =	smov.u32 s10;
	p0 =	slt.s32 s6, s10;
	[sflag:s26] =	ssyncset.done $0x0  }
0xc4: {  	s8 =	smov.u32 @p0 s6;
	s31 =	rddreg [dreg:$0x5];
	[sflag:s26] =	ssyncadd.s32 $0xFFFFC000  }
0xc5: {  	[spmem:s1] =	stream.indirect.scatter.add.f32 [tilespmem:s22], [sflag:$0x7], $0x80, s31, s19, $0xb8;
	[tilespmem:$0x1CC00] =	vst v63  }
0xc6: {  	s6 =	sshll.u32 s8, $0x5;
	_ =	swait.ge [sflag:s15], $0x4000  }
0xc7: {  	s6 =	sand.u32 $0x1FFFFFE0, s6;
	[sflag:s15] =	ssyncset.done $0x0  }
0xc8: {  	s6 =	sadd.s32 s4, s6;
	[sflag:s15] =	ssyncadd.s32 $0xFFFFC000  }
0xc9: {  	[tilespmem:s16], [sflag:$0x2] =	stream.linear.gather [hbm4b:s6+s3], $0x100, $0x38;
	[tilespmem:$0x1CC00] =	vst v63  }
0xca: {  	_ =	swait.ge [sflag:s28], $0x100  }
0xcb: {  	[sflag:s28] =	ssyncset.done $0x0  }
0xcc: {  	[sflag:s28] =	ssyncadd.s32 $0xFFFFFF00  }
0xcd: {  	[tilespmem:s22], [sflag:$0x6] =	stream.indirect.gather [hbm4b:s5+s19], $0x80, s18, s19, $0xb8;
	[tilespmem:$0x1CC00] =	vst v63  }
0xce: {  	s6 =	sadd.s32 $0x56, s0;
	_ =	swait.ge [sflag:s24], $0x4000  }
0xcf: {  	s31 =	smov.u32 s10;
	p0 =	slt.s32 s6, s10;
	[sflag:s24] =	ssyncset.done $0x0  }
0xd0: {  	s31 =	smov.u32 @p0 s6;
	s2 =	rddreg [dreg:$0x6];
	[sflag:s24] =	ssyncadd.s32 $0xFFFFC000  }
0xd1: {  	[spmem:s1] =	stream.indirect.scatter.add.f32 [tilespmem:s20], [sflag:$0x7], $0x80, s2, s19, $0xb8;
	[tilespmem:$0x1CC00] =	vst v63  }
0xd2: {  	s6 =	sshll.u32 s31, $0x5;
	_ =	swait.ge [sflag:s15], $0x4000  }
0xd3: {  	s6 =	sand.u32 $0x1FFFFFE0, s6;
	[sflag:s15] =	ssyncset.done $0x0  }
0xd4: {  	s6 =	sadd.s32 s4, s6;
	[sflag:s15] =	ssyncadd.s32 $0xFFFFC000  }
0xd5: {  	[tilespmem:s17], [sflag:$0x3] =	stream.linear.gather [hbm4b:s6+s3], $0x100, $0x38;
	[tilespmem:$0x1CC00] =	vst v63  }
0xd6: {  	_ =	swait.ge [sflag:s29], $0x100  }
0xd7: {  	[sflag:s29] =	ssyncset.done $0x0  }
0xd8: {  	[sflag:s29] =	ssyncadd.s32 $0xFFFFFF00  }
0xd9: {  	[tilespmem:s20], [sflag:$0x5] =	stream.indirect.gather [hbm4b:s5+s19], $0x80, s14, s19, $0xb8;
	[tilespmem:$0x1CC00] =	vst v63  }
0xda: {  	s0 =	sadd.s32 $0x57, s0;
	_ =	swait.ge [sflag:s26], $0x4000  }
0xdb: {  	s8 =	smov.u32 s10;
	p0 =	slt.s32 s0, s10;
	[sflag:s26] =	ssyncset.done $0x0  }
0xdc: {  	s8 =	smov.u32 @p0 s0;
	s9 =	rddreg [dreg:$0x7];
	[sflag:s26] =	ssyncadd.s32 $0xFFFFC000  }
0xdd: {  	[spmem:s1] =	stream.indirect.scatter.add.f32 [tilespmem:s22], [sflag:$0x7], $0x80, s9, s19, $0xb8;
	[tilespmem:$0x1CC00] =	vst v63  }
0xde: {  	s0 =	sshll.u32 s8, $0x5;
	_ =	swait.ge [sflag:s15], $0x4000  }
0xdf: {  	s0 =	sand.u32 $0x1FFFFFE0, s0;
	[sflag:s15] =	ssyncset.done $0x0  }
0xe0: {  	s0 =	sadd.s32 s4, s0;
	[sflag:s15] =	ssyncadd.s32 $0xFFFFC000  }
0xe1: {  	[tilespmem:s18], [sflag:$0x4] =	stream.linear.gather [hbm4b:s0+s3], $0x100, $0x38;
	[tilespmem:$0x1CC00] =	vst v63  }
0xe2: {  	_ =	swait.ge [sflag:s21], $0x100  }
0xe3: {  	[sflag:s21] =	ssyncset.done $0x0  }
0xe4: {  	s31 =	simm.s32 $0xFFFFFFB4;
	[sflag:s21] =	ssyncadd.s32 $0xFFFFFF00  }
.LBB2_4:
0xe5: {  	[tilespmem:s22], [sflag:$0x6] =	stream.indirect.gather [hbm4b:s5+s19], $0x80, s16, s19, $0xb8;
	[tilespmem:$0x1CC00] =	vst v63  }
0xe6: {  	_ =	swait.ge [sflag:s24], $0x4000  }
0xe7: {  	[sflag:s24] =	ssyncset.done $0x0  }
0xe8: {  	s6 =	rddreg [dreg:$0x4];
	[sflag:s24] =	ssyncadd.s32 $0xFFFFC000  }
0xe9: {  	[spmem:s1] =	stream.indirect.scatter.add.f32 [tilespmem:s20], [sflag:$0x7], $0x80, s6, s19, $0xb8;
	[tilespmem:$0x1CC00] =	vst v63  }
0xea: {  	_ =	swait.ge [sflag:s15], $0x4000  }
0xeb: {  	s0 =	smov.u32 s31;
	s8 =	rddreg [dreg:$0x3]  }
0xec: {  	s0 =	sadd.s32 s0, s8  }
0xed: {  	s6 =	sadd.s32 $0x54, s0  }
0xee: {  	s2 =	smov.u32 s10;
	p1 =	slt.s32 s6, s10  }
0xef: {  	s2 =	smov.u32 @p1 s6  }
0xf0: {  	s2 =	sshll.u32 s2, $0x5  }
0xf1: {  	[sflag:s15] =	ssyncset.done $0x0;
	s2 =	sand.u32 $0x1FFFFFE0, s2  }
0xf2: {  	[sflag:s15] =	ssyncadd.s32 $0xFFFFC000;
	s2 =	sadd.s32 s4, s2  }
0xf3: {  	[tilespmem:s14], [sflag:$0x1] =	stream.linear.gather [hbm4b:s2+s3], $0x100, $0x38;
	[tilespmem:$0x1CC00] =	vst v63  }
0xf4: {  	_ =	swait.ge [sflag:s25], $0x100  }
0xf5: {  	s8 =	sadd.s32 $0x55, s0;
	[sflag:s25] =	ssyncset.done $0x0  }
0xf6: {  	s9 =	sadd.s32 $0x56, s0;
	p2 =	slt.s32 s8, s10;
	[sflag:s25] =	ssyncadd.s32 $0xFFFFFF00  }
0xf7: {  	[tilespmem:s20], [sflag:$0x5] =	stream.indirect.gather [hbm4b:s5+s19], $0x80, s17, s19, $0xb8;
	[tilespmem:$0x1CC00] =	vst v63  }
0xf8: {  	p3 =	slt.s32 s9, s10;
	s6 =	smov.u32 s10;
	_ =	swait.ge [sflag:s26], $0x4000  }
0xf9: {  	s6 =	smov.u32 @p2 s8;
	s8 =	smov.u32 s10;
	[sflag:s26] =	ssyncset.done $0x0  }
0xfa: {  	s8 =	smov.u32 @p3 s9;
	s9 =	rddreg [dreg:$0x5];
	[sflag:s26] =	ssyncadd.s32 $0xFFFFC000  }
0xfb: {  	[spmem:s1] =	stream.indirect.scatter.add.f32 [tilespmem:s22], [sflag:$0x7], $0x80, s9, s19, $0xb8;
	[tilespmem:$0x1CC00] =	vst v63  }
0xfc: {  	s6 =	sshll.u32 s6, $0x5;
	_ =	swait.ge [sflag:s15], $0x4000  }
0xfd: {  	s6 =	sand.u32 $0x1FFFFFE0, s6;
	[sflag:s15] =	ssyncset.done $0x0  }
0xfe: {  	s6 =	sadd.s32 s4, s6;
	[sflag:s15] =	ssyncadd.s32 $0xFFFFC000  }
0xff: {  	[tilespmem:s16], [sflag:$0x2] =	stream.linear.gather [hbm4b:s6+s3], $0x100, $0x38;
	[tilespmem:$0x1CC00] =	vst v63  }
0x100: {  	_ =	swait.ge [sflag:s28], $0x100  }
0x101: {  	s0 =	sadd.s32 $0x57, s0;
	[sflag:s28] =	ssyncset.done $0x0  }
0x102: {  	p1 =	slt.s32 s0, s10;
	s8 =	sshll.u32 s8, $0x5;
	[sflag:s28] =	ssyncadd.s32 $0xFFFFFF00  }
0x103: {  	[tilespmem:s22], [sflag:$0x6] =	stream.indirect.gather [hbm4b:s5+s19], $0x80, s18, s19, $0xb8;
	[tilespmem:$0x1CC00] =	vst v63  }
0x104: {  	s2 =	sand.u32 $0x1FFFFFE0, s8;
	s8 =	smov.u32 s10;
	_ =	swait.ge [sflag:s24], $0x4000  }
0x105: {  	s8 =	smov.u32 @p1 s0;
	[sflag:s24] =	ssyncset.done $0x0  }
0x106: {  	s0 =	sshll.u32 s8, $0x5;
	s8 =	rddreg [dreg:$0x6];
	[sflag:s24] =	ssyncadd.s32 $0xFFFFC000  }
0x107: {  	[spmem:s1] =	stream.indirect.scatter.add.f32 [tilespmem:s20], [sflag:$0x7], $0x80, s8, s19, $0xb8;
	[tilespmem:$0x1CC00] =	vst v63  }
0x108: {  	_ =	swait.ge [sflag:s15], $0x4000  }
0x109: {  	[sflag:s15] =	ssyncset.done $0x0  }
0x10a: {  	s2 =	sadd.s32 s4, s2;
	[sflag:s15] =	ssyncadd.s32 $0xFFFFC000  }
0x10b: {  	[tilespmem:s17], [sflag:$0x3] =	stream.linear.gather [hbm4b:s2+s3], $0x100, $0x38;
	[tilespmem:$0x1CC00] =	vst v63  }
0x10c: {  	_ =	swait.ge [sflag:s29], $0x100  }
0x10d: {  	[sflag:s29] =	ssyncset.done $0x0  }
0x10e: {  	[sflag:s29] =	ssyncadd.s32 $0xFFFFFF00  }
0x10f: {  	[tilespmem:s20], [sflag:$0x5] =	stream.indirect.gather [hbm4b:s5+s19], $0x80, s14, s19, $0xb8;
	[tilespmem:$0x1CC00] =	vst v63  }
0x110: {  	_ =	swait.ge [sflag:s26], $0x4000  }
0x111: {  	[sflag:s26] =	ssyncset.done $0x0  }
0x112: {  	s9 =	rddreg [dreg:$0x7];
	[sflag:s26] =	ssyncadd.s32 $0xFFFFC000  }
0x113: {  	[spmem:s1] =	stream.indirect.scatter.add.f32 [tilespmem:s22], [sflag:$0x7], $0x80, s9, s19, $0xb8;
	[tilespmem:$0x1CC00] =	vst v63  }
0x114: {  	_ =	swait.ge [sflag:s15], $0x4000  }
0x115: {  	p0 =	sne.s32 s31, $0xFFFFFFFC;
	s0 =	sand.u32 $0x1FFFFFE0, s0;
	[sflag:s15] =	ssyncset.done $0x0  }
.Ltmp1:
0x116: {  	s0 =	sadd.s32 s4, s0;
	[sflag:s15] =	ssyncadd.s32 $0xFFFFC000;
	(pc) =	sbr.rel @p0 .LBB2_4-.Ltmp1, $4  }
0x117: {  	[tilespmem:s18], [sflag:$0x4] =	stream.linear.gather [hbm4b:s0+s3], $0x100, $0x38;
	[tilespmem:$0x1CC00] =	vst v63  }
0x118: {  	_ =	swait.ge [sflag:s21], $0x100  }
0x119: {  	[sflag:s21] =	ssyncset.done $0x0  }
0x11a: {  	s31 =	sadd.s32 $0x4, s31;
	[sflag:s21] =	ssyncadd.s32 $0xFFFFFF00  }
0x11b: {  	[tilespmem:s22], [sflag:$0x6] =	stream.indirect.gather [hbm4b:s5+s19], $0x80, s16, s19, $0xb8;
	[tilespmem:$0x1CC00] =	vst v63  }
0x11c: {  	_ =	swait.ge [sflag:s24], $0x4000  }
0x11d: {  	[sflag:s24] =	ssyncset.done $0x0  }
0x11e: {  	[sflag:s24] =	ssyncadd.s32 $0xFFFFC000  }
0x11f: {  	_ =	swait.ge [sflag:s26], $0x4000  }
0x120: {  	[sflag:s26] =	ssyncset.done $0x0  }
0x121: {  	[sflag:s26] =	ssyncadd.s32 $0xFFFFC000  }
0x122: {  	_ =	swait.ge [sflag:s25], $0x100  }
0x123: {  	[sflag:s25] =	ssyncset.done $0x0  }
0x124: {  	[sflag:s25] =	ssyncadd.s32 $0xFFFFFF00  }
0x125: {  	s0 =	stileid.u32;
	_ =	swait.ge [sflag:s28], $0x100  }
0x126: {  	s2 =	sshrl.u32 s11, $0x3;
	s30 =	sadd.s32 $0x1, s30;
	[sflag:s28] =	ssyncset.done $0x0  }
0x127: {  	s0 =	sshll.u32 s0, $0x6;
	p0 =	sne.s32 s30, s13;
	[sflag:s28] =	ssyncadd.s32 $0xFFFFFF00  }
.Ltmp2:
0x128: {  	s0 =	sor.u32 $0x1C07, s0;
	[bflag:$0x0] =	sbarrier.arrive $0xFFFF;
	(pc) =	sbr.rel @p0 .LBB2_1-.Ltmp2, $4  }
0x129: {  	[hbm:s12], [sflag:s0] =	dma.local [spmem:s2], $0x2800  }
0x12a: {  	_ =	swait.ge [sflag:s15], $0x2800  }
0x12b: {  	[sflag:s15] =	ssyncset.done $0x0  }
0x12c: {  	[sflag:s15] =	ssyncadd.s32 $0xFFFFD800  }
0x12d: {  	_ =	sfence.sel $0x180000  }
0x12e: {  	[bflag:$0x0] =	sbarrier.arrive $0xFFFF  }
0x12f: {  	_ =	strace $0x9000004A  }
0x130: {  	s0 =	stileid.u32;
	[bflag:$0x2] =	sbarrier.arrive $0xFFFF  }
0x131: {  	p0 =	sne.s32 s0, $0x0;
	s0 =	rddreg [dreg:$0x2]  }
0x132: {  	s0 =	sadd.s32 @!p0 $0x100000, s0  }
0x133: {  	[sflag:s0] =	ssyncadd.tile.s32 @!p0 $0x1;
	_ =	shalt  }
.Lfunc_end2:
_tile_overlayer_lowered:
.L_overlay_start_2:
0x134: {  	(tag) =	ssettag $0x2  }
0x135: {  	s0 =	rddreg [dreg:$0x0];
	s2 =	stileid.u32  }
0x136: {  	s1 =	rddreg [dreg:$0x1];
	p0 =	sne.s32 s2, $0x0  }
0x137: {  	s3 =	rddreg [dreg:$0x2];
	[bflag:$0x3] =	sbarrier.arrive $0xFFFF;
	s2 =	simm.s32 @!p0 $0x1C07  }
0x138: {  	[timem:s3], [sflag:s2] =	dma.local @!p0 [hbm:s0], s1  }
0x139: {  	s0 =	simm.s32 @!p0 $0x7  }
0x13a: {  	_ =	swait.ge @!p0 [sflag:s0], s1  }
0x13b: {  	s1 =	ssub.s32 @!p0 $0x0, s1;
	[sflag:s0] =	ssyncset.done @!p0 $0x0  }
0x13c: {  	[sflag:s0] =	ssyncadd.s32 @!p0 s1  }
0x13d: {  	[bflag:$0x3] =	sbarrier.arrive $0xFFFF  }
0x13e: {  	_ =	shalt  }

// kernel: kernel.14.cloned.1.call-start
scs
__scs_entry_jumppad:
0x0: {  	(pc) =	sbr.rel $0x88, $3  }
0x1: {  	(tag) =	ssettag $0x0;
	lr =	simm.s32 $0x1  }
0x2: {  	[smem:$0x3F9B] =	sst lr;
	_ =	strace $0xD0000000  }
0x3: {  	_ = 	snop  }
0x4: {  	_ = 	snop  }
0x5: {  	_ = 	snop  }
0x6: {  	_ = 	snop  }
0x7: {  	_ = 	snop  }
__scs_overlays_trampoline_lowered:
0x8: {  	[smem:$0x3FAA] =	sst s0  }
0x9: {  	[smem:$0x3FAB] =	sst s1  }
0xa: {  	[smem:$0x3FAC] =	sst s2  }
0xb: {  	[smem:$0x3FAD] =	sst s3  }
0xc: {  	[smem:$0x3FAE] =	sst s4  }
0xd: {  	[smem:$0x3FAF] =	sst s5  }
0xe: {  	[smem:$0x3FB0] =	sst s6  }
0xf: {  	[smem:$0x3FB1] =	sst s7  }
0x10: {  	[smem:$0x3FB2] =	sst s8  }
0x11: {  	[smem:$0x3FB3] =	sst s9;
	s0 =	simm.s32 @!p0 $0x0  }
0x12: {  	s1 =	sld [smem:$0x3F99];
	s0 =	simm.s32 @p0 $0x1  }
0x13: {  	[smem:$0x3FB4] =	sst s0;
	s0 =	simm.s32 @!p1 $0x0  }
0x14: {  	s2 =	sld [smem:$0x3F98];
	s0 =	simm.s32 @p1 $0x1  }
0x15: {  	[smem:$0x3FB5] =	sst s0;
	s0 =	simm.s32 @!p2 $0x0  }
0x16: {  	s3 =	sld [smem:$0x3FDB];
	s0 =	simm.s32 @p2 $0x1  }
0x17: {  	s4 =	simm.s32 $0x1BF5;
	[smem:$0x3FB7] =	sst s0  }
0x18: {  	s0 =	sld [smem:$0x3F9A];
	_ =	swait.ge [sflag:s4], $0x0  }
0x19: {  	s7 =	sld [smem:$0x3F9B]  }
0x1a: {  	s8 =	sadd.s32 $0xFFFFE003, lr  }
0x1b: {  	s9 =	sadd.s32 $0xFFFFFEF7, lr;
	s5 =	simm.s32 $0xFFFFFFFF;
	p2 =	slt.u32 s8, $0xFFFFF086  }
0x1c: {  	p1 =	slt.u32 s9, $0xF7A;
	s5 =	simm.s32 @!p2 $0x0  }
0x1d: {  	s5 =	simm.s32 @p1 $0x1;
	p0 =	seq.s32 s7, s2  }
0x1e: {  	s7 =	smul.u32 @!p0 $0xF7A, s2;
	p2 =	seq.s32 @!p0 s5, $0x0  }
0x1f: {  	s9 =	smul.u32 $0xF7A, s1;
	s8 =	simm.s32 @!p0 $0x1BF5;
	p2 =	por !p2, p0  }
0x20: {  	[sflag:s8] =	ssyncset.s32 @!p0 $0xFFFFF086;
	s6 =	sadd.s32 @!p0 s3, s7;
	s7 =	simm.s32 @!p0 $0x108  }
0x21: {  	s3 =	sadd.s32 s3, s9;
	s6 =	sadd.s32 @!p0 $0x88, s6;
	s7 =	simm.s32 @p2 $0x1082  }
0x22: {  	[simem:s7], [sflag:s8] =	dma.local @!p0 [hbm:s6], $0xF7A  }
0x23: {  	s9 =	sor.u32 $0xD0000000, s2;
	s6 =	simm.s32 $0x108;
	_ =	swait.ge @!p0 [sflag:s8], $0x0  }
0x24: {  	s3 =	sadd.s32 $0x88, s3;
	s6 =	simm.s32 @!p1 $0x1082;
	[sflag:s4] =	ssyncset.s32 $0xFFFFF086  }
0x25: {  	[simem:s6], [sflag:s4] =	dma.local [hbm:s3], $0xF7A  }
0x26: {  	[smem:$0x3F9B] =	sst s1;
	(tag) =	ssettag s2;
	_ =	strace s9  }
0x27: {  	s1 =	sld [smem:$0x3FAB]  }
0x28: {  	s2 =	sld [smem:$0x3FAC]  }
0x29: {  	s4 =	sld [smem:$0x3FAE]  }
0x2a: {  	p0 =	seq.s32 s5, $0x0;
	s5 =	sld [smem:$0x3FAF]  }
0x2b: {  	s6 =	sld [smem:$0x3FB0]  }
0x2c: {  	s7 =	sld [smem:$0x3FB1]  }
0x2d: {  	s3 =	simm.s32 $0x108;
	s8 =	sld [smem:$0x3FB2]  }
0x2e: {  	s3 =	simm.s32 @!p0 $0x1082;
	s9 =	sld [smem:$0x3FB3]  }
0x2f: {  	lr =	sadd.s32 s0, s3;
	s0 =	sld [smem:$0x3FAA]  }
0x30: {  	s3 =	sld [smem:$0x3FAD]  }
0x31: {  	[smem:$0x3FB6] =	sst s10  }
0x32: {  	s10 =	sld [smem:$0x3FB4];
	_ =	sdelay $0x3  }
0x33: {  	p0 =	seq.s32 s10, $0x1;
	s10 =	sld [smem:$0x3FB6];
	_ =	sdelay $0x3  }
0x34: {  	[smem:$0x3FB6] =	sst s10  }
0x35: {  	s10 =	sld [smem:$0x3FB5];
	_ =	sdelay $0x3  }
0x36: {  	p1 =	seq.s32 s10, $0x1;
	s10 =	sld [smem:$0x3FB6];
	_ =	sdelay $0x3  }
0x37: {  	[smem:$0x3FB6] =	sst s10  }
0x38: {  	s10 =	sld [smem:$0x3FB7]  }
0x39: {  	_ = 	snop;
	(pc) =	sbr.ind lr, $3  }
0x3a: {  	_ = 	snop  }
0x3b: {  	_ = 	snop  }
0x3c: {  	p2 =	seq.s32 s10, $0x1;
	s10 =	sld [smem:$0x3FB6]  }
0x3d: {  	_ =	shalt  }
0x3e: {  	_ =	shalt  }
0x3f: {  	_ =	shalt  }
0x40: {  	_ =	shalt  }
0x41: {  	_ =	shalt  }
0x42: {  	_ =	shalt  }
0x43: {  	_ =	shalt  }
0x44: {  	_ =	shalt  }
0x45: {  	_ =	shalt  }
0x46: {  	_ =	shalt  }
0x47: {  	_ =	shalt  }
0x48: {  	_ =	shalt  }
0x49: {  	_ =	shalt  }
0x4a: {  	_ =	shalt  }
0x4b: {  	_ =	shalt  }
0x4c: {  	_ =	shalt  }
0x4d: {  	_ =	shalt  }
0x4e: {  	_ =	shalt  }
0x4f: {  	_ =	shalt  }
0x50: {  	_ =	shalt  }
0x51: {  	_ =	shalt  }
0x52: {  	_ =	shalt  }
0x53: {  	_ =	shalt  }
0x54: {  	_ =	shalt  }
0x55: {  	_ =	shalt  }
0x56: {  	_ =	shalt  }
0x57: {  	_ =	shalt  }
0x58: {  	_ =	shalt  }
0x59: {  	_ =	shalt  }
0x5a: {  	_ =	shalt  }
0x5b: {  	_ =	shalt  }
0x5c: {  	_ =	shalt  }
0x5d: {  	_ =	shalt  }
0x5e: {  	_ =	shalt  }
0x5f: {  	_ =	shalt  }
0x60: {  	_ =	shalt  }
0x61: {  	_ =	shalt  }
0x62: {  	_ =	shalt  }
0x63: {  	_ =	shalt  }
0x64: {  	_ =	shalt  }
0x65: {  	_ =	shalt  }
0x66: {  	_ =	shalt  }
0x67: {  	_ =	shalt  }
0x68: {  	_ =	shalt  }
0x69: {  	_ =	shalt  }
0x6a: {  	_ =	shalt  }
0x6b: {  	_ =	shalt  }
0x6c: {  	_ =	shalt  }
0x6d: {  	_ =	shalt  }
0x6e: {  	_ =	shalt  }
0x6f: {  	_ =	shalt  }
0x70: {  	_ =	shalt  }
0x71: {  	_ =	shalt  }
0x72: {  	_ =	shalt  }
0x73: {  	_ =	shalt  }
0x74: {  	_ =	shalt  }
0x75: {  	_ =	shalt  }
0x76: {  	_ =	shalt  }
0x77: {  	_ =	shalt  }
0x78: {  	_ =	shalt  }
0x79: {  	_ =	shalt  }
0x7a: {  	_ =	shalt  }
0x7b: {  	_ =	shalt  }
0x7c: {  	_ =	shalt  }
0x7d: {  	_ =	shalt  }
0x7e: {  	_ =	shalt  }
0x7f: {  	_ =	shalt  }
0x80: {  	_ =	shalt  }
0x81: {  	_ =	shalt  }
0x82: {  	_ =	shalt  }
0x83: {  	_ =	shalt  }
0x84: {  	_ =	shalt  }
0x85: {  	_ =	shalt  }
0x86: {  	_ =	shalt  }
0x87: {  	_ =	shalt  }
.Lfunc_end0:
.L_simem_size_0:
called_computation.2_lowered:
.L_overlay_start_0:
0x88: {  	s2 =	sld [smem:$0x3FD9]  }
0x89: {  	s3 =	sld [smem:$0x3FFE];
	_ =	sdelay $0x1  }
0x8a: {  	s1 =	srdreg.scid  }
0x8b: {  	s0 =	sand.u32 $0x1, s1  }
0x8c: {  	s16 =	sshll.u32 s0, $0xA;
	s2 =	sadd.s32 s3, s2  }
0x8d: {  	s2 =	sadd.s32 s2, s16  }
0x8e: {  	[smem:$0x3FC2] =	sst s2  }
0x8f: {  	_ = 	snop  }
0x90: {  	(tm) =	ssettm $0x1  }
0x91: {  	s17 =	sld [smem:$0x3FFB];
	_ =	sdelay $0x3  }
0x92: {  	_ =	strace s17  }
0x93: {  	s2 =	sld [smem:$0x3FFC];
	_ =	sdelay $0x3  }
0x94: {  	_ =	strace s2  }
0x95: {  	s2 =	sld [smem:$0x3FFD];
	_ =	sdelay $0x3  }
0x96: {  	_ =	strace s2  }
0x97: {  	_ =	strace $0x8FFFFFFF  }
0x98: {  	s18 =	sld [smem:$0x3FDB];
	_ =	sdelay $0x1  }
0x99: {  	s19 =	simm.s32 $_scs_section_size  }
0x9a: {  	s4 =	simm.s32 $_size__tile_overlayer_lowered;
	s5 =	simm.s32 $_tile_overlayer_lowered  }
0x9b: {  	s22 =	simm.s32 $0x1BFF;
	s21 =	sshll.u32 s5, $0x1;
	s2 =	sadd.s32 s19, s18  }
0x9c: {  	s6 =	simm.s32 $0x0;
	s20 =	sshll.u32 s4, $0x1;
	s4 =	sadd.s32 s21, s2  }
0x9d: {  	[timem:s6], [sflag:s22] =	dma.local [hbm:s4], s20  }
0x9e: {  	_ =	swait.ge [sflag:s22], s20  }
0x9f: {  	s3 =	ssub.s32 $0x0, s20;
	[sflag:s22] =	ssyncset.done $0x0  }
0xa0: {  	[sflag:s22] =	ssyncadd.s32 s3;
	_ =	sdelay $0x1  }
0xa1: {  	s23 =	simm.s32 $0x1B8B  }
0xa2: {  	_ =	swait.ge [sflag:s23], $0x1  }
0xa3: {  	[sflag:s23] =	ssyncset.done $0x0  }
0xa4: {  	s25 =	simm.s32 $0x1B8E;
	s24 =	sld [smem:$0x3FFE];
	[sflag:s23] =	ssyncadd.s32 $0xFFFFFFFF  }
0xa5: {  	s26 =	simm.s32 $execute0_lowered;
	[smem:$0x3FD2] =	sst s25  }
0xa6: {  	s4 =	sshll.u32 s26, $0x1;
	_ =	strace $0x8000004C;
	[dreg:$0x1] =	wrdreg $0xFFFFFFFF  }
0xa7: {  	s28 =	simm.s32 $_size_execute0_lowered;
	s2 =	sadd.s32 s2, s4;
	[dreg:$0x0] =	wrdreg $0x0  }
0xa8: {  	s4 =	sshll.u32 s28, $0x1;
	[dreg:$0x2] =	wrdreg s2  }
0xa9: {  	[dreg:$0x3] =	wrdreg s4  }
0xaa: {  	[dreg:$0x4] =	wrdreg $0xC0  }
0xab: {  	_ =	task [dreg:s6], $0x5FFFF  }
0xac: {  	[dreg:$0x1] =	wrdreg $0xFFFFFFFF  }
0xad: {  	[dreg:$0x0] =	wrdreg $0x60  }
0xae: {  	[dreg:$0x2] =	wrdreg s24  }
0xaf: {  	[dreg:$0x3] =	wrdreg $0x0  }
0xb0: {  	[dreg:$0x4] =	wrdreg $0x9  }
0xb1: {  	_ =	task.clear_ibuf [dreg:s6], $0x5FFFF;
	_ =	strace $0x9000004C  }
0xb2: {  	s29 =	simm.s32 $0x9;
	_ =	strace $0x8000004E  }
0xb3: {  	_ =	swait.ge [sflag:s29], $0x1  }
0xb4: {  	[sflag:s29] =	ssyncadd.s32 $0xFFFFFFFF  }
0xb5: {  	_ =	strace $0x9000004E  }
0xb6: {  	_ =	sfence  }
0xb7: {  	s30 =	sld [smem:$0x0];
	_ =	sdelay $0x2  }
0xb8: {  	s31 =	sshll.u32 s1, $0xD;
	s1 =	sshrl.u32 s1, $0x2  }
0xb9: {  	s3 =	sand.u32 $0x4000, s31;
	s1 =	sadd.s32 s1, s30  }
0xba: {  	s0 =	sor.u32 s3, s0;
	s1 =	sshll.u32 s1, $0x11  }
0xbb: {  	s0 =	sor.u32 s1, s0  }
0xbc: {  	s0 =	sadd.s32 $0x8F2B, s0  }
0xbd: {  	[sflag:s0] =	ssyncadd.remote.s32 $0x1  }
0xbe: {  	_ =	sfence.sel $0xFFFF  }
0xbf: {  	[dreg:$0x0] =	wrdreg $0xFFFFFFFF;
	(pc) =	sbr.abs _section_cstart, $3  }
0xc0: {  	[dreg:$0x1] =	wrdreg $0xFFFFFFFF  }
0xc1: {  	_ =	task.clear_ibuf [dreg:s6], $0x2FFFF;
	_ =	strace $0x9FFFFFFF  }
0xc2: {  	(tm) =	ssettm $0x7FFFFFFF  }
0xc3: {  	_ =	shalt  }
tec
execute0_lowered:
.L_overlay_start_1:
0x0: {  	(tag) =	ssettag $0x1  }
0x1: {  	s0 =	rddreg [dreg:$0x0]  }
0x2: {  	s1 =	rddreg [dreg:$0x1];
	s3 =	simm.s32 $0x0  }
0x3: {  	s2 =	srdreg.scid;
	s18 =	stileid.u32;
	s16 =	simm.s32 $0x14100  }
0x4: {  	s17 =	simm.s32 $0x14200;
	s24 =	simm.s32 $0x14080;
	s25 =	simm.s32 $0x14180  }
0x5: {  	s26 =	simm.s32 $0x14280;
	s31 =	simm.s32 $0x14380;
	s28 =	simm.s32 $0x4  }
0x6: {  	s29 =	simm.s32 $0x1;
	s30 =	simm.s32 $0x0;
	s8 =	smul.u32 $0x14000, s18  }
0x7: {  	[smem:$0x7FF] =	sst s3;
	s6 =	sand.u32 $0x1, s2;
	s12 =	smul.u32 $0x50000, s18  }
0x8: {  	s15 =	smul.u32 $0x50, s18;
	_ =	strace $0x8000004D;
	[dreg:$0x4] =	wrdreg s24  }
0x9: {  	s5 =	sadd.s32 $0x66E00, s0;
	s7 =	smul.u32 $0x140000, s6;
	[dreg:$0x5] =	wrdreg s25  }
0xa: {  	s4 =	sshll.u32 s6, $0x4;
	s19 =	ssub.s32 $0x2, s6;
	[dreg:$0x6] =	wrdreg s26  }
0xb: {  	s14 =	smul.u32 $0x500, s6;
	s24 =	simm.s32 $0x5;
	[dreg:$0x7] =	wrdreg s31  }
0xc: {  	s25 =	simm.s32 $0x3;
	s26 =	simm.s32 $0x6;
	s9 =	sor.u32 s18, s4  }
0xd: {  	s4 =	sadd.s32 $0x52E00, s0;
	s11 =	sshrl.u32 s19, $0x1;
	s22 =	sshrl.u32 s12, $0x2  }
0xe: {  	s18 =	simm.s32 $0x14300;
	s10 =	smul.u32 $0x50, s9;
	s7 =	sadd.s32 s8, s7  }
0xf: {  	s9 =	smul.u32 $0xA00, s9;
	s13 =	ssub.s32 s19, s11;
	s11 =	sadd.s32 s22, s1  }
0x10: {  	s14 =	sadd.s32 s15, s14;
	s15 =	simm.s32 $0x7;
	s7 =	sshrl.u32 s7, $0x3  }
0x11: {  	s19 =	simm.s32 $0x80;
	s0 =	sadd.s32 s7, s0;
	s7 =	sadd.s32 s4, s9  }
0x12: {  	s22 =	simm.s32 $0x18400;
	[dreg:$0x3] =	wrdreg s14;
	s20 =	sadd.s32 $0x20, s7  }
0x13: {  	s13 =	smax.u32 s13, $0x1;
	s21 =	sadd.s32 $0x40, s7;
	[dreg:$0x8] =	wrdreg s20  }
0x14: {  	s14 =	simm.s32 $0x14000;
	s23 =	sadd.s32 $0x60, s7;
	[dreg:$0x9] =	wrdreg s21  }
0x15: {  	s10 =	sadd.s32 $0x4F, s10;
	s12 =	sadd.s32 $0x8EE00, s0;
	[dreg:$0xa] =	wrdreg s23  }
0x16: {  	v0 =	vimm.f32 $0.0e+00;
	s20 =	simm.s32 $0x14400;
	s21 =	simm.s32 $0x2;
	s23 =	simm.s32 $0x1C400  }
.LBB2_1:
0x17: {  	[tilespmem:s14], [sflag:$0x7] =	stream.linear.gather [hbm4b:s7+s3], $0x100, $0x38;
	[tilespmem:$0x1CC00] =	vst v63  }
0x18: {  	_ =	swait.ge [sflag:s15], $0x100  }
0x19: {  	[sflag:s15] =	ssyncset.done $0x0  }
0x1a: {  	s0 =	rddreg [dreg:$0x8];
	[sflag:s15] =	ssyncadd.s32 $0xFFFFFF00  }
0x1b: {  	[tilespmem:s16], [sflag:$0x2] =	stream.linear.gather [hbm4b:s0+s3], $0x100, $0x38;
	[tilespmem:$0x1CC00] =	vst v63  }
0x1c: {  	s8 =	rddreg [dreg:$0x9]  }
0x1d: {  	[tilespmem:s17], [sflag:$0x3] =	stream.linear.gather [hbm4b:s8+s3], $0x100, $0x38;
	[tilespmem:$0x1CC00] =	vst v63  }
0x1e: {  	s9 =	rddreg [dreg:$0xa]  }
0x1f: {  	[tilespmem:s18], [sflag:$0x4] =	stream.linear.gather [hbm4b:s9+s3], $0x100, $0x38;
	[tilespmem:$0x1CC00] =	vst v63  }
0x20: {  	_ = 	snop  }
0x21: {  	[tilespmem:s20], [sflag:$0x5] =	stream.indirect.gather [hbm4b:s5+s19], $0x80, s14, s19, $0xb8;
	[tilespmem:$0x1CC00] =	vst v63  }
0x22: {  	_ =	swait.ge [sflag:s21], $0x100  }
0x23: {  	[sflag:s21] =	ssyncset.done $0x0  }
0x24: {  	[sflag:s21] =	ssyncadd.s32 $0xFFFFFF00  }
0x25: {  	[tilespmem:s22], [sflag:$0x6] =	stream.indirect.gather [hbm4b:s5+s19], $0x80, s16, s19, $0xb8;
	[tilespmem:$0x1CC00] =	vst v63  }
0x26: {  	[tilespmem:$0x1C400] =	vst v0  }
0x27: {  	[tilespmem:$0x1C410] =	vst v0  }
0x28: {  	[tilespmem:$0x1C420] =	vst v0  }
0x29: {  	[tilespmem:$0x1C430] =	vst v0  }
0x2a: {  	[tilespmem:$0x1C440] =	vst v0  }
0x2b: {  	[tilespmem:$0x1C450] =	vst v0  }
0x2c: {  	[tilespmem:$0x1C460] =	vst v0  }
0x2d: {  	[tilespmem:$0x1C470] =	vst v0  }
0x2e: {  	[tilespmem:$0x1C480] =	vst v0  }
0x2f: {  	[tilespmem:$0x1C490] =	vst v0  }
0x30: {  	[tilespmem:$0x1C4A0] =	vst v0  }
0x31: {  	[tilespmem:$0x1C4B0] =	vst v0  }
0x32: {  	[tilespmem:$0x1C4C0] =	vst v0  }
0x33: {  	[tilespmem:$0x1C4D0] =	vst v0  }
0x34: {  	[tilespmem:$0x1C4E0] =	vst v0  }
0x35: {  	[tilespmem:$0x1C4F0] =	vst v0  }
0x36: {  	[tilespmem:$0x1C500] =	vst v0  }
0x37: {  	[tilespmem:$0x1C510] =	vst v0  }
0x38: {  	[tilespmem:$0x1C520] =	vst v0  }
0x39: {  	[tilespmem:$0x1C530] =	vst v0  }
0x3a: {  	[tilespmem:$0x1C540] =	vst v0  }
0x3b: {  	[tilespmem:$0x1C550] =	vst v0  }
0x3c: {  	[tilespmem:$0x1C560] =	vst v0  }
0x3d: {  	[tilespmem:$0x1C570] =	vst v0  }
0x3e: {  	[tilespmem:$0x1C580] =	vst v0  }
0x3f: {  	[tilespmem:$0x1C590] =	vst v0  }
0x40: {  	[tilespmem:$0x1C5A0] =	vst v0  }
0x41: {  	[tilespmem:$0x1C5B0] =	vst v0  }
0x42: {  	[tilespmem:$0x1C5C0] =	vst v0  }
0x43: {  	[tilespmem:$0x1C5D0] =	vst v0  }
0x44: {  	[tilespmem:$0x1C5E0] =	vst v0  }
0x45: {  	[tilespmem:$0x1C5F0] =	vst v0  }
0x46: {  	[tilespmem:$0x1C600] =	vst v0  }
0x47: {  	[tilespmem:$0x1C610] =	vst v0  }
0x48: {  	[tilespmem:$0x1C620] =	vst v0  }
0x49: {  	[tilespmem:$0x1C630] =	vst v0  }
0x4a: {  	[tilespmem:$0x1C640] =	vst v0  }
0x4b: {  	[tilespmem:$0x1C650] =	vst v0  }
0x4c: {  	[tilespmem:$0x1C660] =	vst v0  }
0x4d: {  	[tilespmem:$0x1C670] =	vst v0  }
0x4e: {  	[tilespmem:$0x1C680] =	vst v0  }
0x4f: {  	[tilespmem:$0x1C690] =	vst v0  }
0x50: {  	[tilespmem:$0x1C6A0] =	vst v0  }
0x51: {  	[tilespmem:$0x1C6B0] =	vst v0  }
0x52: {  	[tilespmem:$0x1C6C0] =	vst v0  }
0x53: {  	[tilespmem:$0x1C6D0] =	vst v0  }
0x54: {  	[tilespmem:$0x1C6E0] =	vst v0  }
0x55: {  	[tilespmem:$0x1C6F0] =	vst v0  }
0x56: {  	[tilespmem:$0x1C700] =	vst v0  }
0x57: {  	[tilespmem:$0x1C710] =	vst v0  }
0x58: {  	[tilespmem:$0x1C720] =	vst v0  }
0x59: {  	[tilespmem:$0x1C730] =	vst v0  }
0x5a: {  	[tilespmem:$0x1C740] =	vst v0  }
0x5b: {  	[tilespmem:$0x1C750] =	vst v0  }
0x5c: {  	[tilespmem:$0x1C760] =	vst v0  }
0x5d: {  	[tilespmem:$0x1C770] =	vst v0  }
0x5e: {  	[tilespmem:$0x1C780] =	vst v0  }
0x5f: {  	[tilespmem:$0x1C790] =	vst v0  }
0x60: {  	[tilespmem:$0x1C7A0] =	vst v0  }
0x61: {  	[tilespmem:$0x1C7B0] =	vst v0  }
0x62: {  	[tilespmem:$0x1C7C0] =	vst v0  }
0x63: {  	[tilespmem:$0x1C7D0] =	vst v0  }
0x64: {  	[tilespmem:$0x1C7E0] =	vst v0  }
0x65: {  	[tilespmem:$0x1C7F0] =	vst v0  }
0x66: {  	[tilespmem:$0x1C800] =	vst v0  }
0x67: {  	[tilespmem:$0x1C810] =	vst v0  }
0x68: {  	[tilespmem:$0x1C820] =	vst v0  }
0x69: {  	[tilespmem:$0x1C830] =	vst v0  }
0x6a: {  	[tilespmem:$0x1C840] =	vst v0  }
0x6b: {  	[tilespmem:$0x1C850] =	vst v0  }
0x6c: {  	[tilespmem:$0x1C860] =	vst v0  }
0x6d: {  	[tilespmem:$0x1C870] =	vst v0  }
0x6e: {  	[tilespmem:$0x1C880] =	vst v0  }
0x6f: {  	[tilespmem:$0x1C890] =	vst v0  }
0x70: {  	[tilespmem:$0x1C8A0] =	vst v0  }
0x71: {  	[tilespmem:$0x1C8B0] =	vst v0  }
0x72: {  	[tilespmem:$0x1C8C0] =	vst v0  }
0x73: {  	[tilespmem:$0x1C8D0] =	vst v0  }
0x74: {  	[tilespmem:$0x1C8E0] =	vst v0  }
0x75: {  	[tilespmem:$0x1C8F0] =	vst v0  }
0x76: {  	[tilespmem:$0x1C900] =	vst v0  }
0x77: {  	[tilespmem:$0x1C910] =	vst v0  }
0x78: {  	[tilespmem:$0x1C920] =	vst v0  }
0x79: {  	[tilespmem:$0x1C930] =	vst v0  }
0x7a: {  	[tilespmem:$0x1C940] =	vst v0  }
0x7b: {  	[tilespmem:$0x1C950] =	vst v0  }
0x7c: {  	[tilespmem:$0x1C960] =	vst v0  }
0x7d: {  	[tilespmem:$0x1C970] =	vst v0  }
0x7e: {  	[tilespmem:$0x1C980] =	vst v0  }
0x7f: {  	[tilespmem:$0x1C990] =	vst v0  }
0x80: {  	[tilespmem:$0x1C9A0] =	vst v0  }
0x81: {  	[tilespmem:$0x1C9B0] =	vst v0  }
0x82: {  	[tilespmem:$0x1C9C0] =	vst v0  }
0x83: {  	[tilespmem:$0x1C9D0] =	vst v0  }
0x84: {  	[tilespmem:$0x1C9E0] =	vst v0  }
0x85: {  	[tilespmem:$0x1C9F0] =	vst v0  }
0x86: {  	[tilespmem:$0x1CA00] =	vst v0  }
0x87: {  	[tilespmem:$0x1CA10] =	vst v0  }
0x88: {  	[tilespmem:$0x1CA20] =	vst v0  }
0x89: {  	[tilespmem:$0x1CA30] =	vst v0  }
0x8a: {  	[tilespmem:$0x1CA40] =	vst v0  }
0x8b: {  	[tilespmem:$0x1CA50] =	vst v0  }
0x8c: {  	[tilespmem:$0x1CA60] =	vst v0  }
0x8d: {  	[tilespmem:$0x1CA70] =	vst v0  }
0x8e: {  	[tilespmem:$0x1CA80] =	vst v0  }
0x8f: {  	[tilespmem:$0x1CA90] =	vst v0  }
0x90: {  	[tilespmem:$0x1CAA0] =	vst v0  }
0x91: {  	[tilespmem:$0x1CAB0] =	vst v0  }
0x92: {  	[tilespmem:$0x1CAC0] =	vst v0  }
0x93: {  	[tilespmem:$0x1CAD0] =	vst v0  }
0x94: {  	[tilespmem:$0x1CAE0] =	vst v0  }
0x95: {  	[tilespmem:$0x1CAF0] =	vst v0  }
0x96: {  	[tilespmem:$0x1CB00] =	vst v0  }
0x97: {  	[tilespmem:$0x1CB10] =	vst v0  }
0x98: {  	[tilespmem:$0x1CB20] =	vst v0  }
0x99: {  	[tilespmem:$0x1CB30] =	vst v0  }
0x9a: {  	[tilespmem:$0x1CB40] =	vst v0  }
0x9b: {  	[tilespmem:$0x1CB50] =	vst v0  }
0x9c: {  	[tilespmem:$0x1CB60] =	vst v0  }
0x9d: {  	[tilespmem:$0x1CB70] =	vst v0  }
0x9e: {  	[tilespmem:$0x1CB80] =	vst v0  }
0x9f: {  	[tilespmem:$0x1CB90] =	vst v0  }
0xa0: {  	[tilespmem:$0x1CBA0] =	vst v0  }
0xa1: {  	[tilespmem:$0x1CBB0] =	vst v0  }
0xa2: {  	[tilespmem:$0x1CBC0] =	vst v0  }
0xa3: {  	[tilespmem:$0x1CBD0] =	vst v0  }
0xa4: {  	[tilespmem:$0x1CBE0] =	vst v0  }
0xa5: {  	s31 =	sadd.s32 $0x0, s11;
	[tilespmem:$0x1CBF0] =	vst v0  }
0xa6: {  	[spmem:s31] =	stream.linear.scatter [tilespmem:s23], [sflag:$0x7], $0x800, $0x38;
	[tilespmem:$0x1CC00] =	vst v63  }
0xa7: {  	s0 =	simm.s32 $0x2000;
	_ =	swait.ge [sflag:s15], $0x800  }
.LBB2_2:
0xa8: {  	s31 =	sshra.s32 s0, $0x2;
	[sflag:s15] =	ssyncset.done $0x0;
	p0 =	sne.s32 s0, $0x4E000  }
.Ltmp0:
0xa9: {  	s31 =	sadd.s32 s31, s11;
	[sflag:s15] =	ssyncadd.s32 $0xFFFFF800;
	(pc) =	sbr.rel @p0 .LBB2_2-.Ltmp0, $3  }
0xaa: {  	[spmem:s31] =	stream.linear.scatter [tilespmem:s23], [sflag:$0x7], $0x800, $0x38;
	[tilespmem:$0x1CC00] =	vst v63  }
0xab: {  	s0 =	sadd.s32 $0x2000, s0;
	_ =	sdelay $0x1  }
0xac: {  	_ =	swait.ge [sflag:s15], $0x800  }
0xad: {  	[sflag:s15] =	ssyncset.done $0x0  }
0xae: {  	[sflag:s15] =	ssyncadd.s32 $0xFFFFF800  }
0xaf: {  	[bflag:$0x0] =	sbarrier.arrive $0xFFFF  }
0xb0: {  	_ =	swait.ge [sflag:s24], $0x4000  }
0xb1: {  	[sflag:s24] =	ssyncset.done $0x0  }
0xb2: {  	s0 =	rddreg [dreg:$0x4];
	[sflag:s24] =	ssyncadd.s32 $0xFFFFC000  }
0xb3: {  	[spmem:s1] =	stream.indirect.scatter.add.f32 [tilespmem:s20], [sflag:$0x7], $0x80, s0, s19, $0xb8;
	[tilespmem:$0x1CC00] =	vst v63  }
0xb4: {  	_ =	swait.ge [sflag:s15], $0x4000  }
0xb5: {  	s9 =	rddreg [dreg:$0x3]  }
0xb6: {  	s0 =	sadd.s32 $0xFFFFFFB0, s9  }
0xb7: {  	s31 =	sadd.s32 $0x54, s0  }
0xb8: {  	s6 =	smov.u32 s10;
	p0 =	slt.s32 s31, s10  }
0xb9: {  	s6 =	smov.u32 @p0 s31  }
0xba: {  	s6 =	sshll.u32 s6, $0x5  }
0xbb: {  	[sflag:s15] =	ssyncset.done $0x0;
	s6 =	sand.u32 $0x1FFFFFE0, s6  }
0xbc: {  	[sflag:s15] =	ssyncadd.s32 $0xFFFFC000;
	s6 =	sadd.s32 s4, s6  }
0xbd: {  	[tilespmem:s14], [sflag:$0x1] =	stream.linear.gather [hbm4b:s6+s3], $0x100, $0x38;
	[tilespmem:$0x1CC00] =	vst v63  }
0xbe: {  	_ =	swait.ge [sflag:s25], $0x100  }
0xbf: {  	[sflag:s25] =	ssyncset.done $0x0  }
0xc0: {  	[sflag:s25] =	ssyncadd.s32 $0xFFFFFF00  }
0xc1: {  	[tilespmem:s20], [sflag:$0x5] =	stream.indirect.gather [hbm4b:s5+s19], $0x80, s17, s19, $0xb8;
	[tilespmem:$0x1CC00] =	vst v63  }
0xc2: {  	s6 =	sadd.s32 $0x55, s0;
	_ =	swait.ge [sflag:s26], $0x4000  }
0xc3: {  	s8 =	smov.u32 s10;
	p0 =	slt.s32 s6, s10;
	[sflag:s26] =	ssyncset.done $0x0  }
0xc4: {  	s8 =	smov.u32 @p0 s6;
	s31 =	rddreg [dreg:$0x5];
	[sflag:s26] =	ssyncadd.s32 $0xFFFFC000  }
0xc5: {  	[spmem:s1] =	stream.indirect.scatter.add.f32 [tilespmem:s22], [sflag:$0x7], $0x80, s31, s19, $0xb8;
	[tilespmem:$0x1CC00] =	vst v63  }
0xc6: {  	s6 =	sshll.u32 s8, $0x5;
	_ =	swait.ge [sflag:s15], $0x4000  }
0xc7: {  	s6 =	sand.u32 $0x1FFFFFE0, s6;
	[sflag:s15] =	ssyncset.done $0x0  }
0xc8: {  	s6 =	sadd.s32 s4, s6;
	[sflag:s15] =	ssyncadd.s32 $0xFFFFC000  }
0xc9: {  	[tilespmem:s16], [sflag:$0x2] =	stream.linear.gather [hbm4b:s6+s3], $0x100, $0x38;
	[tilespmem:$0x1CC00] =	vst v63  }
0xca: {  	_ =	swait.ge [sflag:s28], $0x100  }
0xcb: {  	[sflag:s28] =	ssyncset.done $0x0  }
0xcc: {  	[sflag:s28] =	ssyncadd.s32 $0xFFFFFF00  }
0xcd: {  	[tilespmem:s22], [sflag:$0x6] =	stream.indirect.gather [hbm4b:s5+s19], $0x80, s18, s19, $0xb8;
	[tilespmem:$0x1CC00] =	vst v63  }
0xce: {  	s6 =	sadd.s32 $0x56, s0;
	_ =	swait.ge [sflag:s24], $0x4000  }
0xcf: {  	s31 =	smov.u32 s10;
	p0 =	slt.s32 s6, s10;
	[sflag:s24] =	ssyncset.done $0x0  }
0xd0: {  	s31 =	smov.u32 @p0 s6;
	s2 =	rddreg [dreg:$0x6];
	[sflag:s24] =	ssyncadd.s32 $0xFFFFC000  }
0xd1: {  	[spmem:s1] =	stream.indirect.scatter.add.f32 [tilespmem:s20], [sflag:$0x7], $0x80, s2, s19, $0xb8;
	[tilespmem:$0x1CC00] =	vst v63  }
0xd2: {  	s6 =	sshll.u32 s31, $0x5;
	_ =	swait.ge [sflag:s15], $0x4000  }
0xd3: {  	s6 =	sand.u32 $0x1FFFFFE0, s6;
	[sflag:s15] =	ssyncset.done $0x0  }
0xd4: {  	s6 =	sadd.s32 s4, s6;
	[sflag:s15] =	ssyncadd.s32 $0xFFFFC000  }
0xd5: {  	[tilespmem:s17], [sflag:$0x3] =	stream.linear.gather [hbm4b:s6+s3], $0x100, $0x38;
	[tilespmem:$0x1CC00] =	vst v63  }
0xd6: {  	_ =	swait.ge [sflag:s29], $0x100  }
0xd7: {  	[sflag:s29] =	ssyncset.done $0x0  }
0xd8: {  	[sflag:s29] =	ssyncadd.s32 $0xFFFFFF00  }
0xd9: {  	[tilespmem:s20], [sflag:$0x5] =	stream.indirect.gather [hbm4b:s5+s19], $0x80, s14, s19, $0xb8;
	[tilespmem:$0x1CC00] =	vst v63  }
0xda: {  	s0 =	sadd.s32 $0x57, s0;
	_ =	swait.ge [sflag:s26], $0x4000  }
0xdb: {  	s8 =	smov.u32 s10;
	p0 =	slt.s32 s0, s10;
	[sflag:s26] =	ssyncset.done $0x0  }
0xdc: {  	s8 =	smov.u32 @p0 s0;
	s9 =	rddreg [dreg:$0x7];
	[sflag:s26] =	ssyncadd.s32 $0xFFFFC000  }
0xdd: {  	[spmem:s1] =	stream.indirect.scatter.add.f32 [tilespmem:s22], [sflag:$0x7], $0x80, s9, s19, $0xb8;
	[tilespmem:$0x1CC00] =	vst v63  }
0xde: {  	s0 =	sshll.u32 s8, $0x5;
	_ =	swait.ge [sflag:s15], $0x4000  }
0xdf: {  	s0 =	sand.u32 $0x1FFFFFE0, s0;
	[sflag:s15] =	ssyncset.done $0x0  }
0xe0: {  	s0 =	sadd.s32 s4, s0;
	[sflag:s15] =	ssyncadd.s32 $0xFFFFC000  }
0xe1: {  	[tilespmem:s18], [sflag:$0x4] =	stream.linear.gather [hbm4b:s0+s3], $0x100, $0x38;
	[tilespmem:$0x1CC00] =	vst v63  }
0xe2: {  	_ =	swait.ge [sflag:s21], $0x100  }
0xe3: {  	[sflag:s21] =	ssyncset.done $0x0  }
0xe4: {  	s31 =	simm.s32 $0xFFFFFFB4;
	[sflag:s21] =	ssyncadd.s32 $0xFFFFFF00  }
.LBB2_4:
0xe5: {  	[tilespmem:s22], [sflag:$0x6] =	stream.indirect.gather [hbm4b:s5+s19], $0x80, s16, s19, $0xb8;
	[tilespmem:$0x1CC00] =	vst v63  }
0xe6: {  	_ =	swait.ge [sflag:s24], $0x4000  }
0xe7: {  	[sflag:s24] =	ssyncset.done $0x0  }
0xe8: {  	s6 =	rddreg [dreg:$0x4];
	[sflag:s24] =	ssyncadd.s32 $0xFFFFC000  }
0xe9: {  	[spmem:s1] =	stream.indirect.scatter.add.f32 [tilespmem:s20], [sflag:$0x7], $0x80, s6, s19, $0xb8;
	[tilespmem:$0x1CC00] =	vst v63  }
0xea: {  	_ =	swait.ge [sflag:s15], $0x4000  }
0xeb: {  	s0 =	smov.u32 s31;
	s8 =	rddreg [dreg:$0x3]  }
0xec: {  	s0 =	sadd.s32 s0, s8  }
0xed: {  	s6 =	sadd.s32 $0x54, s0  }
0xee: {  	s2 =	smov.u32 s10;
	p1 =	slt.s32 s6, s10  }
0xef: {  	s2 =	smov.u32 @p1 s6  }
0xf0: {  	s2 =	sshll.u32 s2, $0x5  }
0xf1: {  	[sflag:s15] =	ssyncset.done $0x0;
	s2 =	sand.u32 $0x1FFFFFE0, s2  }
0xf2: {  	[sflag:s15] =	ssyncadd.s32 $0xFFFFC000;
	s2 =	sadd.s32 s4, s2  }
0xf3: {  	[tilespmem:s14], [sflag:$0x1] =	stream.linear.gather [hbm4b:s2+s3], $0x100, $0x38;
	[tilespmem:$0x1CC00] =	vst v63  }
0xf4: {  	_ =	swait.ge [sflag:s25], $0x100  }
0xf5: {  	s8 =	sadd.s32 $0x55, s0;
	[sflag:s25] =	ssyncset.done $0x0  }
0xf6: {  	s9 =	sadd.s32 $0x56, s0;
	p2 =	slt.s32 s8, s10;
	[sflag:s25] =	ssyncadd.s32 $0xFFFFFF00  }
0xf7: {  	[tilespmem:s20], [sflag:$0x5] =	stream.indirect.gather [hbm4b:s5+s19], $0x80, s17, s19, $0xb8;
	[tilespmem:$0x1CC00] =	vst v63  }
0xf8: {  	p3 =	slt.s32 s9, s10;
	s6 =	smov.u32 s10;
	_ =	swait.ge [sflag:s26], $0x4000  }
0xf9: {  	s6 =	smov.u32 @p2 s8;
	s8 =	smov.u32 s10;
	[sflag:s26] =	ssyncset.done $0x0  }
0xfa: {  	s8 =	smov.u32 @p3 s9;
	s9 =	rddreg [dreg:$0x5];
	[sflag:s26] =	ssyncadd.s32 $0xFFFFC000  }
0xfb: {  	[spmem:s1] =	stream.indirect.scatter.add.f32 [tilespmem:s22], [sflag:$0x7], $0x80, s9, s19, $0xb8;
	[tilespmem:$0x1CC00] =	vst v63  }
0xfc: {  	s6 =	sshll.u32 s6, $0x5;
	_ =	swait.ge [sflag:s15], $0x4000  }
0xfd: {  	s6 =	sand.u32 $0x1FFFFFE0, s6;
	[sflag:s15] =	ssyncset.done $0x0  }
0xfe: {  	s6 =	sadd.s32 s4, s6;
	[sflag:s15] =	ssyncadd.s32 $0xFFFFC000  }
0xff: {  	[tilespmem:s16], [sflag:$0x2] =	stream.linear.gather [hbm4b:s6+s3], $0x100, $0x38;
	[tilespmem:$0x1CC00] =	vst v63  }
0x100: {  	_ =	swait.ge [sflag:s28], $0x100  }
0x101: {  	s0 =	sadd.s32 $0x57, s0;
	[sflag:s28] =	ssyncset.done $0x0  }
0x102: {  	p1 =	slt.s32 s0, s10;
	s8 =	sshll.u32 s8, $0x5;
	[sflag:s28] =	ssyncadd.s32 $0xFFFFFF00  }
0x103: {  	[tilespmem:s22], [sflag:$0x6] =	stream.indirect.gather [hbm4b:s5+s19], $0x80, s18, s19, $0xb8;
	[tilespmem:$0x1CC00] =	vst v63  }
0x104: {  	s2 =	sand.u32 $0x1FFFFFE0, s8;
	s8 =	smov.u32 s10;
	_ =	swait.ge [sflag:s24], $0x4000  }
0x105: {  	s8 =	smov.u32 @p1 s0;
	[sflag:s24] =	ssyncset.done $0x0  }
0x106: {  	s0 =	sshll.u32 s8, $0x5;
	s8 =	rddreg [dreg:$0x6];
	[sflag:s24] =	ssyncadd.s32 $0xFFFFC000  }
0x107: {  	[spmem:s1] =	stream.indirect.scatter.add.f32 [tilespmem:s20], [sflag:$0x7], $0x80, s8, s19, $0xb8;
	[tilespmem:$0x1CC00] =	vst v63  }
0x108: {  	_ =	swait.ge [sflag:s15], $0x4000  }
0x109: {  	[sflag:s15] =	ssyncset.done $0x0  }
0x10a: {  	s2 =	sadd.s32 s4, s2;
	[sflag:s15] =	ssyncadd.s32 $0xFFFFC000  }
0x10b: {  	[tilespmem:s17], [sflag:$0x3] =	stream.linear.gather [hbm4b:s2+s3], $0x100, $0x38;
	[tilespmem:$0x1CC00] =	vst v63  }
0x10c: {  	_ =	swait.ge [sflag:s29], $0x100  }
0x10d: {  	[sflag:s29] =	ssyncset.done $0x0  }
0x10e: {  	[sflag:s29] =	ssyncadd.s32 $0xFFFFFF00  }
0x10f: {  	[tilespmem:s20], [sflag:$0x5] =	stream.indirect.gather [hbm4b:s5+s19], $0x80, s14, s19, $0xb8;
	[tilespmem:$0x1CC00] =	vst v63  }
0x110: {  	_ =	swait.ge [sflag:s26], $0x4000  }
0x111: {  	[sflag:s26] =	ssyncset.done $0x0  }
0x112: {  	s9 =	rddreg [dreg:$0x7];
	[sflag:s26] =	ssyncadd.s32 $0xFFFFC000  }
0x113: {  	[spmem:s1] =	stream.indirect.scatter.add.f32 [tilespmem:s22], [sflag:$0x7], $0x80, s9, s19, $0xb8;
	[tilespmem:$0x1CC00] =	vst v63  }
0x114: {  	_ =	swait.ge [sflag:s15], $0x4000  }
0x115: {  	p0 =	sne.s32 s31, $0xFFFFFFFC;
	s0 =	sand.u32 $0x1FFFFFE0, s0;
	[sflag:s15] =	ssyncset.done $0x0  }
.Ltmp1:
0x116: {  	s0 =	sadd.s32 s4, s0;
	[sflag:s15] =	ssyncadd.s32 $0xFFFFC000;
	(pc) =	sbr.rel @p0 .LBB2_4-.Ltmp1, $4  }
0x117: {  	[tilespmem:s18], [sflag:$0x4] =	stream.linear.gather [hbm4b:s0+s3], $0x100, $0x38;
	[tilespmem:$0x1CC00] =	vst v63  }
0x118: {  	_ =	swait.ge [sflag:s21], $0x100  }
0x119: {  	[sflag:s21] =	ssyncset.done $0x0  }
0x11a: {  	s31 =	sadd.s32 $0x4, s31;
	[sflag:s21] =	ssyncadd.s32 $0xFFFFFF00  }
0x11b: {  	[tilespmem:s22], [sflag:$0x6] =	stream.indirect.gather [hbm4b:s5+s19], $0x80, s16, s19, $0xb8;
	[tilespmem:$0x1CC00] =	vst v63  }
0x11c: {  	_ =	swait.ge [sflag:s24], $0x4000  }
0x11d: {  	[sflag:s24] =	ssyncset.done $0x0  }
0x11e: {  	[sflag:s24] =	ssyncadd.s32 $0xFFFFC000  }
0x11f: {  	_ =	swait.ge [sflag:s26], $0x4000  }
0x120: {  	[sflag:s26] =	ssyncset.done $0x0  }
0x121: {  	[sflag:s26] =	ssyncadd.s32 $0xFFFFC000  }
0x122: {  	_ =	swait.ge [sflag:s25], $0x100  }
0x123: {  	[sflag:s25] =	ssyncset.done $0x0  }
0x124: {  	[sflag:s25] =	ssyncadd.s32 $0xFFFFFF00  }
0x125: {  	s0 =	stileid.u32;
	_ =	swait.ge [sflag:s28], $0x100  }
0x126: {  	s2 =	sshrl.u32 s11, $0x3;
	s30 =	sadd.s32 $0x1, s30;
	[sflag:s28] =	ssyncset.done $0x0  }
0x127: {  	s0 =	sshll.u32 s0, $0x6;
	p0 =	sne.s32 s30, s13;
	[sflag:s28] =	ssyncadd.s32 $0xFFFFFF00  }
.Ltmp2:
0x128: {  	s0 =	sor.u32 $0x1C07, s0;
	[bflag:$0x0] =	sbarrier.arrive $0xFFFF;
	(pc) =	sbr.rel @p0 .LBB2_1-.Ltmp2, $4  }
0x129: {  	[hbm:s12], [sflag:s0] =	dma.local [spmem:s2], $0x2800  }
0x12a: {  	_ =	swait.ge [sflag:s15], $0x2800  }
0x12b: {  	[sflag:s15] =	ssyncset.done $0x0  }
0x12c: {  	[sflag:s15] =	ssyncadd.s32 $0xFFFFD800  }
0x12d: {  	_ =	sfence.sel $0x180000  }
0x12e: {  	[bflag:$0x0] =	sbarrier.arrive $0xFFFF  }
0x12f: {  	_ =	strace $0x9000004D  }
0x130: {  	s0 =	stileid.u32;
	[bflag:$0x2] =	sbarrier.arrive $0xFFFF  }
0x131: {  	p0 =	sne.s32 s0, $0x0;
	s0 =	rddreg [dreg:$0x2]  }
0x132: {  	s0 =	sadd.s32 @!p0 $0x100000, s0  }
0x133: {  	[sflag:s0] =	ssyncadd.tile.s32 @!p0 $0x1;
	_ =	shalt  }
.Lfunc_end2:
_tile_overlayer_lowered:
.L_overlay_start_2:
0x134: {  	(tag) =	ssettag $0x2  }
0x135: {  	s0 =	rddreg [dreg:$0x0];
	s2 =	stileid.u32  }
0x136: {  	s1 =	rddreg [dreg:$0x1];
	p0 =	sne.s32 s2, $0x0  }
0x137: {  	s3 =	rddreg [dreg:$0x2];
	[bflag:$0x3] =	sbarrier.arrive $0xFFFF;
	s2 =	simm.s32 @!p0 $0x1C07  }
0x138: {  	[timem:s3], [sflag:s2] =	dma.local @!p0 [hbm:s0], s1  }
0x139: {  	s0 =	simm.s32 @!p0 $0x7  }
0x13a: {  	_ =	swait.ge @!p0 [sflag:s0], s1  }
0x13b: {  	s1 =	ssub.s32 @!p0 $0x0, s1;
	[sflag:s0] =	ssyncset.done @!p0 $0x0  }
0x13c: {  	[sflag:s0] =	ssyncadd.s32 @!p0 s1  }
0x13d: {  	[bflag:$0x3] =	sbarrier.arrive $0xFFFF  }
0x13e: {  	_ =	shalt  }

// kernel: kernel.8.cloned.1.call-start
scs
__scs_entry_jumppad:
0x0: {  	(pc) =	sbr.rel $0x88, $3  }
0x1: {  	(tag) =	ssettag $0x0;
	lr =	simm.s32 $0x1  }
0x2: {  	[smem:$0x3F9B] =	sst lr;
	_ =	strace $0xD0000000  }
0x3: {  	_ = 	snop  }
0x4: {  	_ = 	snop  }
0x5: {  	_ = 	snop  }
0x6: {  	_ = 	snop  }
0x7: {  	_ = 	snop  }
__scs_overlays_trampoline_lowered:
0x8: {  	[smem:$0x3FAA] =	sst s0  }
0x9: {  	[smem:$0x3FAB] =	sst s1  }
0xa: {  	[smem:$0x3FAC] =	sst s2  }
0xb: {  	[smem:$0x3FAD] =	sst s3  }
0xc: {  	[smem:$0x3FAE] =	sst s4  }
0xd: {  	[smem:$0x3FAF] =	sst s5  }
0xe: {  	[smem:$0x3FB0] =	sst s6  }
0xf: {  	[smem:$0x3FB1] =	sst s7  }
0x10: {  	[smem:$0x3FB2] =	sst s8  }
0x11: {  	[smem:$0x3FB3] =	sst s9;
	s0 =	simm.s32 @!p0 $0x0  }
0x12: {  	s1 =	sld [smem:$0x3F99];
	s0 =	simm.s32 @p0 $0x1  }
0x13: {  	[smem:$0x3FB4] =	sst s0;
	s0 =	simm.s32 @!p1 $0x0  }
0x14: {  	s2 =	sld [smem:$0x3F98];
	s0 =	simm.s32 @p1 $0x1  }
0x15: {  	[smem:$0x3FB5] =	sst s0;
	s0 =	simm.s32 @!p2 $0x0  }
0x16: {  	s3 =	sld [smem:$0x3FDB];
	s0 =	simm.s32 @p2 $0x1  }
0x17: {  	s4 =	simm.s32 $0x1BF5;
	[smem:$0x3FB7] =	sst s0  }
0x18: {  	s0 =	sld [smem:$0x3F9A];
	_ =	swait.ge [sflag:s4], $0x0  }
0x19: {  	s7 =	sld [smem:$0x3F9B]  }
0x1a: {  	s8 =	sadd.s32 $0xFFFFE003, lr  }
0x1b: {  	s9 =	sadd.s32 $0xFFFFFEF7, lr;
	s5 =	simm.s32 $0xFFFFFFFF;
	p2 =	slt.u32 s8, $0xFFFFF086  }
0x1c: {  	p1 =	slt.u32 s9, $0xF7A;
	s5 =	simm.s32 @!p2 $0x0  }
0x1d: {  	s5 =	simm.s32 @p1 $0x1;
	p0 =	seq.s32 s7, s2  }
0x1e: {  	s7 =	smul.u32 @!p0 $0xF7A, s2;
	p2 =	seq.s32 @!p0 s5, $0x0  }
0x1f: {  	s9 =	smul.u32 $0xF7A, s1;
	s8 =	simm.s32 @!p0 $0x1BF5;
	p2 =	por !p2, p0  }
0x20: {  	[sflag:s8] =	ssyncset.s32 @!p0 $0xFFFFF086;
	s6 =	sadd.s32 @!p0 s3, s7;
	s7 =	simm.s32 @!p0 $0x108  }
0x21: {  	s3 =	sadd.s32 s3, s9;
	s6 =	sadd.s32 @!p0 $0x88, s6;
	s7 =	simm.s32 @p2 $0x1082  }
0x22: {  	[simem:s7], [sflag:s8] =	dma.local @!p0 [hbm:s6], $0xF7A  }
0x23: {  	s9 =	sor.u32 $0xD0000000, s2;
	s6 =	simm.s32 $0x108;
	_ =	swait.ge @!p0 [sflag:s8], $0x0  }
0x24: {  	s3 =	sadd.s32 $0x88, s3;
	s6 =	simm.s32 @!p1 $0x1082;
	[sflag:s4] =	ssyncset.s32 $0xFFFFF086  }
0x25: {  	[simem:s6], [sflag:s4] =	dma.local [hbm:s3], $0xF7A  }
0x26: {  	[smem:$0x3F9B] =	sst s1;
	(tag) =	ssettag s2;
	_ =	strace s9  }
0x27: {  	s1 =	sld [smem:$0x3FAB]  }
0x28: {  	s2 =	sld [smem:$0x3FAC]  }
0x29: {  	s4 =	sld [smem:$0x3FAE]  }
0x2a: {  	p0 =	seq.s32 s5, $0x0;
	s5 =	sld [smem:$0x3FAF]  }
0x2b: {  	s6 =	sld [smem:$0x3FB0]  }
0x2c: {  	s7 =	sld [smem:$0x3FB1]  }
0x2d: {  	s3 =	simm.s32 $0x108;
	s8 =	sld [smem:$0x3FB2]  }
0x2e: {  	s3 =	simm.s32 @!p0 $0x1082;
	s9 =	sld [smem:$0x3FB3]  }
0x2f: {  	lr =	sadd.s32 s0, s3;
	s0 =	sld [smem:$0x3FAA]  }
0x30: {  	s3 =	sld [smem:$0x3FAD]  }
0x31: {  	[smem:$0x3FB6] =	sst s10  }
0x32: {  	s10 =	sld [smem:$0x3FB4];
	_ =	sdelay $0x3  }
0x33: {  	p0 =	seq.s32 s10, $0x1;
	s10 =	sld [smem:$0x3FB6];
	_ =	sdelay $0x3  }
0x34: {  	[smem:$0x3FB6] =	sst s10  }
0x35: {  	s10 =	sld [smem:$0x3FB5];
	_ =	sdelay $0x3  }
0x36: {  	p1 =	seq.s32 s10, $0x1;
	s10 =	sld [smem:$0x3FB6];
	_ =	sdelay $0x3  }
0x37: {  	[smem:$0x3FB6] =	sst s10  }
0x38: {  	s10 =	sld [smem:$0x3FB7]  }
0x39: {  	_ = 	snop;
	(pc) =	sbr.ind lr, $3  }
0x3a: {  	_ = 	snop  }
0x3b: {  	_ = 	snop  }
0x3c: {  	p2 =	seq.s32 s10, $0x1;
	s10 =	sld [smem:$0x3FB6]  }
0x3d: {  	_ =	shalt  }
0x3e: {  	_ =	shalt  }
0x3f: {  	_ =	shalt  }
0x40: {  	_ =	shalt  }
0x41: {  	_ =	shalt  }
0x42: {  	_ =	shalt  }
0x43: {  	_ =	shalt  }
0x44: {  	_ =	shalt  }
0x45: {  	_ =	shalt  }
0x46: {  	_ =	shalt  }
0x47: {  	_ =	shalt  }
0x48: {  	_ =	shalt  }
0x49: {  	_ =	shalt  }
0x4a: {  	_ =	shalt  }
0x4b: {  	_ =	shalt  }
0x4c: {  	_ =	shalt  }
0x4d: {  	_ =	shalt  }
0x4e: {  	_ =	shalt  }
0x4f: {  	_ =	shalt  }
0x50: {  	_ =	shalt  }
0x51: {  	_ =	shalt  }
0x52: {  	_ =	shalt  }
0x53: {  	_ =	shalt  }
0x54: {  	_ =	shalt  }
0x55: {  	_ =	shalt  }
0x56: {  	_ =	shalt  }
0x57: {  	_ =	shalt  }
0x58: {  	_ =	shalt  }
0x59: {  	_ =	shalt  }
0x5a: {  	_ =	shalt  }
0x5b: {  	_ =	shalt  }
0x5c: {  	_ =	shalt  }
0x5d: {  	_ =	shalt  }
0x5e: {  	_ =	shalt  }
0x5f: {  	_ =	shalt  }
0x60: {  	_ =	shalt  }
0x61: {  	_ =	shalt  }
0x62: {  	_ =	shalt  }
0x63: {  	_ =	shalt  }
0x64: {  	_ =	shalt  }
0x65: {  	_ =	shalt  }
0x66: {  	_ =	shalt  }
0x67: {  	_ =	shalt  }
0x68: {  	_ =	shalt  }
0x69: {  	_ =	shalt  }
0x6a: {  	_ =	shalt  }
0x6b: {  	_ =	shalt  }
0x6c: {  	_ =	shalt  }
0x6d: {  	_ =	shalt  }
0x6e: {  	_ =	shalt  }
0x6f: {  	_ =	shalt  }
0x70: {  	_ =	shalt  }
0x71: {  	_ =	shalt  }
0x72: {  	_ =	shalt  }
0x73: {  	_ =	shalt  }
0x74: {  	_ =	shalt  }
0x75: {  	_ =	shalt  }
0x76: {  	_ =	shalt  }
0x77: {  	_ =	shalt  }
0x78: {  	_ =	shalt  }
0x79: {  	_ =	shalt  }
0x7a: {  	_ =	shalt  }
0x7b: {  	_ =	shalt  }
0x7c: {  	_ =	shalt  }
0x7d: {  	_ =	shalt  }
0x7e: {  	_ =	shalt  }
0x7f: {  	_ =	shalt  }
0x80: {  	_ =	shalt  }
0x81: {  	_ =	shalt  }
0x82: {  	_ =	shalt  }
0x83: {  	_ =	shalt  }
0x84: {  	_ =	shalt  }
0x85: {  	_ =	shalt  }
0x86: {  	_ =	shalt  }
0x87: {  	_ =	shalt  }
.Lfunc_end0:
.L_simem_size_0:
called_computation_lowered:
.L_overlay_start_0:
0x88: {  	s2 =	sld [smem:$0x3FD9]  }
0x89: {  	s3 =	sld [smem:$0x3FFE];
	_ =	sdelay $0x1  }
0x8a: {  	s1 =	srdreg.scid  }
0x8b: {  	s0 =	sand.u32 $0x1, s1  }
0x8c: {  	s17 =	sshll.u32 s0, $0xA;
	s2 =	sadd.s32 s3, s2  }
0x8d: {  	s2 =	sadd.s32 s2, s17  }
0x8e: {  	[smem:$0x3FC2] =	sst s2  }
0x8f: {  	_ = 	snop  }
0x90: {  	s2 =	sld [smem:$0x3FD0];
	(tm) =	ssettm $0x1  }
0x91: {  	s18 =	sld [smem:$0x3FFB];
	_ =	sdelay $0x3  }
0x92: {  	_ =	strace s18  }
0x93: {  	s3 =	sld [smem:$0x3FFC];
	_ =	sdelay $0x3  }
0x94: {  	_ =	strace s3  }
0x95: {  	s3 =	sld [smem:$0x3FFD];
	_ =	sdelay $0x3  }
0x96: {  	_ =	strace s3  }
0x97: {  	_ =	strace $0x8FFFFFFF  }
0x98: {  	s19 =	sld [smem:$0x3FDB];
	_ =	sdelay $0x1  }
0x99: {  	s4 =	simm.s32 $_scs_section_size  }
0x9a: {  	s5 =	simm.s32 $_size__tile_overlayer_lowered;
	s6 =	simm.s32 $_tile_overlayer_lowered  }
0x9b: {  	s22 =	simm.s32 $0x1BFF;
	s21 =	sshll.u32 s6, $0x1;
	s3 =	sadd.s32 s4, s19  }
0x9c: {  	s7 =	simm.s32 $0x0;
	s20 =	sshll.u32 s5, $0x1;
	s5 =	sadd.s32 s21, s3  }
0x9d: {  	[timem:s7], [sflag:s22] =	dma.local [hbm:s5], s20  }
0x9e: {  	_ =	swait.ge [sflag:s22], s20  }
0x9f: {  	s4 =	ssub.s32 $0x0, s20;
	[sflag:s22] =	ssyncset.done $0x0  }
0xa0: {  	[sflag:s22] =	ssyncadd.s32 s4;
	_ =	sdelay $0x1  }
0xa1: {  	s23 =	simm.s32 $0x1B8B  }
0xa2: {  	_ =	swait.ge [sflag:s23], $0x1  }
0xa3: {  	[sflag:s23] =	ssyncset.done $0x0  }
0xa4: {  	s25 =	simm.s32 $0x1B8E;
	s24 =	sld [smem:$0x3FFE];
	[sflag:s23] =	ssyncadd.s32 $0xFFFFFFFF  }
0xa5: {  	s26 =	simm.s32 $execute0_lowered;
	[smem:$0x3FD2] =	sst s25  }
0xa6: {  	s5 =	sshll.u32 s26, $0x1;
	_ =	strace $0x80000046;
	[dreg:$0x1] =	wrdreg $0xFFFFFFFF  }
0xa7: {  	s28 =	simm.s32 $_size_execute0_lowered;
	s3 =	sadd.s32 s3, s5;
	[dreg:$0x0] =	wrdreg $0x0  }
0xa8: {  	s5 =	sshll.u32 s28, $0x1;
	[dreg:$0x2] =	wrdreg s3  }
0xa9: {  	[dreg:$0x3] =	wrdreg s5  }
0xaa: {  	[dreg:$0x4] =	wrdreg $0xC0  }
0xab: {  	_ =	task [dreg:s7], $0x5FFFF  }
0xac: {  	[dreg:$0x1] =	wrdreg $0xFFFFFFFF  }
0xad: {  	[dreg:$0x0] =	wrdreg $0x60  }
0xae: {  	[dreg:$0x2] =	wrdreg s2  }
0xaf: {  	[dreg:$0x3] =	wrdreg s24  }
0xb0: {  	[dreg:$0x4] =	wrdreg $0x0  }
0xb1: {  	[dreg:$0x5] =	wrdreg $0x9  }
0xb2: {  	_ =	task.clear_ibuf [dreg:s7], $0x6FFFF;
	_ =	strace $0x90000046  }
0xb3: {  	s29 =	simm.s32 $0x9;
	_ =	strace $0x80000048  }
0xb4: {  	_ =	swait.ge [sflag:s29], $0x1  }
0xb5: {  	[sflag:s29] =	ssyncadd.s32 $0xFFFFFFFF  }
0xb6: {  	_ =	strace $0x90000048  }
0xb7: {  	_ =	sfence  }
0xb8: {  	s30 =	sld [smem:$0x0];
	_ =	sdelay $0x2  }
0xb9: {  	s31 =	sshll.u32 s1, $0xD;
	s1 =	sshrl.u32 s1, $0x2  }
0xba: {  	s3 =	sand.u32 $0x4000, s31;
	s1 =	sadd.s32 s1, s30  }
0xbb: {  	s0 =	sor.u32 s3, s0;
	s1 =	sshll.u32 s1, $0x11  }
0xbc: {  	s0 =	sor.u32 s1, s0  }
0xbd: {  	s0 =	sadd.s32 $0x8F2B, s0  }
0xbe: {  	[sflag:s0] =	ssyncadd.remote.s32 $0x1  }
0xbf: {  	_ =	sfence.sel $0xFFFF  }
0xc0: {  	[dreg:$0x0] =	wrdreg $0xFFFFFFFF;
	(pc) =	sbr.abs _section_cstart, $3  }
0xc1: {  	[dreg:$0x1] =	wrdreg $0xFFFFFFFF  }
0xc2: {  	_ =	task.clear_ibuf [dreg:s7], $0x2FFFF;
	_ =	strace $0x9FFFFFFF  }
0xc3: {  	(tm) =	ssettm $0x7FFFFFFF  }
tec
execute0_lowered:
.L_overlay_start_1:
0x0: {  	(tag) =	ssettag $0x1  }
0x1: {  	s6 =	rddreg [dreg:$0x0]  }
0x2: {  	s5 =	rddreg [dreg:$0x1]  }
0x3: {  	s1 =	rddreg [dreg:$0x2]  }
0x4: {  	s2 =	srdreg.scid;
	s0 =	rddreg [dreg:$0x3];
	s3 =	simm.s32 $0x0  }
0x5: {  	s12 =	simm.s32 $0x80;
	s7 =	sand.u32 $0x1, s2;
	s2 =	stileid.u32  }
0x6: {  	s13 =	simm.s32 $0x1;
	[smem:$0x7FF] =	sst s3;
	s8 =	smul.u32 $0x140000, s7  }
0x7: {  	s4 =	sadd.s32 $0x2600, s5;
	s9 =	smul.u32 $0x14000, s2;
	_ =	strace $0x80000047  }
0x8: {  	s30 =	sshll.u32 s7, $0x4;
	s7 =	ssub.s32 $0x2, s7;
	s14 =	sshll.u32 s2, $0x6  }
0x9: {  	s10 =	smul.u32 $0x50000, s2;
	s11 =	sshrl.u32 s7, $0x1;
	s14 =	sor.u32 $0x1C02, s14  }
0xa: {  	s8 =	sadd.s32 s9, s8;
	s9 =	sor.u32 s2, s30;
	s11 =	ssub.s32 s7, s11  }
0xb: {  	s31 =	sshrl.u32 s10, $0x2;
	s8 =	sshrl.u32 s8, $0x3;
	s9 =	smul.u32 $0x500, s9  }
0xc: {  	s10 =	simm.s32 $0x2;
	s8 =	sadd.s32 s8, s5;
	s5 =	sadd.s32 s31, s1  }
0xd: {  	s6 =	sadd.s32 s6, s9;
	s7 =	sadd.s32 $0x2E00, s8;
	s8 =	smax.u32 s11, $0x1  }
0xe: {  	v0 =	vimm.f32 $0.0e+00;
	s9 =	simm.s32 $0x5000;
	s11 =	simm.s32 $0x2800;
	s15 =	sshrl.u32 s5, $0x3  }
.LBB2_1:
0xf: {  	[tilespmem:$0x5000] =	vst v0  }
0x10: {  	[tilespmem:$0x5080] =	vst v0  }
0x11: {  	[tilespmem:$0x5100] =	vst v0  }
0x12: {  	[tilespmem:$0x5180] =	vst v0  }
0x13: {  	[tilespmem:$0x5200] =	vst v0  }
0x14: {  	[tilespmem:$0x5280] =	vst v0  }
0x15: {  	[tilespmem:$0x5300] =	vst v0  }
0x16: {  	[tilespmem:$0x5380] =	vst v0  }
0x17: {  	[tilespmem:$0x5400] =	vst v0  }
0x18: {  	[tilespmem:$0x5480] =	vst v0  }
0x19: {  	[tilespmem:$0x5500] =	vst v0  }
0x1a: {  	[tilespmem:$0x5580] =	vst v0  }
0x1b: {  	[tilespmem:$0x5600] =	vst v0  }
0x1c: {  	[tilespmem:$0x5680] =	vst v0  }
0x1d: {  	[tilespmem:$0x5700] =	vst v0  }
0x1e: {  	[tilespmem:$0x5780] =	vst v0;
	s16 =	sadd.s32 $0x0, s5  }
0x1f: {  	[spmem:s16] =	stream.linear.scatter [tilespmem:s9], [sflag:$0x2], $0x800, $0x38;
	[tilespmem:$0x9000] =	vst v63  }
0x20: {  	s16 =	simm.s32 $0x2000;
	_ =	swait.ge [sflag:s10], $0x800  }
.LBB2_2:
0x21: {  	s17 =	sshra.s32 s16, $0x2;
	[sflag:s10] =	ssyncset.done $0x0;
	p0 =	sne.s32 s16, $0x4E000  }
.Ltmp0:
0x22: {  	s17 =	sadd.s32 s17, s5;
	[sflag:s10] =	ssyncadd.s32 $0xFFFFF800;
	(pc) =	sbr.rel @p0 .LBB2_2-.Ltmp0, $3  }
0x23: {  	[spmem:s17] =	stream.linear.scatter [tilespmem:s9], [sflag:$0x2], $0x800, $0x38;
	[tilespmem:$0x9000] =	vst v63  }
0x24: {  	s16 =	sadd.s32 $0x2000, s16;
	_ =	sdelay $0x1  }
0x25: {  	_ =	swait.ge [sflag:s10], $0x800  }
0x26: {  	[sflag:s10] =	ssyncset.done $0x0  }
0x27: {  	s16 =	simm.s32 $0x0;
	[sflag:s10] =	ssyncadd.s32 $0xFFFFF800  }
0x28: {  	[tilespmem:s9], [sflag:$0x2] =	stream.linear.gather [hbm4b:s4+s16], $0x4000, $0x38;
	[tilespmem:$0x9000] =	vst v63  }
0x29: {  	_ =	swait.ge [sflag:s10], $0x4000  }
0x2a: {  	[sflag:s10] =	ssyncset.done $0x0  }
0x2b: {  	[sflag:s10] =	ssyncadd.s32 $0xFFFFC000  }
0x2c: {  	[tilespmem:s11], [sflag:$0x2] =	stream.linear.gather [hbm4b:s6+s16], $0x2800, $0x38;
	[tilespmem:$0x9000] =	vst v63  }
0x2d: {  	_ =	swait.ge [sflag:s10], $0x2800  }
0x2e: {  	[sflag:s10] =	ssyncset.done $0x0  }
0x2f: {  	[sflag:s10] =	ssyncadd.s32 $0xFFFFD800  }
0x30: {  	[bflag:$0x0] =	sbarrier.arrive $0xFFFF  }
.LBB2_4:
0x31: {  	p0 =	sne.s32 s16, $0x9E00  }
.Ltmp1:
0x32: {  	_ = 	snop;
	(pc) =	sbr.rel @p0 .LBB2_4-.Ltmp1, $4  }
0x33: {  	_ = 	snop  }
0x34: {  	s17 =	sshra.s32 s16, $0x2  }
0x35: {  	s16 =	sadd.s32 $0x200, s16;
	s17 =	sadd.s32 $0x2800, s17  }
0x36: {  	[spmem:s1] =	stream.indirect.scatter.add.f32 [tilespmem:s9], [sflag:$0x1], $0x10, s17, s12, $0xb8;
	[tilespmem:$0x9000] =	vst v63  }
0x37: {  	_ =	swait.ge [sflag:s13], $0x800  }
0x38: {  	s16 =	simm.s32 $0x4F;
	[sflag:s13] =	ssyncset.done $0x0  }
.LBB2_6:
0x39: {  	p0 =	sne.s32 s16, $0x1;
	s16 =	sadd.s32 $0xFFFFFFFF, s16;
	[sflag:s13] =	ssyncadd.s32 $0xFFFFF800  }
.Ltmp2:
0x3a: {  	(pc) =	sbr.rel @p0 .LBB2_6-.Ltmp2, $3  }
0x3b: {  	_ =	sdelay $0x1  }
0x3c: {  	_ =	swait.ge [sflag:s13], $0x800  }
0x3d: {  	[sflag:s13] =	ssyncset.done $0x0  }
0x3e: {  	s3 =	sadd.s32 $0x1, s3  }
0x3f: {  	[sflag:s13] =	ssyncadd.s32 $0xFFFFF800;
	p0 =	sne.s32 s3, s8  }
.Ltmp3:
0x40: {  	[bflag:$0x0] =	sbarrier.arrive $0xFFFF;
	(pc) =	sbr.rel @p0 .LBB2_1-.Ltmp3, $4  }
0x41: {  	[hbm:s7], [sflag:s14] =	dma.local [spmem:s15], $0x2800  }
0x42: {  	_ =	swait.ge [sflag:s10], $0x2800  }
0x43: {  	[sflag:s10] =	ssyncset.done $0x0  }
0x44: {  	[sflag:s10] =	ssyncadd.s32 $0xFFFFD800  }
0x45: {  	_ =	sfence.sel $0x180000  }
0x46: {  	[bflag:$0x0] =	sbarrier.arrive $0xFFFF  }
0x47: {  	p0 =	sne.s32 s2, $0x0;
	_ =	strace $0x90000047  }
0x48: {  	s0 =	sadd.s32 @!p0 $0x100000, s0;
	[bflag:$0x2] =	sbarrier.arrive $0xFFFF  }
0x49: {  	[sflag:s0] =	ssyncadd.tile.s32 @!p0 $0x1;
	_ =	shalt  }
.Lfunc_end2:
_tile_overlayer_lowered:
.L_overlay_start_2:
0x4a: {  	(tag) =	ssettag $0x2  }
0x4b: {  	s0 =	rddreg [dreg:$0x0];
	s2 =	stileid.u32  }
0x4c: {  	s1 =	rddreg [dreg:$0x1];
	p0 =	sne.s32 s2, $0x0  }
0x4d: {  	s3 =	rddreg [dreg:$0x2];
	[bflag:$0x3] =	sbarrier.arrive $0xFFFF;
	s2 =	simm.s32 @!p0 $0x1C02  }
0x4e: {  	[timem:s3], [sflag:s2] =	dma.local @!p0 [hbm:s0], s1  }
0x4f: {  	s0 =	simm.s32 @!p0 $0x2  }
0x50: {  	_ =	swait.ge @!p0 [sflag:s0], s1  }
0x51: {  	s1 =	ssub.s32 @!p0 $0x0, s1;
	[sflag:s0] =	ssyncset.done @!p0 $0x0  }
0x52: {  	[sflag:s0] =	ssyncadd.s32 @!p0 s1  }
0x53: {  	[bflag:$0x3] =	sbarrier.arrive $0xFFFF  }
0x54: {  	_ =	shalt  }

</sc_bundles>
